<compile_context>
chip_gen: v7x
topology: tpu7x:2x2x1
jax: 0.10.2.dev20260603
libtpu: 0.0.44.dev20260713+nightly
codegen_flags: <defaults>
</compile_context>

<pallas_src>
import functools

import jax
import jax.numpy as jnp
from jax.experimental import pallas as pl
from jax.experimental.pallas import tpu as pltpu
from jax.experimental.pallas import tpu_sc as plsc

_B = 128
_N = 1024
_D = 384
_K = 512
_GRID = 32

_NC = 2
_NS = 16
_NW = _NC * _NS
_BPW = _B // _NW
_CH = 32
_CPB = _K // _CH
_NCH = _BPW * _CPB
_RING = 8
_DEPTH = 6


def _cumsum_lanes(x):
    c = x
    n = x.shape[1]
    s = 1
    while s < n:
        c = c + jnp.concatenate(
            [jnp.zeros((x.shape[0], s), c.dtype), c[:, : n - s]], axis=1)
        s *= 2
    return c


def _select_body(uv_ref, pos_ref):
    uv = jnp.clip(uv_ref[...], 0.0, 1.0)
    ux = uv[:, 0:1]
    uy = uv[:, 1:2]
    idx = jax.lax.broadcasted_iota(jnp.int32, (_B, _N), 1)
    cx = ((idx % _GRID).astype(jnp.float32) + 0.5) / float(_GRID)
    cy = ((idx // _GRID).astype(jnp.float32) + 0.5) / float(_GRID)
    dx = ux - cx
    dy = uy - cy
    dist = jnp.sqrt(dx * dx + dy * dy)
    bits = jax.lax.bitcast_convert_type(dist, jnp.int32)

    def bs_step(_, carry):
        lo, hi = carry
        mid = lo + (hi - lo) // 2
        cnt = jnp.sum((bits <= mid).astype(jnp.int32), axis=1, keepdims=True)
        ge = cnt >= _K
        return jnp.where(ge, lo, mid), jnp.where(ge, mid, hi)

    lo0 = jnp.full((_B, 1), 0x39800000 - 1, jnp.int32)
    hi0 = jnp.full((_B, 1), 0x3FC00000, jnp.int32)
    _, t = jax.lax.fori_loop(0, 27, bs_step, (lo0, hi0))
    n_less = jnp.sum((bits < t).astype(jnp.int32), axis=1, keepdims=True)
    m = _K - n_less
    less = bits < t
    tie = bits == t
    packed = less.astype(jnp.int32) + (tie.astype(jnp.int32) << 16)
    pc = _cumsum_lanes(packed)
    tie_cum = pc >> 16
    kc = (pc & 0xFFFF) + jnp.minimum(tie_cum, m)
    keep = less | (tie & (tie_cum <= m))
    pos_ref[...] = jnp.where(keep, kc - 1, (_K - 1) + (idx + 1 - kc))


def _select(pred_uv):
    return pl.pallas_call(
        _select_body,
        out_shape=jax.ShapeDtypeStruct((_B, _N), jnp.int32),
    )(pred_uv)


def _sc_body(pos_hbm, tok_hbm, out_hbm, keep_hbm, rem_hbm,
             pos_v, comb_v, gidx_v, bufs, sems, osems, psems, ksem, rsem):
    c = jax.lax.axis_index("c")
    s = jax.lax.axis_index("s")
    wid = s * _NC + c
    b0 = wid * _BPW
    lane = jax.lax.broadcasted_iota(jnp.int32, (16,), 0)

    pdescs = [pltpu.async_copy(pos_hbm.at[b0 + q], pos_v[q], psems[q])
              for q in range(_BPW)]

    descs = [None] * _RING
    odescs = [None] * _RING

    def fire(k):
        slot = k % _RING
        if odescs[slot] is not None:
            odescs[slot].wait()
            odescs[slot] = None
        descs[slot] = pltpu.async_copy(
            tok_hbm.at[gidx_v.at[pl.ds(k * _CH, _CH)]], bufs[slot], sems[slot])

    def drain(k):
        slot = k % _RING
        descs[slot].wait()
        odescs[slot] = pltpu.async_copy(
            bufs[slot], out_hbm.at[pl.ds(wid * (_BPW * _K) + k * _CH, _CH)],
            osems[slot])

    for q in range(_BPW):
        b = b0 + q

        pdescs[q].wait()

        def compact(i, carry, q=q, b=b):
            p = pos_v[q][pl.ds(i * 16, 16)]
            vals = i * 16 + lane
            mk = p < _K
            crow = jnp.where(mk, q, q + _BPW)
            ccol = jnp.where(mk, p, p - _K)
            plsc.store_scatter(comb_v, [crow, ccol], vals)
            gslot = jnp.where(mk, q * _K + p, 0)
            plsc.store_scatter(gidx_v, [gslot], vals + b * _N, mask=mk)
            return carry

        jax.lax.fori_loop(0, _N // 16, compact, 0)
        for j in range(_CPB):
            k = q * _CPB + j
            fire(k)
            if k >= _DEPTH:
                drain(k - _DEPTH)

    kd = pltpu.async_copy(
        comb_v.at[pl.ds(0, _BPW)], keep_hbm.at[pl.ds(b0, _BPW)], ksem)
    rd = pltpu.async_copy(
        comb_v.at[pl.ds(_BPW, _BPW)], rem_hbm.at[pl.ds(b0, _BPW)], rsem)

    for k in range(_NCH - _DEPTH, _NCH):
        drain(k)
    for slot in range(_RING):
        if odescs[slot] is not None:
            odescs[slot].wait()
    kd.wait()
    rd.wait()


@functools.cache
def _sc_run():
    return pl.kernel(
        _sc_body,
        out_type=[
            jax.ShapeDtypeStruct((_B * _K, _D), jnp.float32),
            jax.ShapeDtypeStruct((_B, _K), jnp.int32),
            jax.ShapeDtypeStruct((_B, _K), jnp.int32),
        ],
        mesh=plsc.VectorSubcoreMesh(
            core_axis_name="c", subcore_axis_name="s",
            num_cores=_NC, num_subcores=_NS),
        scratch_types=[
            [pltpu.VMEM((_N,), jnp.int32) for _ in range(_BPW)],
            pltpu.VMEM((2 * _BPW, _K), jnp.int32),
            pltpu.VMEM((_BPW * _K,), jnp.int32),
            [pltpu.VMEM((_CH, _D), jnp.float32) for _ in range(_RING)],
            [pltpu.SemaphoreType.DMA for _ in range(_RING)],
            [pltpu.SemaphoreType.DMA for _ in range(_RING)],
            [pltpu.SemaphoreType.DMA for _ in range(_BPW)],
            pltpu.SemaphoreType.DMA,
            pltpu.SemaphoreType.DMA,
        ],
        compiler_params=pltpu.CompilerParams(needs_layout_passes=False),
    )


def kernel(search_tokens, pred_uv):
    pos = _select(pred_uv)
    tok_flat = search_tokens.reshape(_B * _N, _D)
    out_flat, keep_idx, rem_idx = _sc_run()(pos, tok_flat)
    return (out_flat.reshape(_B, _K, _D), keep_idx, rem_idx, _K / float(_N))

# --- scband reference (transcript-rebuilt; emitter-appended) ---
"""Pipeline reference for scband-uwbguided-pruner-34651796144273 (READ-ONLY COPY).

The authoritative reference and input builder live on the scoring server;
editing this copy changes nothing except your own understanding.
"""

import jax, jax.numpy as jnp
import numpy as np
import math

SEARCH_SIZE = 512
PATCH = 16
MIN_KEEP = 0.25
MAX_KEEP = 1.0
FIXED_KEEP = 0.5


def _patch_centers():
    grid = SEARCH_SIZE // PATCH
    coord = (jnp.arange(grid, dtype=jnp.float32) + 0.5) / float(grid)
    yy, xx = jnp.meshgrid(coord, coord, indexing='ij')
    return jnp.stack([xx.reshape(-1), yy.reshape(-1)], axis=-1)


def setup_inputs(seed: int = 0) -> dict:
    key = jax.random.key(seed)
    k1, k2 = jax.random.split(key)
    search_tokens = jax.random.normal(k1, (128, 1024, 384), dtype=jnp.float32)
    pred_uv = jax.random.uniform(k2, (128, 2), dtype=jnp.float32)
    return {"search_tokens": search_tokens, "pred_uv": pred_uv}


def _forward(search_tokens, pred_uv):
    B, N, C = search_tokens.shape
    centers = _patch_centers()
    uv = jax.lax.stop_gradient(pred_uv).astype(jnp.float32).reshape(B, -1)[:, :2].clip(0.0, 1.0)
    keep_ratio = max(MIN_KEEP, min(MAX_KEEP, FIXED_KEEP))
    keep_tokens = max(1, min(N, int(math.ceil(float(N) * keep_ratio))))
    if keep_tokens == N:
        global_index_s = jnp.tile(jnp.arange(N)[None, :], (B, 1))
        return (search_tokens, global_index_s, None, 1.0)
    diff = uv[:, None, :] - centers[None, :, :]
    dist = jnp.sqrt(jnp.sum(diff * diff, axis=-1))
    _, keep_index = jax.lax.top_k(-dist, keep_tokens)
    keep_index = jnp.sort(keep_index, axis=1)
    keep_mask = jnp.zeros((B, N), dtype=bool).at[jnp.arange(B)[:, None], keep_index].set(True)
    order = jnp.argsort(keep_mask.astype(jnp.int32), axis=1)
    removed_index = order[:, : N - keep_tokens]
    search_tokens_keep = jnp.take_along_axis(search_tokens, keep_index[:, :, None], axis=1)
    return (search_tokens_keep, keep_index, removed_index, keep_tokens / float(N))


def reference(search_tokens, pred_uv):
    return _forward(search_tokens, pred_uv)

if __name__ == "__main__":
    import jax
    _d = setup_inputs()
    print(jax.jit(kernel)(*tuple(_d.values())))

</pallas_src>

<mosaic_0001>
#map = affine_map<(d0, d1) -> (0, 0)>
module attributes {stable_mosaic.version = 14 : i64} {
  func.func @_sc_body(%arg0: i32, %arg1: i32, %arg2: memref<128x1024xi32, #tpu.memory_space<hbm>>, %arg3: memref<131072x384xf32, #tpu.memory_space<hbm>>, %arg4: memref<65536x384xf32, #tpu.memory_space<hbm>>, %arg5: memref<128x512xi32, #tpu.memory_space<hbm>>, %arg6: memref<128x512xi32, #tpu.memory_space<hbm>>, %arg7: memref<1024xi32, #tpu.memory_space<vmem>>, %arg8: memref<1024xi32, #tpu.memory_space<vmem>>, %arg9: memref<1024xi32, #tpu.memory_space<vmem>>, %arg10: memref<1024xi32, #tpu.memory_space<vmem>>, %arg11: memref<8x512xi32, #tpu.memory_space<vmem>>, %arg12: memref<2048xi32, #tpu.memory_space<vmem>>, %arg13: memref<32x384xf32, #tpu.memory_space<vmem>>, %arg14: memref<32x384xf32, #tpu.memory_space<vmem>>, %arg15: memref<32x384xf32, #tpu.memory_space<vmem>>, %arg16: memref<32x384xf32, #tpu.memory_space<vmem>>, %arg17: memref<32x384xf32, #tpu.memory_space<vmem>>, %arg18: memref<32x384xf32, #tpu.memory_space<vmem>>, %arg19: memref<32x384xf32, #tpu.memory_space<vmem>>, %arg20: memref<32x384xf32, #tpu.memory_space<vmem>>, %arg21: memref<!tpu.dma_semaphore, #tpu.memory_space<semaphore_mem>>, %arg22: memref<!tpu.dma_semaphore, #tpu.memory_space<semaphore_mem>>, %arg23: memref<!tpu.dma_semaphore, #tpu.memory_space<semaphore_mem>>, %arg24: memref<!tpu.dma_semaphore, #tpu.memory_space<semaphore_mem>>, %arg25: memref<!tpu.dma_semaphore, #tpu.memory_space<semaphore_mem>>, %arg26: memref<!tpu.dma_semaphore, #tpu.memory_space<semaphore_mem>>, %arg27: memref<!tpu.dma_semaphore, #tpu.memory_space<semaphore_mem>>, %arg28: memref<!tpu.dma_semaphore, #tpu.memory_space<semaphore_mem>>, %arg29: memref<!tpu.dma_semaphore, #tpu.memory_space<semaphore_mem>>, %arg30: memref<!tpu.dma_semaphore, #tpu.memory_space<semaphore_mem>>, %arg31: memref<!tpu.dma_semaphore, #tpu.memory_space<semaphore_mem>>, %arg32: memref<!tpu.dma_semaphore, #tpu.memory_space<semaphore_mem>>, %arg33: memref<!tpu.dma_semaphore, #tpu.memory_space<semaphore_mem>>, %arg34: memref<!tpu.dma_semaphore, #tpu.memory_space<semaphore_mem>>, %arg35: memref<!tpu.dma_semaphore, #tpu.memory_space<semaphore_mem>>, %arg36: memref<!tpu.dma_semaphore, #tpu.memory_space<semaphore_mem>>, %arg37: memref<!tpu.dma_semaphore, #tpu.memory_space<semaphore_mem>>, %arg38: memref<!tpu.dma_semaphore, #tpu.memory_space<semaphore_mem>>, %arg39: memref<!tpu.dma_semaphore, #tpu.memory_space<semaphore_mem>>, %arg40: memref<!tpu.dma_semaphore, #tpu.memory_space<semaphore_mem>>, %arg41: memref<!tpu.dma_semaphore, #tpu.memory_space<semaphore_mem>>, %arg42: memref<!tpu.dma_semaphore, #tpu.memory_space<semaphore_mem>>) attributes {dimension_semantics = [#tpu.dimension_semantics<core_parallel>, #tpu.dimension_semantics<subcore_parallel>], iteration_bounds = array<i64: 2, 16>, scalar_prefetch = 0 : i64, scratch_operands = 36 : i64, tpu.core_type = #tpu.core_type<sc_vector_subcore>, window_params = [{transform_indices = #map}, {transform_indices = #map}, {transform_indices = #map}, {transform_indices = #map}, {transform_indices = #map}]} {
    %mul3A = arith.constant 2 : i32
    %mul3A_0 = arith.muli %arg1, %mul3A : i32
    %add3A = arith.addi %mul3A_0, %arg0 : i32
    %mul3A_1 = arith.constant 4 : i32
    %mul3A_2 = arith.muli %add3A, %mul3A_1 : i32
    %iota3A = tpu.iota {dimensions = array<i32: 0>} : vector<16xi32>
    %add3A_3 = arith.constant 0 : i32
    %add3A_4 = arith.addi %mul3A_2, %add3A_3 : i32
    %dma_start3A = arith.constant 0 : i32
    %dma_start3A_5 = tpu.memref_slice %arg2[%add3A_4, %dma_start3A] : memref<128x1024xi32, #tpu.memory_space<hbm>> -> memref<1x1024xi32, #tpu.memory_space<hbm>>
    %dma_start3A_6 = tpu.memref_squeeze %dma_start3A_5 : memref<1x1024xi32, #tpu.memory_space<hbm>> -> memref<1024xi32, #tpu.memory_space<hbm>>
    %dma_start3A_7 = arith.constant 0 : i32
    %dma_start3A_8 = tpu.memref_slice %arg2[%add3A_4, %dma_start3A_7] : memref<128x1024xi32, #tpu.memory_space<hbm>> -> memref<1x1024xi32, #tpu.memory_space<hbm>>
    %dma_start3A_9 = tpu.memref_squeeze %dma_start3A_8 : memref<1x1024xi32, #tpu.memory_space<hbm>> -> memref<1024xi32, #tpu.memory_space<hbm>>
    tpu.enqueue_dma source(%dma_start3A_9 : memref<1024xi32, #tpu.memory_space<hbm>>) target(%arg7 : memref<1024xi32, #tpu.memory_space<vmem>>) target_semaphore(%arg37 : memref<!tpu.dma_semaphore, #tpu.memory_space<semaphore_mem>>)
    %add3A_10 = arith.constant 1 : i32
    %add3A_11 = arith.addi %mul3A_2, %add3A_10 : i32
    %dma_start3A_12 = arith.constant 0 : i32
    %dma_start3A_13 = tpu.memref_slice %arg2[%add3A_11, %dma_start3A_12] : memref<128x1024xi32, #tpu.memory_space<hbm>> -> memref<1x1024xi32, #tpu.memory_space<hbm>>
    %dma_start3A_14 = tpu.memref_squeeze %dma_start3A_13 : memref<1x1024xi32, #tpu.memory_space<hbm>> -> memref<1024xi32, #tpu.memory_space<hbm>>
    %dma_start3A_15 = arith.constant 0 : i32
    %dma_start3A_16 = tpu.memref_slice %arg2[%add3A_11, %dma_start3A_15] : memref<128x1024xi32, #tpu.memory_space<hbm>> -> memref<1x1024xi32, #tpu.memory_space<hbm>>
    %dma_start3A_17 = tpu.memref_squeeze %dma_start3A_16 : memref<1x1024xi32, #tpu.memory_space<hbm>> -> memref<1024xi32, #tpu.memory_space<hbm>>
    tpu.enqueue_dma source(%dma_start3A_17 : memref<1024xi32, #tpu.memory_space<hbm>>) target(%arg8 : memref<1024xi32, #tpu.memory_space<vmem>>) target_semaphore(%arg38 : memref<!tpu.dma_semaphore, #tpu.memory_space<semaphore_mem>>)
    %add3A_18 = arith.constant 2 : i32
    %add3A_19 = arith.addi %mul3A_2, %add3A_18 : i32
    %dma_start3A_20 = arith.constant 0 : i32
    %dma_start3A_21 = tpu.memref_slice %arg2[%add3A_19, %dma_start3A_20] : memref<128x1024xi32, #tpu.memory_space<hbm>> -> memref<1x1024xi32, #tpu.memory_space<hbm>>
    %dma_start3A_22 = tpu.memref_squeeze %dma_start3A_21 : memref<1x1024xi32, #tpu.memory_space<hbm>> -> memref<1024xi32, #tpu.memory_space<hbm>>
    %dma_start3A_23 = arith.constant 0 : i32
    %dma_start3A_24 = tpu.memref_slice %arg2[%add3A_19, %dma_start3A_23] : memref<128x1024xi32, #tpu.memory_space<hbm>> -> memref<1x1024xi32, #tpu.memory_space<hbm>>
    %dma_start3A_25 = tpu.memref_squeeze %dma_start3A_24 : memref<1x1024xi32, #tpu.memory_space<hbm>> -> memref<1024xi32, #tpu.memory_space<hbm>>
    tpu.enqueue_dma source(%dma_start3A_25 : memref<1024xi32, #tpu.memory_space<hbm>>) target(%arg9 : memref<1024xi32, #tpu.memory_space<vmem>>) target_semaphore(%arg39 : memref<!tpu.dma_semaphore, #tpu.memory_space<semaphore_mem>>)
    %add3A_26 = arith.constant 3 : i32
    %add3A_27 = arith.addi %mul3A_2, %add3A_26 : i32
    %dma_start3A_28 = arith.constant 0 : i32
    %dma_start3A_29 = tpu.memref_slice %arg2[%add3A_27, %dma_start3A_28] : memref<128x1024xi32, #tpu.memory_space<hbm>> -> memref<1x1024xi32, #tpu.memory_space<hbm>>
    %dma_start3A_30 = tpu.memref_squeeze %dma_start3A_29 : memref<1x1024xi32, #tpu.memory_space<hbm>> -> memref<1024xi32, #tpu.memory_space<hbm>>
    %dma_start3A_31 = arith.constant 0 : i32
    %dma_start3A_32 = tpu.memref_slice %arg2[%add3A_27, %dma_start3A_31] : memref<128x1024xi32, #tpu.memory_space<hbm>> -> memref<1x1024xi32, #tpu.memory_space<hbm>>
    %dma_start3A_33 = tpu.memref_squeeze %dma_start3A_32 : memref<1x1024xi32, #tpu.memory_space<hbm>> -> memref<1024xi32, #tpu.memory_space<hbm>>
    tpu.enqueue_dma source(%dma_start3A_33 : memref<1024xi32, #tpu.memory_space<hbm>>) target(%arg10 : memref<1024xi32, #tpu.memory_space<vmem>>) target_semaphore(%arg40 : memref<!tpu.dma_semaphore, #tpu.memory_space<semaphore_mem>>)
    %add3A_34 = arith.constant 0 : i32
    %add3A_35 = arith.addi %mul3A_2, %add3A_34 : i32
    %dma_wait3A = arith.constant 0 : i32
    %dma_wait3A_36 = tpu.memref_slice %arg2[%add3A_4, %dma_wait3A] : memref<128x1024xi32, #tpu.memory_space<hbm>> -> memref<1x1024xi32, #tpu.memory_space<hbm>>
    %dma_wait3A_37 = tpu.memref_squeeze %dma_wait3A_36 : memref<1x1024xi32, #tpu.memory_space<hbm>> -> memref<1024xi32, #tpu.memory_space<hbm>>
    %dma_wait3A_38 = arith.constant 0 : i32
    %dma_wait3A_39 = tpu.memref_slice %arg2[%add3A_4, %dma_wait3A_38] : memref<128x1024xi32, #tpu.memory_space<hbm>> -> memref<1x1024xi32, #tpu.memory_space<hbm>>
    %dma_wait3A_40 = tpu.memref_squeeze %dma_wait3A_39 : memref<1x1024xi32, #tpu.memory_space<hbm>> -> memref<1024xi32, #tpu.memory_space<hbm>>
    tpu.wait_dma2 semaphore(%arg37 : memref<!tpu.dma_semaphore, #tpu.memory_space<semaphore_mem>>) src(%dma_wait3A_40 : memref<1024xi32, #tpu.memory_space<hbm>>) dst(%arg7 : memref<1024xi32, #tpu.memory_space<vmem>>)
    %scan3A = arith.constant 0 : i32
    %scan3A_41 = arith.constant 0 : i32
    %scan3A_42 = arith.constant 64 : i32
    %scan3A_43 = arith.addi %scan3A_41, %scan3A_42 : i32
    %scan3A_44 = arith.constant 1 : i32
    scf.for %scan3A_1536 = %scan3A_41 to %scan3A_43 step %scan3A_44  : i32 {
      %mul3A_1537 = arith.constant 16 : i32
      %mul3A_1538 = arith.muli %scan3A_1536, %mul3A_1537 : i32
      %get3A = arith.index_cast %mul3A_1538 : i32 to index
      %get3A_1539 = tpu.vector_load %arg7[%get3A] {strides = array<i32>} : memref<1024xi32, #tpu.memory_space<vmem>>, vector<16xi32>,
      %mul3A_1540 = arith.constant 16 : i32
      %mul3A_1541 = arith.muli %scan3A_1536, %mul3A_1540 : i32
      %add3A_1542 = vector.broadcast %mul3A_1541 : i32 to vector<16xi32>
      %add3A_1543 = arith.addi %add3A_1542, %iota3A : vector<16xi32>
      %lt3A = arith.constant 512 : i32
      %lt3A_1544 = vector.broadcast %lt3A : i32 to vector<16xi32>
      %lt3A_1545 = arith.cmpi slt, %get3A_1539, %lt3A_1544 : vector<16xi32>
      %jit3A = arith.constant 0 : i32
      %jit3A_1546 = arith.constant 4 : i32
      %broadcast_in_dim3A = vector.broadcast %jit3A : i32 to vector<16xi32>
      %broadcast_in_dim3A_1547 = vector.broadcast %jit3A_1546 : i32 to vector<16xi32>
      %select_n3A = arith.select %lt3A_1545, %broadcast_in_dim3A, %broadcast_in_dim3A_1547 : vector<16xi1>, vector<16xi32>
      %sub3A = arith.constant 512 : i32
      %sub3A_1548 = vector.broadcast %sub3A : i32 to vector<16xi32>
      %sub3A_1549 = arith.subi %get3A_1539, %sub3A_1548 : vector<16xi32>
      %select_n3A_1550 = arith.select %lt3A_1545, %get3A_1539, %sub3A_1549 : vector<16xi1>, vector<16xi32>
      tpu.vector_store_idx %arg11[%select_n3A, %select_n3A_1550], %add3A_1543 : memref<8x512xi32, #tpu.memory_space<vmem>>[vector<16xi32>, vector<16xi32>], vector<16xi32>,
      %add3A_1551 = arith.constant 0 : i32
      %add3A_1552 = vector.broadcast %add3A_1551 : i32 to vector<16xi32>
      %add3A_1553 = arith.addi %add3A_1552, %get3A_1539 : vector<16xi32>
      %jit3A_1554 = arith.constant 0 : i32
      %broadcast_in_dim3A_1555 = vector.broadcast %jit3A_1554 : i32 to vector<16xi32>
      %select_n3A_1556 = arith.select %lt3A_1545, %add3A_1553, %broadcast_in_dim3A_1555 : vector<16xi1>, vector<16xi32>
      %mul3A_1557 = arith.constant 1024 : i32
      %mul3A_1558 = arith.muli %add3A_35, %mul3A_1557 : i32
      %add3A_1559 = vector.broadcast %mul3A_1558 : i32 to vector<16xi32>
      %add3A_1560 = arith.addi %add3A_1543, %add3A_1559 : vector<16xi32>
      tpu.vector_store_idx %arg12[%select_n3A_1556], %add3A_1560 masked %lt3A_1545 : memref<2048xi32, #tpu.memory_space<vmem>>[vector<16xi32>], vector<16xi32>, vector<16xi1>
    }
    %scan3A_45 = arith.constant 64 : i32
    %dma_start3A_46 = arith.constant 0 : i32
    %dma_start3A_47 = tpu.memref_slice %arg12[%dma_start3A_46] : memref<2048xi32, #tpu.memory_space<vmem>> -> memref<32xi32, #tpu.memory_space<vmem>>
    %dma_start3A_48 = arith.constant 0 : i32
    %dma_start3A_49 = arith.constant 0 : i32
    %dma_start3A_50 = tpu.memref_slice %arg3[%dma_start3A_48, %dma_start3A_49] : memref<131072x384xf32, #tpu.memory_space<hbm>> -> memref<131072x384xf32, #tpu.memory_space<hbm>>
    tpu.enqueue_indirect_dma source(%dma_start3A_50 : memref<131072x384xf32, #tpu.memory_space<hbm>>) target(%arg13 : memref<32x384xf32, #tpu.memory_space<vmem>>) offsets(%dma_start3A_47 : memref<32xi32, #tpu.memory_space<vmem>>) semaphore(%arg21 : memref<!tpu.dma_semaphore, #tpu.memory_space<semaphore_mem>>)
    %dma_start3A_51 = arith.constant 32 : i32
    %dma_start3A_52 = tpu.memref_slice %arg12[%dma_start3A_51] : memref<2048xi32, #tpu.memory_space<vmem>> -> memref<32xi32, #tpu.memory_space<vmem>>
    %dma_start3A_53 = arith.constant 0 : i32
    %dma_start3A_54 = arith.constant 0 : i32
    %dma_start3A_55 = tpu.memref_slice %arg3[%dma_start3A_53, %dma_start3A_54] : memref<131072x384xf32, #tpu.memory_space<hbm>> -> memref<131072x384xf32, #tpu.memory_space<hbm>>
    tpu.enqueue_indirect_dma source(%dma_start3A_55 : memref<131072x384xf32, #tpu.memory_space<hbm>>) target(%arg14 : memref<32x384xf32, #tpu.memory_space<vmem>>) offsets(%dma_start3A_52 : memref<32xi32, #tpu.memory_space<vmem>>) semaphore(%arg22 : memref<!tpu.dma_semaphore, #tpu.memory_space<semaphore_mem>>)
    %dma_start3A_56 = arith.constant 64 : i32
    %dma_start3A_57 = tpu.memref_slice %arg12[%dma_start3A_56] : memref<2048xi32, #tpu.memory_space<vmem>> -> memref<32xi32, #tpu.memory_space<vmem>>
    %dma_start3A_58 = arith.constant 0 : i32
    %dma_start3A_59 = arith.constant 0 : i32
    %dma_start3A_60 = tpu.memref_slice %arg3[%dma_start3A_58, %dma_start3A_59] : memref<131072x384xf32, #tpu.memory_space<hbm>> -> memref<131072x384xf32, #tpu.memory_space<hbm>>
    tpu.enqueue_indirect_dma source(%dma_start3A_60 : memref<131072x384xf32, #tpu.memory_space<hbm>>) target(%arg15 : memref<32x384xf32, #tpu.memory_space<vmem>>) offsets(%dma_start3A_57 : memref<32xi32, #tpu.memory_space<vmem>>) semaphore(%arg23 : memref<!tpu.dma_semaphore, #tpu.memory_space<semaphore_mem>>)
    %dma_start3A_61 = arith.constant 96 : i32
    %dma_start3A_62 = tpu.memref_slice %arg12[%dma_start3A_61] : memref<2048xi32, #tpu.memory_space<vmem>> -> memref<32xi32, #tpu.memory_space<vmem>>
    %dma_start3A_63 = arith.constant 0 : i32
    %dma_start3A_64 = arith.constant 0 : i32
    %dma_start3A_65 = tpu.memref_slice %arg3[%dma_start3A_63, %dma_start3A_64] : memref<131072x384xf32, #tpu.memory_space<hbm>> -> memref<131072x384xf32, #tpu.memory_space<hbm>>
    tpu.enqueue_indirect_dma source(%dma_start3A_65 : memref<131072x384xf32, #tpu.memory_space<hbm>>) target(%arg16 : memref<32x384xf32, #tpu.memory_space<vmem>>) offsets(%dma_start3A_62 : memref<32xi32, #tpu.memory_space<vmem>>) semaphore(%arg24 : memref<!tpu.dma_semaphore, #tpu.memory_space<semaphore_mem>>)
    %dma_start3A_66 = arith.constant 128 : i32
    %dma_start3A_67 = tpu.memref_slice %arg12[%dma_start3A_66] : memref<2048xi32, #tpu.memory_space<vmem>> -> memref<32xi32, #tpu.memory_space<vmem>>
    %dma_start3A_68 = arith.constant 0 : i32
    %dma_start3A_69 = arith.constant 0 : i32
    %dma_start3A_70 = tpu.memref_slice %arg3[%dma_start3A_68, %dma_start3A_69] : memref<131072x384xf32, #tpu.memory_space<hbm>> -> memref<131072x384xf32, #tpu.memory_space<hbm>>
    tpu.enqueue_indirect_dma source(%dma_start3A_70 : memref<131072x384xf32, #tpu.memory_space<hbm>>) target(%arg17 : memref<32x384xf32, #tpu.memory_space<vmem>>) offsets(%dma_start3A_67 : memref<32xi32, #tpu.memory_space<vmem>>) semaphore(%arg25 : memref<!tpu.dma_semaphore, #tpu.memory_space<semaphore_mem>>)
    %dma_start3A_71 = arith.constant 160 : i32
    %dma_start3A_72 = tpu.memref_slice %arg12[%dma_start3A_71] : memref<2048xi32, #tpu.memory_space<vmem>> -> memref<32xi32, #tpu.memory_space<vmem>>
    %dma_start3A_73 = arith.constant 0 : i32
    %dma_start3A_74 = arith.constant 0 : i32
    %dma_start3A_75 = tpu.memref_slice %arg3[%dma_start3A_73, %dma_start3A_74] : memref<131072x384xf32, #tpu.memory_space<hbm>> -> memref<131072x384xf32, #tpu.memory_space<hbm>>
    tpu.enqueue_indirect_dma source(%dma_start3A_75 : memref<131072x384xf32, #tpu.memory_space<hbm>>) target(%arg18 : memref<32x384xf32, #tpu.memory_space<vmem>>) offsets(%dma_start3A_72 : memref<32xi32, #tpu.memory_space<vmem>>) semaphore(%arg26 : memref<!tpu.dma_semaphore, #tpu.memory_space<semaphore_mem>>)
    %dma_start3A_76 = arith.constant 192 : i32
    %dma_start3A_77 = tpu.memref_slice %arg12[%dma_start3A_76] : memref<2048xi32, #tpu.memory_space<vmem>> -> memref<32xi32, #tpu.memory_space<vmem>>
    %dma_start3A_78 = arith.constant 0 : i32
    %dma_start3A_79 = arith.constant 0 : i32
    %dma_start3A_80 = tpu.memref_slice %arg3[%dma_start3A_78, %dma_start3A_79] : memref<131072x384xf32, #tpu.memory_space<hbm>> -> memref<131072x384xf32, #tpu.memory_space<hbm>>
    tpu.enqueue_indirect_dma source(%dma_start3A_80 : memref<131072x384xf32, #tpu.memory_space<hbm>>) target(%arg19 : memref<32x384xf32, #tpu.memory_space<vmem>>) offsets(%dma_start3A_77 : memref<32xi32, #tpu.memory_space<vmem>>) semaphore(%arg27 : memref<!tpu.dma_semaphore, #tpu.memory_space<semaphore_mem>>)
    %dma_wait3A_81 = arith.constant 0 : i32
    %dma_wait3A_82 = tpu.memref_slice %arg12[%dma_wait3A_81] : memref<2048xi32, #tpu.memory_space<vmem>> -> memref<32xi32, #tpu.memory_space<vmem>>
    %dma_wait3A_83 = arith.constant 0 : i32
    %dma_wait3A_84 = arith.constant 0 : i32
    %dma_wait3A_85 = tpu.memref_slice %arg3[%dma_wait3A_83, %dma_wait3A_84] : memref<131072x384xf32, #tpu.memory_space<hbm>> -> memref<131072x384xf32, #tpu.memory_space<hbm>>
    tpu.wait_indirect_dma semaphore(%arg21 : memref<!tpu.dma_semaphore, #tpu.memory_space<semaphore_mem>>) src(%dma_wait3A_85 : memref<131072x384xf32, #tpu.memory_space<hbm>>) dst(%arg13 : memref<32x384xf32, #tpu.memory_space<vmem>>)
    %mul3A_86 = arith.constant 2048 : i32
    %mul3A_87 = arith.muli %add3A, %mul3A_86 : i32
    %add3A_88 = arith.constant 0 : i32
    %add3A_89 = arith.addi %mul3A_87, %add3A_88 : i32
    %dma_start3A_90 = arith.constant 0 : i32
    %dma_start3A_91 = tpu.memref_slice %arg4[%add3A_89, %dma_start3A_90] : memref<65536x384xf32, #tpu.memory_space<hbm>> -> memref<32x384xf32, #tpu.memory_space<hbm>>
    %dma_start3A_92 = arith.constant 0 : i32
    %dma_start3A_93 = tpu.memref_slice %arg4[%add3A_89, %dma_start3A_92] : memref<65536x384xf32, #tpu.memory_space<hbm>> -> memref<32x384xf32, #tpu.memory_space<hbm>>
    tpu.enqueue_dma source(%arg13 : memref<32x384xf32, #tpu.memory_space<vmem>>) target(%dma_start3A_93 : memref<32x384xf32, #tpu.memory_space<hbm>>) target_semaphore(%arg29 : memref<!tpu.dma_semaphore, #tpu.memory_space<semaphore_mem>>)
    %dma_start3A_94 = arith.constant 224 : i32
    %dma_start3A_95 = tpu.memref_slice %arg12[%dma_start3A_94] : memref<2048xi32, #tpu.memory_space<vmem>> -> memref<32xi32, #tpu.memory_space<vmem>>
    %dma_start3A_96 = arith.constant 0 : i32
    %dma_start3A_97 = arith.constant 0 : i32
    %dma_start3A_98 = tpu.memref_slice %arg3[%dma_start3A_96, %dma_start3A_97] : memref<131072x384xf32, #tpu.memory_space<hbm>> -> memref<131072x384xf32, #tpu.memory_space<hbm>>
    tpu.enqueue_indirect_dma source(%dma_start3A_98 : memref<131072x384xf32, #tpu.memory_space<hbm>>) target(%arg20 : memref<32x384xf32, #tpu.memory_space<vmem>>) offsets(%dma_start3A_95 : memref<32xi32, #tpu.memory_space<vmem>>) semaphore(%arg28 : memref<!tpu.dma_semaphore, #tpu.memory_space<semaphore_mem>>)
    %dma_wait3A_99 = arith.constant 32 : i32
    %dma_wait3A_100 = tpu.memref_slice %arg12[%dma_wait3A_99] : memref<2048xi32, #tpu.memory_space<vmem>> -> memref<32xi32, #tpu.memory_space<vmem>>
    %dma_wait3A_101 = arith.constant 0 : i32
    %dma_wait3A_102 = arith.constant 0 : i32
    %dma_wait3A_103 = tpu.memref_slice %arg3[%dma_wait3A_101, %dma_wait3A_102] : memref<131072x384xf32, #tpu.memory_space<hbm>> -> memref<131072x384xf32, #tpu.memory_space<hbm>>
    tpu.wait_indirect_dma semaphore(%arg22 : memref<!tpu.dma_semaphore, #tpu.memory_space<semaphore_mem>>) src(%dma_wait3A_103 : memref<131072x384xf32, #tpu.memory_space<hbm>>) dst(%arg14 : memref<32x384xf32, #tpu.memory_space<vmem>>)
    %mul3A_104 = arith.constant 2048 : i32
    %mul3A_105 = arith.muli %add3A, %mul3A_104 : i32
    %add3A_106 = arith.constant 32 : i32
    %add3A_107 = arith.addi %mul3A_105, %add3A_106 : i32
    %dma_start3A_108 = arith.constant 0 : i32
    %dma_start3A_109 = tpu.memref_slice %arg4[%add3A_107, %dma_start3A_108] : memref<65536x384xf32, #tpu.memory_space<hbm>> -> memref<32x384xf32, #tpu.memory_space<hbm>>
    %dma_start3A_110 = arith.constant 0 : i32
    %dma_start3A_111 = tpu.memref_slice %arg4[%add3A_107, %dma_start3A_110] : memref<65536x384xf32, #tpu.memory_space<hbm>> -> memref<32x384xf32, #tpu.memory_space<hbm>>
    tpu.enqueue_dma source(%arg14 : memref<32x384xf32, #tpu.memory_space<vmem>>) target(%dma_start3A_111 : memref<32x384xf32, #tpu.memory_space<hbm>>) target_semaphore(%arg30 : memref<!tpu.dma_semaphore, #tpu.memory_space<semaphore_mem>>)
    %dma_wait3A_112 = arith.constant 0 : i32
    %dma_wait3A_113 = tpu.memref_slice %arg4[%add3A_89, %dma_wait3A_112] : memref<65536x384xf32, #tpu.memory_space<hbm>> -> memref<32x384xf32, #tpu.memory_space<hbm>>
    %dma_wait3A_114 = arith.constant 0 : i32
    %dma_wait3A_115 = tpu.memref_slice %arg4[%add3A_89, %dma_wait3A_114] : memref<65536x384xf32, #tpu.memory_space<hbm>> -> memref<32x384xf32, #tpu.memory_space<hbm>>
    tpu.wait_dma2 semaphore(%arg29 : memref<!tpu.dma_semaphore, #tpu.memory_space<semaphore_mem>>) src(%arg13 : memref<32x384xf32, #tpu.memory_space<vmem>>) dst(%dma_wait3A_115 : memref<32x384xf32, #tpu.memory_space<hbm>>)
    %dma_start3A_116 = arith.constant 256 : i32
    %dma_start3A_117 = tpu.memref_slice %arg12[%dma_start3A_116] : memref<2048xi32, #tpu.memory_space<vmem>> -> memref<32xi32, #tpu.memory_space<vmem>>
    %dma_start3A_118 = arith.constant 0 : i32
    %dma_start3A_119 = arith.constant 0 : i32
    %dma_start3A_120 = tpu.memref_slice %arg3[%dma_start3A_118, %dma_start3A_119] : memref<131072x384xf32, #tpu.memory_space<hbm>> -> memref<131072x384xf32, #tpu.memory_space<hbm>>
    tpu.enqueue_indirect_dma source(%dma_start3A_120 : memref<131072x384xf32, #tpu.memory_space<hbm>>) target(%arg13 : memref<32x384xf32, #tpu.memory_space<vmem>>) offsets(%dma_start3A_117 : memref<32xi32, #tpu.memory_space<vmem>>) semaphore(%arg21 : memref<!tpu.dma_semaphore, #tpu.memory_space<semaphore_mem>>)
    %dma_wait3A_121 = arith.constant 64 : i32
    %dma_wait3A_122 = tpu.memref_slice %arg12[%dma_wait3A_121] : memref<2048xi32, #tpu.memory_space<vmem>> -> memref<32xi32, #tpu.memory_space<vmem>>
    %dma_wait3A_123 = arith.constant 0 : i32
    %dma_wait3A_124 = arith.constant 0 : i32
    %dma_wait3A_125 = tpu.memref_slice %arg3[%dma_wait3A_123, %dma_wait3A_124] : memref<131072x384xf32, #tpu.memory_space<hbm>> -> memref<131072x384xf32, #tpu.memory_space<hbm>>
    tpu.wait_indirect_dma semaphore(%arg23 : memref<!tpu.dma_semaphore, #tpu.memory_space<semaphore_mem>>) src(%dma_wait3A_125 : memref<131072x384xf32, #tpu.memory_space<hbm>>) dst(%arg15 : memref<32x384xf32, #tpu.memory_space<vmem>>)
    %mul3A_126 = arith.constant 2048 : i32
    %mul3A_127 = arith.muli %add3A, %mul3A_126 : i32
    %add3A_128 = arith.constant 64 : i32
    %add3A_129 = arith.addi %mul3A_127, %add3A_128 : i32
    %dma_start3A_130 = arith.constant 0 : i32
    %dma_start3A_131 = tpu.memref_slice %arg4[%add3A_129, %dma_start3A_130] : memref<65536x384xf32, #tpu.memory_space<hbm>> -> memref<32x384xf32, #tpu.memory_space<hbm>>
    %dma_start3A_132 = arith.constant 0 : i32
    %dma_start3A_133 = tpu.memref_slice %arg4[%add3A_129, %dma_start3A_132] : memref<65536x384xf32, #tpu.memory_space<hbm>> -> memref<32x384xf32, #tpu.memory_space<hbm>>
    tpu.enqueue_dma source(%arg15 : memref<32x384xf32, #tpu.memory_space<vmem>>) target(%dma_start3A_133 : memref<32x384xf32, #tpu.memory_space<hbm>>) target_semaphore(%arg31 : memref<!tpu.dma_semaphore, #tpu.memory_space<semaphore_mem>>)
    %dma_wait3A_134 = arith.constant 0 : i32
    %dma_wait3A_135 = tpu.memref_slice %arg4[%add3A_107, %dma_wait3A_134] : memref<65536x384xf32, #tpu.memory_space<hbm>> -> memref<32x384xf32, #tpu.memory_space<hbm>>
    %dma_wait3A_136 = arith.constant 0 : i32
    %dma_wait3A_137 = tpu.memref_slice %arg4[%add3A_107, %dma_wait3A_136] : memref<65536x384xf32, #tpu.memory_space<hbm>> -> memref<32x384xf32, #tpu.memory_space<hbm>>
    tpu.wait_dma2 semaphore(%arg30 : memref<!tpu.dma_semaphore, #tpu.memory_space<semaphore_mem>>) src(%arg14 : memref<32x384xf32, #tpu.memory_space<vmem>>) dst(%dma_wait3A_137 : memref<32x384xf32, #tpu.memory_space<hbm>>)
    %dma_start3A_138 = arith.constant 288 : i32
    %dma_start3A_139 = tpu.memref_slice %arg12[%dma_start3A_138] : memref<2048xi32, #tpu.memory_space<vmem>> -> memref<32xi32, #tpu.memory_space<vmem>>
    %dma_start3A_140 = arith.constant 0 : i32
    %dma_start3A_141 = arith.constant 0 : i32
    %dma_start3A_142 = tpu.memref_slice %arg3[%dma_start3A_140, %dma_start3A_141] : memref<131072x384xf32, #tpu.memory_space<hbm>> -> memref<131072x384xf32, #tpu.memory_space<hbm>>
    tpu.enqueue_indirect_dma source(%dma_start3A_142 : memref<131072x384xf32, #tpu.memory_space<hbm>>) target(%arg14 : memref<32x384xf32, #tpu.memory_space<vmem>>) offsets(%dma_start3A_139 : memref<32xi32, #tpu.memory_space<vmem>>) semaphore(%arg22 : memref<!tpu.dma_semaphore, #tpu.memory_space<semaphore_mem>>)
    %dma_wait3A_143 = arith.constant 96 : i32
    %dma_wait3A_144 = tpu.memref_slice %arg12[%dma_wait3A_143] : memref<2048xi32, #tpu.memory_space<vmem>> -> memref<32xi32, #tpu.memory_space<vmem>>
    %dma_wait3A_145 = arith.constant 0 : i32
    %dma_wait3A_146 = arith.constant 0 : i32
    %dma_wait3A_147 = tpu.memref_slice %arg3[%dma_wait3A_145, %dma_wait3A_146] : memref<131072x384xf32, #tpu.memory_space<hbm>> -> memref<131072x384xf32, #tpu.memory_space<hbm>>
    tpu.wait_indirect_dma semaphore(%arg24 : memref<!tpu.dma_semaphore, #tpu.memory_space<semaphore_mem>>) src(%dma_wait3A_147 : memref<131072x384xf32, #tpu.memory_space<hbm>>) dst(%arg16 : memref<32x384xf32, #tpu.memory_space<vmem>>)
    %mul3A_148 = arith.constant 2048 : i32
    %mul3A_149 = arith.muli %add3A, %mul3A_148 : i32
    %add3A_150 = arith.constant 96 : i32
    %add3A_151 = arith.addi %mul3A_149, %add3A_150 : i32
    %dma_start3A_152 = arith.constant 0 : i32
    %dma_start3A_153 = tpu.memref_slice %arg4[%add3A_151, %dma_start3A_152] : memref<65536x384xf32, #tpu.memory_space<hbm>> -> memref<32x384xf32, #tpu.memory_space<hbm>>
    %dma_start3A_154 = arith.constant 0 : i32
    %dma_start3A_155 = tpu.memref_slice %arg4[%add3A_151, %dma_start3A_154] : memref<65536x384xf32, #tpu.memory_space<hbm>> -> memref<32x384xf32, #tpu.memory_space<hbm>>
    tpu.enqueue_dma source(%arg16 : memref<32x384xf32, #tpu.memory_space<vmem>>) target(%dma_start3A_155 : memref<32x384xf32, #tpu.memory_space<hbm>>) target_semaphore(%arg32 : memref<!tpu.dma_semaphore, #tpu.memory_space<semaphore_mem>>)
    %dma_wait3A_156 = arith.constant 0 : i32
    %dma_wait3A_157 = tpu.memref_slice %arg4[%add3A_129, %dma_wait3A_156] : memref<65536x384xf32, #tpu.memory_space<hbm>> -> memref<32x384xf32, #tpu.memory_space<hbm>>
    %dma_wait3A_158 = arith.constant 0 : i32
    %dma_wait3A_159 = tpu.memref_slice %arg4[%add3A_129, %dma_wait3A_158] : memref<65536x384xf32, #tpu.memory_space<hbm>> -> memref<32x384xf32, #tpu.memory_space<hbm>>
    tpu.wait_dma2 semaphore(%arg31 : memref<!tpu.dma_semaphore, #tpu.memory_space<semaphore_mem>>) src(%arg15 : memref<32x384xf32, #tpu.memory_space<vmem>>) dst(%dma_wait3A_159 : memref<32x384xf32, #tpu.memory_space<hbm>>)
    %dma_start3A_160 = arith.constant 320 : i32
    %dma_start3A_161 = tpu.memref_slice %arg12[%dma_start3A_160] : memref<2048xi32, #tpu.memory_space<vmem>> -> memref<32xi32, #tpu.memory_space<vmem>>
    %dma_start3A_162 = arith.constant 0 : i32
    %dma_start3A_163 = arith.constant 0 : i32
    %dma_start3A_164 = tpu.memref_slice %arg3[%dma_start3A_162, %dma_start3A_163] : memref<131072x384xf32, #tpu.memory_space<hbm>> -> memref<131072x384xf32, #tpu.memory_space<hbm>>
    tpu.enqueue_indirect_dma source(%dma_start3A_164 : memref<131072x384xf32, #tpu.memory_space<hbm>>) target(%arg15 : memref<32x384xf32, #tpu.memory_space<vmem>>) offsets(%dma_start3A_161 : memref<32xi32, #tpu.memory_space<vmem>>) semaphore(%arg23 : memref<!tpu.dma_semaphore, #tpu.memory_space<semaphore_mem>>)
    %dma_wait3A_165 = arith.constant 128 : i32
    %dma_wait3A_166 = tpu.memref_slice %arg12[%dma_wait3A_165] : memref<2048xi32, #tpu.memory_space<vmem>> -> memref<32xi32, #tpu.memory_space<vmem>>
    %dma_wait3A_167 = arith.constant 0 : i32
    %dma_wait3A_168 = arith.constant 0 : i32
    %dma_wait3A_169 = tpu.memref_slice %arg3[%dma_wait3A_167, %dma_wait3A_168] : memref<131072x384xf32, #tpu.memory_space<hbm>> -> memref<131072x384xf32, #tpu.memory_space<hbm>>
    tpu.wait_indirect_dma semaphore(%arg25 : memref<!tpu.dma_semaphore, #tpu.memory_space<semaphore_mem>>) src(%dma_wait3A_169 : memref<131072x384xf32, #tpu.memory_space<hbm>>) dst(%arg17 : memref<32x384xf32, #tpu.memory_space<vmem>>)
    %mul3A_170 = arith.constant 2048 : i32
    %mul3A_171 = arith.muli %add3A, %mul3A_170 : i32
    %add3A_172 = arith.constant 128 : i32
    %add3A_173 = arith.addi %mul3A_171, %add3A_172 : i32
    %dma_start3A_174 = arith.constant 0 : i32
    %dma_start3A_175 = tpu.memref_slice %arg4[%add3A_173, %dma_start3A_174] : memref<65536x384xf32, #tpu.memory_space<hbm>> -> memref<32x384xf32, #tpu.memory_space<hbm>>
    %dma_start3A_176 = arith.constant 0 : i32
    %dma_start3A_177 = tpu.memref_slice %arg4[%add3A_173, %dma_start3A_176] : memref<65536x384xf32, #tpu.memory_space<hbm>> -> memref<32x384xf32, #tpu.memory_space<hbm>>
    tpu.enqueue_dma source(%arg17 : memref<32x384xf32, #tpu.memory_space<vmem>>) target(%dma_start3A_177 : memref<32x384xf32, #tpu.memory_space<hbm>>) target_semaphore(%arg33 : memref<!tpu.dma_semaphore, #tpu.memory_space<semaphore_mem>>)
    %dma_wait3A_178 = arith.constant 0 : i32
    %dma_wait3A_179 = tpu.memref_slice %arg4[%add3A_151, %dma_wait3A_178] : memref<65536x384xf32, #tpu.memory_space<hbm>> -> memref<32x384xf32, #tpu.memory_space<hbm>>
    %dma_wait3A_180 = arith.constant 0 : i32
    %dma_wait3A_181 = tpu.memref_slice %arg4[%add3A_151, %dma_wait3A_180] : memref<65536x384xf32, #tpu.memory_space<hbm>> -> memref<32x384xf32, #tpu.memory_space<hbm>>
    tpu.wait_dma2 semaphore(%arg32 : memref<!tpu.dma_semaphore, #tpu.memory_space<semaphore_mem>>) src(%arg16 : memref<32x384xf32, #tpu.memory_space<vmem>>) dst(%dma_wait3A_181 : memref<32x384xf32, #tpu.memory_space<hbm>>)
    %dma_start3A_182 = arith.constant 352 : i32
    %dma_start3A_183 = tpu.memref_slice %arg12[%dma_start3A_182] : memref<2048xi32, #tpu.memory_space<vmem>> -> memref<32xi32, #tpu.memory_space<vmem>>
    %dma_start3A_184 = arith.constant 0 : i32
    %dma_start3A_185 = arith.constant 0 : i32
    %dma_start3A_186 = tpu.memref_slice %arg3[%dma_start3A_184, %dma_start3A_185] : memref<131072x384xf32, #tpu.memory_space<hbm>> -> memref<131072x384xf32, #tpu.memory_space<hbm>>
    tpu.enqueue_indirect_dma source(%dma_start3A_186 : memref<131072x384xf32, #tpu.memory_space<hbm>>) target(%arg16 : memref<32x384xf32, #tpu.memory_space<vmem>>) offsets(%dma_start3A_183 : memref<32xi32, #tpu.memory_space<vmem>>) semaphore(%arg24 : memref<!tpu.dma_semaphore, #tpu.memory_space<semaphore_mem>>)
    %dma_wait3A_187 = arith.constant 160 : i32
    %dma_wait3A_188 = tpu.memref_slice %arg12[%dma_wait3A_187] : memref<2048xi32, #tpu.memory_space<vmem>> -> memref<32xi32, #tpu.memory_space<vmem>>
    %dma_wait3A_189 = arith.constant 0 : i32
    %dma_wait3A_190 = arith.constant 0 : i32
    %dma_wait3A_191 = tpu.memref_slice %arg3[%dma_wait3A_189, %dma_wait3A_190] : memref<131072x384xf32, #tpu.memory_space<hbm>> -> memref<131072x384xf32, #tpu.memory_space<hbm>>
    tpu.wait_indirect_dma semaphore(%arg26 : memref<!tpu.dma_semaphore, #tpu.memory_space<semaphore_mem>>) src(%dma_wait3A_191 : memref<131072x384xf32, #tpu.memory_space<hbm>>) dst(%arg18 : memref<32x384xf32, #tpu.memory_space<vmem>>)
    %mul3A_192 = arith.constant 2048 : i32
    %mul3A_193 = arith.muli %add3A, %mul3A_192 : i32
    %add3A_194 = arith.constant 160 : i32
    %add3A_195 = arith.addi %mul3A_193, %add3A_194 : i32
    %dma_start3A_196 = arith.constant 0 : i32
    %dma_start3A_197 = tpu.memref_slice %arg4[%add3A_195, %dma_start3A_196] : memref<65536x384xf32, #tpu.memory_space<hbm>> -> memref<32x384xf32, #tpu.memory_space<hbm>>
    %dma_start3A_198 = arith.constant 0 : i32
    %dma_start3A_199 = tpu.memref_slice %arg4[%add3A_195, %dma_start3A_198] : memref<65536x384xf32, #tpu.memory_space<hbm>> -> memref<32x384xf32, #tpu.memory_space<hbm>>
    tpu.enqueue_dma source(%arg18 : memref<32x384xf32, #tpu.memory_space<vmem>>) target(%dma_start3A_199 : memref<32x384xf32, #tpu.memory_space<hbm>>) target_semaphore(%arg34 : memref<!tpu.dma_semaphore, #tpu.memory_space<semaphore_mem>>)
    %dma_wait3A_200 = arith.constant 0 : i32
    %dma_wait3A_201 = tpu.memref_slice %arg4[%add3A_173, %dma_wait3A_200] : memref<65536x384xf32, #tpu.memory_space<hbm>> -> memref<32x384xf32, #tpu.memory_space<hbm>>
    %dma_wait3A_202 = arith.constant 0 : i32
    %dma_wait3A_203 = tpu.memref_slice %arg4[%add3A_173, %dma_wait3A_202] : memref<65536x384xf32, #tpu.memory_space<hbm>> -> memref<32x384xf32, #tpu.memory_space<hbm>>
    tpu.wait_dma2 semaphore(%arg33 : memref<!tpu.dma_semaphore, #tpu.memory_space<semaphore_mem>>) src(%arg17 : memref<32x384xf32, #tpu.memory_space<vmem>>) dst(%dma_wait3A_203 : memref<32x384xf32, #tpu.memory_space<hbm>>)
    %dma_start3A_204 = arith.constant 384 : i32
    %dma_start3A_205 = tpu.memref_slice %arg12[%dma_start3A_204] : memref<2048xi32, #tpu.memory_space<vmem>> -> memref<32xi32, #tpu.memory_space<vmem>>
    %dma_start3A_206 = arith.constant 0 : i32
    %dma_start3A_207 = arith.constant 0 : i32
    %dma_start3A_208 = tpu.memref_slice %arg3[%dma_start3A_206, %dma_start3A_207] : memref<131072x384xf32, #tpu.memory_space<hbm>> -> memref<131072x384xf32, #tpu.memory_space<hbm>>
    tpu.enqueue_indirect_dma source(%dma_start3A_208 : memref<131072x384xf32, #tpu.memory_space<hbm>>) target(%arg17 : memref<32x384xf32, #tpu.memory_space<vmem>>) offsets(%dma_start3A_205 : memref<32xi32, #tpu.memory_space<vmem>>) semaphore(%arg25 : memref<!tpu.dma_semaphore, #tpu.memory_space<semaphore_mem>>)
    %dma_wait3A_209 = arith.constant 192 : i32
    %dma_wait3A_210 = tpu.memref_slice %arg12[%dma_wait3A_209] : memref<2048xi32, #tpu.memory_space<vmem>> -> memref<32xi32, #tpu.memory_space<vmem>>
    %dma_wait3A_211 = arith.constant 0 : i32
    %dma_wait3A_212 = arith.constant 0 : i32
    %dma_wait3A_213 = tpu.memref_slice %arg3[%dma_wait3A_211, %dma_wait3A_212] : memref<131072x384xf32, #tpu.memory_space<hbm>> -> memref<131072x384xf32, #tpu.memory_space<hbm>>
    tpu.wait_indirect_dma semaphore(%arg27 : memref<!tpu.dma_semaphore, #tpu.memory_space<semaphore_mem>>) src(%dma_wait3A_213 : memref<131072x384xf32, #tpu.memory_space<hbm>>) dst(%arg19 : memref<32x384xf32, #tpu.memory_space<vmem>>)
    %mul3A_214 = arith.constant 2048 : i32
    %mul3A_215 = arith.muli %add3A, %mul3A_214 : i32
    %add3A_216 = arith.constant 192 : i32
    %add3A_217 = arith.addi %mul3A_215, %add3A_216 : i32
    %dma_start3A_218 = arith.constant 0 : i32
    %dma_start3A_219 = tpu.memref_slice %arg4[%add3A_217, %dma_start3A_218] : memref<65536x384xf32, #tpu.memory_space<hbm>> -> memref<32x384xf32, #tpu.memory_space<hbm>>
    %dma_start3A_220 = arith.constant 0 : i32
    %dma_start3A_221 = tpu.memref_slice %arg4[%add3A_217, %dma_start3A_220] : memref<65536x384xf32, #tpu.memory_space<hbm>> -> memref<32x384xf32, #tpu.memory_space<hbm>>
    tpu.enqueue_dma source(%arg19 : memref<32x384xf32, #tpu.memory_space<vmem>>) target(%dma_start3A_221 : memref<32x384xf32, #tpu.memory_space<hbm>>) target_semaphore(%arg35 : memref<!tpu.dma_semaphore, #tpu.memory_space<semaphore_mem>>)
    %dma_wait3A_222 = arith.constant 0 : i32
    %dma_wait3A_223 = tpu.memref_slice %arg4[%add3A_195, %dma_wait3A_222] : memref<65536x384xf32, #tpu.memory_space<hbm>> -> memref<32x384xf32, #tpu.memory_space<hbm>>
    %dma_wait3A_224 = arith.constant 0 : i32
    %dma_wait3A_225 = tpu.memref_slice %arg4[%add3A_195, %dma_wait3A_224] : memref<65536x384xf32, #tpu.memory_space<hbm>> -> memref<32x384xf32, #tpu.memory_space<hbm>>
    tpu.wait_dma2 semaphore(%arg34 : memref<!tpu.dma_semaphore, #tpu.memory_space<semaphore_mem>>) src(%arg18 : memref<32x384xf32, #tpu.memory_space<vmem>>) dst(%dma_wait3A_225 : memref<32x384xf32, #tpu.memory_space<hbm>>)
    %dma_start3A_226 = arith.constant 416 : i32
    %dma_start3A_227 = tpu.memref_slice %arg12[%dma_start3A_226] : memref<2048xi32, #tpu.memory_space<vmem>> -> memref<32xi32, #tpu.memory_space<vmem>>
    %dma_start3A_228 = arith.constant 0 : i32
    %dma_start3A_229 = arith.constant 0 : i32
    %dma_start3A_230 = tpu.memref_slice %arg3[%dma_start3A_228, %dma_start3A_229] : memref<131072x384xf32, #tpu.memory_space<hbm>> -> memref<131072x384xf32, #tpu.memory_space<hbm>>
    tpu.enqueue_indirect_dma source(%dma_start3A_230 : memref<131072x384xf32, #tpu.memory_space<hbm>>) target(%arg18 : memref<32x384xf32, #tpu.memory_space<vmem>>) offsets(%dma_start3A_227 : memref<32xi32, #tpu.memory_space<vmem>>) semaphore(%arg26 : memref<!tpu.dma_semaphore, #tpu.memory_space<semaphore_mem>>)
    %dma_wait3A_231 = arith.constant 224 : i32
    %dma_wait3A_232 = tpu.memref_slice %arg12[%dma_wait3A_231] : memref<2048xi32, #tpu.memory_space<vmem>> -> memref<32xi32, #tpu.memory_space<vmem>>
    %dma_wait3A_233 = arith.constant 0 : i32
    %dma_wait3A_234 = arith.constant 0 : i32
    %dma_wait3A_235 = tpu.memref_slice %arg3[%dma_wait3A_233, %dma_wait3A_234] : memref<131072x384xf32, #tpu.memory_space<hbm>> -> memref<131072x384xf32, #tpu.memory_space<hbm>>
    tpu.wait_indirect_dma semaphore(%arg28 : memref<!tpu.dma_semaphore, #tpu.memory_space<semaphore_mem>>) src(%dma_wait3A_235 : memref<131072x384xf32, #tpu.memory_space<hbm>>) dst(%arg20 : memref<32x384xf32, #tpu.memory_space<vmem>>)
    %mul3A_236 = arith.constant 2048 : i32
    %mul3A_237 = arith.muli %add3A, %mul3A_236 : i32
    %add3A_238 = arith.constant 224 : i32
    %add3A_239 = arith.addi %mul3A_237, %add3A_238 : i32
    %dma_start3A_240 = arith.constant 0 : i32
    %dma_start3A_241 = tpu.memref_slice %arg4[%add3A_239, %dma_start3A_240] : memref<65536x384xf32, #tpu.memory_space<hbm>> -> memref<32x384xf32, #tpu.memory_space<hbm>>
    %dma_start3A_242 = arith.constant 0 : i32
    %dma_start3A_243 = tpu.memref_slice %arg4[%add3A_239, %dma_start3A_242] : memref<65536x384xf32, #tpu.memory_space<hbm>> -> memref<32x384xf32, #tpu.memory_space<hbm>>
    tpu.enqueue_dma source(%arg20 : memref<32x384xf32, #tpu.memory_space<vmem>>) target(%dma_start3A_243 : memref<32x384xf32, #tpu.memory_space<hbm>>) target_semaphore(%arg36 : memref<!tpu.dma_semaphore, #tpu.memory_space<semaphore_mem>>)
    %dma_wait3A_244 = arith.constant 0 : i32
    %dma_wait3A_245 = tpu.memref_slice %arg4[%add3A_217, %dma_wait3A_244] : memref<65536x384xf32, #tpu.memory_space<hbm>> -> memref<32x384xf32, #tpu.memory_space<hbm>>
    %dma_wait3A_246 = arith.constant 0 : i32
    %dma_wait3A_247 = tpu.memref_slice %arg4[%add3A_217, %dma_wait3A_246] : memref<65536x384xf32, #tpu.memory_space<hbm>> -> memref<32x384xf32, #tpu.memory_space<hbm>>
    tpu.wait_dma2 semaphore(%arg35 : memref<!tpu.dma_semaphore, #tpu.memory_space<semaphore_mem>>) src(%arg19 : memref<32x384xf32, #tpu.memory_space<vmem>>) dst(%dma_wait3A_247 : memref<32x384xf32, #tpu.memory_space<hbm>>)
    %dma_start3A_248 = arith.constant 448 : i32
    %dma_start3A_249 = tpu.memref_slice %arg12[%dma_start3A_248] : memref<2048xi32, #tpu.memory_space<vmem>> -> memref<32xi32, #tpu.memory_space<vmem>>
    %dma_start3A_250 = arith.constant 0 : i32
    %dma_start3A_251 = arith.constant 0 : i32
    %dma_start3A_252 = tpu.memref_slice %arg3[%dma_start3A_250, %dma_start3A_251] : memref<131072x384xf32, #tpu.memory_space<hbm>> -> memref<131072x384xf32, #tpu.memory_space<hbm>>
    tpu.enqueue_indirect_dma source(%dma_start3A_252 : memref<131072x384xf32, #tpu.memory_space<hbm>>) target(%arg19 : memref<32x384xf32, #tpu.memory_space<vmem>>) offsets(%dma_start3A_249 : memref<32xi32, #tpu.memory_space<vmem>>) semaphore(%arg27 : memref<!tpu.dma_semaphore, #tpu.memory_space<semaphore_mem>>)
    %dma_wait3A_253 = arith.constant 256 : i32
    %dma_wait3A_254 = tpu.memref_slice %arg12[%dma_wait3A_253] : memref<2048xi32, #tpu.memory_space<vmem>> -> memref<32xi32, #tpu.memory_space<vmem>>
    %dma_wait3A_255 = arith.constant 0 : i32
    %dma_wait3A_256 = arith.constant 0 : i32
    %dma_wait3A_257 = tpu.memref_slice %arg3[%dma_wait3A_255, %dma_wait3A_256] : memref<131072x384xf32, #tpu.memory_space<hbm>> -> memref<131072x384xf32, #tpu.memory_space<hbm>>
    tpu.wait_indirect_dma semaphore(%arg21 : memref<!tpu.dma_semaphore, #tpu.memory_space<semaphore_mem>>) src(%dma_wait3A_257 : memref<131072x384xf32, #tpu.memory_space<hbm>>) dst(%arg13 : memref<32x384xf32, #tpu.memory_space<vmem>>)
    %mul3A_258 = arith.constant 2048 : i32
    %mul3A_259 = arith.muli %add3A, %mul3A_258 : i32
    %add3A_260 = arith.constant 256 : i32
    %add3A_261 = arith.addi %mul3A_259, %add3A_260 : i32
    %dma_start3A_262 = arith.constant 0 : i32
    %dma_start3A_263 = tpu.memref_slice %arg4[%add3A_261, %dma_start3A_262] : memref<65536x384xf32, #tpu.memory_space<hbm>> -> memref<32x384xf32, #tpu.memory_space<hbm>>
    %dma_start3A_264 = arith.constant 0 : i32
    %dma_start3A_265 = tpu.memref_slice %arg4[%add3A_261, %dma_start3A_264] : memref<65536x384xf32, #tpu.memory_space<hbm>> -> memref<32x384xf32, #tpu.memory_space<hbm>>
    tpu.enqueue_dma source(%arg13 : memref<32x384xf32, #tpu.memory_space<vmem>>) target(%dma_start3A_265 : memref<32x384xf32, #tpu.memory_space<hbm>>) target_semaphore(%arg29 : memref<!tpu.dma_semaphore, #tpu.memory_space<semaphore_mem>>)
    %dma_wait3A_266 = arith.constant 0 : i32
    %dma_wait3A_267 = tpu.memref_slice %arg4[%add3A_239, %dma_wait3A_266] : memref<65536x384xf32, #tpu.memory_space<hbm>> -> memref<32x384xf32, #tpu.memory_space<hbm>>
    %dma_wait3A_268 = arith.constant 0 : i32
    %dma_wait3A_269 = tpu.memref_slice %arg4[%add3A_239, %dma_wait3A_268] : memref<65536x384xf32, #tpu.memory_space<hbm>> -> memref<32x384xf32, #tpu.memory_space<hbm>>
    tpu.wait_dma2 semaphore(%arg36 : memref<!tpu.dma_semaphore, #tpu.memory_space<semaphore_mem>>) src(%arg20 : memref<32x384xf32, #tpu.memory_space<vmem>>) dst(%dma_wait3A_269 : memref<32x384xf32, #tpu.memory_space<hbm>>)
    %dma_start3A_270 = arith.constant 480 : i32
    %dma_start3A_271 = tpu.memref_slice %arg12[%dma_start3A_270] : memref<2048xi32, #tpu.memory_space<vmem>> -> memref<32xi32, #tpu.memory_space<vmem>>
    %dma_start3A_272 = arith.constant 0 : i32
    %dma_start3A_273 = arith.constant 0 : i32
    %dma_start3A_274 = tpu.memref_slice %arg3[%dma_start3A_272, %dma_start3A_273] : memref<131072x384xf32, #tpu.memory_space<hbm>> -> memref<131072x384xf32, #tpu.memory_space<hbm>>
    tpu.enqueue_indirect_dma source(%dma_start3A_274 : memref<131072x384xf32, #tpu.memory_space<hbm>>) target(%arg20 : memref<32x384xf32, #tpu.memory_space<vmem>>) offsets(%dma_start3A_271 : memref<32xi32, #tpu.memory_space<vmem>>) semaphore(%arg28 : memref<!tpu.dma_semaphore, #tpu.memory_space<semaphore_mem>>)
    %dma_wait3A_275 = arith.constant 288 : i32
    %dma_wait3A_276 = tpu.memref_slice %arg12[%dma_wait3A_275] : memref<2048xi32, #tpu.memory_space<vmem>> -> memref<32xi32, #tpu.memory_space<vmem>>
    %dma_wait3A_277 = arith.constant 0 : i32
    %dma_wait3A_278 = arith.constant 0 : i32
    %dma_wait3A_279 = tpu.memref_slice %arg3[%dma_wait3A_277, %dma_wait3A_278] : memref<131072x384xf32, #tpu.memory_space<hbm>> -> memref<131072x384xf32, #tpu.memory_space<hbm>>
    tpu.wait_indirect_dma semaphore(%arg22 : memref<!tpu.dma_semaphore, #tpu.memory_space<semaphore_mem>>) src(%dma_wait3A_279 : memref<131072x384xf32, #tpu.memory_space<hbm>>) dst(%arg14 : memref<32x384xf32, #tpu.memory_space<vmem>>)
    %mul3A_280 = arith.constant 2048 : i32
    %mul3A_281 = arith.muli %add3A, %mul3A_280 : i32
    %add3A_282 = arith.constant 288 : i32
    %add3A_283 = arith.addi %mul3A_281, %add3A_282 : i32
    %dma_start3A_284 = arith.constant 0 : i32
    %dma_start3A_285 = tpu.memref_slice %arg4[%add3A_283, %dma_start3A_284] : memref<65536x384xf32, #tpu.memory_space<hbm>> -> memref<32x384xf32, #tpu.memory_space<hbm>>
    %dma_start3A_286 = arith.constant 0 : i32
    %dma_start3A_287 = tpu.memref_slice %arg4[%add3A_283, %dma_start3A_286] : memref<65536x384xf32, #tpu.memory_space<hbm>> -> memref<32x384xf32, #tpu.memory_space<hbm>>
    tpu.enqueue_dma source(%arg14 : memref<32x384xf32, #tpu.memory_space<vmem>>) target(%dma_start3A_287 : memref<32x384xf32, #tpu.memory_space<hbm>>) target_semaphore(%arg30 : memref<!tpu.dma_semaphore, #tpu.memory_space<semaphore_mem>>)
    %add3A_288 = arith.constant 1 : i32
    %add3A_289 = arith.addi %mul3A_2, %add3A_288 : i32
    %dma_wait3A_290 = arith.constant 0 : i32
    %dma_wait3A_291 = tpu.memref_slice %arg2[%add3A_11, %dma_wait3A_290] : memref<128x1024xi32, #tpu.memory_space<hbm>> -> memref<1x1024xi32, #tpu.memory_space<hbm>>
    %dma_wait3A_292 = tpu.memref_squeeze %dma_wait3A_291 : memref<1x1024xi32, #tpu.memory_space<hbm>> -> memref<1024xi32, #tpu.memory_space<hbm>>
    %dma_wait3A_293 = arith.constant 0 : i32
    %dma_wait3A_294 = tpu.memref_slice %arg2[%add3A_11, %dma_wait3A_293] : memref<128x1024xi32, #tpu.memory_space<hbm>> -> memref<1x1024xi32, #tpu.memory_space<hbm>>
    %dma_wait3A_295 = tpu.memref_squeeze %dma_wait3A_294 : memref<1x1024xi32, #tpu.memory_space<hbm>> -> memref<1024xi32, #tpu.memory_space<hbm>>
    tpu.wait_dma2 semaphore(%arg38 : memref<!tpu.dma_semaphore, #tpu.memory_space<semaphore_mem>>) src(%dma_wait3A_295 : memref<1024xi32, #tpu.memory_space<hbm>>) dst(%arg8 : memref<1024xi32, #tpu.memory_space<vmem>>)
    %scan3A_296 = arith.constant 0 : i32
    %scan3A_297 = arith.constant 0 : i32
    %scan3A_298 = arith.constant 64 : i32
    %scan3A_299 = arith.addi %scan3A_297, %scan3A_298 : i32
    %scan3A_300 = arith.constant 1 : i32
    scf.for %scan3A_1536 = %scan3A_297 to %scan3A_299 step %scan3A_300  : i32 {
      %mul3A_1537 = arith.constant 16 : i32
      %mul3A_1538 = arith.muli %scan3A_1536, %mul3A_1537 : i32
      %get3A = arith.index_cast %mul3A_1538 : i32 to index
      %get3A_1539 = tpu.vector_load %arg8[%get3A] {strides = array<i32>} : memref<1024xi32, #tpu.memory_space<vmem>>, vector<16xi32>,
      %mul3A_1540 = arith.constant 16 : i32
      %mul3A_1541 = arith.muli %scan3A_1536, %mul3A_1540 : i32
      %add3A_1542 = vector.broadcast %mul3A_1541 : i32 to vector<16xi32>
      %add3A_1543 = arith.addi %add3A_1542, %iota3A : vector<16xi32>
      %lt3A = arith.constant 512 : i32
      %lt3A_1544 = vector.broadcast %lt3A : i32 to vector<16xi32>
      %lt3A_1545 = arith.cmpi slt, %get3A_1539, %lt3A_1544 : vector<16xi32>
      %jit3A = arith.constant 1 : i32
      %jit3A_1546 = arith.constant 5 : i32
      %broadcast_in_dim3A = vector.broadcast %jit3A : i32 to vector<16xi32>
      %broadcast_in_dim3A_1547 = vector.broadcast %jit3A_1546 : i32 to vector<16xi32>
      %select_n3A = arith.select %lt3A_1545, %broadcast_in_dim3A, %broadcast_in_dim3A_1547 : vector<16xi1>, vector<16xi32>
      %sub3A = arith.constant 512 : i32
      %sub3A_1548 = vector.broadcast %sub3A : i32 to vector<16xi32>
      %sub3A_1549 = arith.subi %get3A_1539, %sub3A_1548 : vector<16xi32>
      %select_n3A_1550 = arith.select %lt3A_1545, %get3A_1539, %sub3A_1549 : vector<16xi1>, vector<16xi32>
      tpu.vector_store_idx %arg11[%select_n3A, %select_n3A_1550], %add3A_1543 : memref<8x512xi32, #tpu.memory_space<vmem>>[vector<16xi32>, vector<16xi32>], vector<16xi32>,
      %add3A_1551 = arith.constant 512 : i32
      %add3A_1552 = vector.broadcast %add3A_1551 : i32 to vector<16xi32>
      %add3A_1553 = arith.addi %add3A_1552, %get3A_1539 : vector<16xi32>
      %jit3A_1554 = arith.constant 0 : i32
      %broadcast_in_dim3A_1555 = vector.broadcast %jit3A_1554 : i32 to vector<16xi32>
      %select_n3A_1556 = arith.select %lt3A_1545, %add3A_1553, %broadcast_in_dim3A_1555 : vector<16xi1>, vector<16xi32>
      %mul3A_1557 = arith.constant 1024 : i32
      %mul3A_1558 = arith.muli %add3A_289, %mul3A_1557 : i32
      %add3A_1559 = vector.broadcast %mul3A_1558 : i32 to vector<16xi32>
      %add3A_1560 = arith.addi %add3A_1543, %add3A_1559 : vector<16xi32>
      tpu.vector_store_idx %arg12[%select_n3A_1556], %add3A_1560 masked %lt3A_1545 : memref<2048xi32, #tpu.memory_space<vmem>>[vector<16xi32>], vector<16xi32>, vector<16xi1>
    }
    %scan3A_301 = arith.constant 64 : i32
    %dma_wait3A_302 = arith.constant 0 : i32
    %dma_wait3A_303 = tpu.memref_slice %arg4[%add3A_261, %dma_wait3A_302] : memref<65536x384xf32, #tpu.memory_space<hbm>> -> memref<32x384xf32, #tpu.memory_space<hbm>>
    %dma_wait3A_304 = arith.constant 0 : i32
    %dma_wait3A_305 = tpu.memref_slice %arg4[%add3A_261, %dma_wait3A_304] : memref<65536x384xf32, #tpu.memory_space<hbm>> -> memref<32x384xf32, #tpu.memory_space<hbm>>
    tpu.wait_dma2 semaphore(%arg29 : memref<!tpu.dma_semaphore, #tpu.memory_space<semaphore_mem>>) src(%arg13 : memref<32x384xf32, #tpu.memory_space<vmem>>) dst(%dma_wait3A_305 : memref<32x384xf32, #tpu.memory_space<hbm>>)
    %dma_start3A_306 = arith.constant 512 : i32
    %dma_start3A_307 = tpu.memref_slice %arg12[%dma_start3A_306] : memref<2048xi32, #tpu.memory_space<vmem>> -> memref<32xi32, #tpu.memory_space<vmem>>
    %dma_start3A_308 = arith.constant 0 : i32
    %dma_start3A_309 = arith.constant 0 : i32
    %dma_start3A_310 = tpu.memref_slice %arg3[%dma_start3A_308, %dma_start3A_309] : memref<131072x384xf32, #tpu.memory_space<hbm>> -> memref<131072x384xf32, #tpu.memory_space<hbm>>
    tpu.enqueue_indirect_dma source(%dma_start3A_310 : memref<131072x384xf32, #tpu.memory_space<hbm>>) target(%arg13 : memref<32x384xf32, #tpu.memory_space<vmem>>) offsets(%dma_start3A_307 : memref<32xi32, #tpu.memory_space<vmem>>) semaphore(%arg21 : memref<!tpu.dma_semaphore, #tpu.memory_space<semaphore_mem>>)
    %dma_wait3A_311 = arith.constant 320 : i32
    %dma_wait3A_312 = tpu.memref_slice %arg12[%dma_wait3A_311] : memref<2048xi32, #tpu.memory_space<vmem>> -> memref<32xi32, #tpu.memory_space<vmem>>
    %dma_wait3A_313 = arith.constant 0 : i32
    %dma_wait3A_314 = arith.constant 0 : i32
    %dma_wait3A_315 = tpu.memref_slice %arg3[%dma_wait3A_313, %dma_wait3A_314] : memref<131072x384xf32, #tpu.memory_space<hbm>> -> memref<131072x384xf32, #tpu.memory_space<hbm>>
    tpu.wait_indirect_dma semaphore(%arg23 : memref<!tpu.dma_semaphore, #tpu.memory_space<semaphore_mem>>) src(%dma_wait3A_315 : memref<131072x384xf32, #tpu.memory_space<hbm>>) dst(%arg15 : memref<32x384xf32, #tpu.memory_space<vmem>>)
    %mul3A_316 = arith.constant 2048 : i32
    %mul3A_317 = arith.muli %add3A, %mul3A_316 : i32
    %add3A_318 = arith.constant 320 : i32
    %add3A_319 = arith.addi %mul3A_317, %add3A_318 : i32
    %dma_start3A_320 = arith.constant 0 : i32
    %dma_start3A_321 = tpu.memref_slice %arg4[%add3A_319, %dma_start3A_320] : memref<65536x384xf32, #tpu.memory_space<hbm>> -> memref<32x384xf32, #tpu.memory_space<hbm>>
    %dma_start3A_322 = arith.constant 0 : i32
    %dma_start3A_323 = tpu.memref_slice %arg4[%add3A_319, %dma_start3A_322] : memref<65536x384xf32, #tpu.memory_space<hbm>> -> memref<32x384xf32, #tpu.memory_space<hbm>>
    tpu.enqueue_dma source(%arg15 : memref<32x384xf32, #tpu.memory_space<vmem>>) target(%dma_start3A_323 : memref<32x384xf32, #tpu.memory_space<hbm>>) target_semaphore(%arg31 : memref<!tpu.dma_semaphore, #tpu.memory_space<semaphore_mem>>)
    %dma_wait3A_324 = arith.constant 0 : i32
    %dma_wait3A_325 = tpu.memref_slice %arg4[%add3A_283, %dma_wait3A_324] : memref<65536x384xf32, #tpu.memory_space<hbm>> -> memref<32x384xf32, #tpu.memory_space<hbm>>
    %dma_wait3A_326 = arith.constant 0 : i32
    %dma_wait3A_327 = tpu.memref_slice %arg4[%add3A_283, %dma_wait3A_326] : memref<65536x384xf32, #tpu.memory_space<hbm>> -> memref<32x384xf32, #tpu.memory_space<hbm>>
    tpu.wait_dma2 semaphore(%arg30 : memref<!tpu.dma_semaphore, #tpu.memory_space<semaphore_mem>>) src(%arg14 : memref<32x384xf32, #tpu.memory_space<vmem>>) dst(%dma_wait3A_327 : memref<32x384xf32, #tpu.memory_space<hbm>>)
    %dma_start3A_328 = arith.constant 544 : i32
    %dma_start3A_329 = tpu.memref_slice %arg12[%dma_start3A_328] : memref<2048xi32, #tpu.memory_space<vmem>> -> memref<32xi32, #tpu.memory_space<vmem>>
    %dma_start3A_330 = arith.constant 0 : i32
    %dma_start3A_331 = arith.constant 0 : i32
    %dma_start3A_332 = tpu.memref_slice %arg3[%dma_start3A_330, %dma_start3A_331] : memref<131072x384xf32, #tpu.memory_space<hbm>> -> memref<131072x384xf32, #tpu.memory_space<hbm>>
    tpu.enqueue_indirect_dma source(%dma_start3A_332 : memref<131072x384xf32, #tpu.memory_space<hbm>>) target(%arg14 : memref<32x384xf32, #tpu.memory_space<vmem>>) offsets(%dma_start3A_329 : memref<32xi32, #tpu.memory_space<vmem>>) semaphore(%arg22 : memref<!tpu.dma_semaphore, #tpu.memory_space<semaphore_mem>>)
    %dma_wait3A_333 = arith.constant 352 : i32
    %dma_wait3A_334 = tpu.memref_slice %arg12[%dma_wait3A_333] : memref<2048xi32, #tpu.memory_space<vmem>> -> memref<32xi32, #tpu.memory_space<vmem>>
    %dma_wait3A_335 = arith.constant 0 : i32
    %dma_wait3A_336 = arith.constant 0 : i32
    %dma_wait3A_337 = tpu.memref_slice %arg3[%dma_wait3A_335, %dma_wait3A_336] : memref<131072x384xf32, #tpu.memory_space<hbm>> -> memref<131072x384xf32, #tpu.memory_space<hbm>>
    tpu.wait_indirect_dma semaphore(%arg24 : memref<!tpu.dma_semaphore, #tpu.memory_space<semaphore_mem>>) src(%dma_wait3A_337 : memref<131072x384xf32, #tpu.memory_space<hbm>>) dst(%arg16 : memref<32x384xf32, #tpu.memory_space<vmem>>)
    %mul3A_338 = arith.constant 2048 : i32
    %mul3A_339 = arith.muli %add3A, %mul3A_338 : i32
    %add3A_340 = arith.constant 352 : i32
    %add3A_341 = arith.addi %mul3A_339, %add3A_340 : i32
    %dma_start3A_342 = arith.constant 0 : i32
    %dma_start3A_343 = tpu.memref_slice %arg4[%add3A_341, %dma_start3A_342] : memref<65536x384xf32, #tpu.memory_space<hbm>> -> memref<32x384xf32, #tpu.memory_space<hbm>>
    %dma_start3A_344 = arith.constant 0 : i32
    %dma_start3A_345 = tpu.memref_slice %arg4[%add3A_341, %dma_start3A_344] : memref<65536x384xf32, #tpu.memory_space<hbm>> -> memref<32x384xf32, #tpu.memory_space<hbm>>
    tpu.enqueue_dma source(%arg16 : memref<32x384xf32, #tpu.memory_space<vmem>>) target(%dma_start3A_345 : memref<32x384xf32, #tpu.memory_space<hbm>>) target_semaphore(%arg32 : memref<!tpu.dma_semaphore, #tpu.memory_space<semaphore_mem>>)
    %dma_wait3A_346 = arith.constant 0 : i32
    %dma_wait3A_347 = tpu.memref_slice %arg4[%add3A_319, %dma_wait3A_346] : memref<65536x384xf32, #tpu.memory_space<hbm>> -> memref<32x384xf32, #tpu.memory_space<hbm>>
    %dma_wait3A_348 = arith.constant 0 : i32
    %dma_wait3A_349 = tpu.memref_slice %arg4[%add3A_319, %dma_wait3A_348] : memref<65536x384xf32, #tpu.memory_space<hbm>> -> memref<32x384xf32, #tpu.memory_space<hbm>>
    tpu.wait_dma2 semaphore(%arg31 : memref<!tpu.dma_semaphore, #tpu.memory_space<semaphore_mem>>) src(%arg15 : memref<32x384xf32, #tpu.memory_space<vmem>>) dst(%dma_wait3A_349 : memref<32x384xf32, #tpu.memory_space<hbm>>)
    %dma_start3A_350 = arith.constant 576 : i32
    %dma_start3A_351 = tpu.memref_slice %arg12[%dma_start3A_350] : memref<2048xi32, #tpu.memory_space<vmem>> -> memref<32xi32, #tpu.memory_space<vmem>>
    %dma_start3A_352 = arith.constant 0 : i32
    %dma_start3A_353 = arith.constant 0 : i32
    %dma_start3A_354 = tpu.memref_slice %arg3[%dma_start3A_352, %dma_start3A_353] : memref<131072x384xf32, #tpu.memory_space<hbm>> -> memref<131072x384xf32, #tpu.memory_space<hbm>>
    tpu.enqueue_indirect_dma source(%dma_start3A_354 : memref<131072x384xf32, #tpu.memory_space<hbm>>) target(%arg15 : memref<32x384xf32, #tpu.memory_space<vmem>>) offsets(%dma_start3A_351 : memref<32xi32, #tpu.memory_space<vmem>>) semaphore(%arg23 : memref<!tpu.dma_semaphore, #tpu.memory_space<semaphore_mem>>)
    %dma_wait3A_355 = arith.constant 384 : i32
    %dma_wait3A_356 = tpu.memref_slice %arg12[%dma_wait3A_355] : memref<2048xi32, #tpu.memory_space<vmem>> -> memref<32xi32, #tpu.memory_space<vmem>>
    %dma_wait3A_357 = arith.constant 0 : i32
    %dma_wait3A_358 = arith.constant 0 : i32
    %dma_wait3A_359 = tpu.memref_slice %arg3[%dma_wait3A_357, %dma_wait3A_358] : memref<131072x384xf32, #tpu.memory_space<hbm>> -> memref<131072x384xf32, #tpu.memory_space<hbm>>
    tpu.wait_indirect_dma semaphore(%arg25 : memref<!tpu.dma_semaphore, #tpu.memory_space<semaphore_mem>>) src(%dma_wait3A_359 : memref<131072x384xf32, #tpu.memory_space<hbm>>) dst(%arg17 : memref<32x384xf32, #tpu.memory_space<vmem>>)
    %mul3A_360 = arith.constant 2048 : i32
    %mul3A_361 = arith.muli %add3A, %mul3A_360 : i32
    %add3A_362 = arith.constant 384 : i32
    %add3A_363 = arith.addi %mul3A_361, %add3A_362 : i32
    %dma_start3A_364 = arith.constant 0 : i32
    %dma_start3A_365 = tpu.memref_slice %arg4[%add3A_363, %dma_start3A_364] : memref<65536x384xf32, #tpu.memory_space<hbm>> -> memref<32x384xf32, #tpu.memory_space<hbm>>
    %dma_start3A_366 = arith.constant 0 : i32
    %dma_start3A_367 = tpu.memref_slice %arg4[%add3A_363, %dma_start3A_366] : memref<65536x384xf32, #tpu.memory_space<hbm>> -> memref<32x384xf32, #tpu.memory_space<hbm>>
    tpu.enqueue_dma source(%arg17 : memref<32x384xf32, #tpu.memory_space<vmem>>) target(%dma_start3A_367 : memref<32x384xf32, #tpu.memory_space<hbm>>) target_semaphore(%arg33 : memref<!tpu.dma_semaphore, #tpu.memory_space<semaphore_mem>>)
    %dma_wait3A_368 = arith.constant 0 : i32
    %dma_wait3A_369 = tpu.memref_slice %arg4[%add3A_341, %dma_wait3A_368] : memref<65536x384xf32, #tpu.memory_space<hbm>> -> memref<32x384xf32, #tpu.memory_space<hbm>>
    %dma_wait3A_370 = arith.constant 0 : i32
    %dma_wait3A_371 = tpu.memref_slice %arg4[%add3A_341, %dma_wait3A_370] : memref<65536x384xf32, #tpu.memory_space<hbm>> -> memref<32x384xf32, #tpu.memory_space<hbm>>
    tpu.wait_dma2 semaphore(%arg32 : memref<!tpu.dma_semaphore, #tpu.memory_space<semaphore_mem>>) src(%arg16 : memref<32x384xf32, #tpu.memory_space<vmem>>) dst(%dma_wait3A_371 : memref<32x384xf32, #tpu.memory_space<hbm>>)
    %dma_start3A_372 = arith.constant 608 : i32
    %dma_start3A_373 = tpu.memref_slice %arg12[%dma_start3A_372] : memref<2048xi32, #tpu.memory_space<vmem>> -> memref<32xi32, #tpu.memory_space<vmem>>
    %dma_start3A_374 = arith.constant 0 : i32
    %dma_start3A_375 = arith.constant 0 : i32
    %dma_start3A_376 = tpu.memref_slice %arg3[%dma_start3A_374, %dma_start3A_375] : memref<131072x384xf32, #tpu.memory_space<hbm>> -> memref<131072x384xf32, #tpu.memory_space<hbm>>
    tpu.enqueue_indirect_dma source(%dma_start3A_376 : memref<131072x384xf32, #tpu.memory_space<hbm>>) target(%arg16 : memref<32x384xf32, #tpu.memory_space<vmem>>) offsets(%dma_start3A_373 : memref<32xi32, #tpu.memory_space<vmem>>) semaphore(%arg24 : memref<!tpu.dma_semaphore, #tpu.memory_space<semaphore_mem>>)
    %dma_wait3A_377 = arith.constant 416 : i32
    %dma_wait3A_378 = tpu.memref_slice %arg12[%dma_wait3A_377] : memref<2048xi32, #tpu.memory_space<vmem>> -> memref<32xi32, #tpu.memory_space<vmem>>
    %dma_wait3A_379 = arith.constant 0 : i32
    %dma_wait3A_380 = arith.constant 0 : i32
    %dma_wait3A_381 = tpu.memref_slice %arg3[%dma_wait3A_379, %dma_wait3A_380] : memref<131072x384xf32, #tpu.memory_space<hbm>> -> memref<131072x384xf32, #tpu.memory_space<hbm>>
    tpu.wait_indirect_dma semaphore(%arg26 : memref<!tpu.dma_semaphore, #tpu.memory_space<semaphore_mem>>) src(%dma_wait3A_381 : memref<131072x384xf32, #tpu.memory_space<hbm>>) dst(%arg18 : memref<32x384xf32, #tpu.memory_space<vmem>>)
    %mul3A_382 = arith.constant 2048 : i32
    %mul3A_383 = arith.muli %add3A, %mul3A_382 : i32
    %add3A_384 = arith.constant 416 : i32
    %add3A_385 = arith.addi %mul3A_383, %add3A_384 : i32
    %dma_start3A_386 = arith.constant 0 : i32
    %dma_start3A_387 = tpu.memref_slice %arg4[%add3A_385, %dma_start3A_386] : memref<65536x384xf32, #tpu.memory_space<hbm>> -> memref<32x384xf32, #tpu.memory_space<hbm>>
    %dma_start3A_388 = arith.constant 0 : i32
    %dma_start3A_389 = tpu.memref_slice %arg4[%add3A_385, %dma_start3A_388] : memref<65536x384xf32, #tpu.memory_space<hbm>> -> memref<32x384xf32, #tpu.memory_space<hbm>>
    tpu.enqueue_dma source(%arg18 : memref<32x384xf32, #tpu.memory_space<vmem>>) target(%dma_start3A_389 : memref<32x384xf32, #tpu.memory_space<hbm>>) target_semaphore(%arg34 : memref<!tpu.dma_semaphore, #tpu.memory_space<semaphore_mem>>)
    %dma_wait3A_390 = arith.constant 0 : i32
    %dma_wait3A_391 = tpu.memref_slice %arg4[%add3A_363, %dma_wait3A_390] : memref<65536x384xf32, #tpu.memory_space<hbm>> -> memref<32x384xf32, #tpu.memory_space<hbm>>
    %dma_wait3A_392 = arith.constant 0 : i32
    %dma_wait3A_393 = tpu.memref_slice %arg4[%add3A_363, %dma_wait3A_392] : memref<65536x384xf32, #tpu.memory_space<hbm>> -> memref<32x384xf32, #tpu.memory_space<hbm>>
    tpu.wait_dma2 semaphore(%arg33 : memref<!tpu.dma_semaphore, #tpu.memory_space<semaphore_mem>>) src(%arg17 : memref<32x384xf32, #tpu.memory_space<vmem>>) dst(%dma_wait3A_393 : memref<32x384xf32, #tpu.memory_space<hbm>>)
    %dma_start3A_394 = arith.constant 640 : i32
    %dma_start3A_395 = tpu.memref_slice %arg12[%dma_start3A_394] : memref<2048xi32, #tpu.memory_space<vmem>> -> memref<32xi32, #tpu.memory_space<vmem>>
    %dma_start3A_396 = arith.constant 0 : i32
    %dma_start3A_397 = arith.constant 0 : i32
    %dma_start3A_398 = tpu.memref_slice %arg3[%dma_start3A_396, %dma_start3A_397] : memref<131072x384xf32, #tpu.memory_space<hbm>> -> memref<131072x384xf32, #tpu.memory_space<hbm>>
    tpu.enqueue_indirect_dma source(%dma_start3A_398 : memref<131072x384xf32, #tpu.memory_space<hbm>>) target(%arg17 : memref<32x384xf32, #tpu.memory_space<vmem>>) offsets(%dma_start3A_395 : memref<32xi32, #tpu.memory_space<vmem>>) semaphore(%arg25 : memref<!tpu.dma_semaphore, #tpu.memory_space<semaphore_mem>>)
    %dma_wait3A_399 = arith.constant 448 : i32
    %dma_wait3A_400 = tpu.memref_slice %arg12[%dma_wait3A_399] : memref<2048xi32, #tpu.memory_space<vmem>> -> memref<32xi32, #tpu.memory_space<vmem>>
    %dma_wait3A_401 = arith.constant 0 : i32
    %dma_wait3A_402 = arith.constant 0 : i32
    %dma_wait3A_403 = tpu.memref_slice %arg3[%dma_wait3A_401, %dma_wait3A_402] : memref<131072x384xf32, #tpu.memory_space<hbm>> -> memref<131072x384xf32, #tpu.memory_space<hbm>>
    tpu.wait_indirect_dma semaphore(%arg27 : memref<!tpu.dma_semaphore, #tpu.memory_space<semaphore_mem>>) src(%dma_wait3A_403 : memref<131072x384xf32, #tpu.memory_space<hbm>>) dst(%arg19 : memref<32x384xf32, #tpu.memory_space<vmem>>)
    %mul3A_404 = arith.constant 2048 : i32
    %mul3A_405 = arith.muli %add3A, %mul3A_404 : i32
    %add3A_406 = arith.constant 448 : i32
    %add3A_407 = arith.addi %mul3A_405, %add3A_406 : i32
    %dma_start3A_408 = arith.constant 0 : i32
    %dma_start3A_409 = tpu.memref_slice %arg4[%add3A_407, %dma_start3A_408] : memref<65536x384xf32, #tpu.memory_space<hbm>> -> memref<32x384xf32, #tpu.memory_space<hbm>>
    %dma_start3A_410 = arith.constant 0 : i32
    %dma_start3A_411 = tpu.memref_slice %arg4[%add3A_407, %dma_start3A_410] : memref<65536x384xf32, #tpu.memory_space<hbm>> -> memref<32x384xf32, #tpu.memory_space<hbm>>
    tpu.enqueue_dma source(%arg19 : memref<32x384xf32, #tpu.memory_space<vmem>>) target(%dma_start3A_411 : memref<32x384xf32, #tpu.memory_space<hbm>>) target_semaphore(%arg35 : memref<!tpu.dma_semaphore, #tpu.memory_space<semaphore_mem>>)
    %dma_wait3A_412 = arith.constant 0 : i32
    %dma_wait3A_413 = tpu.memref_slice %arg4[%add3A_385, %dma_wait3A_412] : memref<65536x384xf32, #tpu.memory_space<hbm>> -> memref<32x384xf32, #tpu.memory_space<hbm>>
    %dma_wait3A_414 = arith.constant 0 : i32
    %dma_wait3A_415 = tpu.memref_slice %arg4[%add3A_385, %dma_wait3A_414] : memref<65536x384xf32, #tpu.memory_space<hbm>> -> memref<32x384xf32, #tpu.memory_space<hbm>>
    tpu.wait_dma2 semaphore(%arg34 : memref<!tpu.dma_semaphore, #tpu.memory_space<semaphore_mem>>) src(%arg18 : memref<32x384xf32, #tpu.memory_space<vmem>>) dst(%dma_wait3A_415 : memref<32x384xf32, #tpu.memory_space<hbm>>)
    %dma_start3A_416 = arith.constant 672 : i32
    %dma_start3A_417 = tpu.memref_slice %arg12[%dma_start3A_416] : memref<2048xi32, #tpu.memory_space<vmem>> -> memref<32xi32, #tpu.memory_space<vmem>>
    %dma_start3A_418 = arith.constant 0 : i32
    %dma_start3A_419 = arith.constant 0 : i32
    %dma_start3A_420 = tpu.memref_slice %arg3[%dma_start3A_418, %dma_start3A_419] : memref<131072x384xf32, #tpu.memory_space<hbm>> -> memref<131072x384xf32, #tpu.memory_space<hbm>>
    tpu.enqueue_indirect_dma source(%dma_start3A_420 : memref<131072x384xf32, #tpu.memory_space<hbm>>) target(%arg18 : memref<32x384xf32, #tpu.memory_space<vmem>>) offsets(%dma_start3A_417 : memref<32xi32, #tpu.memory_space<vmem>>) semaphore(%arg26 : memref<!tpu.dma_semaphore, #tpu.memory_space<semaphore_mem>>)
    %dma_wait3A_421 = arith.constant 480 : i32
    %dma_wait3A_422 = tpu.memref_slice %arg12[%dma_wait3A_421] : memref<2048xi32, #tpu.memory_space<vmem>> -> memref<32xi32, #tpu.memory_space<vmem>>
    %dma_wait3A_423 = arith.constant 0 : i32
    %dma_wait3A_424 = arith.constant 0 : i32
    %dma_wait3A_425 = tpu.memref_slice %arg3[%dma_wait3A_423, %dma_wait3A_424] : memref<131072x384xf32, #tpu.memory_space<hbm>> -> memref<131072x384xf32, #tpu.memory_space<hbm>>
    tpu.wait_indirect_dma semaphore(%arg28 : memref<!tpu.dma_semaphore, #tpu.memory_space<semaphore_mem>>) src(%dma_wait3A_425 : memref<131072x384xf32, #tpu.memory_space<hbm>>) dst(%arg20 : memref<32x384xf32, #tpu.memory_space<vmem>>)
    %mul3A_426 = arith.constant 2048 : i32
    %mul3A_427 = arith.muli %add3A, %mul3A_426 : i32
    %add3A_428 = arith.constant 480 : i32
    %add3A_429 = arith.addi %mul3A_427, %add3A_428 : i32
    %dma_start3A_430 = arith.constant 0 : i32
    %dma_start3A_431 = tpu.memref_slice %arg4[%add3A_429, %dma_start3A_430] : memref<65536x384xf32, #tpu.memory_space<hbm>> -> memref<32x384xf32, #tpu.memory_space<hbm>>
    %dma_start3A_432 = arith.constant 0 : i32
    %dma_start3A_433 = tpu.memref_slice %arg4[%add3A_429, %dma_start3A_432] : memref<65536x384xf32, #tpu.memory_space<hbm>> -> memref<32x384xf32, #tpu.memory_space<hbm>>
    tpu.enqueue_dma source(%arg20 : memref<32x384xf32, #tpu.memory_space<vmem>>) target(%dma_start3A_433 : memref<32x384xf32, #tpu.memory_space<hbm>>) target_semaphore(%arg36 : memref<!tpu.dma_semaphore, #tpu.memory_space<semaphore_mem>>)
    %dma_wait3A_434 = arith.constant 0 : i32
    %dma_wait3A_435 = tpu.memref_slice %arg4[%add3A_407, %dma_wait3A_434] : memref<65536x384xf32, #tpu.memory_space<hbm>> -> memref<32x384xf32, #tpu.memory_space<hbm>>
    %dma_wait3A_436 = arith.constant 0 : i32
    %dma_wait3A_437 = tpu.memref_slice %arg4[%add3A_407, %dma_wait3A_436] : memref<65536x384xf32, #tpu.memory_space<hbm>> -> memref<32x384xf32, #tpu.memory_space<hbm>>
    tpu.wait_dma2 semaphore(%arg35 : memref<!tpu.dma_semaphore, #tpu.memory_space<semaphore_mem>>) src(%arg19 : memref<32x384xf32, #tpu.memory_space<vmem>>) dst(%dma_wait3A_437 : memref<32x384xf32, #tpu.memory_space<hbm>>)
    %dma_start3A_438 = arith.constant 704 : i32
    %dma_start3A_439 = tpu.memref_slice %arg12[%dma_start3A_438] : memref<2048xi32, #tpu.memory_space<vmem>> -> memref<32xi32, #tpu.memory_space<vmem>>
    %dma_start3A_440 = arith.constant 0 : i32
    %dma_start3A_441 = arith.constant 0 : i32
    %dma_start3A_442 = tpu.memref_slice %arg3[%dma_start3A_440, %dma_start3A_441] : memref<131072x384xf32, #tpu.memory_space<hbm>> -> memref<131072x384xf32, #tpu.memory_space<hbm>>
    tpu.enqueue_indirect_dma source(%dma_start3A_442 : memref<131072x384xf32, #tpu.memory_space<hbm>>) target(%arg19 : memref<32x384xf32, #tpu.memory_space<vmem>>) offsets(%dma_start3A_439 : memref<32xi32, #tpu.memory_space<vmem>>) semaphore(%arg27 : memref<!tpu.dma_semaphore, #tpu.memory_space<semaphore_mem>>)
    %dma_wait3A_443 = arith.constant 512 : i32
    %dma_wait3A_444 = tpu.memref_slice %arg12[%dma_wait3A_443] : memref<2048xi32, #tpu.memory_space<vmem>> -> memref<32xi32, #tpu.memory_space<vmem>>
    %dma_wait3A_445 = arith.constant 0 : i32
    %dma_wait3A_446 = arith.constant 0 : i32
    %dma_wait3A_447 = tpu.memref_slice %arg3[%dma_wait3A_445, %dma_wait3A_446] : memref<131072x384xf32, #tpu.memory_space<hbm>> -> memref<131072x384xf32, #tpu.memory_space<hbm>>
    tpu.wait_indirect_dma semaphore(%arg21 : memref<!tpu.dma_semaphore, #tpu.memory_space<semaphore_mem>>) src(%dma_wait3A_447 : memref<131072x384xf32, #tpu.memory_space<hbm>>) dst(%arg13 : memref<32x384xf32, #tpu.memory_space<vmem>>)
    %mul3A_448 = arith.constant 2048 : i32
    %mul3A_449 = arith.muli %add3A, %mul3A_448 : i32
    %add3A_450 = arith.constant 512 : i32
    %add3A_451 = arith.addi %mul3A_449, %add3A_450 : i32
    %dma_start3A_452 = arith.constant 0 : i32
    %dma_start3A_453 = tpu.memref_slice %arg4[%add3A_451, %dma_start3A_452] : memref<65536x384xf32, #tpu.memory_space<hbm>> -> memref<32x384xf32, #tpu.memory_space<hbm>>
    %dma_start3A_454 = arith.constant 0 : i32
    %dma_start3A_455 = tpu.memref_slice %arg4[%add3A_451, %dma_start3A_454] : memref<65536x384xf32, #tpu.memory_space<hbm>> -> memref<32x384xf32, #tpu.memory_space<hbm>>
    tpu.enqueue_dma source(%arg13 : memref<32x384xf32, #tpu.memory_space<vmem>>) target(%dma_start3A_455 : memref<32x384xf32, #tpu.memory_space<hbm>>) target_semaphore(%arg29 : memref<!tpu.dma_semaphore, #tpu.memory_space<semaphore_mem>>)
    %dma_wait3A_456 = arith.constant 0 : i32
    %dma_wait3A_457 = tpu.memref_slice %arg4[%add3A_429, %dma_wait3A_456] : memref<65536x384xf32, #tpu.memory_space<hbm>> -> memref<32x384xf32, #tpu.memory_space<hbm>>
    %dma_wait3A_458 = arith.constant 0 : i32
    %dma_wait3A_459 = tpu.memref_slice %arg4[%add3A_429, %dma_wait3A_458] : memref<65536x384xf32, #tpu.memory_space<hbm>> -> memref<32x384xf32, #tpu.memory_space<hbm>>
    tpu.wait_dma2 semaphore(%arg36 : memref<!tpu.dma_semaphore, #tpu.memory_space<semaphore_mem>>) src(%arg20 : memref<32x384xf32, #tpu.memory_space<vmem>>) dst(%dma_wait3A_459 : memref<32x384xf32, #tpu.memory_space<hbm>>)
    %dma_start3A_460 = arith.constant 736 : i32
    %dma_start3A_461 = tpu.memref_slice %arg12[%dma_start3A_460] : memref<2048xi32, #tpu.memory_space<vmem>> -> memref<32xi32, #tpu.memory_space<vmem>>
    %dma_start3A_462 = arith.constant 0 : i32
    %dma_start3A_463 = arith.constant 0 : i32
    %dma_start3A_464 = tpu.memref_slice %arg3[%dma_start3A_462, %dma_start3A_463] : memref<131072x384xf32, #tpu.memory_space<hbm>> -> memref<131072x384xf32, #tpu.memory_space<hbm>>
    tpu.enqueue_indirect_dma source(%dma_start3A_464 : memref<131072x384xf32, #tpu.memory_space<hbm>>) target(%arg20 : memref<32x384xf32, #tpu.memory_space<vmem>>) offsets(%dma_start3A_461 : memref<32xi32, #tpu.memory_space<vmem>>) semaphore(%arg28 : memref<!tpu.dma_semaphore, #tpu.memory_space<semaphore_mem>>)
    %dma_wait3A_465 = arith.constant 544 : i32
    %dma_wait3A_466 = tpu.memref_slice %arg12[%dma_wait3A_465] : memref<2048xi32, #tpu.memory_space<vmem>> -> memref<32xi32, #tpu.memory_space<vmem>>
    %dma_wait3A_467 = arith.constant 0 : i32
    %dma_wait3A_468 = arith.constant 0 : i32
    %dma_wait3A_469 = tpu.memref_slice %arg3[%dma_wait3A_467, %dma_wait3A_468] : memref<131072x384xf32, #tpu.memory_space<hbm>> -> memref<131072x384xf32, #tpu.memory_space<hbm>>
    tpu.wait_indirect_dma semaphore(%arg22 : memref<!tpu.dma_semaphore, #tpu.memory_space<semaphore_mem>>) src(%dma_wait3A_469 : memref<131072x384xf32, #tpu.memory_space<hbm>>) dst(%arg14 : memref<32x384xf32, #tpu.memory_space<vmem>>)
    %mul3A_470 = arith.constant 2048 : i32
    %mul3A_471 = arith.muli %add3A, %mul3A_470 : i32
    %add3A_472 = arith.constant 544 : i32
    %add3A_473 = arith.addi %mul3A_471, %add3A_472 : i32
    %dma_start3A_474 = arith.constant 0 : i32
    %dma_start3A_475 = tpu.memref_slice %arg4[%add3A_473, %dma_start3A_474] : memref<65536x384xf32, #tpu.memory_space<hbm>> -> memref<32x384xf32, #tpu.memory_space<hbm>>
    %dma_start3A_476 = arith.constant 0 : i32
    %dma_start3A_477 = tpu.memref_slice %arg4[%add3A_473, %dma_start3A_476] : memref<65536x384xf32, #tpu.memory_space<hbm>> -> memref<32x384xf32, #tpu.memory_space<hbm>>
    tpu.enqueue_dma source(%arg14 : memref<32x384xf32, #tpu.memory_space<vmem>>) target(%dma_start3A_477 : memref<32x384xf32, #tpu.memory_space<hbm>>) target_semaphore(%arg30 : memref<!tpu.dma_semaphore, #tpu.memory_space<semaphore_mem>>)
    %dma_wait3A_478 = arith.constant 0 : i32
    %dma_wait3A_479 = tpu.memref_slice %arg4[%add3A_451, %dma_wait3A_478] : memref<65536x384xf32, #tpu.memory_space<hbm>> -> memref<32x384xf32, #tpu.memory_space<hbm>>
    %dma_wait3A_480 = arith.constant 0 : i32
    %dma_wait3A_481 = tpu.memref_slice %arg4[%add3A_451, %dma_wait3A_480] : memref<65536x384xf32, #tpu.memory_space<hbm>> -> memref<32x384xf32, #tpu.memory_space<hbm>>
    tpu.wait_dma2 semaphore(%arg29 : memref<!tpu.dma_semaphore, #tpu.memory_space<semaphore_mem>>) src(%arg13 : memref<32x384xf32, #tpu.memory_space<vmem>>) dst(%dma_wait3A_481 : memref<32x384xf32, #tpu.memory_space<hbm>>)
    %dma_start3A_482 = arith.constant 768 : i32
    %dma_start3A_483 = tpu.memref_slice %arg12[%dma_start3A_482] : memref<2048xi32, #tpu.memory_space<vmem>> -> memref<32xi32, #tpu.memory_space<vmem>>
    %dma_start3A_484 = arith.constant 0 : i32
    %dma_start3A_485 = arith.constant 0 : i32
    %dma_start3A_486 = tpu.memref_slice %arg3[%dma_start3A_484, %dma_start3A_485] : memref<131072x384xf32, #tpu.memory_space<hbm>> -> memref<131072x384xf32, #tpu.memory_space<hbm>>
    tpu.enqueue_indirect_dma source(%dma_start3A_486 : memref<131072x384xf32, #tpu.memory_space<hbm>>) target(%arg13 : memref<32x384xf32, #tpu.memory_space<vmem>>) offsets(%dma_start3A_483 : memref<32xi32, #tpu.memory_space<vmem>>) semaphore(%arg21 : memref<!tpu.dma_semaphore, #tpu.memory_space<semaphore_mem>>)
    %dma_wait3A_487 = arith.constant 576 : i32
    %dma_wait3A_488 = tpu.memref_slice %arg12[%dma_wait3A_487] : memref<2048xi32, #tpu.memory_space<vmem>> -> memref<32xi32, #tpu.memory_space<vmem>>
    %dma_wait3A_489 = arith.constant 0 : i32
    %dma_wait3A_490 = arith.constant 0 : i32
    %dma_wait3A_491 = tpu.memref_slice %arg3[%dma_wait3A_489, %dma_wait3A_490] : memref<131072x384xf32, #tpu.memory_space<hbm>> -> memref<131072x384xf32, #tpu.memory_space<hbm>>
    tpu.wait_indirect_dma semaphore(%arg23 : memref<!tpu.dma_semaphore, #tpu.memory_space<semaphore_mem>>) src(%dma_wait3A_491 : memref<131072x384xf32, #tpu.memory_space<hbm>>) dst(%arg15 : memref<32x384xf32, #tpu.memory_space<vmem>>)
    %mul3A_492 = arith.constant 2048 : i32
    %mul3A_493 = arith.muli %add3A, %mul3A_492 : i32
    %add3A_494 = arith.constant 576 : i32
    %add3A_495 = arith.addi %mul3A_493, %add3A_494 : i32
    %dma_start3A_496 = arith.constant 0 : i32
    %dma_start3A_497 = tpu.memref_slice %arg4[%add3A_495, %dma_start3A_496] : memref<65536x384xf32, #tpu.memory_space<hbm>> -> memref<32x384xf32, #tpu.memory_space<hbm>>
    %dma_start3A_498 = arith.constant 0 : i32
    %dma_start3A_499 = tpu.memref_slice %arg4[%add3A_495, %dma_start3A_498] : memref<65536x384xf32, #tpu.memory_space<hbm>> -> memref<32x384xf32, #tpu.memory_space<hbm>>
    tpu.enqueue_dma source(%arg15 : memref<32x384xf32, #tpu.memory_space<vmem>>) target(%dma_start3A_499 : memref<32x384xf32, #tpu.memory_space<hbm>>) target_semaphore(%arg31 : memref<!tpu.dma_semaphore, #tpu.memory_space<semaphore_mem>>)
    %dma_wait3A_500 = arith.constant 0 : i32
    %dma_wait3A_501 = tpu.memref_slice %arg4[%add3A_473, %dma_wait3A_500] : memref<65536x384xf32, #tpu.memory_space<hbm>> -> memref<32x384xf32, #tpu.memory_space<hbm>>
    %dma_wait3A_502 = arith.constant 0 : i32
    %dma_wait3A_503 = tpu.memref_slice %arg4[%add3A_473, %dma_wait3A_502] : memref<65536x384xf32, #tpu.memory_space<hbm>> -> memref<32x384xf32, #tpu.memory_space<hbm>>
    tpu.wait_dma2 semaphore(%arg30 : memref<!tpu.dma_semaphore, #tpu.memory_space<semaphore_mem>>) src(%arg14 : memref<32x384xf32, #tpu.memory_space<vmem>>) dst(%dma_wait3A_503 : memref<32x384xf32, #tpu.memory_space<hbm>>)
    %dma_start3A_504 = arith.constant 800 : i32
    %dma_start3A_505 = tpu.memref_slice %arg12[%dma_start3A_504] : memref<2048xi32, #tpu.memory_space<vmem>> -> memref<32xi32, #tpu.memory_space<vmem>>
    %dma_start3A_506 = arith.constant 0 : i32
    %dma_start3A_507 = arith.constant 0 : i32
    %dma_start3A_508 = tpu.memref_slice %arg3[%dma_start3A_506, %dma_start3A_507] : memref<131072x384xf32, #tpu.memory_space<hbm>> -> memref<131072x384xf32, #tpu.memory_space<hbm>>
    tpu.enqueue_indirect_dma source(%dma_start3A_508 : memref<131072x384xf32, #tpu.memory_space<hbm>>) target(%arg14 : memref<32x384xf32, #tpu.memory_space<vmem>>) offsets(%dma_start3A_505 : memref<32xi32, #tpu.memory_space<vmem>>) semaphore(%arg22 : memref<!tpu.dma_semaphore, #tpu.memory_space<semaphore_mem>>)
    %dma_wait3A_509 = arith.constant 608 : i32
    %dma_wait3A_510 = tpu.memref_slice %arg12[%dma_wait3A_509] : memref<2048xi32, #tpu.memory_space<vmem>> -> memref<32xi32, #tpu.memory_space<vmem>>
    %dma_wait3A_511 = arith.constant 0 : i32
    %dma_wait3A_512 = arith.constant 0 : i32
    %dma_wait3A_513 = tpu.memref_slice %arg3[%dma_wait3A_511, %dma_wait3A_512] : memref<131072x384xf32, #tpu.memory_space<hbm>> -> memref<131072x384xf32, #tpu.memory_space<hbm>>
    tpu.wait_indirect_dma semaphore(%arg24 : memref<!tpu.dma_semaphore, #tpu.memory_space<semaphore_mem>>) src(%dma_wait3A_513 : memref<131072x384xf32, #tpu.memory_space<hbm>>) dst(%arg16 : memref<32x384xf32, #tpu.memory_space<vmem>>)
    %mul3A_514 = arith.constant 2048 : i32
    %mul3A_515 = arith.muli %add3A, %mul3A_514 : i32
    %add3A_516 = arith.constant 608 : i32
    %add3A_517 = arith.addi %mul3A_515, %add3A_516 : i32
    %dma_start3A_518 = arith.constant 0 : i32
    %dma_start3A_519 = tpu.memref_slice %arg4[%add3A_517, %dma_start3A_518] : memref<65536x384xf32, #tpu.memory_space<hbm>> -> memref<32x384xf32, #tpu.memory_space<hbm>>
    %dma_start3A_520 = arith.constant 0 : i32
    %dma_start3A_521 = tpu.memref_slice %arg4[%add3A_517, %dma_start3A_520] : memref<65536x384xf32, #tpu.memory_space<hbm>> -> memref<32x384xf32, #tpu.memory_space<hbm>>
    tpu.enqueue_dma source(%arg16 : memref<32x384xf32, #tpu.memory_space<vmem>>) target(%dma_start3A_521 : memref<32x384xf32, #tpu.memory_space<hbm>>) target_semaphore(%arg32 : memref<!tpu.dma_semaphore, #tpu.memory_space<semaphore_mem>>)
    %dma_wait3A_522 = arith.constant 0 : i32
    %dma_wait3A_523 = tpu.memref_slice %arg4[%add3A_495, %dma_wait3A_522] : memref<65536x384xf32, #tpu.memory_space<hbm>> -> memref<32x384xf32, #tpu.memory_space<hbm>>
    %dma_wait3A_524 = arith.constant 0 : i32
    %dma_wait3A_525 = tpu.memref_slice %arg4[%add3A_495, %dma_wait3A_524] : memref<65536x384xf32, #tpu.memory_space<hbm>> -> memref<32x384xf32, #tpu.memory_space<hbm>>
    tpu.wait_dma2 semaphore(%arg31 : memref<!tpu.dma_semaphore, #tpu.memory_space<semaphore_mem>>) src(%arg15 : memref<32x384xf32, #tpu.memory_space<vmem>>) dst(%dma_wait3A_525 : memref<32x384xf32, #tpu.memory_space<hbm>>)
    %dma_start3A_526 = arith.constant 832 : i32
    %dma_start3A_527 = tpu.memref_slice %arg12[%dma_start3A_526] : memref<2048xi32, #tpu.memory_space<vmem>> -> memref<32xi32, #tpu.memory_space<vmem>>
    %dma_start3A_528 = arith.constant 0 : i32
    %dma_start3A_529 = arith.constant 0 : i32
    %dma_start3A_530 = tpu.memref_slice %arg3[%dma_start3A_528, %dma_start3A_529] : memref<131072x384xf32, #tpu.memory_space<hbm>> -> memref<131072x384xf32, #tpu.memory_space<hbm>>
    tpu.enqueue_indirect_dma source(%dma_start3A_530 : memref<131072x384xf32, #tpu.memory_space<hbm>>) target(%arg15 : memref<32x384xf32, #tpu.memory_space<vmem>>) offsets(%dma_start3A_527 : memref<32xi32, #tpu.memory_space<vmem>>) semaphore(%arg23 : memref<!tpu.dma_semaphore, #tpu.memory_space<semaphore_mem>>)
    %dma_wait3A_531 = arith.constant 640 : i32
    %dma_wait3A_532 = tpu.memref_slice %arg12[%dma_wait3A_531] : memref<2048xi32, #tpu.memory_space<vmem>> -> memref<32xi32, #tpu.memory_space<vmem>>
    %dma_wait3A_533 = arith.constant 0 : i32
    %dma_wait3A_534 = arith.constant 0 : i32
    %dma_wait3A_535 = tpu.memref_slice %arg3[%dma_wait3A_533, %dma_wait3A_534] : memref<131072x384xf32, #tpu.memory_space<hbm>> -> memref<131072x384xf32, #tpu.memory_space<hbm>>
    tpu.wait_indirect_dma semaphore(%arg25 : memref<!tpu.dma_semaphore, #tpu.memory_space<semaphore_mem>>) src(%dma_wait3A_535 : memref<131072x384xf32, #tpu.memory_space<hbm>>) dst(%arg17 : memref<32x384xf32, #tpu.memory_space<vmem>>)
    %mul3A_536 = arith.constant 2048 : i32
    %mul3A_537 = arith.muli %add3A, %mul3A_536 : i32
    %add3A_538 = arith.constant 640 : i32
    %add3A_539 = arith.addi %mul3A_537, %add3A_538 : i32
    %dma_start3A_540 = arith.constant 0 : i32
    %dma_start3A_541 = tpu.memref_slice %arg4[%add3A_539, %dma_start3A_540] : memref<65536x384xf32, #tpu.memory_space<hbm>> -> memref<32x384xf32, #tpu.memory_space<hbm>>
    %dma_start3A_542 = arith.constant 0 : i32
    %dma_start3A_543 = tpu.memref_slice %arg4[%add3A_539, %dma_start3A_542] : memref<65536x384xf32, #tpu.memory_space<hbm>> -> memref<32x384xf32, #tpu.memory_space<hbm>>
    tpu.enqueue_dma source(%arg17 : memref<32x384xf32, #tpu.memory_space<vmem>>) target(%dma_start3A_543 : memref<32x384xf32, #tpu.memory_space<hbm>>) target_semaphore(%arg33 : memref<!tpu.dma_semaphore, #tpu.memory_space<semaphore_mem>>)
    %dma_wait3A_544 = arith.constant 0 : i32
    %dma_wait3A_545 = tpu.memref_slice %arg4[%add3A_517, %dma_wait3A_544] : memref<65536x384xf32, #tpu.memory_space<hbm>> -> memref<32x384xf32, #tpu.memory_space<hbm>>
    %dma_wait3A_546 = arith.constant 0 : i32
    %dma_wait3A_547 = tpu.memref_slice %arg4[%add3A_517, %dma_wait3A_546] : memref<65536x384xf32, #tpu.memory_space<hbm>> -> memref<32x384xf32, #tpu.memory_space<hbm>>
    tpu.wait_dma2 semaphore(%arg32 : memref<!tpu.dma_semaphore, #tpu.memory_space<semaphore_mem>>) src(%arg16 : memref<32x384xf32, #tpu.memory_space<vmem>>) dst(%dma_wait3A_547 : memref<32x384xf32, #tpu.memory_space<hbm>>)
    %dma_start3A_548 = arith.constant 864 : i32
    %dma_start3A_549 = tpu.memref_slice %arg12[%dma_start3A_548] : memref<2048xi32, #tpu.memory_space<vmem>> -> memref<32xi32, #tpu.memory_space<vmem>>
    %dma_start3A_550 = arith.constant 0 : i32
    %dma_start3A_551 = arith.constant 0 : i32
    %dma_start3A_552 = tpu.memref_slice %arg3[%dma_start3A_550, %dma_start3A_551] : memref<131072x384xf32, #tpu.memory_space<hbm>> -> memref<131072x384xf32, #tpu.memory_space<hbm>>
    tpu.enqueue_indirect_dma source(%dma_start3A_552 : memref<131072x384xf32, #tpu.memory_space<hbm>>) target(%arg16 : memref<32x384xf32, #tpu.memory_space<vmem>>) offsets(%dma_start3A_549 : memref<32xi32, #tpu.memory_space<vmem>>) semaphore(%arg24 : memref<!tpu.dma_semaphore, #tpu.memory_space<semaphore_mem>>)
    %dma_wait3A_553 = arith.constant 672 : i32
    %dma_wait3A_554 = tpu.memref_slice %arg12[%dma_wait3A_553] : memref<2048xi32, #tpu.memory_space<vmem>> -> memref<32xi32, #tpu.memory_space<vmem>>
    %dma_wait3A_555 = arith.constant 0 : i32
    %dma_wait3A_556 = arith.constant 0 : i32
    %dma_wait3A_557 = tpu.memref_slice %arg3[%dma_wait3A_555, %dma_wait3A_556] : memref<131072x384xf32, #tpu.memory_space<hbm>> -> memref<131072x384xf32, #tpu.memory_space<hbm>>
    tpu.wait_indirect_dma semaphore(%arg26 : memref<!tpu.dma_semaphore, #tpu.memory_space<semaphore_mem>>) src(%dma_wait3A_557 : memref<131072x384xf32, #tpu.memory_space<hbm>>) dst(%arg18 : memref<32x384xf32, #tpu.memory_space<vmem>>)
    %mul3A_558 = arith.constant 2048 : i32
    %mul3A_559 = arith.muli %add3A, %mul3A_558 : i32
    %add3A_560 = arith.constant 672 : i32
    %add3A_561 = arith.addi %mul3A_559, %add3A_560 : i32
    %dma_start3A_562 = arith.constant 0 : i32
    %dma_start3A_563 = tpu.memref_slice %arg4[%add3A_561, %dma_start3A_562] : memref<65536x384xf32, #tpu.memory_space<hbm>> -> memref<32x384xf32, #tpu.memory_space<hbm>>
    %dma_start3A_564 = arith.constant 0 : i32
    %dma_start3A_565 = tpu.memref_slice %arg4[%add3A_561, %dma_start3A_564] : memref<65536x384xf32, #tpu.memory_space<hbm>> -> memref<32x384xf32, #tpu.memory_space<hbm>>
    tpu.enqueue_dma source(%arg18 : memref<32x384xf32, #tpu.memory_space<vmem>>) target(%dma_start3A_565 : memref<32x384xf32, #tpu.memory_space<hbm>>) target_semaphore(%arg34 : memref<!tpu.dma_semaphore, #tpu.memory_space<semaphore_mem>>)
    %dma_wait3A_566 = arith.constant 0 : i32
    %dma_wait3A_567 = tpu.memref_slice %arg4[%add3A_539, %dma_wait3A_566] : memref<65536x384xf32, #tpu.memory_space<hbm>> -> memref<32x384xf32, #tpu.memory_space<hbm>>
    %dma_wait3A_568 = arith.constant 0 : i32
    %dma_wait3A_569 = tpu.memref_slice %arg4[%add3A_539, %dma_wait3A_568] : memref<65536x384xf32, #tpu.memory_space<hbm>> -> memref<32x384xf32, #tpu.memory_space<hbm>>
    tpu.wait_dma2 semaphore(%arg33 : memref<!tpu.dma_semaphore, #tpu.memory_space<semaphore_mem>>) src(%arg17 : memref<32x384xf32, #tpu.memory_space<vmem>>) dst(%dma_wait3A_569 : memref<32x384xf32, #tpu.memory_space<hbm>>)
    %dma_start3A_570 = arith.constant 896 : i32
    %dma_start3A_571 = tpu.memref_slice %arg12[%dma_start3A_570] : memref<2048xi32, #tpu.memory_space<vmem>> -> memref<32xi32, #tpu.memory_space<vmem>>
    %dma_start3A_572 = arith.constant 0 : i32
    %dma_start3A_573 = arith.constant 0 : i32
    %dma_start3A_574 = tpu.memref_slice %arg3[%dma_start3A_572, %dma_start3A_573] : memref<131072x384xf32, #tpu.memory_space<hbm>> -> memref<131072x384xf32, #tpu.memory_space<hbm>>
    tpu.enqueue_indirect_dma source(%dma_start3A_574 : memref<131072x384xf32, #tpu.memory_space<hbm>>) target(%arg17 : memref<32x384xf32, #tpu.memory_space<vmem>>) offsets(%dma_start3A_571 : memref<32xi32, #tpu.memory_space<vmem>>) semaphore(%arg25 : memref<!tpu.dma_semaphore, #tpu.memory_space<semaphore_mem>>)
    %dma_wait3A_575 = arith.constant 704 : i32
    %dma_wait3A_576 = tpu.memref_slice %arg12[%dma_wait3A_575] : memref<2048xi32, #tpu.memory_space<vmem>> -> memref<32xi32, #tpu.memory_space<vmem>>
    %dma_wait3A_577 = arith.constant 0 : i32
    %dma_wait3A_578 = arith.constant 0 : i32
    %dma_wait3A_579 = tpu.memref_slice %arg3[%dma_wait3A_577, %dma_wait3A_578] : memref<131072x384xf32, #tpu.memory_space<hbm>> -> memref<131072x384xf32, #tpu.memory_space<hbm>>
    tpu.wait_indirect_dma semaphore(%arg27 : memref<!tpu.dma_semaphore, #tpu.memory_space<semaphore_mem>>) src(%dma_wait3A_579 : memref<131072x384xf32, #tpu.memory_space<hbm>>) dst(%arg19 : memref<32x384xf32, #tpu.memory_space<vmem>>)
    %mul3A_580 = arith.constant 2048 : i32
    %mul3A_581 = arith.muli %add3A, %mul3A_580 : i32
    %add3A_582 = arith.constant 704 : i32
    %add3A_583 = arith.addi %mul3A_581, %add3A_582 : i32
    %dma_start3A_584 = arith.constant 0 : i32
    %dma_start3A_585 = tpu.memref_slice %arg4[%add3A_583, %dma_start3A_584] : memref<65536x384xf32, #tpu.memory_space<hbm>> -> memref<32x384xf32, #tpu.memory_space<hbm>>
    %dma_start3A_586 = arith.constant 0 : i32
    %dma_start3A_587 = tpu.memref_slice %arg4[%add3A_583, %dma_start3A_586] : memref<65536x384xf32, #tpu.memory_space<hbm>> -> memref<32x384xf32, #tpu.memory_space<hbm>>
    tpu.enqueue_dma source(%arg19 : memref<32x384xf32, #tpu.memory_space<vmem>>) target(%dma_start3A_587 : memref<32x384xf32, #tpu.memory_space<hbm>>) target_semaphore(%arg35 : memref<!tpu.dma_semaphore, #tpu.memory_space<semaphore_mem>>)
    %dma_wait3A_588 = arith.constant 0 : i32
    %dma_wait3A_589 = tpu.memref_slice %arg4[%add3A_561, %dma_wait3A_588] : memref<65536x384xf32, #tpu.memory_space<hbm>> -> memref<32x384xf32, #tpu.memory_space<hbm>>
    %dma_wait3A_590 = arith.constant 0 : i32
    %dma_wait3A_591 = tpu.memref_slice %arg4[%add3A_561, %dma_wait3A_590] : memref<65536x384xf32, #tpu.memory_space<hbm>> -> memref<32x384xf32, #tpu.memory_space<hbm>>
    tpu.wait_dma2 semaphore(%arg34 : memref<!tpu.dma_semaphore, #tpu.memory_space<semaphore_mem>>) src(%arg18 : memref<32x384xf32, #tpu.memory_space<vmem>>) dst(%dma_wait3A_591 : memref<32x384xf32, #tpu.memory_space<hbm>>)
    %dma_start3A_592 = arith.constant 928 : i32
    %dma_start3A_593 = tpu.memref_slice %arg12[%dma_start3A_592] : memref<2048xi32, #tpu.memory_space<vmem>> -> memref<32xi32, #tpu.memory_space<vmem>>
    %dma_start3A_594 = arith.constant 0 : i32
    %dma_start3A_595 = arith.constant 0 : i32
    %dma_start3A_596 = tpu.memref_slice %arg3[%dma_start3A_594, %dma_start3A_595] : memref<131072x384xf32, #tpu.memory_space<hbm>> -> memref<131072x384xf32, #tpu.memory_space<hbm>>
    tpu.enqueue_indirect_dma source(%dma_start3A_596 : memref<131072x384xf32, #tpu.memory_space<hbm>>) target(%arg18 : memref<32x384xf32, #tpu.memory_space<vmem>>) offsets(%dma_start3A_593 : memref<32xi32, #tpu.memory_space<vmem>>) semaphore(%arg26 : memref<!tpu.dma_semaphore, #tpu.memory_space<semaphore_mem>>)
    %dma_wait3A_597 = arith.constant 736 : i32
    %dma_wait3A_598 = tpu.memref_slice %arg12[%dma_wait3A_597] : memref<2048xi32, #tpu.memory_space<vmem>> -> memref<32xi32, #tpu.memory_space<vmem>>
    %dma_wait3A_599 = arith.constant 0 : i32
    %dma_wait3A_600 = arith.constant 0 : i32
    %dma_wait3A_601 = tpu.memref_slice %arg3[%dma_wait3A_599, %dma_wait3A_600] : memref<131072x384xf32, #tpu.memory_space<hbm>> -> memref<131072x384xf32, #tpu.memory_space<hbm>>
    tpu.wait_indirect_dma semaphore(%arg28 : memref<!tpu.dma_semaphore, #tpu.memory_space<semaphore_mem>>) src(%dma_wait3A_601 : memref<131072x384xf32, #tpu.memory_space<hbm>>) dst(%arg20 : memref<32x384xf32, #tpu.memory_space<vmem>>)
    %mul3A_602 = arith.constant 2048 : i32
    %mul3A_603 = arith.muli %add3A, %mul3A_602 : i32
    %add3A_604 = arith.constant 736 : i32
    %add3A_605 = arith.addi %mul3A_603, %add3A_604 : i32
    %dma_start3A_606 = arith.constant 0 : i32
    %dma_start3A_607 = tpu.memref_slice %arg4[%add3A_605, %dma_start3A_606] : memref<65536x384xf32, #tpu.memory_space<hbm>> -> memref<32x384xf32, #tpu.memory_space<hbm>>
    %dma_start3A_608 = arith.constant 0 : i32
    %dma_start3A_609 = tpu.memref_slice %arg4[%add3A_605, %dma_start3A_608] : memref<65536x384xf32, #tpu.memory_space<hbm>> -> memref<32x384xf32, #tpu.memory_space<hbm>>
    tpu.enqueue_dma source(%arg20 : memref<32x384xf32, #tpu.memory_space<vmem>>) target(%dma_start3A_609 : memref<32x384xf32, #tpu.memory_space<hbm>>) target_semaphore(%arg36 : memref<!tpu.dma_semaphore, #tpu.memory_space<semaphore_mem>>)
    %dma_wait3A_610 = arith.constant 0 : i32
    %dma_wait3A_611 = tpu.memref_slice %arg4[%add3A_583, %dma_wait3A_610] : memref<65536x384xf32, #tpu.memory_space<hbm>> -> memref<32x384xf32, #tpu.memory_space<hbm>>
    %dma_wait3A_612 = arith.constant 0 : i32
    %dma_wait3A_613 = tpu.memref_slice %arg4[%add3A_583, %dma_wait3A_612] : memref<65536x384xf32, #tpu.memory_space<hbm>> -> memref<32x384xf32, #tpu.memory_space<hbm>>
    tpu.wait_dma2 semaphore(%arg35 : memref<!tpu.dma_semaphore, #tpu.memory_space<semaphore_mem>>) src(%arg19 : memref<32x384xf32, #tpu.memory_space<vmem>>) dst(%dma_wait3A_613 : memref<32x384xf32, #tpu.memory_space<hbm>>)
    %dma_start3A_614 = arith.constant 960 : i32
    %dma_start3A_615 = tpu.memref_slice %arg12[%dma_start3A_614] : memref<2048xi32, #tpu.memory_space<vmem>> -> memref<32xi32, #tpu.memory_space<vmem>>
    %dma_start3A_616 = arith.constant 0 : i32
    %dma_start3A_617 = arith.constant 0 : i32
    %dma_start3A_618 = tpu.memref_slice %arg3[%dma_start3A_616, %dma_start3A_617] : memref<131072x384xf32, #tpu.memory_space<hbm>> -> memref<131072x384xf32, #tpu.memory_space<hbm>>
    tpu.enqueue_indirect_dma source(%dma_start3A_618 : memref<131072x384xf32, #tpu.memory_space<hbm>>) target(%arg19 : memref<32x384xf32, #tpu.memory_space<vmem>>) offsets(%dma_start3A_615 : memref<32xi32, #tpu.memory_space<vmem>>) semaphore(%arg27 : memref<!tpu.dma_semaphore, #tpu.memory_space<semaphore_mem>>)
    %dma_wait3A_619 = arith.constant 768 : i32
    %dma_wait3A_620 = tpu.memref_slice %arg12[%dma_wait3A_619] : memref<2048xi32, #tpu.memory_space<vmem>> -> memref<32xi32, #tpu.memory_space<vmem>>
    %dma_wait3A_621 = arith.constant 0 : i32
    %dma_wait3A_622 = arith.constant 0 : i32
    %dma_wait3A_623 = tpu.memref_slice %arg3[%dma_wait3A_621, %dma_wait3A_622] : memref<131072x384xf32, #tpu.memory_space<hbm>> -> memref<131072x384xf32, #tpu.memory_space<hbm>>
    tpu.wait_indirect_dma semaphore(%arg21 : memref<!tpu.dma_semaphore, #tpu.memory_space<semaphore_mem>>) src(%dma_wait3A_623 : memref<131072x384xf32, #tpu.memory_space<hbm>>) dst(%arg13 : memref<32x384xf32, #tpu.memory_space<vmem>>)
    %mul3A_624 = arith.constant 2048 : i32
    %mul3A_625 = arith.muli %add3A, %mul3A_624 : i32
    %add3A_626 = arith.constant 768 : i32
    %add3A_627 = arith.addi %mul3A_625, %add3A_626 : i32
    %dma_start3A_628 = arith.constant 0 : i32
    %dma_start3A_629 = tpu.memref_slice %arg4[%add3A_627, %dma_start3A_628] : memref<65536x384xf32, #tpu.memory_space<hbm>> -> memref<32x384xf32, #tpu.memory_space<hbm>>
    %dma_start3A_630 = arith.constant 0 : i32
    %dma_start3A_631 = tpu.memref_slice %arg4[%add3A_627, %dma_start3A_630] : memref<65536x384xf32, #tpu.memory_space<hbm>> -> memref<32x384xf32, #tpu.memory_space<hbm>>
    tpu.enqueue_dma source(%arg13 : memref<32x384xf32, #tpu.memory_space<vmem>>) target(%dma_start3A_631 : memref<32x384xf32, #tpu.memory_space<hbm>>) target_semaphore(%arg29 : memref<!tpu.dma_semaphore, #tpu.memory_space<semaphore_mem>>)
    %dma_wait3A_632 = arith.constant 0 : i32
    %dma_wait3A_633 = tpu.memref_slice %arg4[%add3A_605, %dma_wait3A_632] : memref<65536x384xf32, #tpu.memory_space<hbm>> -> memref<32x384xf32, #tpu.memory_space<hbm>>
    %dma_wait3A_634 = arith.constant 0 : i32
    %dma_wait3A_635 = tpu.memref_slice %arg4[%add3A_605, %dma_wait3A_634] : memref<65536x384xf32, #tpu.memory_space<hbm>> -> memref<32x384xf32, #tpu.memory_space<hbm>>
    tpu.wait_dma2 semaphore(%arg36 : memref<!tpu.dma_semaphore, #tpu.memory_space<semaphore_mem>>) src(%arg20 : memref<32x384xf32, #tpu.memory_space<vmem>>) dst(%dma_wait3A_635 : memref<32x384xf32, #tpu.memory_space<hbm>>)
    %dma_start3A_636 = arith.constant 992 : i32
    %dma_start3A_637 = tpu.memref_slice %arg12[%dma_start3A_636] : memref<2048xi32, #tpu.memory_space<vmem>> -> memref<32xi32, #tpu.memory_space<vmem>>
    %dma_start3A_638 = arith.constant 0 : i32
    %dma_start3A_639 = arith.constant 0 : i32
    %dma_start3A_640 = tpu.memref_slice %arg3[%dma_start3A_638, %dma_start3A_639] : memref<131072x384xf32, #tpu.memory_space<hbm>> -> memref<131072x384xf32, #tpu.memory_space<hbm>>
    tpu.enqueue_indirect_dma source(%dma_start3A_640 : memref<131072x384xf32, #tpu.memory_space<hbm>>) target(%arg20 : memref<32x384xf32, #tpu.memory_space<vmem>>) offsets(%dma_start3A_637 : memref<32xi32, #tpu.memory_space<vmem>>) semaphore(%arg28 : memref<!tpu.dma_semaphore, #tpu.memory_space<semaphore_mem>>)
    %dma_wait3A_641 = arith.constant 800 : i32
    %dma_wait3A_642 = tpu.memref_slice %arg12[%dma_wait3A_641] : memref<2048xi32, #tpu.memory_space<vmem>> -> memref<32xi32, #tpu.memory_space<vmem>>
    %dma_wait3A_643 = arith.constant 0 : i32
    %dma_wait3A_644 = arith.constant 0 : i32
    %dma_wait3A_645 = tpu.memref_slice %arg3[%dma_wait3A_643, %dma_wait3A_644] : memref<131072x384xf32, #tpu.memory_space<hbm>> -> memref<131072x384xf32, #tpu.memory_space<hbm>>
    tpu.wait_indirect_dma semaphore(%arg22 : memref<!tpu.dma_semaphore, #tpu.memory_space<semaphore_mem>>) src(%dma_wait3A_645 : memref<131072x384xf32, #tpu.memory_space<hbm>>) dst(%arg14 : memref<32x384xf32, #tpu.memory_space<vmem>>)
    %mul3A_646 = arith.constant 2048 : i32
    %mul3A_647 = arith.muli %add3A, %mul3A_646 : i32
    %add3A_648 = arith.constant 800 : i32
    %add3A_649 = arith.addi %mul3A_647, %add3A_648 : i32
    %dma_start3A_650 = arith.constant 0 : i32
    %dma_start3A_651 = tpu.memref_slice %arg4[%add3A_649, %dma_start3A_650] : memref<65536x384xf32, #tpu.memory_space<hbm>> -> memref<32x384xf32, #tpu.memory_space<hbm>>
    %dma_start3A_652 = arith.constant 0 : i32
    %dma_start3A_653 = tpu.memref_slice %arg4[%add3A_649, %dma_start3A_652] : memref<65536x384xf32, #tpu.memory_space<hbm>> -> memref<32x384xf32, #tpu.memory_space<hbm>>
    tpu.enqueue_dma source(%arg14 : memref<32x384xf32, #tpu.memory_space<vmem>>) target(%dma_start3A_653 : memref<32x384xf32, #tpu.memory_space<hbm>>) target_semaphore(%arg30 : memref<!tpu.dma_semaphore, #tpu.memory_space<semaphore_mem>>)
    %add3A_654 = arith.constant 2 : i32
    %add3A_655 = arith.addi %mul3A_2, %add3A_654 : i32
    %dma_wait3A_656 = arith.constant 0 : i32
    %dma_wait3A_657 = tpu.memref_slice %arg2[%add3A_19, %dma_wait3A_656] : memref<128x1024xi32, #tpu.memory_space<hbm>> -> memref<1x1024xi32, #tpu.memory_space<hbm>>
    %dma_wait3A_658 = tpu.memref_squeeze %dma_wait3A_657 : memref<1x1024xi32, #tpu.memory_space<hbm>> -> memref<1024xi32, #tpu.memory_space<hbm>>
    %dma_wait3A_659 = arith.constant 0 : i32
    %dma_wait3A_660 = tpu.memref_slice %arg2[%add3A_19, %dma_wait3A_659] : memref<128x1024xi32, #tpu.memory_space<hbm>> -> memref<1x1024xi32, #tpu.memory_space<hbm>>
    %dma_wait3A_661 = tpu.memref_squeeze %dma_wait3A_660 : memref<1x1024xi32, #tpu.memory_space<hbm>> -> memref<1024xi32, #tpu.memory_space<hbm>>
    tpu.wait_dma2 semaphore(%arg39 : memref<!tpu.dma_semaphore, #tpu.memory_space<semaphore_mem>>) src(%dma_wait3A_661 : memref<1024xi32, #tpu.memory_space<hbm>>) dst(%arg9 : memref<1024xi32, #tpu.memory_space<vmem>>)
    %scan3A_662 = arith.constant 0 : i32
    %scan3A_663 = arith.constant 0 : i32
    %scan3A_664 = arith.constant 64 : i32
    %scan3A_665 = arith.addi %scan3A_663, %scan3A_664 : i32
    %scan3A_666 = arith.constant 1 : i32
    scf.for %scan3A_1536 = %scan3A_663 to %scan3A_665 step %scan3A_666  : i32 {
      %mul3A_1537 = arith.constant 16 : i32
      %mul3A_1538 = arith.muli %scan3A_1536, %mul3A_1537 : i32
      %get3A = arith.index_cast %mul3A_1538 : i32 to index
      %get3A_1539 = tpu.vector_load %arg9[%get3A] {strides = array<i32>} : memref<1024xi32, #tpu.memory_space<vmem>>, vector<16xi32>,
      %mul3A_1540 = arith.constant 16 : i32
      %mul3A_1541 = arith.muli %scan3A_1536, %mul3A_1540 : i32
      %add3A_1542 = vector.broadcast %mul3A_1541 : i32 to vector<16xi32>
      %add3A_1543 = arith.addi %add3A_1542, %iota3A : vector<16xi32>
      %lt3A = arith.constant 512 : i32
      %lt3A_1544 = vector.broadcast %lt3A : i32 to vector<16xi32>
      %lt3A_1545 = arith.cmpi slt, %get3A_1539, %lt3A_1544 : vector<16xi32>
      %jit3A = arith.constant 2 : i32
      %jit3A_1546 = arith.constant 6 : i32
      %broadcast_in_dim3A = vector.broadcast %jit3A : i32 to vector<16xi32>
      %broadcast_in_dim3A_1547 = vector.broadcast %jit3A_1546 : i32 to vector<16xi32>
      %select_n3A = arith.select %lt3A_1545, %broadcast_in_dim3A, %broadcast_in_dim3A_1547 : vector<16xi1>, vector<16xi32>
      %sub3A = arith.constant 512 : i32
      %sub3A_1548 = vector.broadcast %sub3A : i32 to vector<16xi32>
      %sub3A_1549 = arith.subi %get3A_1539, %sub3A_1548 : vector<16xi32>
      %select_n3A_1550 = arith.select %lt3A_1545, %get3A_1539, %sub3A_1549 : vector<16xi1>, vector<16xi32>
      tpu.vector_store_idx %arg11[%select_n3A, %select_n3A_1550], %add3A_1543 : memref<8x512xi32, #tpu.memory_space<vmem>>[vector<16xi32>, vector<16xi32>], vector<16xi32>,
      %add3A_1551 = arith.constant 1024 : i32
      %add3A_1552 = vector.broadcast %add3A_1551 : i32 to vector<16xi32>
      %add3A_1553 = arith.addi %add3A_1552, %get3A_1539 : vector<16xi32>
      %jit3A_1554 = arith.constant 0 : i32
      %broadcast_in_dim3A_1555 = vector.broadcast %jit3A_1554 : i32 to vector<16xi32>
      %select_n3A_1556 = arith.select %lt3A_1545, %add3A_1553, %broadcast_in_dim3A_1555 : vector<16xi1>, vector<16xi32>
      %mul3A_1557 = arith.constant 1024 : i32
      %mul3A_1558 = arith.muli %add3A_655, %mul3A_1557 : i32
      %add3A_1559 = vector.broadcast %mul3A_1558 : i32 to vector<16xi32>
      %add3A_1560 = arith.addi %add3A_1543, %add3A_1559 : vector<16xi32>
      tpu.vector_store_idx %arg12[%select_n3A_1556], %add3A_1560 masked %lt3A_1545 : memref<2048xi32, #tpu.memory_space<vmem>>[vector<16xi32>], vector<16xi32>, vector<16xi1>
    }
    %scan3A_667 = arith.constant 64 : i32
    %dma_wait3A_668 = arith.constant 0 : i32
    %dma_wait3A_669 = tpu.memref_slice %arg4[%add3A_627, %dma_wait3A_668] : memref<65536x384xf32, #tpu.memory_space<hbm>> -> memref<32x384xf32, #tpu.memory_space<hbm>>
    %dma_wait3A_670 = arith.constant 0 : i32
    %dma_wait3A_671 = tpu.memref_slice %arg4[%add3A_627, %dma_wait3A_670] : memref<65536x384xf32, #tpu.memory_space<hbm>> -> memref<32x384xf32, #tpu.memory_space<hbm>>
    tpu.wait_dma2 semaphore(%arg29 : memref<!tpu.dma_semaphore, #tpu.memory_space<semaphore_mem>>) src(%arg13 : memref<32x384xf32, #tpu.memory_space<vmem>>) dst(%dma_wait3A_671 : memref<32x384xf32, #tpu.memory_space<hbm>>)
    %dma_start3A_672 = arith.constant 1024 : i32
    %dma_start3A_673 = tpu.memref_slice %arg12[%dma_start3A_672] : memref<2048xi32, #tpu.memory_space<vmem>> -> memref<32xi32, #tpu.memory_space<vmem>>
    %dma_start3A_674 = arith.constant 0 : i32
    %dma_start3A_675 = arith.constant 0 : i32
    %dma_start3A_676 = tpu.memref_slice %arg3[%dma_start3A_674, %dma_start3A_675] : memref<131072x384xf32, #tpu.memory_space<hbm>> -> memref<131072x384xf32, #tpu.memory_space<hbm>>
    tpu.enqueue_indirect_dma source(%dma_start3A_676 : memref<131072x384xf32, #tpu.memory_space<hbm>>) target(%arg13 : memref<32x384xf32, #tpu.memory_space<vmem>>) offsets(%dma_start3A_673 : memref<32xi32, #tpu.memory_space<vmem>>) semaphore(%arg21 : memref<!tpu.dma_semaphore, #tpu.memory_space<semaphore_mem>>)
    %dma_wait3A_677 = arith.constant 832 : i32
    %dma_wait3A_678 = tpu.memref_slice %arg12[%dma_wait3A_677] : memref<2048xi32, #tpu.memory_space<vmem>> -> memref<32xi32, #tpu.memory_space<vmem>>
    %dma_wait3A_679 = arith.constant 0 : i32
    %dma_wait3A_680 = arith.constant 0 : i32
    %dma_wait3A_681 = tpu.memref_slice %arg3[%dma_wait3A_679, %dma_wait3A_680] : memref<131072x384xf32, #tpu.memory_space<hbm>> -> memref<131072x384xf32, #tpu.memory_space<hbm>>
    tpu.wait_indirect_dma semaphore(%arg23 : memref<!tpu.dma_semaphore, #tpu.memory_space<semaphore_mem>>) src(%dma_wait3A_681 : memref<131072x384xf32, #tpu.memory_space<hbm>>) dst(%arg15 : memref<32x384xf32, #tpu.memory_space<vmem>>)
    %mul3A_682 = arith.constant 2048 : i32
    %mul3A_683 = arith.muli %add3A, %mul3A_682 : i32
    %add3A_684 = arith.constant 832 : i32
    %add3A_685 = arith.addi %mul3A_683, %add3A_684 : i32
    %dma_start3A_686 = arith.constant 0 : i32
    %dma_start3A_687 = tpu.memref_slice %arg4[%add3A_685, %dma_start3A_686] : memref<65536x384xf32, #tpu.memory_space<hbm>> -> memref<32x384xf32, #tpu.memory_space<hbm>>
    %dma_start3A_688 = arith.constant 0 : i32
    %dma_start3A_689 = tpu.memref_slice %arg4[%add3A_685, %dma_start3A_688] : memref<65536x384xf32, #tpu.memory_space<hbm>> -> memref<32x384xf32, #tpu.memory_space<hbm>>
    tpu.enqueue_dma source(%arg15 : memref<32x384xf32, #tpu.memory_space<vmem>>) target(%dma_start3A_689 : memref<32x384xf32, #tpu.memory_space<hbm>>) target_semaphore(%arg31 : memref<!tpu.dma_semaphore, #tpu.memory_space<semaphore_mem>>)
    %dma_wait3A_690 = arith.constant 0 : i32
    %dma_wait3A_691 = tpu.memref_slice %arg4[%add3A_649, %dma_wait3A_690] : memref<65536x384xf32, #tpu.memory_space<hbm>> -> memref<32x384xf32, #tpu.memory_space<hbm>>
    %dma_wait3A_692 = arith.constant 0 : i32
    %dma_wait3A_693 = tpu.memref_slice %arg4[%add3A_649, %dma_wait3A_692] : memref<65536x384xf32, #tpu.memory_space<hbm>> -> memref<32x384xf32, #tpu.memory_space<hbm>>
    tpu.wait_dma2 semaphore(%arg30 : memref<!tpu.dma_semaphore, #tpu.memory_space<semaphore_mem>>) src(%arg14 : memref<32x384xf32, #tpu.memory_space<vmem>>) dst(%dma_wait3A_693 : memref<32x384xf32, #tpu.memory_space<hbm>>)
    %dma_start3A_694 = arith.constant 1056 : i32
    %dma_start3A_695 = tpu.memref_slice %arg12[%dma_start3A_694] : memref<2048xi32, #tpu.memory_space<vmem>> -> memref<32xi32, #tpu.memory_space<vmem>>
    %dma_start3A_696 = arith.constant 0 : i32
    %dma_start3A_697 = arith.constant 0 : i32
    %dma_start3A_698 = tpu.memref_slice %arg3[%dma_start3A_696, %dma_start3A_697] : memref<131072x384xf32, #tpu.memory_space<hbm>> -> memref<131072x384xf32, #tpu.memory_space<hbm>>
    tpu.enqueue_indirect_dma source(%dma_start3A_698 : memref<131072x384xf32, #tpu.memory_space<hbm>>) target(%arg14 : memref<32x384xf32, #tpu.memory_space<vmem>>) offsets(%dma_start3A_695 : memref<32xi32, #tpu.memory_space<vmem>>) semaphore(%arg22 : memref<!tpu.dma_semaphore, #tpu.memory_space<semaphore_mem>>)
    %dma_wait3A_699 = arith.constant 864 : i32
    %dma_wait3A_700 = tpu.memref_slice %arg12[%dma_wait3A_699] : memref<2048xi32, #tpu.memory_space<vmem>> -> memref<32xi32, #tpu.memory_space<vmem>>
    %dma_wait3A_701 = arith.constant 0 : i32
    %dma_wait3A_702 = arith.constant 0 : i32
    %dma_wait3A_703 = tpu.memref_slice %arg3[%dma_wait3A_701, %dma_wait3A_702] : memref<131072x384xf32, #tpu.memory_space<hbm>> -> memref<131072x384xf32, #tpu.memory_space<hbm>>
    tpu.wait_indirect_dma semaphore(%arg24 : memref<!tpu.dma_semaphore, #tpu.memory_space<semaphore_mem>>) src(%dma_wait3A_703 : memref<131072x384xf32, #tpu.memory_space<hbm>>) dst(%arg16 : memref<32x384xf32, #tpu.memory_space<vmem>>)
    %mul3A_704 = arith.constant 2048 : i32
    %mul3A_705 = arith.muli %add3A, %mul3A_704 : i32
    %add3A_706 = arith.constant 864 : i32
    %add3A_707 = arith.addi %mul3A_705, %add3A_706 : i32
    %dma_start3A_708 = arith.constant 0 : i32
    %dma_start3A_709 = tpu.memref_slice %arg4[%add3A_707, %dma_start3A_708] : memref<65536x384xf32, #tpu.memory_space<hbm>> -> memref<32x384xf32, #tpu.memory_space<hbm>>
    %dma_start3A_710 = arith.constant 0 : i32
    %dma_start3A_711 = tpu.memref_slice %arg4[%add3A_707, %dma_start3A_710] : memref<65536x384xf32, #tpu.memory_space<hbm>> -> memref<32x384xf32, #tpu.memory_space<hbm>>
    tpu.enqueue_dma source(%arg16 : memref<32x384xf32, #tpu.memory_space<vmem>>) target(%dma_start3A_711 : memref<32x384xf32, #tpu.memory_space<hbm>>) target_semaphore(%arg32 : memref<!tpu.dma_semaphore, #tpu.memory_space<semaphore_mem>>)
    %dma_wait3A_712 = arith.constant 0 : i32
    %dma_wait3A_713 = tpu.memref_slice %arg4[%add3A_685, %dma_wait3A_712] : memref<65536x384xf32, #tpu.memory_space<hbm>> -> memref<32x384xf32, #tpu.memory_space<hbm>>
    %dma_wait3A_714 = arith.constant 0 : i32
    %dma_wait3A_715 = tpu.memref_slice %arg4[%add3A_685, %dma_wait3A_714] : memref<65536x384xf32, #tpu.memory_space<hbm>> -> memref<32x384xf32, #tpu.memory_space<hbm>>
    tpu.wait_dma2 semaphore(%arg31 : memref<!tpu.dma_semaphore, #tpu.memory_space<semaphore_mem>>) src(%arg15 : memref<32x384xf32, #tpu.memory_space<vmem>>) dst(%dma_wait3A_715 : memref<32x384xf32, #tpu.memory_space<hbm>>)
    %dma_start3A_716 = arith.constant 1088 : i32
    %dma_start3A_717 = tpu.memref_slice %arg12[%dma_start3A_716] : memref<2048xi32, #tpu.memory_space<vmem>> -> memref<32xi32, #tpu.memory_space<vmem>>
    %dma_start3A_718 = arith.constant 0 : i32
    %dma_start3A_719 = arith.constant 0 : i32
    %dma_start3A_720 = tpu.memref_slice %arg3[%dma_start3A_718, %dma_start3A_719] : memref<131072x384xf32, #tpu.memory_space<hbm>> -> memref<131072x384xf32, #tpu.memory_space<hbm>>
    tpu.enqueue_indirect_dma source(%dma_start3A_720 : memref<131072x384xf32, #tpu.memory_space<hbm>>) target(%arg15 : memref<32x384xf32, #tpu.memory_space<vmem>>) offsets(%dma_start3A_717 : memref<32xi32, #tpu.memory_space<vmem>>) semaphore(%arg23 : memref<!tpu.dma_semaphore, #tpu.memory_space<semaphore_mem>>)
    %dma_wait3A_721 = arith.constant 896 : i32
    %dma_wait3A_722 = tpu.memref_slice %arg12[%dma_wait3A_721] : memref<2048xi32, #tpu.memory_space<vmem>> -> memref<32xi32, #tpu.memory_space<vmem>>
    %dma_wait3A_723 = arith.constant 0 : i32
    %dma_wait3A_724 = arith.constant 0 : i32
    %dma_wait3A_725 = tpu.memref_slice %arg3[%dma_wait3A_723, %dma_wait3A_724] : memref<131072x384xf32, #tpu.memory_space<hbm>> -> memref<131072x384xf32, #tpu.memory_space<hbm>>
    tpu.wait_indirect_dma semaphore(%arg25 : memref<!tpu.dma_semaphore, #tpu.memory_space<semaphore_mem>>) src(%dma_wait3A_725 : memref<131072x384xf32, #tpu.memory_space<hbm>>) dst(%arg17 : memref<32x384xf32, #tpu.memory_space<vmem>>)
    %mul3A_726 = arith.constant 2048 : i32
    %mul3A_727 = arith.muli %add3A, %mul3A_726 : i32
    %add3A_728 = arith.constant 896 : i32
    %add3A_729 = arith.addi %mul3A_727, %add3A_728 : i32
    %dma_start3A_730 = arith.constant 0 : i32
    %dma_start3A_731 = tpu.memref_slice %arg4[%add3A_729, %dma_start3A_730] : memref<65536x384xf32, #tpu.memory_space<hbm>> -> memref<32x384xf32, #tpu.memory_space<hbm>>
    %dma_start3A_732 = arith.constant 0 : i32
    %dma_start3A_733 = tpu.memref_slice %arg4[%add3A_729, %dma_start3A_732] : memref<65536x384xf32, #tpu.memory_space<hbm>> -> memref<32x384xf32, #tpu.memory_space<hbm>>
    tpu.enqueue_dma source(%arg17 : memref<32x384xf32, #tpu.memory_space<vmem>>) target(%dma_start3A_733 : memref<32x384xf32, #tpu.memory_space<hbm>>) target_semaphore(%arg33 : memref<!tpu.dma_semaphore, #tpu.memory_space<semaphore_mem>>)
    %dma_wait3A_734 = arith.constant 0 : i32
    %dma_wait3A_735 = tpu.memref_slice %arg4[%add3A_707, %dma_wait3A_734] : memref<65536x384xf32, #tpu.memory_space<hbm>> -> memref<32x384xf32, #tpu.memory_space<hbm>>
    %dma_wait3A_736 = arith.constant 0 : i32
    %dma_wait3A_737 = tpu.memref_slice %arg4[%add3A_707, %dma_wait3A_736] : memref<65536x384xf32, #tpu.memory_space<hbm>> -> memref<32x384xf32, #tpu.memory_space<hbm>>
    tpu.wait_dma2 semaphore(%arg32 : memref<!tpu.dma_semaphore, #tpu.memory_space<semaphore_mem>>) src(%arg16 : memref<32x384xf32, #tpu.memory_space<vmem>>) dst(%dma_wait3A_737 : memref<32x384xf32, #tpu.memory_space<hbm>>)
    %dma_start3A_738 = arith.constant 1120 : i32
    %dma_start3A_739 = tpu.memref_slice %arg12[%dma_start3A_738] : memref<2048xi32, #tpu.memory_space<vmem>> -> memref<32xi32, #tpu.memory_space<vmem>>
    %dma_start3A_740 = arith.constant 0 : i32
    %dma_start3A_741 = arith.constant 0 : i32
    %dma_start3A_742 = tpu.memref_slice %arg3[%dma_start3A_740, %dma_start3A_741] : memref<131072x384xf32, #tpu.memory_space<hbm>> -> memref<131072x384xf32, #tpu.memory_space<hbm>>
    tpu.enqueue_indirect_dma source(%dma_start3A_742 : memref<131072x384xf32, #tpu.memory_space<hbm>>) target(%arg16 : memref<32x384xf32, #tpu.memory_space<vmem>>) offsets(%dma_start3A_739 : memref<32xi32, #tpu.memory_space<vmem>>) semaphore(%arg24 : memref<!tpu.dma_semaphore, #tpu.memory_space<semaphore_mem>>)
    %dma_wait3A_743 = arith.constant 928 : i32
    %dma_wait3A_744 = tpu.memref_slice %arg12[%dma_wait3A_743] : memref<2048xi32, #tpu.memory_space<vmem>> -> memref<32xi32, #tpu.memory_space<vmem>>
    %dma_wait3A_745 = arith.constant 0 : i32
    %dma_wait3A_746 = arith.constant 0 : i32
    %dma_wait3A_747 = tpu.memref_slice %arg3[%dma_wait3A_745, %dma_wait3A_746] : memref<131072x384xf32, #tpu.memory_space<hbm>> -> memref<131072x384xf32, #tpu.memory_space<hbm>>
    tpu.wait_indirect_dma semaphore(%arg26 : memref<!tpu.dma_semaphore, #tpu.memory_space<semaphore_mem>>) src(%dma_wait3A_747 : memref<131072x384xf32, #tpu.memory_space<hbm>>) dst(%arg18 : memref<32x384xf32, #tpu.memory_space<vmem>>)
    %mul3A_748 = arith.constant 2048 : i32
    %mul3A_749 = arith.muli %add3A, %mul3A_748 : i32
    %add3A_750 = arith.constant 928 : i32
    %add3A_751 = arith.addi %mul3A_749, %add3A_750 : i32
    %dma_start3A_752 = arith.constant 0 : i32
    %dma_start3A_753 = tpu.memref_slice %arg4[%add3A_751, %dma_start3A_752] : memref<65536x384xf32, #tpu.memory_space<hbm>> -> memref<32x384xf32, #tpu.memory_space<hbm>>
    %dma_start3A_754 = arith.constant 0 : i32
    %dma_start3A_755 = tpu.memref_slice %arg4[%add3A_751, %dma_start3A_754] : memref<65536x384xf32, #tpu.memory_space<hbm>> -> memref<32x384xf32, #tpu.memory_space<hbm>>
    tpu.enqueue_dma source(%arg18 : memref<32x384xf32, #tpu.memory_space<vmem>>) target(%dma_start3A_755 : memref<32x384xf32, #tpu.memory_space<hbm>>) target_semaphore(%arg34 : memref<!tpu.dma_semaphore, #tpu.memory_space<semaphore_mem>>)
    %dma_wait3A_756 = arith.constant 0 : i32
    %dma_wait3A_757 = tpu.memref_slice %arg4[%add3A_729, %dma_wait3A_756] : memref<65536x384xf32, #tpu.memory_space<hbm>> -> memref<32x384xf32, #tpu.memory_space<hbm>>
    %dma_wait3A_758 = arith.constant 0 : i32
    %dma_wait3A_759 = tpu.memref_slice %arg4[%add3A_729, %dma_wait3A_758] : memref<65536x384xf32, #tpu.memory_space<hbm>> -> memref<32x384xf32, #tpu.memory_space<hbm>>
    tpu.wait_dma2 semaphore(%arg33 : memref<!tpu.dma_semaphore, #tpu.memory_space<semaphore_mem>>) src(%arg17 : memref<32x384xf32, #tpu.memory_space<vmem>>) dst(%dma_wait3A_759 : memref<32x384xf32, #tpu.memory_space<hbm>>)
    %dma_start3A_760 = arith.constant 1152 : i32
    %dma_start3A_761 = tpu.memref_slice %arg12[%dma_start3A_760] : memref<2048xi32, #tpu.memory_space<vmem>> -> memref<32xi32, #tpu.memory_space<vmem>>
    %dma_start3A_762 = arith.constant 0 : i32
    %dma_start3A_763 = arith.constant 0 : i32
    %dma_start3A_764 = tpu.memref_slice %arg3[%dma_start3A_762, %dma_start3A_763] : memref<131072x384xf32, #tpu.memory_space<hbm>> -> memref<131072x384xf32, #tpu.memory_space<hbm>>
    tpu.enqueue_indirect_dma source(%dma_start3A_764 : memref<131072x384xf32, #tpu.memory_space<hbm>>) target(%arg17 : memref<32x384xf32, #tpu.memory_space<vmem>>) offsets(%dma_start3A_761 : memref<32xi32, #tpu.memory_space<vmem>>) semaphore(%arg25 : memref<!tpu.dma_semaphore, #tpu.memory_space<semaphore_mem>>)
    %dma_wait3A_765 = arith.constant 960 : i32
    %dma_wait3A_766 = tpu.memref_slice %arg12[%dma_wait3A_765] : memref<2048xi32, #tpu.memory_space<vmem>> -> memref<32xi32, #tpu.memory_space<vmem>>
    %dma_wait3A_767 = arith.constant 0 : i32
    %dma_wait3A_768 = arith.constant 0 : i32
    %dma_wait3A_769 = tpu.memref_slice %arg3[%dma_wait3A_767, %dma_wait3A_768] : memref<131072x384xf32, #tpu.memory_space<hbm>> -> memref<131072x384xf32, #tpu.memory_space<hbm>>
    tpu.wait_indirect_dma semaphore(%arg27 : memref<!tpu.dma_semaphore, #tpu.memory_space<semaphore_mem>>) src(%dma_wait3A_769 : memref<131072x384xf32, #tpu.memory_space<hbm>>) dst(%arg19 : memref<32x384xf32, #tpu.memory_space<vmem>>)
    %mul3A_770 = arith.constant 2048 : i32
    %mul3A_771 = arith.muli %add3A, %mul3A_770 : i32
    %add3A_772 = arith.constant 960 : i32
    %add3A_773 = arith.addi %mul3A_771, %add3A_772 : i32
    %dma_start3A_774 = arith.constant 0 : i32
    %dma_start3A_775 = tpu.memref_slice %arg4[%add3A_773, %dma_start3A_774] : memref<65536x384xf32, #tpu.memory_space<hbm>> -> memref<32x384xf32, #tpu.memory_space<hbm>>
    %dma_start3A_776 = arith.constant 0 : i32
    %dma_start3A_777 = tpu.memref_slice %arg4[%add3A_773, %dma_start3A_776] : memref<65536x384xf32, #tpu.memory_space<hbm>> -> memref<32x384xf32, #tpu.memory_space<hbm>>
    tpu.enqueue_dma source(%arg19 : memref<32x384xf32, #tpu.memory_space<vmem>>) target(%dma_start3A_777 : memref<32x384xf32, #tpu.memory_space<hbm>>) target_semaphore(%arg35 : memref<!tpu.dma_semaphore, #tpu.memory_space<semaphore_mem>>)
    %dma_wait3A_778 = arith.constant 0 : i32
    %dma_wait3A_779 = tpu.memref_slice %arg4[%add3A_751, %dma_wait3A_778] : memref<65536x384xf32, #tpu.memory_space<hbm>> -> memref<32x384xf32, #tpu.memory_space<hbm>>
    %dma_wait3A_780 = arith.constant 0 : i32
    %dma_wait3A_781 = tpu.memref_slice %arg4[%add3A_751, %dma_wait3A_780] : memref<65536x384xf32, #tpu.memory_space<hbm>> -> memref<32x384xf32, #tpu.memory_space<hbm>>
    tpu.wait_dma2 semaphore(%arg34 : memref<!tpu.dma_semaphore, #tpu.memory_space<semaphore_mem>>) src(%arg18 : memref<32x384xf32, #tpu.memory_space<vmem>>) dst(%dma_wait3A_781 : memref<32x384xf32, #tpu.memory_space<hbm>>)
    %dma_start3A_782 = arith.constant 1184 : i32
    %dma_start3A_783 = tpu.memref_slice %arg12[%dma_start3A_782] : memref<2048xi32, #tpu.memory_space<vmem>> -> memref<32xi32, #tpu.memory_space<vmem>>
    %dma_start3A_784 = arith.constant 0 : i32
    %dma_start3A_785 = arith.constant 0 : i32
    %dma_start3A_786 = tpu.memref_slice %arg3[%dma_start3A_784, %dma_start3A_785] : memref<131072x384xf32, #tpu.memory_space<hbm>> -> memref<131072x384xf32, #tpu.memory_space<hbm>>
    tpu.enqueue_indirect_dma source(%dma_start3A_786 : memref<131072x384xf32, #tpu.memory_space<hbm>>) target(%arg18 : memref<32x384xf32, #tpu.memory_space<vmem>>) offsets(%dma_start3A_783 : memref<32xi32, #tpu.memory_space<vmem>>) semaphore(%arg26 : memref<!tpu.dma_semaphore, #tpu.memory_space<semaphore_mem>>)
    %dma_wait3A_787 = arith.constant 992 : i32
    %dma_wait3A_788 = tpu.memref_slice %arg12[%dma_wait3A_787] : memref<2048xi32, #tpu.memory_space<vmem>> -> memref<32xi32, #tpu.memory_space<vmem>>
    %dma_wait3A_789 = arith.constant 0 : i32
    %dma_wait3A_790 = arith.constant 0 : i32
    %dma_wait3A_791 = tpu.memref_slice %arg3[%dma_wait3A_789, %dma_wait3A_790] : memref<131072x384xf32, #tpu.memory_space<hbm>> -> memref<131072x384xf32, #tpu.memory_space<hbm>>
    tpu.wait_indirect_dma semaphore(%arg28 : memref<!tpu.dma_semaphore, #tpu.memory_space<semaphore_mem>>) src(%dma_wait3A_791 : memref<131072x384xf32, #tpu.memory_space<hbm>>) dst(%arg20 : memref<32x384xf32, #tpu.memory_space<vmem>>)
    %mul3A_792 = arith.constant 2048 : i32
    %mul3A_793 = arith.muli %add3A, %mul3A_792 : i32
    %add3A_794 = arith.constant 992 : i32
    %add3A_795 = arith.addi %mul3A_793, %add3A_794 : i32
    %dma_start3A_796 = arith.constant 0 : i32
    %dma_start3A_797 = tpu.memref_slice %arg4[%add3A_795, %dma_start3A_796] : memref<65536x384xf32, #tpu.memory_space<hbm>> -> memref<32x384xf32, #tpu.memory_space<hbm>>
    %dma_start3A_798 = arith.constant 0 : i32
    %dma_start3A_799 = tpu.memref_slice %arg4[%add3A_795, %dma_start3A_798] : memref<65536x384xf32, #tpu.memory_space<hbm>> -> memref<32x384xf32, #tpu.memory_space<hbm>>
    tpu.enqueue_dma source(%arg20 : memref<32x384xf32, #tpu.memory_space<vmem>>) target(%dma_start3A_799 : memref<32x384xf32, #tpu.memory_space<hbm>>) target_semaphore(%arg36 : memref<!tpu.dma_semaphore, #tpu.memory_space<semaphore_mem>>)
    %dma_wait3A_800 = arith.constant 0 : i32
    %dma_wait3A_801 = tpu.memref_slice %arg4[%add3A_773, %dma_wait3A_800] : memref<65536x384xf32, #tpu.memory_space<hbm>> -> memref<32x384xf32, #tpu.memory_space<hbm>>
    %dma_wait3A_802 = arith.constant 0 : i32
    %dma_wait3A_803 = tpu.memref_slice %arg4[%add3A_773, %dma_wait3A_802] : memref<65536x384xf32, #tpu.memory_space<hbm>> -> memref<32x384xf32, #tpu.memory_space<hbm>>
    tpu.wait_dma2 semaphore(%arg35 : memref<!tpu.dma_semaphore, #tpu.memory_space<semaphore_mem>>) src(%arg19 : memref<32x384xf32, #tpu.memory_space<vmem>>) dst(%dma_wait3A_803 : memref<32x384xf32, #tpu.memory_space<hbm>>)
    %dma_start3A_804 = arith.constant 1216 : i32
    %dma_start3A_805 = tpu.memref_slice %arg12[%dma_start3A_804] : memref<2048xi32, #tpu.memory_space<vmem>> -> memref<32xi32, #tpu.memory_space<vmem>>
    %dma_start3A_806 = arith.constant 0 : i32
    %dma_start3A_807 = arith.constant 0 : i32
    %dma_start3A_808 = tpu.memref_slice %arg3[%dma_start3A_806, %dma_start3A_807] : memref<131072x384xf32, #tpu.memory_space<hbm>> -> memref<131072x384xf32, #tpu.memory_space<hbm>>
    tpu.enqueue_indirect_dma source(%dma_start3A_808 : memref<131072x384xf32, #tpu.memory_space<hbm>>) target(%arg19 : memref<32x384xf32, #tpu.memory_space<vmem>>) offsets(%dma_start3A_805 : memref<32xi32, #tpu.memory_space<vmem>>) semaphore(%arg27 : memref<!tpu.dma_semaphore, #tpu.memory_space<semaphore_mem>>)
    %dma_wait3A_809 = arith.constant 1024 : i32
    %dma_wait3A_810 = tpu.memref_slice %arg12[%dma_wait3A_809] : memref<2048xi32, #tpu.memory_space<vmem>> -> memref<32xi32, #tpu.memory_space<vmem>>
    %dma_wait3A_811 = arith.constant 0 : i32
    %dma_wait3A_812 = arith.constant 0 : i32
    %dma_wait3A_813 = tpu.memref_slice %arg3[%dma_wait3A_811, %dma_wait3A_812] : memref<131072x384xf32, #tpu.memory_space<hbm>> -> memref<131072x384xf32, #tpu.memory_space<hbm>>
    tpu.wait_indirect_dma semaphore(%arg21 : memref<!tpu.dma_semaphore, #tpu.memory_space<semaphore_mem>>) src(%dma_wait3A_813 : memref<131072x384xf32, #tpu.memory_space<hbm>>) dst(%arg13 : memref<32x384xf32, #tpu.memory_space<vmem>>)
    %mul3A_814 = arith.constant 2048 : i32
    %mul3A_815 = arith.muli %add3A, %mul3A_814 : i32
    %add3A_816 = arith.constant 1024 : i32
    %add3A_817 = arith.addi %mul3A_815, %add3A_816 : i32
    %dma_start3A_818 = arith.constant 0 : i32
    %dma_start3A_819 = tpu.memref_slice %arg4[%add3A_817, %dma_start3A_818] : memref<65536x384xf32, #tpu.memory_space<hbm>> -> memref<32x384xf32, #tpu.memory_space<hbm>>
    %dma_start3A_820 = arith.constant 0 : i32
    %dma_start3A_821 = tpu.memref_slice %arg4[%add3A_817, %dma_start3A_820] : memref<65536x384xf32, #tpu.memory_space<hbm>> -> memref<32x384xf32, #tpu.memory_space<hbm>>
    tpu.enqueue_dma source(%arg13 : memref<32x384xf32, #tpu.memory_space<vmem>>) target(%dma_start3A_821 : memref<32x384xf32, #tpu.memory_space<hbm>>) target_semaphore(%arg29 : memref<!tpu.dma_semaphore, #tpu.memory_space<semaphore_mem>>)
    %dma_wait3A_822 = arith.constant 0 : i32
    %dma_wait3A_823 = tpu.memref_slice %arg4[%add3A_795, %dma_wait3A_822] : memref<65536x384xf32, #tpu.memory_space<hbm>> -> memref<32x384xf32, #tpu.memory_space<hbm>>
    %dma_wait3A_824 = arith.constant 0 : i32
    %dma_wait3A_825 = tpu.memref_slice %arg4[%add3A_795, %dma_wait3A_824] : memref<65536x384xf32, #tpu.memory_space<hbm>> -> memref<32x384xf32, #tpu.memory_space<hbm>>
    tpu.wait_dma2 semaphore(%arg36 : memref<!tpu.dma_semaphore, #tpu.memory_space<semaphore_mem>>) src(%arg20 : memref<32x384xf32, #tpu.memory_space<vmem>>) dst(%dma_wait3A_825 : memref<32x384xf32, #tpu.memory_space<hbm>>)
    %dma_start3A_826 = arith.constant 1248 : i32
    %dma_start3A_827 = tpu.memref_slice %arg12[%dma_start3A_826] : memref<2048xi32, #tpu.memory_space<vmem>> -> memref<32xi32, #tpu.memory_space<vmem>>
    %dma_start3A_828 = arith.constant 0 : i32
    %dma_start3A_829 = arith.constant 0 : i32
    %dma_start3A_830 = tpu.memref_slice %arg3[%dma_start3A_828, %dma_start3A_829] : memref<131072x384xf32, #tpu.memory_space<hbm>> -> memref<131072x384xf32, #tpu.memory_space<hbm>>
    tpu.enqueue_indirect_dma source(%dma_start3A_830 : memref<131072x384xf32, #tpu.memory_space<hbm>>) target(%arg20 : memref<32x384xf32, #tpu.memory_space<vmem>>) offsets(%dma_start3A_827 : memref<32xi32, #tpu.memory_space<vmem>>) semaphore(%arg28 : memref<!tpu.dma_semaphore, #tpu.memory_space<semaphore_mem>>)
    %dma_wait3A_831 = arith.constant 1056 : i32
    %dma_wait3A_832 = tpu.memref_slice %arg12[%dma_wait3A_831] : memref<2048xi32, #tpu.memory_space<vmem>> -> memref<32xi32, #tpu.memory_space<vmem>>
    %dma_wait3A_833 = arith.constant 0 : i32
    %dma_wait3A_834 = arith.constant 0 : i32
    %dma_wait3A_835 = tpu.memref_slice %arg3[%dma_wait3A_833, %dma_wait3A_834] : memref<131072x384xf32, #tpu.memory_space<hbm>> -> memref<131072x384xf32, #tpu.memory_space<hbm>>
    tpu.wait_indirect_dma semaphore(%arg22 : memref<!tpu.dma_semaphore, #tpu.memory_space<semaphore_mem>>) src(%dma_wait3A_835 : memref<131072x384xf32, #tpu.memory_space<hbm>>) dst(%arg14 : memref<32x384xf32, #tpu.memory_space<vmem>>)
    %mul3A_836 = arith.constant 2048 : i32
    %mul3A_837 = arith.muli %add3A, %mul3A_836 : i32
    %add3A_838 = arith.constant 1056 : i32
    %add3A_839 = arith.addi %mul3A_837, %add3A_838 : i32
    %dma_start3A_840 = arith.constant 0 : i32
    %dma_start3A_841 = tpu.memref_slice %arg4[%add3A_839, %dma_start3A_840] : memref<65536x384xf32, #tpu.memory_space<hbm>> -> memref<32x384xf32, #tpu.memory_space<hbm>>
    %dma_start3A_842 = arith.constant 0 : i32
    %dma_start3A_843 = tpu.memref_slice %arg4[%add3A_839, %dma_start3A_842] : memref<65536x384xf32, #tpu.memory_space<hbm>> -> memref<32x384xf32, #tpu.memory_space<hbm>>
    tpu.enqueue_dma source(%arg14 : memref<32x384xf32, #tpu.memory_space<vmem>>) target(%dma_start3A_843 : memref<32x384xf32, #tpu.memory_space<hbm>>) target_semaphore(%arg30 : memref<!tpu.dma_semaphore, #tpu.memory_space<semaphore_mem>>)
    %dma_wait3A_844 = arith.constant 0 : i32
    %dma_wait3A_845 = tpu.memref_slice %arg4[%add3A_817, %dma_wait3A_844] : memref<65536x384xf32, #tpu.memory_space<hbm>> -> memref<32x384xf32, #tpu.memory_space<hbm>>
    %dma_wait3A_846 = arith.constant 0 : i32
    %dma_wait3A_847 = tpu.memref_slice %arg4[%add3A_817, %dma_wait3A_846] : memref<65536x384xf32, #tpu.memory_space<hbm>> -> memref<32x384xf32, #tpu.memory_space<hbm>>
    tpu.wait_dma2 semaphore(%arg29 : memref<!tpu.dma_semaphore, #tpu.memory_space<semaphore_mem>>) src(%arg13 : memref<32x384xf32, #tpu.memory_space<vmem>>) dst(%dma_wait3A_847 : memref<32x384xf32, #tpu.memory_space<hbm>>)
    %dma_start3A_848 = arith.constant 1280 : i32
    %dma_start3A_849 = tpu.memref_slice %arg12[%dma_start3A_848] : memref<2048xi32, #tpu.memory_space<vmem>> -> memref<32xi32, #tpu.memory_space<vmem>>
    %dma_start3A_850 = arith.constant 0 : i32
    %dma_start3A_851 = arith.constant 0 : i32
    %dma_start3A_852 = tpu.memref_slice %arg3[%dma_start3A_850, %dma_start3A_851] : memref<131072x384xf32, #tpu.memory_space<hbm>> -> memref<131072x384xf32, #tpu.memory_space<hbm>>
    tpu.enqueue_indirect_dma source(%dma_start3A_852 : memref<131072x384xf32, #tpu.memory_space<hbm>>) target(%arg13 : memref<32x384xf32, #tpu.memory_space<vmem>>) offsets(%dma_start3A_849 : memref<32xi32, #tpu.memory_space<vmem>>) semaphore(%arg21 : memref<!tpu.dma_semaphore, #tpu.memory_space<semaphore_mem>>)
    %dma_wait3A_853 = arith.constant 1088 : i32
    %dma_wait3A_854 = tpu.memref_slice %arg12[%dma_wait3A_853] : memref<2048xi32, #tpu.memory_space<vmem>> -> memref<32xi32, #tpu.memory_space<vmem>>
    %dma_wait3A_855 = arith.constant 0 : i32
    %dma_wait3A_856 = arith.constant 0 : i32
    %dma_wait3A_857 = tpu.memref_slice %arg3[%dma_wait3A_855, %dma_wait3A_856] : memref<131072x384xf32, #tpu.memory_space<hbm>> -> memref<131072x384xf32, #tpu.memory_space<hbm>>
    tpu.wait_indirect_dma semaphore(%arg23 : memref<!tpu.dma_semaphore, #tpu.memory_space<semaphore_mem>>) src(%dma_wait3A_857 : memref<131072x384xf32, #tpu.memory_space<hbm>>) dst(%arg15 : memref<32x384xf32, #tpu.memory_space<vmem>>)
    %mul3A_858 = arith.constant 2048 : i32
    %mul3A_859 = arith.muli %add3A, %mul3A_858 : i32
    %add3A_860 = arith.constant 1088 : i32
    %add3A_861 = arith.addi %mul3A_859, %add3A_860 : i32
    %dma_start3A_862 = arith.constant 0 : i32
    %dma_start3A_863 = tpu.memref_slice %arg4[%add3A_861, %dma_start3A_862] : memref<65536x384xf32, #tpu.memory_space<hbm>> -> memref<32x384xf32, #tpu.memory_space<hbm>>
    %dma_start3A_864 = arith.constant 0 : i32
    %dma_start3A_865 = tpu.memref_slice %arg4[%add3A_861, %dma_start3A_864] : memref<65536x384xf32, #tpu.memory_space<hbm>> -> memref<32x384xf32, #tpu.memory_space<hbm>>
    tpu.enqueue_dma source(%arg15 : memref<32x384xf32, #tpu.memory_space<vmem>>) target(%dma_start3A_865 : memref<32x384xf32, #tpu.memory_space<hbm>>) target_semaphore(%arg31 : memref<!tpu.dma_semaphore, #tpu.memory_space<semaphore_mem>>)
    %dma_wait3A_866 = arith.constant 0 : i32
    %dma_wait3A_867 = tpu.memref_slice %arg4[%add3A_839, %dma_wait3A_866] : memref<65536x384xf32, #tpu.memory_space<hbm>> -> memref<32x384xf32, #tpu.memory_space<hbm>>
    %dma_wait3A_868 = arith.constant 0 : i32
    %dma_wait3A_869 = tpu.memref_slice %arg4[%add3A_839, %dma_wait3A_868] : memref<65536x384xf32, #tpu.memory_space<hbm>> -> memref<32x384xf32, #tpu.memory_space<hbm>>
    tpu.wait_dma2 semaphore(%arg30 : memref<!tpu.dma_semaphore, #tpu.memory_space<semaphore_mem>>) src(%arg14 : memref<32x384xf32, #tpu.memory_space<vmem>>) dst(%dma_wait3A_869 : memref<32x384xf32, #tpu.memory_space<hbm>>)
    %dma_start3A_870 = arith.constant 1312 : i32
    %dma_start3A_871 = tpu.memref_slice %arg12[%dma_start3A_870] : memref<2048xi32, #tpu.memory_space<vmem>> -> memref<32xi32, #tpu.memory_space<vmem>>
    %dma_start3A_872 = arith.constant 0 : i32
    %dma_start3A_873 = arith.constant 0 : i32
    %dma_start3A_874 = tpu.memref_slice %arg3[%dma_start3A_872, %dma_start3A_873] : memref<131072x384xf32, #tpu.memory_space<hbm>> -> memref<131072x384xf32, #tpu.memory_space<hbm>>
    tpu.enqueue_indirect_dma source(%dma_start3A_874 : memref<131072x384xf32, #tpu.memory_space<hbm>>) target(%arg14 : memref<32x384xf32, #tpu.memory_space<vmem>>) offsets(%dma_start3A_871 : memref<32xi32, #tpu.memory_space<vmem>>) semaphore(%arg22 : memref<!tpu.dma_semaphore, #tpu.memory_space<semaphore_mem>>)
    %dma_wait3A_875 = arith.constant 1120 : i32
    %dma_wait3A_876 = tpu.memref_slice %arg12[%dma_wait3A_875] : memref<2048xi32, #tpu.memory_space<vmem>> -> memref<32xi32, #tpu.memory_space<vmem>>
    %dma_wait3A_877 = arith.constant 0 : i32
    %dma_wait3A_878 = arith.constant 0 : i32
    %dma_wait3A_879 = tpu.memref_slice %arg3[%dma_wait3A_877, %dma_wait3A_878] : memref<131072x384xf32, #tpu.memory_space<hbm>> -> memref<131072x384xf32, #tpu.memory_space<hbm>>
    tpu.wait_indirect_dma semaphore(%arg24 : memref<!tpu.dma_semaphore, #tpu.memory_space<semaphore_mem>>) src(%dma_wait3A_879 : memref<131072x384xf32, #tpu.memory_space<hbm>>) dst(%arg16 : memref<32x384xf32, #tpu.memory_space<vmem>>)
    %mul3A_880 = arith.constant 2048 : i32
    %mul3A_881 = arith.muli %add3A, %mul3A_880 : i32
    %add3A_882 = arith.constant 1120 : i32
    %add3A_883 = arith.addi %mul3A_881, %add3A_882 : i32
    %dma_start3A_884 = arith.constant 0 : i32
    %dma_start3A_885 = tpu.memref_slice %arg4[%add3A_883, %dma_start3A_884] : memref<65536x384xf32, #tpu.memory_space<hbm>> -> memref<32x384xf32, #tpu.memory_space<hbm>>
    %dma_start3A_886 = arith.constant 0 : i32
    %dma_start3A_887 = tpu.memref_slice %arg4[%add3A_883, %dma_start3A_886] : memref<65536x384xf32, #tpu.memory_space<hbm>> -> memref<32x384xf32, #tpu.memory_space<hbm>>
    tpu.enqueue_dma source(%arg16 : memref<32x384xf32, #tpu.memory_space<vmem>>) target(%dma_start3A_887 : memref<32x384xf32, #tpu.memory_space<hbm>>) target_semaphore(%arg32 : memref<!tpu.dma_semaphore, #tpu.memory_space<semaphore_mem>>)
    %dma_wait3A_888 = arith.constant 0 : i32
    %dma_wait3A_889 = tpu.memref_slice %arg4[%add3A_861, %dma_wait3A_888] : memref<65536x384xf32, #tpu.memory_space<hbm>> -> memref<32x384xf32, #tpu.memory_space<hbm>>
    %dma_wait3A_890 = arith.constant 0 : i32
    %dma_wait3A_891 = tpu.memref_slice %arg4[%add3A_861, %dma_wait3A_890] : memref<65536x384xf32, #tpu.memory_space<hbm>> -> memref<32x384xf32, #tpu.memory_space<hbm>>
    tpu.wait_dma2 semaphore(%arg31 : memref<!tpu.dma_semaphore, #tpu.memory_space<semaphore_mem>>) src(%arg15 : memref<32x384xf32, #tpu.memory_space<vmem>>) dst(%dma_wait3A_891 : memref<32x384xf32, #tpu.memory_space<hbm>>)
    %dma_start3A_892 = arith.constant 1344 : i32
    %dma_start3A_893 = tpu.memref_slice %arg12[%dma_start3A_892] : memref<2048xi32, #tpu.memory_space<vmem>> -> memref<32xi32, #tpu.memory_space<vmem>>
    %dma_start3A_894 = arith.constant 0 : i32
    %dma_start3A_895 = arith.constant 0 : i32
    %dma_start3A_896 = tpu.memref_slice %arg3[%dma_start3A_894, %dma_start3A_895] : memref<131072x384xf32, #tpu.memory_space<hbm>> -> memref<131072x384xf32, #tpu.memory_space<hbm>>
    tpu.enqueue_indirect_dma source(%dma_start3A_896 : memref<131072x384xf32, #tpu.memory_space<hbm>>) target(%arg15 : memref<32x384xf32, #tpu.memory_space<vmem>>) offsets(%dma_start3A_893 : memref<32xi32, #tpu.memory_space<vmem>>) semaphore(%arg23 : memref<!tpu.dma_semaphore, #tpu.memory_space<semaphore_mem>>)
    %dma_wait3A_897 = arith.constant 1152 : i32
    %dma_wait3A_898 = tpu.memref_slice %arg12[%dma_wait3A_897] : memref<2048xi32, #tpu.memory_space<vmem>> -> memref<32xi32, #tpu.memory_space<vmem>>
    %dma_wait3A_899 = arith.constant 0 : i32
    %dma_wait3A_900 = arith.constant 0 : i32
    %dma_wait3A_901 = tpu.memref_slice %arg3[%dma_wait3A_899, %dma_wait3A_900] : memref<131072x384xf32, #tpu.memory_space<hbm>> -> memref<131072x384xf32, #tpu.memory_space<hbm>>
    tpu.wait_indirect_dma semaphore(%arg25 : memref<!tpu.dma_semaphore, #tpu.memory_space<semaphore_mem>>) src(%dma_wait3A_901 : memref<131072x384xf32, #tpu.memory_space<hbm>>) dst(%arg17 : memref<32x384xf32, #tpu.memory_space<vmem>>)
    %mul3A_902 = arith.constant 2048 : i32
    %mul3A_903 = arith.muli %add3A, %mul3A_902 : i32
    %add3A_904 = arith.constant 1152 : i32
    %add3A_905 = arith.addi %mul3A_903, %add3A_904 : i32
    %dma_start3A_906 = arith.constant 0 : i32
    %dma_start3A_907 = tpu.memref_slice %arg4[%add3A_905, %dma_start3A_906] : memref<65536x384xf32, #tpu.memory_space<hbm>> -> memref<32x384xf32, #tpu.memory_space<hbm>>
    %dma_start3A_908 = arith.constant 0 : i32
    %dma_start3A_909 = tpu.memref_slice %arg4[%add3A_905, %dma_start3A_908] : memref<65536x384xf32, #tpu.memory_space<hbm>> -> memref<32x384xf32, #tpu.memory_space<hbm>>
    tpu.enqueue_dma source(%arg17 : memref<32x384xf32, #tpu.memory_space<vmem>>) target(%dma_start3A_909 : memref<32x384xf32, #tpu.memory_space<hbm>>) target_semaphore(%arg33 : memref<!tpu.dma_semaphore, #tpu.memory_space<semaphore_mem>>)
    %dma_wait3A_910 = arith.constant 0 : i32
    %dma_wait3A_911 = tpu.memref_slice %arg4[%add3A_883, %dma_wait3A_910] : memref<65536x384xf32, #tpu.memory_space<hbm>> -> memref<32x384xf32, #tpu.memory_space<hbm>>
    %dma_wait3A_912 = arith.constant 0 : i32
    %dma_wait3A_913 = tpu.memref_slice %arg4[%add3A_883, %dma_wait3A_912] : memref<65536x384xf32, #tpu.memory_space<hbm>> -> memref<32x384xf32, #tpu.memory_space<hbm>>
    tpu.wait_dma2 semaphore(%arg32 : memref<!tpu.dma_semaphore, #tpu.memory_space<semaphore_mem>>) src(%arg16 : memref<32x384xf32, #tpu.memory_space<vmem>>) dst(%dma_wait3A_913 : memref<32x384xf32, #tpu.memory_space<hbm>>)
    %dma_start3A_914 = arith.constant 1376 : i32
    %dma_start3A_915 = tpu.memref_slice %arg12[%dma_start3A_914] : memref<2048xi32, #tpu.memory_space<vmem>> -> memref<32xi32, #tpu.memory_space<vmem>>
    %dma_start3A_916 = arith.constant 0 : i32
    %dma_start3A_917 = arith.constant 0 : i32
    %dma_start3A_918 = tpu.memref_slice %arg3[%dma_start3A_916, %dma_start3A_917] : memref<131072x384xf32, #tpu.memory_space<hbm>> -> memref<131072x384xf32, #tpu.memory_space<hbm>>
    tpu.enqueue_indirect_dma source(%dma_start3A_918 : memref<131072x384xf32, #tpu.memory_space<hbm>>) target(%arg16 : memref<32x384xf32, #tpu.memory_space<vmem>>) offsets(%dma_start3A_915 : memref<32xi32, #tpu.memory_space<vmem>>) semaphore(%arg24 : memref<!tpu.dma_semaphore, #tpu.memory_space<semaphore_mem>>)
    %dma_wait3A_919 = arith.constant 1184 : i32
    %dma_wait3A_920 = tpu.memref_slice %arg12[%dma_wait3A_919] : memref<2048xi32, #tpu.memory_space<vmem>> -> memref<32xi32, #tpu.memory_space<vmem>>
    %dma_wait3A_921 = arith.constant 0 : i32
    %dma_wait3A_922 = arith.constant 0 : i32
    %dma_wait3A_923 = tpu.memref_slice %arg3[%dma_wait3A_921, %dma_wait3A_922] : memref<131072x384xf32, #tpu.memory_space<hbm>> -> memref<131072x384xf32, #tpu.memory_space<hbm>>
    tpu.wait_indirect_dma semaphore(%arg26 : memref<!tpu.dma_semaphore, #tpu.memory_space<semaphore_mem>>) src(%dma_wait3A_923 : memref<131072x384xf32, #tpu.memory_space<hbm>>) dst(%arg18 : memref<32x384xf32, #tpu.memory_space<vmem>>)
    %mul3A_924 = arith.constant 2048 : i32
    %mul3A_925 = arith.muli %add3A, %mul3A_924 : i32
    %add3A_926 = arith.constant 1184 : i32
    %add3A_927 = arith.addi %mul3A_925, %add3A_926 : i32
    %dma_start3A_928 = arith.constant 0 : i32
    %dma_start3A_929 = tpu.memref_slice %arg4[%add3A_927, %dma_start3A_928] : memref<65536x384xf32, #tpu.memory_space<hbm>> -> memref<32x384xf32, #tpu.memory_space<hbm>>
    %dma_start3A_930 = arith.constant 0 : i32
    %dma_start3A_931 = tpu.memref_slice %arg4[%add3A_927, %dma_start3A_930] : memref<65536x384xf32, #tpu.memory_space<hbm>> -> memref<32x384xf32, #tpu.memory_space<hbm>>
    tpu.enqueue_dma source(%arg18 : memref<32x384xf32, #tpu.memory_space<vmem>>) target(%dma_start3A_931 : memref<32x384xf32, #tpu.memory_space<hbm>>) target_semaphore(%arg34 : memref<!tpu.dma_semaphore, #tpu.memory_space<semaphore_mem>>)
    %dma_wait3A_932 = arith.constant 0 : i32
    %dma_wait3A_933 = tpu.memref_slice %arg4[%add3A_905, %dma_wait3A_932] : memref<65536x384xf32, #tpu.memory_space<hbm>> -> memref<32x384xf32, #tpu.memory_space<hbm>>
    %dma_wait3A_934 = arith.constant 0 : i32
    %dma_wait3A_935 = tpu.memref_slice %arg4[%add3A_905, %dma_wait3A_934] : memref<65536x384xf32, #tpu.memory_space<hbm>> -> memref<32x384xf32, #tpu.memory_space<hbm>>
    tpu.wait_dma2 semaphore(%arg33 : memref<!tpu.dma_semaphore, #tpu.memory_space<semaphore_mem>>) src(%arg17 : memref<32x384xf32, #tpu.memory_space<vmem>>) dst(%dma_wait3A_935 : memref<32x384xf32, #tpu.memory_space<hbm>>)
    %dma_start3A_936 = arith.constant 1408 : i32
    %dma_start3A_937 = tpu.memref_slice %arg12[%dma_start3A_936] : memref<2048xi32, #tpu.memory_space<vmem>> -> memref<32xi32, #tpu.memory_space<vmem>>
    %dma_start3A_938 = arith.constant 0 : i32
    %dma_start3A_939 = arith.constant 0 : i32
    %dma_start3A_940 = tpu.memref_slice %arg3[%dma_start3A_938, %dma_start3A_939] : memref<131072x384xf32, #tpu.memory_space<hbm>> -> memref<131072x384xf32, #tpu.memory_space<hbm>>
    tpu.enqueue_indirect_dma source(%dma_start3A_940 : memref<131072x384xf32, #tpu.memory_space<hbm>>) target(%arg17 : memref<32x384xf32, #tpu.memory_space<vmem>>) offsets(%dma_start3A_937 : memref<32xi32, #tpu.memory_space<vmem>>) semaphore(%arg25 : memref<!tpu.dma_semaphore, #tpu.memory_space<semaphore_mem>>)
    %dma_wait3A_941 = arith.constant 1216 : i32
    %dma_wait3A_942 = tpu.memref_slice %arg12[%dma_wait3A_941] : memref<2048xi32, #tpu.memory_space<vmem>> -> memref<32xi32, #tpu.memory_space<vmem>>
    %dma_wait3A_943 = arith.constant 0 : i32
    %dma_wait3A_944 = arith.constant 0 : i32
    %dma_wait3A_945 = tpu.memref_slice %arg3[%dma_wait3A_943, %dma_wait3A_944] : memref<131072x384xf32, #tpu.memory_space<hbm>> -> memref<131072x384xf32, #tpu.memory_space<hbm>>
    tpu.wait_indirect_dma semaphore(%arg27 : memref<!tpu.dma_semaphore, #tpu.memory_space<semaphore_mem>>) src(%dma_wait3A_945 : memref<131072x384xf32, #tpu.memory_space<hbm>>) dst(%arg19 : memref<32x384xf32, #tpu.memory_space<vmem>>)
    %mul3A_946 = arith.constant 2048 : i32
    %mul3A_947 = arith.muli %add3A, %mul3A_946 : i32
    %add3A_948 = arith.constant 1216 : i32
    %add3A_949 = arith.addi %mul3A_947, %add3A_948 : i32
    %dma_start3A_950 = arith.constant 0 : i32
    %dma_start3A_951 = tpu.memref_slice %arg4[%add3A_949, %dma_start3A_950] : memref<65536x384xf32, #tpu.memory_space<hbm>> -> memref<32x384xf32, #tpu.memory_space<hbm>>
    %dma_start3A_952 = arith.constant 0 : i32
    %dma_start3A_953 = tpu.memref_slice %arg4[%add3A_949, %dma_start3A_952] : memref<65536x384xf32, #tpu.memory_space<hbm>> -> memref<32x384xf32, #tpu.memory_space<hbm>>
    tpu.enqueue_dma source(%arg19 : memref<32x384xf32, #tpu.memory_space<vmem>>) target(%dma_start3A_953 : memref<32x384xf32, #tpu.memory_space<hbm>>) target_semaphore(%arg35 : memref<!tpu.dma_semaphore, #tpu.memory_space<semaphore_mem>>)
    %dma_wait3A_954 = arith.constant 0 : i32
    %dma_wait3A_955 = tpu.memref_slice %arg4[%add3A_927, %dma_wait3A_954] : memref<65536x384xf32, #tpu.memory_space<hbm>> -> memref<32x384xf32, #tpu.memory_space<hbm>>
    %dma_wait3A_956 = arith.constant 0 : i32
    %dma_wait3A_957 = tpu.memref_slice %arg4[%add3A_927, %dma_wait3A_956] : memref<65536x384xf32, #tpu.memory_space<hbm>> -> memref<32x384xf32, #tpu.memory_space<hbm>>
    tpu.wait_dma2 semaphore(%arg34 : memref<!tpu.dma_semaphore, #tpu.memory_space<semaphore_mem>>) src(%arg18 : memref<32x384xf32, #tpu.memory_space<vmem>>) dst(%dma_wait3A_957 : memref<32x384xf32, #tpu.memory_space<hbm>>)
    %dma_start3A_958 = arith.constant 1440 : i32
    %dma_start3A_959 = tpu.memref_slice %arg12[%dma_start3A_958] : memref<2048xi32, #tpu.memory_space<vmem>> -> memref<32xi32, #tpu.memory_space<vmem>>
    %dma_start3A_960 = arith.constant 0 : i32
    %dma_start3A_961 = arith.constant 0 : i32
    %dma_start3A_962 = tpu.memref_slice %arg3[%dma_start3A_960, %dma_start3A_961] : memref<131072x384xf32, #tpu.memory_space<hbm>> -> memref<131072x384xf32, #tpu.memory_space<hbm>>
    tpu.enqueue_indirect_dma source(%dma_start3A_962 : memref<131072x384xf32, #tpu.memory_space<hbm>>) target(%arg18 : memref<32x384xf32, #tpu.memory_space<vmem>>) offsets(%dma_start3A_959 : memref<32xi32, #tpu.memory_space<vmem>>) semaphore(%arg26 : memref<!tpu.dma_semaphore, #tpu.memory_space<semaphore_mem>>)
    %dma_wait3A_963 = arith.constant 1248 : i32
    %dma_wait3A_964 = tpu.memref_slice %arg12[%dma_wait3A_963] : memref<2048xi32, #tpu.memory_space<vmem>> -> memref<32xi32, #tpu.memory_space<vmem>>
    %dma_wait3A_965 = arith.constant 0 : i32
    %dma_wait3A_966 = arith.constant 0 : i32
    %dma_wait3A_967 = tpu.memref_slice %arg3[%dma_wait3A_965, %dma_wait3A_966] : memref<131072x384xf32, #tpu.memory_space<hbm>> -> memref<131072x384xf32, #tpu.memory_space<hbm>>
    tpu.wait_indirect_dma semaphore(%arg28 : memref<!tpu.dma_semaphore, #tpu.memory_space<semaphore_mem>>) src(%dma_wait3A_967 : memref<131072x384xf32, #tpu.memory_space<hbm>>) dst(%arg20 : memref<32x384xf32, #tpu.memory_space<vmem>>)
    %mul3A_968 = arith.constant 2048 : i32
    %mul3A_969 = arith.muli %add3A, %mul3A_968 : i32
    %add3A_970 = arith.constant 1248 : i32
    %add3A_971 = arith.addi %mul3A_969, %add3A_970 : i32
    %dma_start3A_972 = arith.constant 0 : i32
    %dma_start3A_973 = tpu.memref_slice %arg4[%add3A_971, %dma_start3A_972] : memref<65536x384xf32, #tpu.memory_space<hbm>> -> memref<32x384xf32, #tpu.memory_space<hbm>>
    %dma_start3A_974 = arith.constant 0 : i32
    %dma_start3A_975 = tpu.memref_slice %arg4[%add3A_971, %dma_start3A_974] : memref<65536x384xf32, #tpu.memory_space<hbm>> -> memref<32x384xf32, #tpu.memory_space<hbm>>
    tpu.enqueue_dma source(%arg20 : memref<32x384xf32, #tpu.memory_space<vmem>>) target(%dma_start3A_975 : memref<32x384xf32, #tpu.memory_space<hbm>>) target_semaphore(%arg36 : memref<!tpu.dma_semaphore, #tpu.memory_space<semaphore_mem>>)
    %dma_wait3A_976 = arith.constant 0 : i32
    %dma_wait3A_977 = tpu.memref_slice %arg4[%add3A_949, %dma_wait3A_976] : memref<65536x384xf32, #tpu.memory_space<hbm>> -> memref<32x384xf32, #tpu.memory_space<hbm>>
    %dma_wait3A_978 = arith.constant 0 : i32
    %dma_wait3A_979 = tpu.memref_slice %arg4[%add3A_949, %dma_wait3A_978] : memref<65536x384xf32, #tpu.memory_space<hbm>> -> memref<32x384xf32, #tpu.memory_space<hbm>>
    tpu.wait_dma2 semaphore(%arg35 : memref<!tpu.dma_semaphore, #tpu.memory_space<semaphore_mem>>) src(%arg19 : memref<32x384xf32, #tpu.memory_space<vmem>>) dst(%dma_wait3A_979 : memref<32x384xf32, #tpu.memory_space<hbm>>)
    %dma_start3A_980 = arith.constant 1472 : i32
    %dma_start3A_981 = tpu.memref_slice %arg12[%dma_start3A_980] : memref<2048xi32, #tpu.memory_space<vmem>> -> memref<32xi32, #tpu.memory_space<vmem>>
    %dma_start3A_982 = arith.constant 0 : i32
    %dma_start3A_983 = arith.constant 0 : i32
    %dma_start3A_984 = tpu.memref_slice %arg3[%dma_start3A_982, %dma_start3A_983] : memref<131072x384xf32, #tpu.memory_space<hbm>> -> memref<131072x384xf32, #tpu.memory_space<hbm>>
    tpu.enqueue_indirect_dma source(%dma_start3A_984 : memref<131072x384xf32, #tpu.memory_space<hbm>>) target(%arg19 : memref<32x384xf32, #tpu.memory_space<vmem>>) offsets(%dma_start3A_981 : memref<32xi32, #tpu.memory_space<vmem>>) semaphore(%arg27 : memref<!tpu.dma_semaphore, #tpu.memory_space<semaphore_mem>>)
    %dma_wait3A_985 = arith.constant 1280 : i32
    %dma_wait3A_986 = tpu.memref_slice %arg12[%dma_wait3A_985] : memref<2048xi32, #tpu.memory_space<vmem>> -> memref<32xi32, #tpu.memory_space<vmem>>
    %dma_wait3A_987 = arith.constant 0 : i32
    %dma_wait3A_988 = arith.constant 0 : i32
    %dma_wait3A_989 = tpu.memref_slice %arg3[%dma_wait3A_987, %dma_wait3A_988] : memref<131072x384xf32, #tpu.memory_space<hbm>> -> memref<131072x384xf32, #tpu.memory_space<hbm>>
    tpu.wait_indirect_dma semaphore(%arg21 : memref<!tpu.dma_semaphore, #tpu.memory_space<semaphore_mem>>) src(%dma_wait3A_989 : memref<131072x384xf32, #tpu.memory_space<hbm>>) dst(%arg13 : memref<32x384xf32, #tpu.memory_space<vmem>>)
    %mul3A_990 = arith.constant 2048 : i32
    %mul3A_991 = arith.muli %add3A, %mul3A_990 : i32
    %add3A_992 = arith.constant 1280 : i32
    %add3A_993 = arith.addi %mul3A_991, %add3A_992 : i32
    %dma_start3A_994 = arith.constant 0 : i32
    %dma_start3A_995 = tpu.memref_slice %arg4[%add3A_993, %dma_start3A_994] : memref<65536x384xf32, #tpu.memory_space<hbm>> -> memref<32x384xf32, #tpu.memory_space<hbm>>
    %dma_start3A_996 = arith.constant 0 : i32
    %dma_start3A_997 = tpu.memref_slice %arg4[%add3A_993, %dma_start3A_996] : memref<65536x384xf32, #tpu.memory_space<hbm>> -> memref<32x384xf32, #tpu.memory_space<hbm>>
    tpu.enqueue_dma source(%arg13 : memref<32x384xf32, #tpu.memory_space<vmem>>) target(%dma_start3A_997 : memref<32x384xf32, #tpu.memory_space<hbm>>) target_semaphore(%arg29 : memref<!tpu.dma_semaphore, #tpu.memory_space<semaphore_mem>>)
    %dma_wait3A_998 = arith.constant 0 : i32
    %dma_wait3A_999 = tpu.memref_slice %arg4[%add3A_971, %dma_wait3A_998] : memref<65536x384xf32, #tpu.memory_space<hbm>> -> memref<32x384xf32, #tpu.memory_space<hbm>>
    %dma_wait3A_1000 = arith.constant 0 : i32
    %dma_wait3A_1001 = tpu.memref_slice %arg4[%add3A_971, %dma_wait3A_1000] : memref<65536x384xf32, #tpu.memory_space<hbm>> -> memref<32x384xf32, #tpu.memory_space<hbm>>
    tpu.wait_dma2 semaphore(%arg36 : memref<!tpu.dma_semaphore, #tpu.memory_space<semaphore_mem>>) src(%arg20 : memref<32x384xf32, #tpu.memory_space<vmem>>) dst(%dma_wait3A_1001 : memref<32x384xf32, #tpu.memory_space<hbm>>)
    %dma_start3A_1002 = arith.constant 1504 : i32
    %dma_start3A_1003 = tpu.memref_slice %arg12[%dma_start3A_1002] : memref<2048xi32, #tpu.memory_space<vmem>> -> memref<32xi32, #tpu.memory_space<vmem>>
    %dma_start3A_1004 = arith.constant 0 : i32
    %dma_start3A_1005 = arith.constant 0 : i32
    %dma_start3A_1006 = tpu.memref_slice %arg3[%dma_start3A_1004, %dma_start3A_1005] : memref<131072x384xf32, #tpu.memory_space<hbm>> -> memref<131072x384xf32, #tpu.memory_space<hbm>>
    tpu.enqueue_indirect_dma source(%dma_start3A_1006 : memref<131072x384xf32, #tpu.memory_space<hbm>>) target(%arg20 : memref<32x384xf32, #tpu.memory_space<vmem>>) offsets(%dma_start3A_1003 : memref<32xi32, #tpu.memory_space<vmem>>) semaphore(%arg28 : memref<!tpu.dma_semaphore, #tpu.memory_space<semaphore_mem>>)
    %dma_wait3A_1007 = arith.constant 1312 : i32
    %dma_wait3A_1008 = tpu.memref_slice %arg12[%dma_wait3A_1007] : memref<2048xi32, #tpu.memory_space<vmem>> -> memref<32xi32, #tpu.memory_space<vmem>>
    %dma_wait3A_1009 = arith.constant 0 : i32
    %dma_wait3A_1010 = arith.constant 0 : i32
    %dma_wait3A_1011 = tpu.memref_slice %arg3[%dma_wait3A_1009, %dma_wait3A_1010] : memref<131072x384xf32, #tpu.memory_space<hbm>> -> memref<131072x384xf32, #tpu.memory_space<hbm>>
    tpu.wait_indirect_dma semaphore(%arg22 : memref<!tpu.dma_semaphore, #tpu.memory_space<semaphore_mem>>) src(%dma_wait3A_1011 : memref<131072x384xf32, #tpu.memory_space<hbm>>) dst(%arg14 : memref<32x384xf32, #tpu.memory_space<vmem>>)
    %mul3A_1012 = arith.constant 2048 : i32
    %mul3A_1013 = arith.muli %add3A, %mul3A_1012 : i32
    %add3A_1014 = arith.constant 1312 : i32
    %add3A_1015 = arith.addi %mul3A_1013, %add3A_1014 : i32
    %dma_start3A_1016 = arith.constant 0 : i32
    %dma_start3A_1017 = tpu.memref_slice %arg4[%add3A_1015, %dma_start3A_1016] : memref<65536x384xf32, #tpu.memory_space<hbm>> -> memref<32x384xf32, #tpu.memory_space<hbm>>
    %dma_start3A_1018 = arith.constant 0 : i32
    %dma_start3A_1019 = tpu.memref_slice %arg4[%add3A_1015, %dma_start3A_1018] : memref<65536x384xf32, #tpu.memory_space<hbm>> -> memref<32x384xf32, #tpu.memory_space<hbm>>
    tpu.enqueue_dma source(%arg14 : memref<32x384xf32, #tpu.memory_space<vmem>>) target(%dma_start3A_1019 : memref<32x384xf32, #tpu.memory_space<hbm>>) target_semaphore(%arg30 : memref<!tpu.dma_semaphore, #tpu.memory_space<semaphore_mem>>)
    %add3A_1020 = arith.constant 3 : i32
    %add3A_1021 = arith.addi %mul3A_2, %add3A_1020 : i32
    %dma_wait3A_1022 = arith.constant 0 : i32
    %dma_wait3A_1023 = tpu.memref_slice %arg2[%add3A_27, %dma_wait3A_1022] : memref<128x1024xi32, #tpu.memory_space<hbm>> -> memref<1x1024xi32, #tpu.memory_space<hbm>>
    %dma_wait3A_1024 = tpu.memref_squeeze %dma_wait3A_1023 : memref<1x1024xi32, #tpu.memory_space<hbm>> -> memref<1024xi32, #tpu.memory_space<hbm>>
    %dma_wait3A_1025 = arith.constant 0 : i32
    %dma_wait3A_1026 = tpu.memref_slice %arg2[%add3A_27, %dma_wait3A_1025] : memref<128x1024xi32, #tpu.memory_space<hbm>> -> memref<1x1024xi32, #tpu.memory_space<hbm>>
    %dma_wait3A_1027 = tpu.memref_squeeze %dma_wait3A_1026 : memref<1x1024xi32, #tpu.memory_space<hbm>> -> memref<1024xi32, #tpu.memory_space<hbm>>
    tpu.wait_dma2 semaphore(%arg40 : memref<!tpu.dma_semaphore, #tpu.memory_space<semaphore_mem>>) src(%dma_wait3A_1027 : memref<1024xi32, #tpu.memory_space<hbm>>) dst(%arg10 : memref<1024xi32, #tpu.memory_space<vmem>>)
    %scan3A_1028 = arith.constant 0 : i32
    %scan3A_1029 = arith.constant 0 : i32
    %scan3A_1030 = arith.constant 64 : i32
    %scan3A_1031 = arith.addi %scan3A_1029, %scan3A_1030 : i32
    %scan3A_1032 = arith.constant 1 : i32
    scf.for %scan3A_1536 = %scan3A_1029 to %scan3A_1031 step %scan3A_1032  : i32 {
      %mul3A_1537 = arith.constant 16 : i32
      %mul3A_1538 = arith.muli %scan3A_1536, %mul3A_1537 : i32
      %get3A = arith.index_cast %mul3A_1538 : i32 to index
      %get3A_1539 = tpu.vector_load %arg10[%get3A] {strides = array<i32>} : memref<1024xi32, #tpu.memory_space<vmem>>, vector<16xi32>,
      %mul3A_1540 = arith.constant 16 : i32
      %mul3A_1541 = arith.muli %scan3A_1536, %mul3A_1540 : i32
      %add3A_1542 = vector.broadcast %mul3A_1541 : i32 to vector<16xi32>
      %add3A_1543 = arith.addi %add3A_1542, %iota3A : vector<16xi32>
      %lt3A = arith.constant 512 : i32
      %lt3A_1544 = vector.broadcast %lt3A : i32 to vector<16xi32>
      %lt3A_1545 = arith.cmpi slt, %get3A_1539, %lt3A_1544 : vector<16xi32>
      %jit3A = arith.constant 3 : i32
      %jit3A_1546 = arith.constant 7 : i32
      %broadcast_in_dim3A = vector.broadcast %jit3A : i32 to vector<16xi32>
      %broadcast_in_dim3A_1547 = vector.broadcast %jit3A_1546 : i32 to vector<16xi32>
      %select_n3A = arith.select %lt3A_1545, %broadcast_in_dim3A, %broadcast_in_dim3A_1547 : vector<16xi1>, vector<16xi32>
      %sub3A = arith.constant 512 : i32
      %sub3A_1548 = vector.broadcast %sub3A : i32 to vector<16xi32>
      %sub3A_1549 = arith.subi %get3A_1539, %sub3A_1548 : vector<16xi32>
      %select_n3A_1550 = arith.select %lt3A_1545, %get3A_1539, %sub3A_1549 : vector<16xi1>, vector<16xi32>
      tpu.vector_store_idx %arg11[%select_n3A, %select_n3A_1550], %add3A_1543 : memref<8x512xi32, #tpu.memory_space<vmem>>[vector<16xi32>, vector<16xi32>], vector<16xi32>,
      %add3A_1551 = arith.constant 1536 : i32
      %add3A_1552 = vector.broadcast %add3A_1551 : i32 to vector<16xi32>
      %add3A_1553 = arith.addi %add3A_1552, %get3A_1539 : vector<16xi32>
      %jit3A_1554 = arith.constant 0 : i32
      %broadcast_in_dim3A_1555 = vector.broadcast %jit3A_1554 : i32 to vector<16xi32>
      %select_n3A_1556 = arith.select %lt3A_1545, %add3A_1553, %broadcast_in_dim3A_1555 : vector<16xi1>, vector<16xi32>
      %mul3A_1557 = arith.constant 1024 : i32
      %mul3A_1558 = arith.muli %add3A_1021, %mul3A_1557 : i32
      %add3A_1559 = vector.broadcast %mul3A_1558 : i32 to vector<16xi32>
      %add3A_1560 = arith.addi %add3A_1543, %add3A_1559 : vector<16xi32>
      tpu.vector_store_idx %arg12[%select_n3A_1556], %add3A_1560 masked %lt3A_1545 : memref<2048xi32, #tpu.memory_space<vmem>>[vector<16xi32>], vector<16xi32>, vector<16xi1>
    }
    %scan3A_1033 = arith.constant 64 : i32
    %dma_wait3A_1034 = arith.constant 0 : i32
    %dma_wait3A_1035 = tpu.memref_slice %arg4[%add3A_993, %dma_wait3A_1034] : memref<65536x384xf32, #tpu.memory_space<hbm>> -> memref<32x384xf32, #tpu.memory_space<hbm>>
    %dma_wait3A_1036 = arith.constant 0 : i32
    %dma_wait3A_1037 = tpu.memref_slice %arg4[%add3A_993, %dma_wait3A_1036] : memref<65536x384xf32, #tpu.memory_space<hbm>> -> memref<32x384xf32, #tpu.memory_space<hbm>>
    tpu.wait_dma2 semaphore(%arg29 : memref<!tpu.dma_semaphore, #tpu.memory_space<semaphore_mem>>) src(%arg13 : memref<32x384xf32, #tpu.memory_space<vmem>>) dst(%dma_wait3A_1037 : memref<32x384xf32, #tpu.memory_space<hbm>>)
    %dma_start3A_1038 = arith.constant 1536 : i32
    %dma_start3A_1039 = tpu.memref_slice %arg12[%dma_start3A_1038] : memref<2048xi32, #tpu.memory_space<vmem>> -> memref<32xi32, #tpu.memory_space<vmem>>
    %dma_start3A_1040 = arith.constant 0 : i32
    %dma_start3A_1041 = arith.constant 0 : i32
    %dma_start3A_1042 = tpu.memref_slice %arg3[%dma_start3A_1040, %dma_start3A_1041] : memref<131072x384xf32, #tpu.memory_space<hbm>> -> memref<131072x384xf32, #tpu.memory_space<hbm>>
    tpu.enqueue_indirect_dma source(%dma_start3A_1042 : memref<131072x384xf32, #tpu.memory_space<hbm>>) target(%arg13 : memref<32x384xf32, #tpu.memory_space<vmem>>) offsets(%dma_start3A_1039 : memref<32xi32, #tpu.memory_space<vmem>>) semaphore(%arg21 : memref<!tpu.dma_semaphore, #tpu.memory_space<semaphore_mem>>)
    %dma_wait3A_1043 = arith.constant 1344 : i32
    %dma_wait3A_1044 = tpu.memref_slice %arg12[%dma_wait3A_1043] : memref<2048xi32, #tpu.memory_space<vmem>> -> memref<32xi32, #tpu.memory_space<vmem>>
    %dma_wait3A_1045 = arith.constant 0 : i32
    %dma_wait3A_1046 = arith.constant 0 : i32
    %dma_wait3A_1047 = tpu.memref_slice %arg3[%dma_wait3A_1045, %dma_wait3A_1046] : memref<131072x384xf32, #tpu.memory_space<hbm>> -> memref<131072x384xf32, #tpu.memory_space<hbm>>
    tpu.wait_indirect_dma semaphore(%arg23 : memref<!tpu.dma_semaphore, #tpu.memory_space<semaphore_mem>>) src(%dma_wait3A_1047 : memref<131072x384xf32, #tpu.memory_space<hbm>>) dst(%arg15 : memref<32x384xf32, #tpu.memory_space<vmem>>)
    %mul3A_1048 = arith.constant 2048 : i32
    %mul3A_1049 = arith.muli %add3A, %mul3A_1048 : i32
    %add3A_1050 = arith.constant 1344 : i32
    %add3A_1051 = arith.addi %mul3A_1049, %add3A_1050 : i32
    %dma_start3A_1052 = arith.constant 0 : i32
    %dma_start3A_1053 = tpu.memref_slice %arg4[%add3A_1051, %dma_start3A_1052] : memref<65536x384xf32, #tpu.memory_space<hbm>> -> memref<32x384xf32, #tpu.memory_space<hbm>>
    %dma_start3A_1054 = arith.constant 0 : i32
    %dma_start3A_1055 = tpu.memref_slice %arg4[%add3A_1051, %dma_start3A_1054] : memref<65536x384xf32, #tpu.memory_space<hbm>> -> memref<32x384xf32, #tpu.memory_space<hbm>>
    tpu.enqueue_dma source(%arg15 : memref<32x384xf32, #tpu.memory_space<vmem>>) target(%dma_start3A_1055 : memref<32x384xf32, #tpu.memory_space<hbm>>) target_semaphore(%arg31 : memref<!tpu.dma_semaphore, #tpu.memory_space<semaphore_mem>>)
    %dma_wait3A_1056 = arith.constant 0 : i32
    %dma_wait3A_1057 = tpu.memref_slice %arg4[%add3A_1015, %dma_wait3A_1056] : memref<65536x384xf32, #tpu.memory_space<hbm>> -> memref<32x384xf32, #tpu.memory_space<hbm>>
    %dma_wait3A_1058 = arith.constant 0 : i32
    %dma_wait3A_1059 = tpu.memref_slice %arg4[%add3A_1015, %dma_wait3A_1058] : memref<65536x384xf32, #tpu.memory_space<hbm>> -> memref<32x384xf32, #tpu.memory_space<hbm>>
    tpu.wait_dma2 semaphore(%arg30 : memref<!tpu.dma_semaphore, #tpu.memory_space<semaphore_mem>>) src(%arg14 : memref<32x384xf32, #tpu.memory_space<vmem>>) dst(%dma_wait3A_1059 : memref<32x384xf32, #tpu.memory_space<hbm>>)
    %dma_start3A_1060 = arith.constant 1568 : i32
    %dma_start3A_1061 = tpu.memref_slice %arg12[%dma_start3A_1060] : memref<2048xi32, #tpu.memory_space<vmem>> -> memref<32xi32, #tpu.memory_space<vmem>>
    %dma_start3A_1062 = arith.constant 0 : i32
    %dma_start3A_1063 = arith.constant 0 : i32
    %dma_start3A_1064 = tpu.memref_slice %arg3[%dma_start3A_1062, %dma_start3A_1063] : memref<131072x384xf32, #tpu.memory_space<hbm>> -> memref<131072x384xf32, #tpu.memory_space<hbm>>
    tpu.enqueue_indirect_dma source(%dma_start3A_1064 : memref<131072x384xf32, #tpu.memory_space<hbm>>) target(%arg14 : memref<32x384xf32, #tpu.memory_space<vmem>>) offsets(%dma_start3A_1061 : memref<32xi32, #tpu.memory_space<vmem>>) semaphore(%arg22 : memref<!tpu.dma_semaphore, #tpu.memory_space<semaphore_mem>>)
    %dma_wait3A_1065 = arith.constant 1376 : i32
    %dma_wait3A_1066 = tpu.memref_slice %arg12[%dma_wait3A_1065] : memref<2048xi32, #tpu.memory_space<vmem>> -> memref<32xi32, #tpu.memory_space<vmem>>
    %dma_wait3A_1067 = arith.constant 0 : i32
    %dma_wait3A_1068 = arith.constant 0 : i32
    %dma_wait3A_1069 = tpu.memref_slice %arg3[%dma_wait3A_1067, %dma_wait3A_1068] : memref<131072x384xf32, #tpu.memory_space<hbm>> -> memref<131072x384xf32, #tpu.memory_space<hbm>>
    tpu.wait_indirect_dma semaphore(%arg24 : memref<!tpu.dma_semaphore, #tpu.memory_space<semaphore_mem>>) src(%dma_wait3A_1069 : memref<131072x384xf32, #tpu.memory_space<hbm>>) dst(%arg16 : memref<32x384xf32, #tpu.memory_space<vmem>>)
    %mul3A_1070 = arith.constant 2048 : i32
    %mul3A_1071 = arith.muli %add3A, %mul3A_1070 : i32
    %add3A_1072 = arith.constant 1376 : i32
    %add3A_1073 = arith.addi %mul3A_1071, %add3A_1072 : i32
    %dma_start3A_1074 = arith.constant 0 : i32
    %dma_start3A_1075 = tpu.memref_slice %arg4[%add3A_1073, %dma_start3A_1074] : memref<65536x384xf32, #tpu.memory_space<hbm>> -> memref<32x384xf32, #tpu.memory_space<hbm>>
    %dma_start3A_1076 = arith.constant 0 : i32
    %dma_start3A_1077 = tpu.memref_slice %arg4[%add3A_1073, %dma_start3A_1076] : memref<65536x384xf32, #tpu.memory_space<hbm>> -> memref<32x384xf32, #tpu.memory_space<hbm>>
    tpu.enqueue_dma source(%arg16 : memref<32x384xf32, #tpu.memory_space<vmem>>) target(%dma_start3A_1077 : memref<32x384xf32, #tpu.memory_space<hbm>>) target_semaphore(%arg32 : memref<!tpu.dma_semaphore, #tpu.memory_space<semaphore_mem>>)
    %dma_wait3A_1078 = arith.constant 0 : i32
    %dma_wait3A_1079 = tpu.memref_slice %arg4[%add3A_1051, %dma_wait3A_1078] : memref<65536x384xf32, #tpu.memory_space<hbm>> -> memref<32x384xf32, #tpu.memory_space<hbm>>
    %dma_wait3A_1080 = arith.constant 0 : i32
    %dma_wait3A_1081 = tpu.memref_slice %arg4[%add3A_1051, %dma_wait3A_1080] : memref<65536x384xf32, #tpu.memory_space<hbm>> -> memref<32x384xf32, #tpu.memory_space<hbm>>
    tpu.wait_dma2 semaphore(%arg31 : memref<!tpu.dma_semaphore, #tpu.memory_space<semaphore_mem>>) src(%arg15 : memref<32x384xf32, #tpu.memory_space<vmem>>) dst(%dma_wait3A_1081 : memref<32x384xf32, #tpu.memory_space<hbm>>)
    %dma_start3A_1082 = arith.constant 1600 : i32
    %dma_start3A_1083 = tpu.memref_slice %arg12[%dma_start3A_1082] : memref<2048xi32, #tpu.memory_space<vmem>> -> memref<32xi32, #tpu.memory_space<vmem>>
    %dma_start3A_1084 = arith.constant 0 : i32
    %dma_start3A_1085 = arith.constant 0 : i32
    %dma_start3A_1086 = tpu.memref_slice %arg3[%dma_start3A_1084, %dma_start3A_1085] : memref<131072x384xf32, #tpu.memory_space<hbm>> -> memref<131072x384xf32, #tpu.memory_space<hbm>>
    tpu.enqueue_indirect_dma source(%dma_start3A_1086 : memref<131072x384xf32, #tpu.memory_space<hbm>>) target(%arg15 : memref<32x384xf32, #tpu.memory_space<vmem>>) offsets(%dma_start3A_1083 : memref<32xi32, #tpu.memory_space<vmem>>) semaphore(%arg23 : memref<!tpu.dma_semaphore, #tpu.memory_space<semaphore_mem>>)
    %dma_wait3A_1087 = arith.constant 1408 : i32
    %dma_wait3A_1088 = tpu.memref_slice %arg12[%dma_wait3A_1087] : memref<2048xi32, #tpu.memory_space<vmem>> -> memref<32xi32, #tpu.memory_space<vmem>>
    %dma_wait3A_1089 = arith.constant 0 : i32
    %dma_wait3A_1090 = arith.constant 0 : i32
    %dma_wait3A_1091 = tpu.memref_slice %arg3[%dma_wait3A_1089, %dma_wait3A_1090] : memref<131072x384xf32, #tpu.memory_space<hbm>> -> memref<131072x384xf32, #tpu.memory_space<hbm>>
    tpu.wait_indirect_dma semaphore(%arg25 : memref<!tpu.dma_semaphore, #tpu.memory_space<semaphore_mem>>) src(%dma_wait3A_1091 : memref<131072x384xf32, #tpu.memory_space<hbm>>) dst(%arg17 : memref<32x384xf32, #tpu.memory_space<vmem>>)
    %mul3A_1092 = arith.constant 2048 : i32
    %mul3A_1093 = arith.muli %add3A, %mul3A_1092 : i32
    %add3A_1094 = arith.constant 1408 : i32
    %add3A_1095 = arith.addi %mul3A_1093, %add3A_1094 : i32
    %dma_start3A_1096 = arith.constant 0 : i32
    %dma_start3A_1097 = tpu.memref_slice %arg4[%add3A_1095, %dma_start3A_1096] : memref<65536x384xf32, #tpu.memory_space<hbm>> -> memref<32x384xf32, #tpu.memory_space<hbm>>
    %dma_start3A_1098 = arith.constant 0 : i32
    %dma_start3A_1099 = tpu.memref_slice %arg4[%add3A_1095, %dma_start3A_1098] : memref<65536x384xf32, #tpu.memory_space<hbm>> -> memref<32x384xf32, #tpu.memory_space<hbm>>
    tpu.enqueue_dma source(%arg17 : memref<32x384xf32, #tpu.memory_space<vmem>>) target(%dma_start3A_1099 : memref<32x384xf32, #tpu.memory_space<hbm>>) target_semaphore(%arg33 : memref<!tpu.dma_semaphore, #tpu.memory_space<semaphore_mem>>)
    %dma_wait3A_1100 = arith.constant 0 : i32
    %dma_wait3A_1101 = tpu.memref_slice %arg4[%add3A_1073, %dma_wait3A_1100] : memref<65536x384xf32, #tpu.memory_space<hbm>> -> memref<32x384xf32, #tpu.memory_space<hbm>>
    %dma_wait3A_1102 = arith.constant 0 : i32
    %dma_wait3A_1103 = tpu.memref_slice %arg4[%add3A_1073, %dma_wait3A_1102] : memref<65536x384xf32, #tpu.memory_space<hbm>> -> memref<32x384xf32, #tpu.memory_space<hbm>>
    tpu.wait_dma2 semaphore(%arg32 : memref<!tpu.dma_semaphore, #tpu.memory_space<semaphore_mem>>) src(%arg16 : memref<32x384xf32, #tpu.memory_space<vmem>>) dst(%dma_wait3A_1103 : memref<32x384xf32, #tpu.memory_space<hbm>>)
    %dma_start3A_1104 = arith.constant 1632 : i32
    %dma_start3A_1105 = tpu.memref_slice %arg12[%dma_start3A_1104] : memref<2048xi32, #tpu.memory_space<vmem>> -> memref<32xi32, #tpu.memory_space<vmem>>
    %dma_start3A_1106 = arith.constant 0 : i32
    %dma_start3A_1107 = arith.constant 0 : i32
    %dma_start3A_1108 = tpu.memref_slice %arg3[%dma_start3A_1106, %dma_start3A_1107] : memref<131072x384xf32, #tpu.memory_space<hbm>> -> memref<131072x384xf32, #tpu.memory_space<hbm>>
    tpu.enqueue_indirect_dma source(%dma_start3A_1108 : memref<131072x384xf32, #tpu.memory_space<hbm>>) target(%arg16 : memref<32x384xf32, #tpu.memory_space<vmem>>) offsets(%dma_start3A_1105 : memref<32xi32, #tpu.memory_space<vmem>>) semaphore(%arg24 : memref<!tpu.dma_semaphore, #tpu.memory_space<semaphore_mem>>)
    %dma_wait3A_1109 = arith.constant 1440 : i32
    %dma_wait3A_1110 = tpu.memref_slice %arg12[%dma_wait3A_1109] : memref<2048xi32, #tpu.memory_space<vmem>> -> memref<32xi32, #tpu.memory_space<vmem>>
    %dma_wait3A_1111 = arith.constant 0 : i32
    %dma_wait3A_1112 = arith.constant 0 : i32
    %dma_wait3A_1113 = tpu.memref_slice %arg3[%dma_wait3A_1111, %dma_wait3A_1112] : memref<131072x384xf32, #tpu.memory_space<hbm>> -> memref<131072x384xf32, #tpu.memory_space<hbm>>
    tpu.wait_indirect_dma semaphore(%arg26 : memref<!tpu.dma_semaphore, #tpu.memory_space<semaphore_mem>>) src(%dma_wait3A_1113 : memref<131072x384xf32, #tpu.memory_space<hbm>>) dst(%arg18 : memref<32x384xf32, #tpu.memory_space<vmem>>)
    %mul3A_1114 = arith.constant 2048 : i32
    %mul3A_1115 = arith.muli %add3A, %mul3A_1114 : i32
    %add3A_1116 = arith.constant 1440 : i32
    %add3A_1117 = arith.addi %mul3A_1115, %add3A_1116 : i32
    %dma_start3A_1118 = arith.constant 0 : i32
    %dma_start3A_1119 = tpu.memref_slice %arg4[%add3A_1117, %dma_start3A_1118] : memref<65536x384xf32, #tpu.memory_space<hbm>> -> memref<32x384xf32, #tpu.memory_space<hbm>>
    %dma_start3A_1120 = arith.constant 0 : i32
    %dma_start3A_1121 = tpu.memref_slice %arg4[%add3A_1117, %dma_start3A_1120] : memref<65536x384xf32, #tpu.memory_space<hbm>> -> memref<32x384xf32, #tpu.memory_space<hbm>>
    tpu.enqueue_dma source(%arg18 : memref<32x384xf32, #tpu.memory_space<vmem>>) target(%dma_start3A_1121 : memref<32x384xf32, #tpu.memory_space<hbm>>) target_semaphore(%arg34 : memref<!tpu.dma_semaphore, #tpu.memory_space<semaphore_mem>>)
    %dma_wait3A_1122 = arith.constant 0 : i32
    %dma_wait3A_1123 = tpu.memref_slice %arg4[%add3A_1095, %dma_wait3A_1122] : memref<65536x384xf32, #tpu.memory_space<hbm>> -> memref<32x384xf32, #tpu.memory_space<hbm>>
    %dma_wait3A_1124 = arith.constant 0 : i32
    %dma_wait3A_1125 = tpu.memref_slice %arg4[%add3A_1095, %dma_wait3A_1124] : memref<65536x384xf32, #tpu.memory_space<hbm>> -> memref<32x384xf32, #tpu.memory_space<hbm>>
    tpu.wait_dma2 semaphore(%arg33 : memref<!tpu.dma_semaphore, #tpu.memory_space<semaphore_mem>>) src(%arg17 : memref<32x384xf32, #tpu.memory_space<vmem>>) dst(%dma_wait3A_1125 : memref<32x384xf32, #tpu.memory_space<hbm>>)
    %dma_start3A_1126 = arith.constant 1664 : i32
    %dma_start3A_1127 = tpu.memref_slice %arg12[%dma_start3A_1126] : memref<2048xi32, #tpu.memory_space<vmem>> -> memref<32xi32, #tpu.memory_space<vmem>>
    %dma_start3A_1128 = arith.constant 0 : i32
    %dma_start3A_1129 = arith.constant 0 : i32
    %dma_start3A_1130 = tpu.memref_slice %arg3[%dma_start3A_1128, %dma_start3A_1129] : memref<131072x384xf32, #tpu.memory_space<hbm>> -> memref<131072x384xf32, #tpu.memory_space<hbm>>
    tpu.enqueue_indirect_dma source(%dma_start3A_1130 : memref<131072x384xf32, #tpu.memory_space<hbm>>) target(%arg17 : memref<32x384xf32, #tpu.memory_space<vmem>>) offsets(%dma_start3A_1127 : memref<32xi32, #tpu.memory_space<vmem>>) semaphore(%arg25 : memref<!tpu.dma_semaphore, #tpu.memory_space<semaphore_mem>>)
    %dma_wait3A_1131 = arith.constant 1472 : i32
    %dma_wait3A_1132 = tpu.memref_slice %arg12[%dma_wait3A_1131] : memref<2048xi32, #tpu.memory_space<vmem>> -> memref<32xi32, #tpu.memory_space<vmem>>
    %dma_wait3A_1133 = arith.constant 0 : i32
    %dma_wait3A_1134 = arith.constant 0 : i32
    %dma_wait3A_1135 = tpu.memref_slice %arg3[%dma_wait3A_1133, %dma_wait3A_1134] : memref<131072x384xf32, #tpu.memory_space<hbm>> -> memref<131072x384xf32, #tpu.memory_space<hbm>>
    tpu.wait_indirect_dma semaphore(%arg27 : memref<!tpu.dma_semaphore, #tpu.memory_space<semaphore_mem>>) src(%dma_wait3A_1135 : memref<131072x384xf32, #tpu.memory_space<hbm>>) dst(%arg19 : memref<32x384xf32, #tpu.memory_space<vmem>>)
    %mul3A_1136 = arith.constant 2048 : i32
    %mul3A_1137 = arith.muli %add3A, %mul3A_1136 : i32
    %add3A_1138 = arith.constant 1472 : i32
    %add3A_1139 = arith.addi %mul3A_1137, %add3A_1138 : i32
    %dma_start3A_1140 = arith.constant 0 : i32
    %dma_start3A_1141 = tpu.memref_slice %arg4[%add3A_1139, %dma_start3A_1140] : memref<65536x384xf32, #tpu.memory_space<hbm>> -> memref<32x384xf32, #tpu.memory_space<hbm>>
    %dma_start3A_1142 = arith.constant 0 : i32
    %dma_start3A_1143 = tpu.memref_slice %arg4[%add3A_1139, %dma_start3A_1142] : memref<65536x384xf32, #tpu.memory_space<hbm>> -> memref<32x384xf32, #tpu.memory_space<hbm>>
    tpu.enqueue_dma source(%arg19 : memref<32x384xf32, #tpu.memory_space<vmem>>) target(%dma_start3A_1143 : memref<32x384xf32, #tpu.memory_space<hbm>>) target_semaphore(%arg35 : memref<!tpu.dma_semaphore, #tpu.memory_space<semaphore_mem>>)
    %dma_wait3A_1144 = arith.constant 0 : i32
    %dma_wait3A_1145 = tpu.memref_slice %arg4[%add3A_1117, %dma_wait3A_1144] : memref<65536x384xf32, #tpu.memory_space<hbm>> -> memref<32x384xf32, #tpu.memory_space<hbm>>
    %dma_wait3A_1146 = arith.constant 0 : i32
    %dma_wait3A_1147 = tpu.memref_slice %arg4[%add3A_1117, %dma_wait3A_1146] : memref<65536x384xf32, #tpu.memory_space<hbm>> -> memref<32x384xf32, #tpu.memory_space<hbm>>
    tpu.wait_dma2 semaphore(%arg34 : memref<!tpu.dma_semaphore, #tpu.memory_space<semaphore_mem>>) src(%arg18 : memref<32x384xf32, #tpu.memory_space<vmem>>) dst(%dma_wait3A_1147 : memref<32x384xf32, #tpu.memory_space<hbm>>)
    %dma_start3A_1148 = arith.constant 1696 : i32
    %dma_start3A_1149 = tpu.memref_slice %arg12[%dma_start3A_1148] : memref<2048xi32, #tpu.memory_space<vmem>> -> memref<32xi32, #tpu.memory_space<vmem>>
    %dma_start3A_1150 = arith.constant 0 : i32
    %dma_start3A_1151 = arith.constant 0 : i32
    %dma_start3A_1152 = tpu.memref_slice %arg3[%dma_start3A_1150, %dma_start3A_1151] : memref<131072x384xf32, #tpu.memory_space<hbm>> -> memref<131072x384xf32, #tpu.memory_space<hbm>>
    tpu.enqueue_indirect_dma source(%dma_start3A_1152 : memref<131072x384xf32, #tpu.memory_space<hbm>>) target(%arg18 : memref<32x384xf32, #tpu.memory_space<vmem>>) offsets(%dma_start3A_1149 : memref<32xi32, #tpu.memory_space<vmem>>) semaphore(%arg26 : memref<!tpu.dma_semaphore, #tpu.memory_space<semaphore_mem>>)
    %dma_wait3A_1153 = arith.constant 1504 : i32
    %dma_wait3A_1154 = tpu.memref_slice %arg12[%dma_wait3A_1153] : memref<2048xi32, #tpu.memory_space<vmem>> -> memref<32xi32, #tpu.memory_space<vmem>>
    %dma_wait3A_1155 = arith.constant 0 : i32
    %dma_wait3A_1156 = arith.constant 0 : i32
    %dma_wait3A_1157 = tpu.memref_slice %arg3[%dma_wait3A_1155, %dma_wait3A_1156] : memref<131072x384xf32, #tpu.memory_space<hbm>> -> memref<131072x384xf32, #tpu.memory_space<hbm>>
    tpu.wait_indirect_dma semaphore(%arg28 : memref<!tpu.dma_semaphore, #tpu.memory_space<semaphore_mem>>) src(%dma_wait3A_1157 : memref<131072x384xf32, #tpu.memory_space<hbm>>) dst(%arg20 : memref<32x384xf32, #tpu.memory_space<vmem>>)
    %mul3A_1158 = arith.constant 2048 : i32
    %mul3A_1159 = arith.muli %add3A, %mul3A_1158 : i32
    %add3A_1160 = arith.constant 1504 : i32
    %add3A_1161 = arith.addi %mul3A_1159, %add3A_1160 : i32
    %dma_start3A_1162 = arith.constant 0 : i32
    %dma_start3A_1163 = tpu.memref_slice %arg4[%add3A_1161, %dma_start3A_1162] : memref<65536x384xf32, #tpu.memory_space<hbm>> -> memref<32x384xf32, #tpu.memory_space<hbm>>
    %dma_start3A_1164 = arith.constant 0 : i32
    %dma_start3A_1165 = tpu.memref_slice %arg4[%add3A_1161, %dma_start3A_1164] : memref<65536x384xf32, #tpu.memory_space<hbm>> -> memref<32x384xf32, #tpu.memory_space<hbm>>
    tpu.enqueue_dma source(%arg20 : memref<32x384xf32, #tpu.memory_space<vmem>>) target(%dma_start3A_1165 : memref<32x384xf32, #tpu.memory_space<hbm>>) target_semaphore(%arg36 : memref<!tpu.dma_semaphore, #tpu.memory_space<semaphore_mem>>)
    %dma_wait3A_1166 = arith.constant 0 : i32
    %dma_wait3A_1167 = tpu.memref_slice %arg4[%add3A_1139, %dma_wait3A_1166] : memref<65536x384xf32, #tpu.memory_space<hbm>> -> memref<32x384xf32, #tpu.memory_space<hbm>>
    %dma_wait3A_1168 = arith.constant 0 : i32
    %dma_wait3A_1169 = tpu.memref_slice %arg4[%add3A_1139, %dma_wait3A_1168] : memref<65536x384xf32, #tpu.memory_space<hbm>> -> memref<32x384xf32, #tpu.memory_space<hbm>>
    tpu.wait_dma2 semaphore(%arg35 : memref<!tpu.dma_semaphore, #tpu.memory_space<semaphore_mem>>) src(%arg19 : memref<32x384xf32, #tpu.memory_space<vmem>>) dst(%dma_wait3A_1169 : memref<32x384xf32, #tpu.memory_space<hbm>>)
    %dma_start3A_1170 = arith.constant 1728 : i32
    %dma_start3A_1171 = tpu.memref_slice %arg12[%dma_start3A_1170] : memref<2048xi32, #tpu.memory_space<vmem>> -> memref<32xi32, #tpu.memory_space<vmem>>
    %dma_start3A_1172 = arith.constant 0 : i32
    %dma_start3A_1173 = arith.constant 0 : i32
    %dma_start3A_1174 = tpu.memref_slice %arg3[%dma_start3A_1172, %dma_start3A_1173] : memref<131072x384xf32, #tpu.memory_space<hbm>> -> memref<131072x384xf32, #tpu.memory_space<hbm>>
    tpu.enqueue_indirect_dma source(%dma_start3A_1174 : memref<131072x384xf32, #tpu.memory_space<hbm>>) target(%arg19 : memref<32x384xf32, #tpu.memory_space<vmem>>) offsets(%dma_start3A_1171 : memref<32xi32, #tpu.memory_space<vmem>>) semaphore(%arg27 : memref<!tpu.dma_semaphore, #tpu.memory_space<semaphore_mem>>)
    %dma_wait3A_1175 = arith.constant 1536 : i32
    %dma_wait3A_1176 = tpu.memref_slice %arg12[%dma_wait3A_1175] : memref<2048xi32, #tpu.memory_space<vmem>> -> memref<32xi32, #tpu.memory_space<vmem>>
    %dma_wait3A_1177 = arith.constant 0 : i32
    %dma_wait3A_1178 = arith.constant 0 : i32
    %dma_wait3A_1179 = tpu.memref_slice %arg3[%dma_wait3A_1177, %dma_wait3A_1178] : memref<131072x384xf32, #tpu.memory_space<hbm>> -> memref<131072x384xf32, #tpu.memory_space<hbm>>
    tpu.wait_indirect_dma semaphore(%arg21 : memref<!tpu.dma_semaphore, #tpu.memory_space<semaphore_mem>>) src(%dma_wait3A_1179 : memref<131072x384xf32, #tpu.memory_space<hbm>>) dst(%arg13 : memref<32x384xf32, #tpu.memory_space<vmem>>)
    %mul3A_1180 = arith.constant 2048 : i32
    %mul3A_1181 = arith.muli %add3A, %mul3A_1180 : i32
    %add3A_1182 = arith.constant 1536 : i32
    %add3A_1183 = arith.addi %mul3A_1181, %add3A_1182 : i32
    %dma_start3A_1184 = arith.constant 0 : i32
    %dma_start3A_1185 = tpu.memref_slice %arg4[%add3A_1183, %dma_start3A_1184] : memref<65536x384xf32, #tpu.memory_space<hbm>> -> memref<32x384xf32, #tpu.memory_space<hbm>>
    %dma_start3A_1186 = arith.constant 0 : i32
    %dma_start3A_1187 = tpu.memref_slice %arg4[%add3A_1183, %dma_start3A_1186] : memref<65536x384xf32, #tpu.memory_space<hbm>> -> memref<32x384xf32, #tpu.memory_space<hbm>>
    tpu.enqueue_dma source(%arg13 : memref<32x384xf32, #tpu.memory_space<vmem>>) target(%dma_start3A_1187 : memref<32x384xf32, #tpu.memory_space<hbm>>) target_semaphore(%arg29 : memref<!tpu.dma_semaphore, #tpu.memory_space<semaphore_mem>>)
    %dma_wait3A_1188 = arith.constant 0 : i32
    %dma_wait3A_1189 = tpu.memref_slice %arg4[%add3A_1161, %dma_wait3A_1188] : memref<65536x384xf32, #tpu.memory_space<hbm>> -> memref<32x384xf32, #tpu.memory_space<hbm>>
    %dma_wait3A_1190 = arith.constant 0 : i32
    %dma_wait3A_1191 = tpu.memref_slice %arg4[%add3A_1161, %dma_wait3A_1190] : memref<65536x384xf32, #tpu.memory_space<hbm>> -> memref<32x384xf32, #tpu.memory_space<hbm>>
    tpu.wait_dma2 semaphore(%arg36 : memref<!tpu.dma_semaphore, #tpu.memory_space<semaphore_mem>>) src(%arg20 : memref<32x384xf32, #tpu.memory_space<vmem>>) dst(%dma_wait3A_1191 : memref<32x384xf32, #tpu.memory_space<hbm>>)
    %dma_start3A_1192 = arith.constant 1760 : i32
    %dma_start3A_1193 = tpu.memref_slice %arg12[%dma_start3A_1192] : memref<2048xi32, #tpu.memory_space<vmem>> -> memref<32xi32, #tpu.memory_space<vmem>>
    %dma_start3A_1194 = arith.constant 0 : i32
    %dma_start3A_1195 = arith.constant 0 : i32
    %dma_start3A_1196 = tpu.memref_slice %arg3[%dma_start3A_1194, %dma_start3A_1195] : memref<131072x384xf32, #tpu.memory_space<hbm>> -> memref<131072x384xf32, #tpu.memory_space<hbm>>
    tpu.enqueue_indirect_dma source(%dma_start3A_1196 : memref<131072x384xf32, #tpu.memory_space<hbm>>) target(%arg20 : memref<32x384xf32, #tpu.memory_space<vmem>>) offsets(%dma_start3A_1193 : memref<32xi32, #tpu.memory_space<vmem>>) semaphore(%arg28 : memref<!tpu.dma_semaphore, #tpu.memory_space<semaphore_mem>>)
    %dma_wait3A_1197 = arith.constant 1568 : i32
    %dma_wait3A_1198 = tpu.memref_slice %arg12[%dma_wait3A_1197] : memref<2048xi32, #tpu.memory_space<vmem>> -> memref<32xi32, #tpu.memory_space<vmem>>
    %dma_wait3A_1199 = arith.constant 0 : i32
    %dma_wait3A_1200 = arith.constant 0 : i32
    %dma_wait3A_1201 = tpu.memref_slice %arg3[%dma_wait3A_1199, %dma_wait3A_1200] : memref<131072x384xf32, #tpu.memory_space<hbm>> -> memref<131072x384xf32, #tpu.memory_space<hbm>>
    tpu.wait_indirect_dma semaphore(%arg22 : memref<!tpu.dma_semaphore, #tpu.memory_space<semaphore_mem>>) src(%dma_wait3A_1201 : memref<131072x384xf32, #tpu.memory_space<hbm>>) dst(%arg14 : memref<32x384xf32, #tpu.memory_space<vmem>>)
    %mul3A_1202 = arith.constant 2048 : i32
    %mul3A_1203 = arith.muli %add3A, %mul3A_1202 : i32
    %add3A_1204 = arith.constant 1568 : i32
    %add3A_1205 = arith.addi %mul3A_1203, %add3A_1204 : i32
    %dma_start3A_1206 = arith.constant 0 : i32
    %dma_start3A_1207 = tpu.memref_slice %arg4[%add3A_1205, %dma_start3A_1206] : memref<65536x384xf32, #tpu.memory_space<hbm>> -> memref<32x384xf32, #tpu.memory_space<hbm>>
    %dma_start3A_1208 = arith.constant 0 : i32
    %dma_start3A_1209 = tpu.memref_slice %arg4[%add3A_1205, %dma_start3A_1208] : memref<65536x384xf32, #tpu.memory_space<hbm>> -> memref<32x384xf32, #tpu.memory_space<hbm>>
    tpu.enqueue_dma source(%arg14 : memref<32x384xf32, #tpu.memory_space<vmem>>) target(%dma_start3A_1209 : memref<32x384xf32, #tpu.memory_space<hbm>>) target_semaphore(%arg30 : memref<!tpu.dma_semaphore, #tpu.memory_space<semaphore_mem>>)
    %dma_wait3A_1210 = arith.constant 0 : i32
    %dma_wait3A_1211 = tpu.memref_slice %arg4[%add3A_1183, %dma_wait3A_1210] : memref<65536x384xf32, #tpu.memory_space<hbm>> -> memref<32x384xf32, #tpu.memory_space<hbm>>
    %dma_wait3A_1212 = arith.constant 0 : i32
    %dma_wait3A_1213 = tpu.memref_slice %arg4[%add3A_1183, %dma_wait3A_1212] : memref<65536x384xf32, #tpu.memory_space<hbm>> -> memref<32x384xf32, #tpu.memory_space<hbm>>
    tpu.wait_dma2 semaphore(%arg29 : memref<!tpu.dma_semaphore, #tpu.memory_space<semaphore_mem>>) src(%arg13 : memref<32x384xf32, #tpu.memory_space<vmem>>) dst(%dma_wait3A_1213 : memref<32x384xf32, #tpu.memory_space<hbm>>)
    %dma_start3A_1214 = arith.constant 1792 : i32
    %dma_start3A_1215 = tpu.memref_slice %arg12[%dma_start3A_1214] : memref<2048xi32, #tpu.memory_space<vmem>> -> memref<32xi32, #tpu.memory_space<vmem>>
    %dma_start3A_1216 = arith.constant 0 : i32
    %dma_start3A_1217 = arith.constant 0 : i32
    %dma_start3A_1218 = tpu.memref_slice %arg3[%dma_start3A_1216, %dma_start3A_1217] : memref<131072x384xf32, #tpu.memory_space<hbm>> -> memref<131072x384xf32, #tpu.memory_space<hbm>>
    tpu.enqueue_indirect_dma source(%dma_start3A_1218 : memref<131072x384xf32, #tpu.memory_space<hbm>>) target(%arg13 : memref<32x384xf32, #tpu.memory_space<vmem>>) offsets(%dma_start3A_1215 : memref<32xi32, #tpu.memory_space<vmem>>) semaphore(%arg21 : memref<!tpu.dma_semaphore, #tpu.memory_space<semaphore_mem>>)
    %dma_wait3A_1219 = arith.constant 1600 : i32
    %dma_wait3A_1220 = tpu.memref_slice %arg12[%dma_wait3A_1219] : memref<2048xi32, #tpu.memory_space<vmem>> -> memref<32xi32, #tpu.memory_space<vmem>>
    %dma_wait3A_1221 = arith.constant 0 : i32
    %dma_wait3A_1222 = arith.constant 0 : i32
    %dma_wait3A_1223 = tpu.memref_slice %arg3[%dma_wait3A_1221, %dma_wait3A_1222] : memref<131072x384xf32, #tpu.memory_space<hbm>> -> memref<131072x384xf32, #tpu.memory_space<hbm>>
    tpu.wait_indirect_dma semaphore(%arg23 : memref<!tpu.dma_semaphore, #tpu.memory_space<semaphore_mem>>) src(%dma_wait3A_1223 : memref<131072x384xf32, #tpu.memory_space<hbm>>) dst(%arg15 : memref<32x384xf32, #tpu.memory_space<vmem>>)
    %mul3A_1224 = arith.constant 2048 : i32
    %mul3A_1225 = arith.muli %add3A, %mul3A_1224 : i32
    %add3A_1226 = arith.constant 1600 : i32
    %add3A_1227 = arith.addi %mul3A_1225, %add3A_1226 : i32
    %dma_start3A_1228 = arith.constant 0 : i32
    %dma_start3A_1229 = tpu.memref_slice %arg4[%add3A_1227, %dma_start3A_1228] : memref<65536x384xf32, #tpu.memory_space<hbm>> -> memref<32x384xf32, #tpu.memory_space<hbm>>
    %dma_start3A_1230 = arith.constant 0 : i32
    %dma_start3A_1231 = tpu.memref_slice %arg4[%add3A_1227, %dma_start3A_1230] : memref<65536x384xf32, #tpu.memory_space<hbm>> -> memref<32x384xf32, #tpu.memory_space<hbm>>
    tpu.enqueue_dma source(%arg15 : memref<32x384xf32, #tpu.memory_space<vmem>>) target(%dma_start3A_1231 : memref<32x384xf32, #tpu.memory_space<hbm>>) target_semaphore(%arg31 : memref<!tpu.dma_semaphore, #tpu.memory_space<semaphore_mem>>)
    %dma_wait3A_1232 = arith.constant 0 : i32
    %dma_wait3A_1233 = tpu.memref_slice %arg4[%add3A_1205, %dma_wait3A_1232] : memref<65536x384xf32, #tpu.memory_space<hbm>> -> memref<32x384xf32, #tpu.memory_space<hbm>>
    %dma_wait3A_1234 = arith.constant 0 : i32
    %dma_wait3A_1235 = tpu.memref_slice %arg4[%add3A_1205, %dma_wait3A_1234] : memref<65536x384xf32, #tpu.memory_space<hbm>> -> memref<32x384xf32, #tpu.memory_space<hbm>>
    tpu.wait_dma2 semaphore(%arg30 : memref<!tpu.dma_semaphore, #tpu.memory_space<semaphore_mem>>) src(%arg14 : memref<32x384xf32, #tpu.memory_space<vmem>>) dst(%dma_wait3A_1235 : memref<32x384xf32, #tpu.memory_space<hbm>>)
    %dma_start3A_1236 = arith.constant 1824 : i32
    %dma_start3A_1237 = tpu.memref_slice %arg12[%dma_start3A_1236] : memref<2048xi32, #tpu.memory_space<vmem>> -> memref<32xi32, #tpu.memory_space<vmem>>
    %dma_start3A_1238 = arith.constant 0 : i32
    %dma_start3A_1239 = arith.constant 0 : i32
    %dma_start3A_1240 = tpu.memref_slice %arg3[%dma_start3A_1238, %dma_start3A_1239] : memref<131072x384xf32, #tpu.memory_space<hbm>> -> memref<131072x384xf32, #tpu.memory_space<hbm>>
    tpu.enqueue_indirect_dma source(%dma_start3A_1240 : memref<131072x384xf32, #tpu.memory_space<hbm>>) target(%arg14 : memref<32x384xf32, #tpu.memory_space<vmem>>) offsets(%dma_start3A_1237 : memref<32xi32, #tpu.memory_space<vmem>>) semaphore(%arg22 : memref<!tpu.dma_semaphore, #tpu.memory_space<semaphore_mem>>)
    %dma_wait3A_1241 = arith.constant 1632 : i32
    %dma_wait3A_1242 = tpu.memref_slice %arg12[%dma_wait3A_1241] : memref<2048xi32, #tpu.memory_space<vmem>> -> memref<32xi32, #tpu.memory_space<vmem>>
    %dma_wait3A_1243 = arith.constant 0 : i32
    %dma_wait3A_1244 = arith.constant 0 : i32
    %dma_wait3A_1245 = tpu.memref_slice %arg3[%dma_wait3A_1243, %dma_wait3A_1244] : memref<131072x384xf32, #tpu.memory_space<hbm>> -> memref<131072x384xf32, #tpu.memory_space<hbm>>
    tpu.wait_indirect_dma semaphore(%arg24 : memref<!tpu.dma_semaphore, #tpu.memory_space<semaphore_mem>>) src(%dma_wait3A_1245 : memref<131072x384xf32, #tpu.memory_space<hbm>>) dst(%arg16 : memref<32x384xf32, #tpu.memory_space<vmem>>)
    %mul3A_1246 = arith.constant 2048 : i32
    %mul3A_1247 = arith.muli %add3A, %mul3A_1246 : i32
    %add3A_1248 = arith.constant 1632 : i32
    %add3A_1249 = arith.addi %mul3A_1247, %add3A_1248 : i32
    %dma_start3A_1250 = arith.constant 0 : i32
    %dma_start3A_1251 = tpu.memref_slice %arg4[%add3A_1249, %dma_start3A_1250] : memref<65536x384xf32, #tpu.memory_space<hbm>> -> memref<32x384xf32, #tpu.memory_space<hbm>>
    %dma_start3A_1252 = arith.constant 0 : i32
    %dma_start3A_1253 = tpu.memref_slice %arg4[%add3A_1249, %dma_start3A_1252] : memref<65536x384xf32, #tpu.memory_space<hbm>> -> memref<32x384xf32, #tpu.memory_space<hbm>>
    tpu.enqueue_dma source(%arg16 : memref<32x384xf32, #tpu.memory_space<vmem>>) target(%dma_start3A_1253 : memref<32x384xf32, #tpu.memory_space<hbm>>) target_semaphore(%arg32 : memref<!tpu.dma_semaphore, #tpu.memory_space<semaphore_mem>>)
    %dma_wait3A_1254 = arith.constant 0 : i32
    %dma_wait3A_1255 = tpu.memref_slice %arg4[%add3A_1227, %dma_wait3A_1254] : memref<65536x384xf32, #tpu.memory_space<hbm>> -> memref<32x384xf32, #tpu.memory_space<hbm>>
    %dma_wait3A_1256 = arith.constant 0 : i32
    %dma_wait3A_1257 = tpu.memref_slice %arg4[%add3A_1227, %dma_wait3A_1256] : memref<65536x384xf32, #tpu.memory_space<hbm>> -> memref<32x384xf32, #tpu.memory_space<hbm>>
    tpu.wait_dma2 semaphore(%arg31 : memref<!tpu.dma_semaphore, #tpu.memory_space<semaphore_mem>>) src(%arg15 : memref<32x384xf32, #tpu.memory_space<vmem>>) dst(%dma_wait3A_1257 : memref<32x384xf32, #tpu.memory_space<hbm>>)
    %dma_start3A_1258 = arith.constant 1856 : i32
    %dma_start3A_1259 = tpu.memref_slice %arg12[%dma_start3A_1258] : memref<2048xi32, #tpu.memory_space<vmem>> -> memref<32xi32, #tpu.memory_space<vmem>>
    %dma_start3A_1260 = arith.constant 0 : i32
    %dma_start3A_1261 = arith.constant 0 : i32
    %dma_start3A_1262 = tpu.memref_slice %arg3[%dma_start3A_1260, %dma_start3A_1261] : memref<131072x384xf32, #tpu.memory_space<hbm>> -> memref<131072x384xf32, #tpu.memory_space<hbm>>
    tpu.enqueue_indirect_dma source(%dma_start3A_1262 : memref<131072x384xf32, #tpu.memory_space<hbm>>) target(%arg15 : memref<32x384xf32, #tpu.memory_space<vmem>>) offsets(%dma_start3A_1259 : memref<32xi32, #tpu.memory_space<vmem>>) semaphore(%arg23 : memref<!tpu.dma_semaphore, #tpu.memory_space<semaphore_mem>>)
    %dma_wait3A_1263 = arith.constant 1664 : i32
    %dma_wait3A_1264 = tpu.memref_slice %arg12[%dma_wait3A_1263] : memref<2048xi32, #tpu.memory_space<vmem>> -> memref<32xi32, #tpu.memory_space<vmem>>
    %dma_wait3A_1265 = arith.constant 0 : i32
    %dma_wait3A_1266 = arith.constant 0 : i32
    %dma_wait3A_1267 = tpu.memref_slice %arg3[%dma_wait3A_1265, %dma_wait3A_1266] : memref<131072x384xf32, #tpu.memory_space<hbm>> -> memref<131072x384xf32, #tpu.memory_space<hbm>>
    tpu.wait_indirect_dma semaphore(%arg25 : memref<!tpu.dma_semaphore, #tpu.memory_space<semaphore_mem>>) src(%dma_wait3A_1267 : memref<131072x384xf32, #tpu.memory_space<hbm>>) dst(%arg17 : memref<32x384xf32, #tpu.memory_space<vmem>>)
    %mul3A_1268 = arith.constant 2048 : i32
    %mul3A_1269 = arith.muli %add3A, %mul3A_1268 : i32
    %add3A_1270 = arith.constant 1664 : i32
    %add3A_1271 = arith.addi %mul3A_1269, %add3A_1270 : i32
    %dma_start3A_1272 = arith.constant 0 : i32
    %dma_start3A_1273 = tpu.memref_slice %arg4[%add3A_1271, %dma_start3A_1272] : memref<65536x384xf32, #tpu.memory_space<hbm>> -> memref<32x384xf32, #tpu.memory_space<hbm>>
    %dma_start3A_1274 = arith.constant 0 : i32
    %dma_start3A_1275 = tpu.memref_slice %arg4[%add3A_1271, %dma_start3A_1274] : memref<65536x384xf32, #tpu.memory_space<hbm>> -> memref<32x384xf32, #tpu.memory_space<hbm>>
    tpu.enqueue_dma source(%arg17 : memref<32x384xf32, #tpu.memory_space<vmem>>) target(%dma_start3A_1275 : memref<32x384xf32, #tpu.memory_space<hbm>>) target_semaphore(%arg33 : memref<!tpu.dma_semaphore, #tpu.memory_space<semaphore_mem>>)
    %dma_wait3A_1276 = arith.constant 0 : i32
    %dma_wait3A_1277 = tpu.memref_slice %arg4[%add3A_1249, %dma_wait3A_1276] : memref<65536x384xf32, #tpu.memory_space<hbm>> -> memref<32x384xf32, #tpu.memory_space<hbm>>
    %dma_wait3A_1278 = arith.constant 0 : i32
    %dma_wait3A_1279 = tpu.memref_slice %arg4[%add3A_1249, %dma_wait3A_1278] : memref<65536x384xf32, #tpu.memory_space<hbm>> -> memref<32x384xf32, #tpu.memory_space<hbm>>
    tpu.wait_dma2 semaphore(%arg32 : memref<!tpu.dma_semaphore, #tpu.memory_space<semaphore_mem>>) src(%arg16 : memref<32x384xf32, #tpu.memory_space<vmem>>) dst(%dma_wait3A_1279 : memref<32x384xf32, #tpu.memory_space<hbm>>)
    %dma_start3A_1280 = arith.constant 1888 : i32
    %dma_start3A_1281 = tpu.memref_slice %arg12[%dma_start3A_1280] : memref<2048xi32, #tpu.memory_space<vmem>> -> memref<32xi32, #tpu.memory_space<vmem>>
    %dma_start3A_1282 = arith.constant 0 : i32
    %dma_start3A_1283 = arith.constant 0 : i32
    %dma_start3A_1284 = tpu.memref_slice %arg3[%dma_start3A_1282, %dma_start3A_1283] : memref<131072x384xf32, #tpu.memory_space<hbm>> -> memref<131072x384xf32, #tpu.memory_space<hbm>>
    tpu.enqueue_indirect_dma source(%dma_start3A_1284 : memref<131072x384xf32, #tpu.memory_space<hbm>>) target(%arg16 : memref<32x384xf32, #tpu.memory_space<vmem>>) offsets(%dma_start3A_1281 : memref<32xi32, #tpu.memory_space<vmem>>) semaphore(%arg24 : memref<!tpu.dma_semaphore, #tpu.memory_space<semaphore_mem>>)
    %dma_wait3A_1285 = arith.constant 1696 : i32
    %dma_wait3A_1286 = tpu.memref_slice %arg12[%dma_wait3A_1285] : memref<2048xi32, #tpu.memory_space<vmem>> -> memref<32xi32, #tpu.memory_space<vmem>>
    %dma_wait3A_1287 = arith.constant 0 : i32
    %dma_wait3A_1288 = arith.constant 0 : i32
    %dma_wait3A_1289 = tpu.memref_slice %arg3[%dma_wait3A_1287, %dma_wait3A_1288] : memref<131072x384xf32, #tpu.memory_space<hbm>> -> memref<131072x384xf32, #tpu.memory_space<hbm>>
    tpu.wait_indirect_dma semaphore(%arg26 : memref<!tpu.dma_semaphore, #tpu.memory_space<semaphore_mem>>) src(%dma_wait3A_1289 : memref<131072x384xf32, #tpu.memory_space<hbm>>) dst(%arg18 : memref<32x384xf32, #tpu.memory_space<vmem>>)
    %mul3A_1290 = arith.constant 2048 : i32
    %mul3A_1291 = arith.muli %add3A, %mul3A_1290 : i32
    %add3A_1292 = arith.constant 1696 : i32
    %add3A_1293 = arith.addi %mul3A_1291, %add3A_1292 : i32
    %dma_start3A_1294 = arith.constant 0 : i32
    %dma_start3A_1295 = tpu.memref_slice %arg4[%add3A_1293, %dma_start3A_1294] : memref<65536x384xf32, #tpu.memory_space<hbm>> -> memref<32x384xf32, #tpu.memory_space<hbm>>
    %dma_start3A_1296 = arith.constant 0 : i32
    %dma_start3A_1297 = tpu.memref_slice %arg4[%add3A_1293, %dma_start3A_1296] : memref<65536x384xf32, #tpu.memory_space<hbm>> -> memref<32x384xf32, #tpu.memory_space<hbm>>
    tpu.enqueue_dma source(%arg18 : memref<32x384xf32, #tpu.memory_space<vmem>>) target(%dma_start3A_1297 : memref<32x384xf32, #tpu.memory_space<hbm>>) target_semaphore(%arg34 : memref<!tpu.dma_semaphore, #tpu.memory_space<semaphore_mem>>)
    %dma_wait3A_1298 = arith.constant 0 : i32
    %dma_wait3A_1299 = tpu.memref_slice %arg4[%add3A_1271, %dma_wait3A_1298] : memref<65536x384xf32, #tpu.memory_space<hbm>> -> memref<32x384xf32, #tpu.memory_space<hbm>>
    %dma_wait3A_1300 = arith.constant 0 : i32
    %dma_wait3A_1301 = tpu.memref_slice %arg4[%add3A_1271, %dma_wait3A_1300] : memref<65536x384xf32, #tpu.memory_space<hbm>> -> memref<32x384xf32, #tpu.memory_space<hbm>>
    tpu.wait_dma2 semaphore(%arg33 : memref<!tpu.dma_semaphore, #tpu.memory_space<semaphore_mem>>) src(%arg17 : memref<32x384xf32, #tpu.memory_space<vmem>>) dst(%dma_wait3A_1301 : memref<32x384xf32, #tpu.memory_space<hbm>>)
    %dma_start3A_1302 = arith.constant 1920 : i32
    %dma_start3A_1303 = tpu.memref_slice %arg12[%dma_start3A_1302] : memref<2048xi32, #tpu.memory_space<vmem>> -> memref<32xi32, #tpu.memory_space<vmem>>
    %dma_start3A_1304 = arith.constant 0 : i32
    %dma_start3A_1305 = arith.constant 0 : i32
    %dma_start3A_1306 = tpu.memref_slice %arg3[%dma_start3A_1304, %dma_start3A_1305] : memref<131072x384xf32, #tpu.memory_space<hbm>> -> memref<131072x384xf32, #tpu.memory_space<hbm>>
    tpu.enqueue_indirect_dma source(%dma_start3A_1306 : memref<131072x384xf32, #tpu.memory_space<hbm>>) target(%arg17 : memref<32x384xf32, #tpu.memory_space<vmem>>) offsets(%dma_start3A_1303 : memref<32xi32, #tpu.memory_space<vmem>>) semaphore(%arg25 : memref<!tpu.dma_semaphore, #tpu.memory_space<semaphore_mem>>)
    %dma_wait3A_1307 = arith.constant 1728 : i32
    %dma_wait3A_1308 = tpu.memref_slice %arg12[%dma_wait3A_1307] : memref<2048xi32, #tpu.memory_space<vmem>> -> memref<32xi32, #tpu.memory_space<vmem>>
    %dma_wait3A_1309 = arith.constant 0 : i32
    %dma_wait3A_1310 = arith.constant 0 : i32
    %dma_wait3A_1311 = tpu.memref_slice %arg3[%dma_wait3A_1309, %dma_wait3A_1310] : memref<131072x384xf32, #tpu.memory_space<hbm>> -> memref<131072x384xf32, #tpu.memory_space<hbm>>
    tpu.wait_indirect_dma semaphore(%arg27 : memref<!tpu.dma_semaphore, #tpu.memory_space<semaphore_mem>>) src(%dma_wait3A_1311 : memref<131072x384xf32, #tpu.memory_space<hbm>>) dst(%arg19 : memref<32x384xf32, #tpu.memory_space<vmem>>)
    %mul3A_1312 = arith.constant 2048 : i32
    %mul3A_1313 = arith.muli %add3A, %mul3A_1312 : i32
    %add3A_1314 = arith.constant 1728 : i32
    %add3A_1315 = arith.addi %mul3A_1313, %add3A_1314 : i32
    %dma_start3A_1316 = arith.constant 0 : i32
    %dma_start3A_1317 = tpu.memref_slice %arg4[%add3A_1315, %dma_start3A_1316] : memref<65536x384xf32, #tpu.memory_space<hbm>> -> memref<32x384xf32, #tpu.memory_space<hbm>>
    %dma_start3A_1318 = arith.constant 0 : i32
    %dma_start3A_1319 = tpu.memref_slice %arg4[%add3A_1315, %dma_start3A_1318] : memref<65536x384xf32, #tpu.memory_space<hbm>> -> memref<32x384xf32, #tpu.memory_space<hbm>>
    tpu.enqueue_dma source(%arg19 : memref<32x384xf32, #tpu.memory_space<vmem>>) target(%dma_start3A_1319 : memref<32x384xf32, #tpu.memory_space<hbm>>) target_semaphore(%arg35 : memref<!tpu.dma_semaphore, #tpu.memory_space<semaphore_mem>>)
    %dma_wait3A_1320 = arith.constant 0 : i32
    %dma_wait3A_1321 = tpu.memref_slice %arg4[%add3A_1293, %dma_wait3A_1320] : memref<65536x384xf32, #tpu.memory_space<hbm>> -> memref<32x384xf32, #tpu.memory_space<hbm>>
    %dma_wait3A_1322 = arith.constant 0 : i32
    %dma_wait3A_1323 = tpu.memref_slice %arg4[%add3A_1293, %dma_wait3A_1322] : memref<65536x384xf32, #tpu.memory_space<hbm>> -> memref<32x384xf32, #tpu.memory_space<hbm>>
    tpu.wait_dma2 semaphore(%arg34 : memref<!tpu.dma_semaphore, #tpu.memory_space<semaphore_mem>>) src(%arg18 : memref<32x384xf32, #tpu.memory_space<vmem>>) dst(%dma_wait3A_1323 : memref<32x384xf32, #tpu.memory_space<hbm>>)
    %dma_start3A_1324 = arith.constant 1952 : i32
    %dma_start3A_1325 = tpu.memref_slice %arg12[%dma_start3A_1324] : memref<2048xi32, #tpu.memory_space<vmem>> -> memref<32xi32, #tpu.memory_space<vmem>>
    %dma_start3A_1326 = arith.constant 0 : i32
    %dma_start3A_1327 = arith.constant 0 : i32
    %dma_start3A_1328 = tpu.memref_slice %arg3[%dma_start3A_1326, %dma_start3A_1327] : memref<131072x384xf32, #tpu.memory_space<hbm>> -> memref<131072x384xf32, #tpu.memory_space<hbm>>
    tpu.enqueue_indirect_dma source(%dma_start3A_1328 : memref<131072x384xf32, #tpu.memory_space<hbm>>) target(%arg18 : memref<32x384xf32, #tpu.memory_space<vmem>>) offsets(%dma_start3A_1325 : memref<32xi32, #tpu.memory_space<vmem>>) semaphore(%arg26 : memref<!tpu.dma_semaphore, #tpu.memory_space<semaphore_mem>>)
    %dma_wait3A_1329 = arith.constant 1760 : i32
    %dma_wait3A_1330 = tpu.memref_slice %arg12[%dma_wait3A_1329] : memref<2048xi32, #tpu.memory_space<vmem>> -> memref<32xi32, #tpu.memory_space<vmem>>
    %dma_wait3A_1331 = arith.constant 0 : i32
    %dma_wait3A_1332 = arith.constant 0 : i32
    %dma_wait3A_1333 = tpu.memref_slice %arg3[%dma_wait3A_1331, %dma_wait3A_1332] : memref<131072x384xf32, #tpu.memory_space<hbm>> -> memref<131072x384xf32, #tpu.memory_space<hbm>>
    tpu.wait_indirect_dma semaphore(%arg28 : memref<!tpu.dma_semaphore, #tpu.memory_space<semaphore_mem>>) src(%dma_wait3A_1333 : memref<131072x384xf32, #tpu.memory_space<hbm>>) dst(%arg20 : memref<32x384xf32, #tpu.memory_space<vmem>>)
    %mul3A_1334 = arith.constant 2048 : i32
    %mul3A_1335 = arith.muli %add3A, %mul3A_1334 : i32
    %add3A_1336 = arith.constant 1760 : i32
    %add3A_1337 = arith.addi %mul3A_1335, %add3A_1336 : i32
    %dma_start3A_1338 = arith.constant 0 : i32
    %dma_start3A_1339 = tpu.memref_slice %arg4[%add3A_1337, %dma_start3A_1338] : memref<65536x384xf32, #tpu.memory_space<hbm>> -> memref<32x384xf32, #tpu.memory_space<hbm>>
    %dma_start3A_1340 = arith.constant 0 : i32
    %dma_start3A_1341 = tpu.memref_slice %arg4[%add3A_1337, %dma_start3A_1340] : memref<65536x384xf32, #tpu.memory_space<hbm>> -> memref<32x384xf32, #tpu.memory_space<hbm>>
    tpu.enqueue_dma source(%arg20 : memref<32x384xf32, #tpu.memory_space<vmem>>) target(%dma_start3A_1341 : memref<32x384xf32, #tpu.memory_space<hbm>>) target_semaphore(%arg36 : memref<!tpu.dma_semaphore, #tpu.memory_space<semaphore_mem>>)
    %dma_wait3A_1342 = arith.constant 0 : i32
    %dma_wait3A_1343 = tpu.memref_slice %arg4[%add3A_1315, %dma_wait3A_1342] : memref<65536x384xf32, #tpu.memory_space<hbm>> -> memref<32x384xf32, #tpu.memory_space<hbm>>
    %dma_wait3A_1344 = arith.constant 0 : i32
    %dma_wait3A_1345 = tpu.memref_slice %arg4[%add3A_1315, %dma_wait3A_1344] : memref<65536x384xf32, #tpu.memory_space<hbm>> -> memref<32x384xf32, #tpu.memory_space<hbm>>
    tpu.wait_dma2 semaphore(%arg35 : memref<!tpu.dma_semaphore, #tpu.memory_space<semaphore_mem>>) src(%arg19 : memref<32x384xf32, #tpu.memory_space<vmem>>) dst(%dma_wait3A_1345 : memref<32x384xf32, #tpu.memory_space<hbm>>)
    %dma_start3A_1346 = arith.constant 1984 : i32
    %dma_start3A_1347 = tpu.memref_slice %arg12[%dma_start3A_1346] : memref<2048xi32, #tpu.memory_space<vmem>> -> memref<32xi32, #tpu.memory_space<vmem>>
    %dma_start3A_1348 = arith.constant 0 : i32
    %dma_start3A_1349 = arith.constant 0 : i32
    %dma_start3A_1350 = tpu.memref_slice %arg3[%dma_start3A_1348, %dma_start3A_1349] : memref<131072x384xf32, #tpu.memory_space<hbm>> -> memref<131072x384xf32, #tpu.memory_space<hbm>>
    tpu.enqueue_indirect_dma source(%dma_start3A_1350 : memref<131072x384xf32, #tpu.memory_space<hbm>>) target(%arg19 : memref<32x384xf32, #tpu.memory_space<vmem>>) offsets(%dma_start3A_1347 : memref<32xi32, #tpu.memory_space<vmem>>) semaphore(%arg27 : memref<!tpu.dma_semaphore, #tpu.memory_space<semaphore_mem>>)
    %dma_wait3A_1351 = arith.constant 1792 : i32
    %dma_wait3A_1352 = tpu.memref_slice %arg12[%dma_wait3A_1351] : memref<2048xi32, #tpu.memory_space<vmem>> -> memref<32xi32, #tpu.memory_space<vmem>>
    %dma_wait3A_1353 = arith.constant 0 : i32
    %dma_wait3A_1354 = arith.constant 0 : i32
    %dma_wait3A_1355 = tpu.memref_slice %arg3[%dma_wait3A_1353, %dma_wait3A_1354] : memref<131072x384xf32, #tpu.memory_space<hbm>> -> memref<131072x384xf32, #tpu.memory_space<hbm>>
    tpu.wait_indirect_dma semaphore(%arg21 : memref<!tpu.dma_semaphore, #tpu.memory_space<semaphore_mem>>) src(%dma_wait3A_1355 : memref<131072x384xf32, #tpu.memory_space<hbm>>) dst(%arg13 : memref<32x384xf32, #tpu.memory_space<vmem>>)
    %mul3A_1356 = arith.constant 2048 : i32
    %mul3A_1357 = arith.muli %add3A, %mul3A_1356 : i32
    %add3A_1358 = arith.constant 1792 : i32
    %add3A_1359 = arith.addi %mul3A_1357, %add3A_1358 : i32
    %dma_start3A_1360 = arith.constant 0 : i32
    %dma_start3A_1361 = tpu.memref_slice %arg4[%add3A_1359, %dma_start3A_1360] : memref<65536x384xf32, #tpu.memory_space<hbm>> -> memref<32x384xf32, #tpu.memory_space<hbm>>
    %dma_start3A_1362 = arith.constant 0 : i32
    %dma_start3A_1363 = tpu.memref_slice %arg4[%add3A_1359, %dma_start3A_1362] : memref<65536x384xf32, #tpu.memory_space<hbm>> -> memref<32x384xf32, #tpu.memory_space<hbm>>
    tpu.enqueue_dma source(%arg13 : memref<32x384xf32, #tpu.memory_space<vmem>>) target(%dma_start3A_1363 : memref<32x384xf32, #tpu.memory_space<hbm>>) target_semaphore(%arg29 : memref<!tpu.dma_semaphore, #tpu.memory_space<semaphore_mem>>)
    %dma_wait3A_1364 = arith.constant 0 : i32
    %dma_wait3A_1365 = tpu.memref_slice %arg4[%add3A_1337, %dma_wait3A_1364] : memref<65536x384xf32, #tpu.memory_space<hbm>> -> memref<32x384xf32, #tpu.memory_space<hbm>>
    %dma_wait3A_1366 = arith.constant 0 : i32
    %dma_wait3A_1367 = tpu.memref_slice %arg4[%add3A_1337, %dma_wait3A_1366] : memref<65536x384xf32, #tpu.memory_space<hbm>> -> memref<32x384xf32, #tpu.memory_space<hbm>>
    tpu.wait_dma2 semaphore(%arg36 : memref<!tpu.dma_semaphore, #tpu.memory_space<semaphore_mem>>) src(%arg20 : memref<32x384xf32, #tpu.memory_space<vmem>>) dst(%dma_wait3A_1367 : memref<32x384xf32, #tpu.memory_space<hbm>>)
    %dma_start3A_1368 = arith.constant 2016 : i32
    %dma_start3A_1369 = tpu.memref_slice %arg12[%dma_start3A_1368] : memref<2048xi32, #tpu.memory_space<vmem>> -> memref<32xi32, #tpu.memory_space<vmem>>
    %dma_start3A_1370 = arith.constant 0 : i32
    %dma_start3A_1371 = arith.constant 0 : i32
    %dma_start3A_1372 = tpu.memref_slice %arg3[%dma_start3A_1370, %dma_start3A_1371] : memref<131072x384xf32, #tpu.memory_space<hbm>> -> memref<131072x384xf32, #tpu.memory_space<hbm>>
    tpu.enqueue_indirect_dma source(%dma_start3A_1372 : memref<131072x384xf32, #tpu.memory_space<hbm>>) target(%arg20 : memref<32x384xf32, #tpu.memory_space<vmem>>) offsets(%dma_start3A_1369 : memref<32xi32, #tpu.memory_space<vmem>>) semaphore(%arg28 : memref<!tpu.dma_semaphore, #tpu.memory_space<semaphore_mem>>)
    %dma_wait3A_1373 = arith.constant 1824 : i32
    %dma_wait3A_1374 = tpu.memref_slice %arg12[%dma_wait3A_1373] : memref<2048xi32, #tpu.memory_space<vmem>> -> memref<32xi32, #tpu.memory_space<vmem>>
    %dma_wait3A_1375 = arith.constant 0 : i32
    %dma_wait3A_1376 = arith.constant 0 : i32
    %dma_wait3A_1377 = tpu.memref_slice %arg3[%dma_wait3A_1375, %dma_wait3A_1376] : memref<131072x384xf32, #tpu.memory_space<hbm>> -> memref<131072x384xf32, #tpu.memory_space<hbm>>
    tpu.wait_indirect_dma semaphore(%arg22 : memref<!tpu.dma_semaphore, #tpu.memory_space<semaphore_mem>>) src(%dma_wait3A_1377 : memref<131072x384xf32, #tpu.memory_space<hbm>>) dst(%arg14 : memref<32x384xf32, #tpu.memory_space<vmem>>)
    %mul3A_1378 = arith.constant 2048 : i32
    %mul3A_1379 = arith.muli %add3A, %mul3A_1378 : i32
    %add3A_1380 = arith.constant 1824 : i32
    %add3A_1381 = arith.addi %mul3A_1379, %add3A_1380 : i32
    %dma_start3A_1382 = arith.constant 0 : i32
    %dma_start3A_1383 = tpu.memref_slice %arg4[%add3A_1381, %dma_start3A_1382] : memref<65536x384xf32, #tpu.memory_space<hbm>> -> memref<32x384xf32, #tpu.memory_space<hbm>>
    %dma_start3A_1384 = arith.constant 0 : i32
    %dma_start3A_1385 = tpu.memref_slice %arg4[%add3A_1381, %dma_start3A_1384] : memref<65536x384xf32, #tpu.memory_space<hbm>> -> memref<32x384xf32, #tpu.memory_space<hbm>>
    tpu.enqueue_dma source(%arg14 : memref<32x384xf32, #tpu.memory_space<vmem>>) target(%dma_start3A_1385 : memref<32x384xf32, #tpu.memory_space<hbm>>) target_semaphore(%arg30 : memref<!tpu.dma_semaphore, #tpu.memory_space<semaphore_mem>>)
    %dma_start3A_1386 = arith.constant 0 : i32
    %dma_start3A_1387 = arith.constant 0 : i32
    %dma_start3A_1388 = tpu.memref_slice %arg11[%dma_start3A_1386, %dma_start3A_1387] : memref<8x512xi32, #tpu.memory_space<vmem>> -> memref<4x512xi32, #tpu.memory_space<vmem>>
    %dma_start3A_1389 = arith.constant 0 : i32
    %dma_start3A_1390 = tpu.memref_slice %arg5[%mul3A_2, %dma_start3A_1389] : memref<128x512xi32, #tpu.memory_space<hbm>> -> memref<4x512xi32, #tpu.memory_space<hbm>>
    %dma_start3A_1391 = arith.constant 0 : i32
    %dma_start3A_1392 = tpu.memref_slice %arg5[%mul3A_2, %dma_start3A_1391] : memref<128x512xi32, #tpu.memory_space<hbm>> -> memref<4x512xi32, #tpu.memory_space<hbm>>
    %dma_start3A_1393 = arith.constant 0 : i32
    %dma_start3A_1394 = arith.constant 0 : i32
    %dma_start3A_1395 = tpu.memref_slice %arg11[%dma_start3A_1393, %dma_start3A_1394] : memref<8x512xi32, #tpu.memory_space<vmem>> -> memref<4x512xi32, #tpu.memory_space<vmem>>
    tpu.enqueue_dma source(%dma_start3A_1395 : memref<4x512xi32, #tpu.memory_space<vmem>>) target(%dma_start3A_1392 : memref<4x512xi32, #tpu.memory_space<hbm>>) target_semaphore(%arg41 : memref<!tpu.dma_semaphore, #tpu.memory_space<semaphore_mem>>)
    %dma_start3A_1396 = arith.constant 4 : i32
    %dma_start3A_1397 = arith.constant 0 : i32
    %dma_start3A_1398 = tpu.memref_slice %arg11[%dma_start3A_1396, %dma_start3A_1397] : memref<8x512xi32, #tpu.memory_space<vmem>> -> memref<4x512xi32, #tpu.memory_space<vmem>>
    %dma_start3A_1399 = arith.constant 0 : i32
    %dma_start3A_1400 = tpu.memref_slice %arg6[%mul3A_2, %dma_start3A_1399] : memref<128x512xi32, #tpu.memory_space<hbm>> -> memref<4x512xi32, #tpu.memory_space<hbm>>
    %dma_start3A_1401 = arith.constant 0 : i32
    %dma_start3A_1402 = tpu.memref_slice %arg6[%mul3A_2, %dma_start3A_1401] : memref<128x512xi32, #tpu.memory_space<hbm>> -> memref<4x512xi32, #tpu.memory_space<hbm>>
    %dma_start3A_1403 = arith.constant 4 : i32
    %dma_start3A_1404 = arith.constant 0 : i32
    %dma_start3A_1405 = tpu.memref_slice %arg11[%dma_start3A_1403, %dma_start3A_1404] : memref<8x512xi32, #tpu.memory_space<vmem>> -> memref<4x512xi32, #tpu.memory_space<vmem>>
    tpu.enqueue_dma source(%dma_start3A_1405 : memref<4x512xi32, #tpu.memory_space<vmem>>) target(%dma_start3A_1402 : memref<4x512xi32, #tpu.memory_space<hbm>>) target_semaphore(%arg42 : memref<!tpu.dma_semaphore, #tpu.memory_space<semaphore_mem>>)
    %dma_wait3A_1406 = arith.constant 1856 : i32
    %dma_wait3A_1407 = tpu.memref_slice %arg12[%dma_wait3A_1406] : memref<2048xi32, #tpu.memory_space<vmem>> -> memref<32xi32, #tpu.memory_space<vmem>>
    %dma_wait3A_1408 = arith.constant 0 : i32
    %dma_wait3A_1409 = arith.constant 0 : i32
    %dma_wait3A_1410 = tpu.memref_slice %arg3[%dma_wait3A_1408, %dma_wait3A_1409] : memref<131072x384xf32, #tpu.memory_space<hbm>> -> memref<131072x384xf32, #tpu.memory_space<hbm>>
    tpu.wait_indirect_dma semaphore(%arg23 : memref<!tpu.dma_semaphore, #tpu.memory_space<semaphore_mem>>) src(%dma_wait3A_1410 : memref<131072x384xf32, #tpu.memory_space<hbm>>) dst(%arg15 : memref<32x384xf32, #tpu.memory_space<vmem>>)
    %mul3A_1411 = arith.constant 2048 : i32
    %mul3A_1412 = arith.muli %add3A, %mul3A_1411 : i32
    %add3A_1413 = arith.constant 1856 : i32
    %add3A_1414 = arith.addi %mul3A_1412, %add3A_1413 : i32
    %dma_start3A_1415 = arith.constant 0 : i32
    %dma_start3A_1416 = tpu.memref_slice %arg4[%add3A_1414, %dma_start3A_1415] : memref<65536x384xf32, #tpu.memory_space<hbm>> -> memref<32x384xf32, #tpu.memory_space<hbm>>
    %dma_start3A_1417 = arith.constant 0 : i32
    %dma_start3A_1418 = tpu.memref_slice %arg4[%add3A_1414, %dma_start3A_1417] : memref<65536x384xf32, #tpu.memory_space<hbm>> -> memref<32x384xf32, #tpu.memory_space<hbm>>
    tpu.enqueue_dma source(%arg15 : memref<32x384xf32, #tpu.memory_space<vmem>>) target(%dma_start3A_1418 : memref<32x384xf32, #tpu.memory_space<hbm>>) target_semaphore(%arg31 : memref<!tpu.dma_semaphore, #tpu.memory_space<semaphore_mem>>)
    %dma_wait3A_1419 = arith.constant 1888 : i32
    %dma_wait3A_1420 = tpu.memref_slice %arg12[%dma_wait3A_1419] : memref<2048xi32, #tpu.memory_space<vmem>> -> memref<32xi32, #tpu.memory_space<vmem>>
    %dma_wait3A_1421 = arith.constant 0 : i32
    %dma_wait3A_1422 = arith.constant 0 : i32
    %dma_wait3A_1423 = tpu.memref_slice %arg3[%dma_wait3A_1421, %dma_wait3A_1422] : memref<131072x384xf32, #tpu.memory_space<hbm>> -> memref<131072x384xf32, #tpu.memory_space<hbm>>
    tpu.wait_indirect_dma semaphore(%arg24 : memref<!tpu.dma_semaphore, #tpu.memory_space<semaphore_mem>>) src(%dma_wait3A_1423 : memref<131072x384xf32, #tpu.memory_space<hbm>>) dst(%arg16 : memref<32x384xf32, #tpu.memory_space<vmem>>)
    %mul3A_1424 = arith.constant 2048 : i32
    %mul3A_1425 = arith.muli %add3A, %mul3A_1424 : i32
    %add3A_1426 = arith.constant 1888 : i32
    %add3A_1427 = arith.addi %mul3A_1425, %add3A_1426 : i32
    %dma_start3A_1428 = arith.constant 0 : i32
    %dma_start3A_1429 = tpu.memref_slice %arg4[%add3A_1427, %dma_start3A_1428] : memref<65536x384xf32, #tpu.memory_space<hbm>> -> memref<32x384xf32, #tpu.memory_space<hbm>>
    %dma_start3A_1430 = arith.constant 0 : i32
    %dma_start3A_1431 = tpu.memref_slice %arg4[%add3A_1427, %dma_start3A_1430] : memref<65536x384xf32, #tpu.memory_space<hbm>> -> memref<32x384xf32, #tpu.memory_space<hbm>>
    tpu.enqueue_dma source(%arg16 : memref<32x384xf32, #tpu.memory_space<vmem>>) target(%dma_start3A_1431 : memref<32x384xf32, #tpu.memory_space<hbm>>) target_semaphore(%arg32 : memref<!tpu.dma_semaphore, #tpu.memory_space<semaphore_mem>>)
    %dma_wait3A_1432 = arith.constant 1920 : i32
    %dma_wait3A_1433 = tpu.memref_slice %arg12[%dma_wait3A_1432] : memref<2048xi32, #tpu.memory_space<vmem>> -> memref<32xi32, #tpu.memory_space<vmem>>
    %dma_wait3A_1434 = arith.constant 0 : i32
    %dma_wait3A_1435 = arith.constant 0 : i32
    %dma_wait3A_1436 = tpu.memref_slice %arg3[%dma_wait3A_1434, %dma_wait3A_1435] : memref<131072x384xf32, #tpu.memory_space<hbm>> -> memref<131072x384xf32, #tpu.memory_space<hbm>>
    tpu.wait_indirect_dma semaphore(%arg25 : memref<!tpu.dma_semaphore, #tpu.memory_space<semaphore_mem>>) src(%dma_wait3A_1436 : memref<131072x384xf32, #tpu.memory_space<hbm>>) dst(%arg17 : memref<32x384xf32, #tpu.memory_space<vmem>>)
    %mul3A_1437 = arith.constant 2048 : i32
    %mul3A_1438 = arith.muli %add3A, %mul3A_1437 : i32
    %add3A_1439 = arith.constant 1920 : i32
    %add3A_1440 = arith.addi %mul3A_1438, %add3A_1439 : i32
    %dma_start3A_1441 = arith.constant 0 : i32
    %dma_start3A_1442 = tpu.memref_slice %arg4[%add3A_1440, %dma_start3A_1441] : memref<65536x384xf32, #tpu.memory_space<hbm>> -> memref<32x384xf32, #tpu.memory_space<hbm>>
    %dma_start3A_1443 = arith.constant 0 : i32
    %dma_start3A_1444 = tpu.memref_slice %arg4[%add3A_1440, %dma_start3A_1443] : memref<65536x384xf32, #tpu.memory_space<hbm>> -> memref<32x384xf32, #tpu.memory_space<hbm>>
    tpu.enqueue_dma source(%arg17 : memref<32x384xf32, #tpu.memory_space<vmem>>) target(%dma_start3A_1444 : memref<32x384xf32, #tpu.memory_space<hbm>>) target_semaphore(%arg33 : memref<!tpu.dma_semaphore, #tpu.memory_space<semaphore_mem>>)
    %dma_wait3A_1445 = arith.constant 1952 : i32
    %dma_wait3A_1446 = tpu.memref_slice %arg12[%dma_wait3A_1445] : memref<2048xi32, #tpu.memory_space<vmem>> -> memref<32xi32, #tpu.memory_space<vmem>>
    %dma_wait3A_1447 = arith.constant 0 : i32
    %dma_wait3A_1448 = arith.constant 0 : i32
    %dma_wait3A_1449 = tpu.memref_slice %arg3[%dma_wait3A_1447, %dma_wait3A_1448] : memref<131072x384xf32, #tpu.memory_space<hbm>> -> memref<131072x384xf32, #tpu.memory_space<hbm>>
    tpu.wait_indirect_dma semaphore(%arg26 : memref<!tpu.dma_semaphore, #tpu.memory_space<semaphore_mem>>) src(%dma_wait3A_1449 : memref<131072x384xf32, #tpu.memory_space<hbm>>) dst(%arg18 : memref<32x384xf32, #tpu.memory_space<vmem>>)
    %mul3A_1450 = arith.constant 2048 : i32
    %mul3A_1451 = arith.muli %add3A, %mul3A_1450 : i32
    %add3A_1452 = arith.constant 1952 : i32
    %add3A_1453 = arith.addi %mul3A_1451, %add3A_1452 : i32
    %dma_start3A_1454 = arith.constant 0 : i32
    %dma_start3A_1455 = tpu.memref_slice %arg4[%add3A_1453, %dma_start3A_1454] : memref<65536x384xf32, #tpu.memory_space<hbm>> -> memref<32x384xf32, #tpu.memory_space<hbm>>
    %dma_start3A_1456 = arith.constant 0 : i32
    %dma_start3A_1457 = tpu.memref_slice %arg4[%add3A_1453, %dma_start3A_1456] : memref<65536x384xf32, #tpu.memory_space<hbm>> -> memref<32x384xf32, #tpu.memory_space<hbm>>
    tpu.enqueue_dma source(%arg18 : memref<32x384xf32, #tpu.memory_space<vmem>>) target(%dma_start3A_1457 : memref<32x384xf32, #tpu.memory_space<hbm>>) target_semaphore(%arg34 : memref<!tpu.dma_semaphore, #tpu.memory_space<semaphore_mem>>)
    %dma_wait3A_1458 = arith.constant 1984 : i32
    %dma_wait3A_1459 = tpu.memref_slice %arg12[%dma_wait3A_1458] : memref<2048xi32, #tpu.memory_space<vmem>> -> memref<32xi32, #tpu.memory_space<vmem>>
    %dma_wait3A_1460 = arith.constant 0 : i32
    %dma_wait3A_1461 = arith.constant 0 : i32
    %dma_wait3A_1462 = tpu.memref_slice %arg3[%dma_wait3A_1460, %dma_wait3A_1461] : memref<131072x384xf32, #tpu.memory_space<hbm>> -> memref<131072x384xf32, #tpu.memory_space<hbm>>
    tpu.wait_indirect_dma semaphore(%arg27 : memref<!tpu.dma_semaphore, #tpu.memory_space<semaphore_mem>>) src(%dma_wait3A_1462 : memref<131072x384xf32, #tpu.memory_space<hbm>>) dst(%arg19 : memref<32x384xf32, #tpu.memory_space<vmem>>)
    %mul3A_1463 = arith.constant 2048 : i32
    %mul3A_1464 = arith.muli %add3A, %mul3A_1463 : i32
    %add3A_1465 = arith.constant 1984 : i32
    %add3A_1466 = arith.addi %mul3A_1464, %add3A_1465 : i32
    %dma_start3A_1467 = arith.constant 0 : i32
    %dma_start3A_1468 = tpu.memref_slice %arg4[%add3A_1466, %dma_start3A_1467] : memref<65536x384xf32, #tpu.memory_space<hbm>> -> memref<32x384xf32, #tpu.memory_space<hbm>>
    %dma_start3A_1469 = arith.constant 0 : i32
    %dma_start3A_1470 = tpu.memref_slice %arg4[%add3A_1466, %dma_start3A_1469] : memref<65536x384xf32, #tpu.memory_space<hbm>> -> memref<32x384xf32, #tpu.memory_space<hbm>>
    tpu.enqueue_dma source(%arg19 : memref<32x384xf32, #tpu.memory_space<vmem>>) target(%dma_start3A_1470 : memref<32x384xf32, #tpu.memory_space<hbm>>) target_semaphore(%arg35 : memref<!tpu.dma_semaphore, #tpu.memory_space<semaphore_mem>>)
    %dma_wait3A_1471 = arith.constant 2016 : i32
    %dma_wait3A_1472 = tpu.memref_slice %arg12[%dma_wait3A_1471] : memref<2048xi32, #tpu.memory_space<vmem>> -> memref<32xi32, #tpu.memory_space<vmem>>
    %dma_wait3A_1473 = arith.constant 0 : i32
    %dma_wait3A_1474 = arith.constant 0 : i32
    %dma_wait3A_1475 = tpu.memref_slice %arg3[%dma_wait3A_1473, %dma_wait3A_1474] : memref<131072x384xf32, #tpu.memory_space<hbm>> -> memref<131072x384xf32, #tpu.memory_space<hbm>>
    tpu.wait_indirect_dma semaphore(%arg28 : memref<!tpu.dma_semaphore, #tpu.memory_space<semaphore_mem>>) src(%dma_wait3A_1475 : memref<131072x384xf32, #tpu.memory_space<hbm>>) dst(%arg20 : memref<32x384xf32, #tpu.memory_space<vmem>>)
    %mul3A_1476 = arith.constant 2048 : i32
    %mul3A_1477 = arith.muli %add3A, %mul3A_1476 : i32
    %add3A_1478 = arith.constant 2016 : i32
    %add3A_1479 = arith.addi %mul3A_1477, %add3A_1478 : i32
    %dma_start3A_1480 = arith.constant 0 : i32
    %dma_start3A_1481 = tpu.memref_slice %arg4[%add3A_1479, %dma_start3A_1480] : memref<65536x384xf32, #tpu.memory_space<hbm>> -> memref<32x384xf32, #tpu.memory_space<hbm>>
    %dma_start3A_1482 = arith.constant 0 : i32
    %dma_start3A_1483 = tpu.memref_slice %arg4[%add3A_1479, %dma_start3A_1482] : memref<65536x384xf32, #tpu.memory_space<hbm>> -> memref<32x384xf32, #tpu.memory_space<hbm>>
    tpu.enqueue_dma source(%arg20 : memref<32x384xf32, #tpu.memory_space<vmem>>) target(%dma_start3A_1483 : memref<32x384xf32, #tpu.memory_space<hbm>>) target_semaphore(%arg36 : memref<!tpu.dma_semaphore, #tpu.memory_space<semaphore_mem>>)
    %dma_wait3A_1484 = arith.constant 0 : i32
    %dma_wait3A_1485 = tpu.memref_slice %arg4[%add3A_1359, %dma_wait3A_1484] : memref<65536x384xf32, #tpu.memory_space<hbm>> -> memref<32x384xf32, #tpu.memory_space<hbm>>
    %dma_wait3A_1486 = arith.constant 0 : i32
    %dma_wait3A_1487 = tpu.memref_slice %arg4[%add3A_1359, %dma_wait3A_1486] : memref<65536x384xf32, #tpu.memory_space<hbm>> -> memref<32x384xf32, #tpu.memory_space<hbm>>
    tpu.wait_dma2 semaphore(%arg29 : memref<!tpu.dma_semaphore, #tpu.memory_space<semaphore_mem>>) src(%arg13 : memref<32x384xf32, #tpu.memory_space<vmem>>) dst(%dma_wait3A_1487 : memref<32x384xf32, #tpu.memory_space<hbm>>)
    %dma_wait3A_1488 = arith.constant 0 : i32
    %dma_wait3A_1489 = tpu.memref_slice %arg4[%add3A_1381, %dma_wait3A_1488] : memref<65536x384xf32, #tpu.memory_space<hbm>> -> memref<32x384xf32, #tpu.memory_space<hbm>>
    %dma_wait3A_1490 = arith.constant 0 : i32
    %dma_wait3A_1491 = tpu.memref_slice %arg4[%add3A_1381, %dma_wait3A_1490] : memref<65536x384xf32, #tpu.memory_space<hbm>> -> memref<32x384xf32, #tpu.memory_space<hbm>>
    tpu.wait_dma2 semaphore(%arg30 : memref<!tpu.dma_semaphore, #tpu.memory_space<semaphore_mem>>) src(%arg14 : memref<32x384xf32, #tpu.memory_space<vmem>>) dst(%dma_wait3A_1491 : memref<32x384xf32, #tpu.memory_space<hbm>>)
    %dma_wait3A_1492 = arith.constant 0 : i32
    %dma_wait3A_1493 = tpu.memref_slice %arg4[%add3A_1414, %dma_wait3A_1492] : memref<65536x384xf32, #tpu.memory_space<hbm>> -> memref<32x384xf32, #tpu.memory_space<hbm>>
    %dma_wait3A_1494 = arith.constant 0 : i32
    %dma_wait3A_1495 = tpu.memref_slice %arg4[%add3A_1414, %dma_wait3A_1494] : memref<65536x384xf32, #tpu.memory_space<hbm>> -> memref<32x384xf32, #tpu.memory_space<hbm>>
    tpu.wait_dma2 semaphore(%arg31 : memref<!tpu.dma_semaphore, #tpu.memory_space<semaphore_mem>>) src(%arg15 : memref<32x384xf32, #tpu.memory_space<vmem>>) dst(%dma_wait3A_1495 : memref<32x384xf32, #tpu.memory_space<hbm>>)
    %dma_wait3A_1496 = arith.constant 0 : i32
    %dma_wait3A_1497 = tpu.memref_slice %arg4[%add3A_1427, %dma_wait3A_1496] : memref<65536x384xf32, #tpu.memory_space<hbm>> -> memref<32x384xf32, #tpu.memory_space<hbm>>
    %dma_wait3A_1498 = arith.constant 0 : i32
    %dma_wait3A_1499 = tpu.memref_slice %arg4[%add3A_1427, %dma_wait3A_1498] : memref<65536x384xf32, #tpu.memory_space<hbm>> -> memref<32x384xf32, #tpu.memory_space<hbm>>
    tpu.wait_dma2 semaphore(%arg32 : memref<!tpu.dma_semaphore, #tpu.memory_space<semaphore_mem>>) src(%arg16 : memref<32x384xf32, #tpu.memory_space<vmem>>) dst(%dma_wait3A_1499 : memref<32x384xf32, #tpu.memory_space<hbm>>)
    %dma_wait3A_1500 = arith.constant 0 : i32
    %dma_wait3A_1501 = tpu.memref_slice %arg4[%add3A_1440, %dma_wait3A_1500] : memref<65536x384xf32, #tpu.memory_space<hbm>> -> memref<32x384xf32, #tpu.memory_space<hbm>>
    %dma_wait3A_1502 = arith.constant 0 : i32
    %dma_wait3A_1503 = tpu.memref_slice %arg4[%add3A_1440, %dma_wait3A_1502] : memref<65536x384xf32, #tpu.memory_space<hbm>> -> memref<32x384xf32, #tpu.memory_space<hbm>>
    tpu.wait_dma2 semaphore(%arg33 : memref<!tpu.dma_semaphore, #tpu.memory_space<semaphore_mem>>) src(%arg17 : memref<32x384xf32, #tpu.memory_space<vmem>>) dst(%dma_wait3A_1503 : memref<32x384xf32, #tpu.memory_space<hbm>>)
    %dma_wait3A_1504 = arith.constant 0 : i32
    %dma_wait3A_1505 = tpu.memref_slice %arg4[%add3A_1453, %dma_wait3A_1504] : memref<65536x384xf32, #tpu.memory_space<hbm>> -> memref<32x384xf32, #tpu.memory_space<hbm>>
    %dma_wait3A_1506 = arith.constant 0 : i32
    %dma_wait3A_1507 = tpu.memref_slice %arg4[%add3A_1453, %dma_wait3A_1506] : memref<65536x384xf32, #tpu.memory_space<hbm>> -> memref<32x384xf32, #tpu.memory_space<hbm>>
    tpu.wait_dma2 semaphore(%arg34 : memref<!tpu.dma_semaphore, #tpu.memory_space<semaphore_mem>>) src(%arg18 : memref<32x384xf32, #tpu.memory_space<vmem>>) dst(%dma_wait3A_1507 : memref<32x384xf32, #tpu.memory_space<hbm>>)
    %dma_wait3A_1508 = arith.constant 0 : i32
    %dma_wait3A_1509 = tpu.memref_slice %arg4[%add3A_1466, %dma_wait3A_1508] : memref<65536x384xf32, #tpu.memory_space<hbm>> -> memref<32x384xf32, #tpu.memory_space<hbm>>
    %dma_wait3A_1510 = arith.constant 0 : i32
    %dma_wait3A_1511 = tpu.memref_slice %arg4[%add3A_1466, %dma_wait3A_1510] : memref<65536x384xf32, #tpu.memory_space<hbm>> -> memref<32x384xf32, #tpu.memory_space<hbm>>
    tpu.wait_dma2 semaphore(%arg35 : memref<!tpu.dma_semaphore, #tpu.memory_space<semaphore_mem>>) src(%arg19 : memref<32x384xf32, #tpu.memory_space<vmem>>) dst(%dma_wait3A_1511 : memref<32x384xf32, #tpu.memory_space<hbm>>)
    %dma_wait3A_1512 = arith.constant 0 : i32
    %dma_wait3A_1513 = tpu.memref_slice %arg4[%add3A_1479, %dma_wait3A_1512] : memref<65536x384xf32, #tpu.memory_space<hbm>> -> memref<32x384xf32, #tpu.memory_space<hbm>>
    %dma_wait3A_1514 = arith.constant 0 : i32
    %dma_wait3A_1515 = tpu.memref_slice %arg4[%add3A_1479, %dma_wait3A_1514] : memref<65536x384xf32, #tpu.memory_space<hbm>> -> memref<32x384xf32, #tpu.memory_space<hbm>>
    tpu.wait_dma2 semaphore(%arg36 : memref<!tpu.dma_semaphore, #tpu.memory_space<semaphore_mem>>) src(%arg20 : memref<32x384xf32, #tpu.memory_space<vmem>>) dst(%dma_wait3A_1515 : memref<32x384xf32, #tpu.memory_space<hbm>>)
    %dma_wait3A_1516 = arith.constant 0 : i32
    %dma_wait3A_1517 = arith.constant 0 : i32
    %dma_wait3A_1518 = tpu.memref_slice %arg11[%dma_wait3A_1516, %dma_wait3A_1517] : memref<8x512xi32, #tpu.memory_space<vmem>> -> memref<4x512xi32, #tpu.memory_space<vmem>>
    %dma_wait3A_1519 = arith.constant 0 : i32
    %dma_wait3A_1520 = tpu.memref_slice %arg5[%mul3A_2, %dma_wait3A_1519] : memref<128x512xi32, #tpu.memory_space<hbm>> -> memref<4x512xi32, #tpu.memory_space<hbm>>
    %dma_wait3A_1521 = arith.constant 0 : i32
    %dma_wait3A_1522 = tpu.memref_slice %arg5[%mul3A_2, %dma_wait3A_1521] : memref<128x512xi32, #tpu.memory_space<hbm>> -> memref<4x512xi32, #tpu.memory_space<hbm>>
    %dma_wait3A_1523 = arith.constant 0 : i32
    %dma_wait3A_1524 = arith.constant 0 : i32
    %dma_wait3A_1525 = tpu.memref_slice %arg11[%dma_wait3A_1523, %dma_wait3A_1524] : memref<8x512xi32, #tpu.memory_space<vmem>> -> memref<4x512xi32, #tpu.memory_space<vmem>>
    tpu.wait_dma2 semaphore(%arg41 : memref<!tpu.dma_semaphore, #tpu.memory_space<semaphore_mem>>) src(%dma_wait3A_1525 : memref<4x512xi32, #tpu.memory_space<vmem>>) dst(%dma_wait3A_1522 : memref<4x512xi32, #tpu.memory_space<hbm>>)
    %dma_wait3A_1526 = arith.constant 4 : i32
    %dma_wait3A_1527 = arith.constant 0 : i32
    %dma_wait3A_1528 = tpu.memref_slice %arg11[%dma_wait3A_1526, %dma_wait3A_1527] : memref<8x512xi32, #tpu.memory_space<vmem>> -> memref<4x512xi32, #tpu.memory_space<vmem>>
    %dma_wait3A_1529 = arith.constant 0 : i32
    %dma_wait3A_1530 = tpu.memref_slice %arg6[%mul3A_2, %dma_wait3A_1529] : memref<128x512xi32, #tpu.memory_space<hbm>> -> memref<4x512xi32, #tpu.memory_space<hbm>>
    %dma_wait3A_1531 = arith.constant 0 : i32
    %dma_wait3A_1532 = tpu.memref_slice %arg6[%mul3A_2, %dma_wait3A_1531] : memref<128x512xi32, #tpu.memory_space<hbm>> -> memref<4x512xi32, #tpu.memory_space<hbm>>
    %dma_wait3A_1533 = arith.constant 4 : i32
    %dma_wait3A_1534 = arith.constant 0 : i32
    %dma_wait3A_1535 = tpu.memref_slice %arg11[%dma_wait3A_1533, %dma_wait3A_1534] : memref<8x512xi32, #tpu.memory_space<vmem>> -> memref<4x512xi32, #tpu.memory_space<vmem>>
    tpu.wait_dma2 semaphore(%arg42 : memref<!tpu.dma_semaphore, #tpu.memory_space<semaphore_mem>>) src(%dma_wait3A_1535 : memref<4x512xi32, #tpu.memory_space<vmem>>) dst(%dma_wait3A_1532 : memref<4x512xi32, #tpu.memory_space<hbm>>)
    return
  }
}

module attributes {stable_mosaic.version = 14 : i64} {
  func.func @_select_body(%arg0: memref<128x2xf32, #tpu.memory_space<vmem>>, %arg1: memref<128x1024xi32, #tpu.memory_space<vmem>>) attributes {dimension_semantics = [], scalar_prefetch = 0 : i64, scratch_operands = 0 : i64, tpu.core_type = #tpu.core_type<tc>} {
    %get3A = arith.constant 0 : index
    %get3A_0 = arith.constant 0 : index
    %get3A_1 = vector.load %arg0[%get3A, %get3A_0] : memref<128x2xf32, #tpu.memory_space<vmem>>, vector<128x2xf32>
    %jit3A = arith.constant 0.000000e+00 : f32
    %jit3A_2 = arith.constant 1.000000e+00 : f32
    %max3A = vector.broadcast %jit3A : f32 to vector<128x2xf32>
    %max3A_3 = arith.maximumf %max3A, %get3A_1 : vector<128x2xf32>
    %min3A = vector.broadcast %jit3A_2 : f32 to vector<128x2xf32>
    %min3A_4 = arith.minimumf %min3A, %max3A_3 : vector<128x2xf32>
    %slice3A = vector.extract_strided_slice %min3A_4 {offsets = [0, 0], sizes = [128, 1], strides = [1, 1]} : vector<128x2xf32> to vector<128x1xf32>
    %slice3A_5 = vector.extract_strided_slice %min3A_4 {offsets = [0, 1], sizes = [128, 1], strides = [1, 1]} : vector<128x2xf32> to vector<128x1xf32>
    %iota3A = tpu.iota {dimensions = array<i32: 1>} : vector<128x1024xi32>
    %jit3A_6 = arith.constant 32 : i32
    %eq3A = arith.constant 0 : i32
    %eq3A_7 = arith.cmpi eq, %jit3A_6, %eq3A : i32
    %jit3A_8 = arith.constant 1 : i32
    %select_n3A = arith.select %eq3A_7, %jit3A_8, %jit3A_6 : i32
    %rem3A = vector.broadcast %select_n3A : i32 to vector<128x1024xi32>
    %rem3A_9 = arith.remsi %iota3A, %rem3A : vector<128x1024xi32>
    %ne3A = arith.constant 0 : i32
    %ne3A_10 = vector.broadcast %ne3A : i32 to vector<128x1024xi32>
    %ne3A_11 = arith.cmpi ne, %rem3A_9, %ne3A_10 : vector<128x1024xi32>
    %lt3A = arith.constant 0 : i32
    %lt3A_12 = vector.broadcast %lt3A : i32 to vector<128x1024xi32>
    %lt3A_13 = arith.cmpi slt, %rem3A_9, %lt3A_12 : vector<128x1024xi32>
    %lt3A_14 = arith.constant 0 : i32
    %lt3A_15 = arith.cmpi slt, %select_n3A, %lt3A_14 : i32
    %ne3A_16 = vector.broadcast %lt3A_15 : i1 to vector<128x1024xi1>
    %ne3A_17 = vector.broadcast %ne3A_16 : vector<128x1024xi1> to vector<128x1024xi1>
    %ne3A_18 = arith.xori %lt3A_13, %ne3A_17 : vector<128x1024xi1>
    %and3A = arith.andi %ne3A_18, %ne3A_11 : vector<128x1024xi1>
    %add3A = vector.broadcast %select_n3A : i32 to vector<128x1024xi32>
    %add3A_19 = arith.addi %rem3A_9, %add3A : vector<128x1024xi32>
    %select_n3A_20 = arith.select %and3A, %add3A_19, %rem3A_9 : vector<128x1024xi1>, vector<128x1024xi32>
    %convert_element_type3A = arith.sitofp %select_n3A_20 : vector<128x1024xi32> to vector<128x1024xf32>
    %add3A_21 = arith.constant 5.000000e-01 : f32
    %add3A_22 = vector.broadcast %add3A_21 : f32 to vector<128x1024xf32>
    %add3A_23 = arith.addf %convert_element_type3A, %add3A_22 : vector<128x1024xf32>
    %div3A = arith.constant 3.200000e+01 : f32
    %div3A_24 = vector.broadcast %div3A : f32 to vector<128x1024xf32>
    %div3A_25 = arith.divf %add3A_23, %div3A_24 : vector<128x1024xf32>
    %jit3A_26 = arith.constant 32 : i32
    %div3A_27 = vector.broadcast %jit3A_26 : i32 to vector<128x1024xi32>
    %div3A_28 = arith.divsi %iota3A, %div3A_27 : vector<128x1024xi32>
    %sign3A = arith.constant 0 : i32
    %sign3A_29 = vector.broadcast %sign3A : i32 to vector<128x1024xi32>
    %sign3A_30 = arith.cmpi sgt, %iota3A, %sign3A_29 : vector<128x1024xi32>
    %sign3A_31 = arith.extui %sign3A_30 : vector<128x1024xi1> to vector<128x1024xi32>
    %sign3A_32 = arith.constant 0 : i32
    %sign3A_33 = vector.broadcast %sign3A_32 : i32 to vector<128x1024xi32>
    %sign3A_34 = arith.cmpi slt, %iota3A, %sign3A_33 : vector<128x1024xi32>
    %sign3A_35 = arith.extui %sign3A_34 : vector<128x1024xi1> to vector<128x1024xi32>
    %sign3A_36 = arith.subi %sign3A_31, %sign3A_35 : vector<128x1024xi32>
    %sign3A_37 = arith.constant 0 : i32
    %sign3A_38 = arith.cmpi sgt, %jit3A_26, %sign3A_37 : i32
    %sign3A_39 = arith.extui %sign3A_38 : i1 to i32
    %sign3A_40 = arith.constant 0 : i32
    %sign3A_41 = arith.cmpi slt, %jit3A_26, %sign3A_40 : i32
    %sign3A_42 = arith.extui %sign3A_41 : i1 to i32
    %sign3A_43 = arith.subi %sign3A_39, %sign3A_42 : i32
    %ne3A_44 = vector.broadcast %sign3A_43 : i32 to vector<128x1024xi32>
    %ne3A_45 = arith.cmpi ne, %sign3A_36, %ne3A_44 : vector<128x1024xi32>
    %rem3A_46 = vector.broadcast %jit3A_26 : i32 to vector<128x1024xi32>
    %rem3A_47 = arith.remsi %iota3A, %rem3A_46 : vector<128x1024xi32>
    %ne3A_48 = arith.constant 0 : i32
    %ne3A_49 = vector.broadcast %ne3A_48 : i32 to vector<128x1024xi32>
    %ne3A_50 = arith.cmpi ne, %rem3A_47, %ne3A_49 : vector<128x1024xi32>
    %and3A_51 = arith.andi %ne3A_45, %ne3A_50 : vector<128x1024xi1>
    %sub3A = arith.constant 1 : i32
    %sub3A_52 = vector.broadcast %sub3A : i32 to vector<128x1024xi32>
    %sub3A_53 = arith.subi %div3A_28, %sub3A_52 : vector<128x1024xi32>
    %select_n3A_54 = arith.select %and3A_51, %sub3A_53, %div3A_28 : vector<128x1024xi1>, vector<128x1024xi32>
    %convert_element_type3A_55 = arith.sitofp %select_n3A_54 : vector<128x1024xi32> to vector<128x1024xf32>
    %add3A_56 = arith.constant 5.000000e-01 : f32
    %add3A_57 = vector.broadcast %add3A_56 : f32 to vector<128x1024xf32>
    %add3A_58 = arith.addf %convert_element_type3A_55, %add3A_57 : vector<128x1024xf32>
    %div3A_59 = arith.constant 3.200000e+01 : f32
    %div3A_60 = vector.broadcast %div3A_59 : f32 to vector<128x1024xf32>
    %div3A_61 = arith.divf %add3A_58, %div3A_60 : vector<128x1024xf32>
    %sub3A_62 = vector.broadcast %slice3A : vector<128x1xf32> to vector<128x1024xf32>
    %sub3A_63 = arith.subf %sub3A_62, %div3A_25 : vector<128x1024xf32>
    %sub3A_64 = vector.broadcast %slice3A_5 : vector<128x1xf32> to vector<128x1024xf32>
    %sub3A_65 = arith.subf %sub3A_64, %div3A_61 : vector<128x1024xf32>
    %mul3A = arith.mulf %sub3A_63, %sub3A_63 : vector<128x1024xf32>
    %mul3A_66 = arith.mulf %sub3A_65, %sub3A_65 : vector<128x1024xf32>
    %add3A_67 = arith.addf %mul3A, %mul3A_66 : vector<128x1024xf32>
    %sqrt3A = math.sqrt %add3A_67 : vector<128x1024xf32>
    %bitcast_convert_type3A = tpu.bitcast %sqrt3A : vector<128x1024xf32> -> vector<128x1024xi32>
    %broadcast_in_dim3A = arith.constant 964689919 : i32
    %broadcast_in_dim3A_68 = vector.broadcast %broadcast_in_dim3A : i32 to vector<128x1xi32>
    %broadcast_in_dim3A_69 = arith.constant 1069547520 : i32
    %broadcast_in_dim3A_70 = vector.broadcast %broadcast_in_dim3A_69 : i32 to vector<128x1xi32>
    %scan3A = arith.constant 0 : i32
    %scan3A_71 = arith.constant 27 : i32
    %scan3A_72 = arith.addi %scan3A, %scan3A_71 : i32
    %scan3A_73 = arith.constant 1 : i32
    %scan3A_74:2 = scf.for %scan3A_164 = %scan3A to %scan3A_72 step %scan3A_73 iter_args(%scan3A_165 = %broadcast_in_dim3A_68, %scan3A_166 = %broadcast_in_dim3A_70) -> (vector<128x1xi32>, vector<128x1xi32>)  : i32 {
      %sub3A_167 = arith.subi %scan3A_166, %scan3A_165 : vector<128x1xi32>
      %jit3A_168 = arith.constant 2 : i32
      %div3A_169 = vector.broadcast %jit3A_168 : i32 to vector<128x1xi32>
      %div3A_170 = arith.divsi %sub3A_167, %div3A_169 : vector<128x1xi32>
      %sign3A_171 = arith.constant 0 : i32
      %sign3A_172 = vector.broadcast %sign3A_171 : i32 to vector<128x1xi32>
      %sign3A_173 = arith.cmpi sgt, %sub3A_167, %sign3A_172 : vector<128x1xi32>
      %sign3A_174 = arith.extui %sign3A_173 : vector<128x1xi1> to vector<128x1xi32>
      %sign3A_175 = arith.constant 0 : i32
      %sign3A_176 = vector.broadcast %sign3A_175 : i32 to vector<128x1xi32>
      %sign3A_177 = arith.cmpi slt, %sub3A_167, %sign3A_176 : vector<128x1xi32>
      %sign3A_178 = arith.extui %sign3A_177 : vector<128x1xi1> to vector<128x1xi32>
      %sign3A_179 = arith.subi %sign3A_174, %sign3A_178 : vector<128x1xi32>
      %sign3A_180 = arith.constant 0 : i32
      %sign3A_181 = arith.cmpi sgt, %jit3A_168, %sign3A_180 : i32
      %sign3A_182 = arith.extui %sign3A_181 : i1 to i32
      %sign3A_183 = arith.constant 0 : i32
      %sign3A_184 = arith.cmpi slt, %jit3A_168, %sign3A_183 : i32
      %sign3A_185 = arith.extui %sign3A_184 : i1 to i32
      %sign3A_186 = arith.subi %sign3A_182, %sign3A_185 : i32
      %ne3A_187 = vector.broadcast %sign3A_186 : i32 to vector<128x1xi32>
      %ne3A_188 = arith.cmpi ne, %sign3A_179, %ne3A_187 : vector<128x1xi32>
      %rem3A_189 = vector.broadcast %jit3A_168 : i32 to vector<128x1xi32>
      %rem3A_190 = arith.remsi %sub3A_167, %rem3A_189 : vector<128x1xi32>
      %ne3A_191 = arith.constant 0 : i32
      %ne3A_192 = vector.broadcast %ne3A_191 : i32 to vector<128x1xi32>
      %ne3A_193 = arith.cmpi ne, %rem3A_190, %ne3A_192 : vector<128x1xi32>
      %and3A_194 = arith.andi %ne3A_188, %ne3A_193 : vector<128x1xi1>
      %sub3A_195 = arith.constant 1 : i32
      %sub3A_196 = vector.broadcast %sub3A_195 : i32 to vector<128x1xi32>
      %sub3A_197 = arith.subi %div3A_170, %sub3A_196 : vector<128x1xi32>
      %select_n3A_198 = arith.select %and3A_194, %sub3A_197, %div3A_170 : vector<128x1xi1>, vector<128x1xi32>
      %add3A_199 = arith.addi %scan3A_165, %select_n3A_198 : vector<128x1xi32>
      %le3A_200 = vector.broadcast %add3A_199 : vector<128x1xi32> to vector<128x1024xi32>
      %le3A_201 = arith.cmpi sle, %bitcast_convert_type3A, %le3A_200 : vector<128x1024xi32>
      %convert_element_type3A_202 = arith.extui %le3A_201 : vector<128x1024xi1> to vector<128x1024xi32>
      %reduce_sum3A_203 = arith.constant dense<0> : vector<128xi32>
      %reduce_sum3A_204 = vector.multi_reduction <add>, %convert_element_type3A_202, %reduce_sum3A_203 [1] : vector<128x1024xi32> to vector<128xi32>
      %broadcast_in_dim3A_205 = vector.shape_cast %reduce_sum3A_204 : vector<128xi32> to vector<128x1xi32>
      %ge3A = arith.constant 512 : i32
      %ge3A_206 = vector.broadcast %ge3A : i32 to vector<128x1xi32>
      %ge3A_207 = arith.cmpi sge, %broadcast_in_dim3A_205, %ge3A_206 : vector<128x1xi32>
      %select_n3A_208 = arith.select %ge3A_207, %scan3A_165, %add3A_199 : vector<128x1xi1>, vector<128x1xi32>
      %select_n3A_209 = arith.select %ge3A_207, %add3A_199, %scan3A_166 : vector<128x1xi1>, vector<128x1xi32>
      scf.yield %select_n3A_208, %select_n3A_209 : vector<128x1xi32>, vector<128x1xi32>
    }
    %lt3A_75 = vector.broadcast %scan3A_74#1 : vector<128x1xi32> to vector<128x1024xi32>
    %lt3A_76 = arith.cmpi slt, %bitcast_convert_type3A, %lt3A_75 : vector<128x1024xi32>
    %convert_element_type3A_77 = arith.extui %lt3A_76 : vector<128x1024xi1> to vector<128x1024xi32>
    %reduce_sum3A = arith.constant dense<0> : vector<128xi32>
    %reduce_sum3A_78 = vector.multi_reduction <add>, %convert_element_type3A_77, %reduce_sum3A [1] : vector<128x1024xi32> to vector<128xi32>
    %broadcast_in_dim3A_79 = vector.shape_cast %reduce_sum3A_78 : vector<128xi32> to vector<128x1xi32>
    %sub3A_80 = arith.constant 512 : i32
    %sub3A_81 = vector.broadcast %sub3A_80 : i32 to vector<128x1xi32>
    %sub3A_82 = arith.subi %sub3A_81, %broadcast_in_dim3A_79 : vector<128x1xi32>
    %lt3A_83 = vector.broadcast %scan3A_74#1 : vector<128x1xi32> to vector<128x1024xi32>
    %lt3A_84 = arith.cmpi slt, %bitcast_convert_type3A, %lt3A_83 : vector<128x1024xi32>
    %eq3A_85 = vector.broadcast %scan3A_74#1 : vector<128x1xi32> to vector<128x1024xi32>
    %eq3A_86 = arith.cmpi eq, %bitcast_convert_type3A, %eq3A_85 : vector<128x1024xi32>
    %convert_element_type3A_87 = arith.extui %lt3A_84 : vector<128x1024xi1> to vector<128x1024xi32>
    %convert_element_type3A_88 = arith.extui %eq3A_86 : vector<128x1024xi1> to vector<128x1024xi32>
    %shift_left3A = arith.constant 16 : i32
    %shift_left3A_89 = vector.broadcast %shift_left3A : i32 to vector<128x1024xi32>
    %shift_left3A_90 = arith.shli %convert_element_type3A_88, %shift_left3A_89 : vector<128x1024xi32>
    %add3A_91 = arith.addi %convert_element_type3A_87, %shift_left3A_90 : vector<128x1024xi32>
    %broadcast_in_dim3A_92 = arith.constant 0 : i32
    %broadcast_in_dim3A_93 = vector.broadcast %broadcast_in_dim3A_92 : i32 to vector<128x1xi32>
    %slice3A_94 = vector.extract_strided_slice %add3A_91 {offsets = [0, 0], sizes = [128, 1023], strides = [1, 1]} : vector<128x1024xi32> to vector<128x1023xi32>
    %concatenate3A = tpu.concatenate %broadcast_in_dim3A_93, %slice3A_94 in 1 : vector<128x1xi32>, vector<128x1023xi32> -> vector<128x1024xi32>
    %add3A_95 = arith.addi %add3A_91, %concatenate3A : vector<128x1024xi32>
    %broadcast_in_dim3A_96 = arith.constant 0 : i32
    %broadcast_in_dim3A_97 = vector.broadcast %broadcast_in_dim3A_96 : i32 to vector<128x2xi32>
    %slice3A_98 = vector.extract_strided_slice %add3A_95 {offsets = [0, 0], sizes = [128, 1022], strides = [1, 1]} : vector<128x1024xi32> to vector<128x1022xi32>
    %concatenate3A_99 = tpu.concatenate %broadcast_in_dim3A_97, %slice3A_98 in 1 : vector<128x2xi32>, vector<128x1022xi32> -> vector<128x1024xi32>
    %add3A_100 = arith.addi %add3A_95, %concatenate3A_99 : vector<128x1024xi32>
    %broadcast_in_dim3A_101 = arith.constant 0 : i32
    %broadcast_in_dim3A_102 = vector.broadcast %broadcast_in_dim3A_101 : i32 to vector<128x4xi32>
    %slice3A_103 = vector.extract_strided_slice %add3A_100 {offsets = [0, 0], sizes = [128, 1020], strides = [1, 1]} : vector<128x1024xi32> to vector<128x1020xi32>
    %concatenate3A_104 = tpu.concatenate %broadcast_in_dim3A_102, %slice3A_103 in 1 : vector<128x4xi32>, vector<128x1020xi32> -> vector<128x1024xi32>
    %add3A_105 = arith.addi %add3A_100, %concatenate3A_104 : vector<128x1024xi32>
    %broadcast_in_dim3A_106 = arith.constant 0 : i32
    %broadcast_in_dim3A_107 = vector.broadcast %broadcast_in_dim3A_106 : i32 to vector<128x8xi32>
    %slice3A_108 = vector.extract_strided_slice %add3A_105 {offsets = [0, 0], sizes = [128, 1016], strides = [1, 1]} : vector<128x1024xi32> to vector<128x1016xi32>
    %concatenate3A_109 = tpu.concatenate %broadcast_in_dim3A_107, %slice3A_108 in 1 : vector<128x8xi32>, vector<128x1016xi32> -> vector<128x1024xi32>
    %add3A_110 = arith.addi %add3A_105, %concatenate3A_109 : vector<128x1024xi32>
    %broadcast_in_dim3A_111 = arith.constant 0 : i32
    %broadcast_in_dim3A_112 = vector.broadcast %broadcast_in_dim3A_111 : i32 to vector<128x16xi32>
    %slice3A_113 = vector.extract_strided_slice %add3A_110 {offsets = [0, 0], sizes = [128, 1008], strides = [1, 1]} : vector<128x1024xi32> to vector<128x1008xi32>
    %concatenate3A_114 = tpu.concatenate %broadcast_in_dim3A_112, %slice3A_113 in 1 : vector<128x16xi32>, vector<128x1008xi32> -> vector<128x1024xi32>
    %add3A_115 = arith.addi %add3A_110, %concatenate3A_114 : vector<128x1024xi32>
    %broadcast_in_dim3A_116 = arith.constant 0 : i32
    %broadcast_in_dim3A_117 = vector.broadcast %broadcast_in_dim3A_116 : i32 to vector<128x32xi32>
    %slice3A_118 = vector.extract_strided_slice %add3A_115 {offsets = [0, 0], sizes = [128, 992], strides = [1, 1]} : vector<128x1024xi32> to vector<128x992xi32>
    %concatenate3A_119 = tpu.concatenate %broadcast_in_dim3A_117, %slice3A_118 in 1 : vector<128x32xi32>, vector<128x992xi32> -> vector<128x1024xi32>
    %add3A_120 = arith.addi %add3A_115, %concatenate3A_119 : vector<128x1024xi32>
    %broadcast_in_dim3A_121 = arith.constant 0 : i32
    %broadcast_in_dim3A_122 = vector.broadcast %broadcast_in_dim3A_121 : i32 to vector<128x64xi32>
    %slice3A_123 = vector.extract_strided_slice %add3A_120 {offsets = [0, 0], sizes = [128, 960], strides = [1, 1]} : vector<128x1024xi32> to vector<128x960xi32>
    %concatenate3A_124 = tpu.concatenate %broadcast_in_dim3A_122, %slice3A_123 in 1 : vector<128x64xi32>, vector<128x960xi32> -> vector<128x1024xi32>
    %add3A_125 = arith.addi %add3A_120, %concatenate3A_124 : vector<128x1024xi32>
    %broadcast_in_dim3A_126 = arith.constant 0 : i32
    %broadcast_in_dim3A_127 = vector.broadcast %broadcast_in_dim3A_126 : i32 to vector<128x128xi32>
    %slice3A_128 = vector.extract_strided_slice %add3A_125 {offsets = [0, 0], sizes = [128, 896], strides = [1, 1]} : vector<128x1024xi32> to vector<128x896xi32>
    %concatenate3A_129 = tpu.concatenate %broadcast_in_dim3A_127, %slice3A_128 in 1 : vector<128x128xi32>, vector<128x896xi32> -> vector<128x1024xi32>
    %add3A_130 = arith.addi %add3A_125, %concatenate3A_129 : vector<128x1024xi32>
    %broadcast_in_dim3A_131 = arith.constant 0 : i32
    %broadcast_in_dim3A_132 = vector.broadcast %broadcast_in_dim3A_131 : i32 to vector<128x256xi32>
    %slice3A_133 = vector.extract_strided_slice %add3A_130 {offsets = [0, 0], sizes = [128, 768], strides = [1, 1]} : vector<128x1024xi32> to vector<128x768xi32>
    %concatenate3A_134 = tpu.concatenate %broadcast_in_dim3A_132, %slice3A_133 in 1 : vector<128x256xi32>, vector<128x768xi32> -> vector<128x1024xi32>
    %add3A_135 = arith.addi %add3A_130, %concatenate3A_134 : vector<128x1024xi32>
    %broadcast_in_dim3A_136 = arith.constant 0 : i32
    %broadcast_in_dim3A_137 = vector.broadcast %broadcast_in_dim3A_136 : i32 to vector<128x512xi32>
    %slice3A_138 = vector.extract_strided_slice %add3A_135 {offsets = [0, 0], sizes = [128, 512], strides = [1, 1]} : vector<128x1024xi32> to vector<128x512xi32>
    %concatenate3A_139 = tpu.concatenate %broadcast_in_dim3A_137, %slice3A_138 in 1 : vector<128x512xi32>, vector<128x512xi32> -> vector<128x1024xi32>
    %add3A_140 = arith.addi %add3A_135, %concatenate3A_139 : vector<128x1024xi32>
    %shift_right_arithmetic3A = arith.constant 16 : i32
    %shift_right_arithmetic3A_141 = vector.broadcast %shift_right_arithmetic3A : i32 to vector<128x1024xi32>
    %shift_right_arithmetic3A_142 = arith.shrsi %add3A_140, %shift_right_arithmetic3A_141 : vector<128x1024xi32>
    %and3A_143 = arith.constant 65535 : i32
    %and3A_144 = vector.broadcast %and3A_143 : i32 to vector<128x1024xi32>
    %and3A_145 = arith.andi %add3A_140, %and3A_144 : vector<128x1024xi32>
    %min3A_146 = vector.broadcast %sub3A_82 : vector<128x1xi32> to vector<128x1024xi32>
    %min3A_147 = arith.minsi %shift_right_arithmetic3A_142, %min3A_146 : vector<128x1024xi32>
    %add3A_148 = arith.addi %and3A_145, %min3A_147 : vector<128x1024xi32>
    %le3A = vector.broadcast %sub3A_82 : vector<128x1xi32> to vector<128x1024xi32>
    %le3A_149 = arith.cmpi sle, %shift_right_arithmetic3A_142, %le3A : vector<128x1024xi32>
    %and3A_150 = arith.andi %eq3A_86, %le3A_149 : vector<128x1024xi1>
    %or3A = arith.ori %lt3A_84, %and3A_150 : vector<128x1024xi1>
    %sub3A_151 = arith.constant 1 : i32
    %sub3A_152 = vector.broadcast %sub3A_151 : i32 to vector<128x1024xi32>
    %sub3A_153 = arith.subi %add3A_148, %sub3A_152 : vector<128x1024xi32>
    %add3A_154 = arith.constant 1 : i32
    %add3A_155 = vector.broadcast %add3A_154 : i32 to vector<128x1024xi32>
    %add3A_156 = arith.addi %iota3A, %add3A_155 : vector<128x1024xi32>
    %sub3A_157 = arith.subi %add3A_156, %add3A_148 : vector<128x1024xi32>
    %add3A_158 = arith.constant 511 : i32
    %add3A_159 = vector.broadcast %add3A_158 : i32 to vector<128x1024xi32>
    %add3A_160 = arith.addi %add3A_159, %sub3A_157 : vector<128x1024xi32>
    %select_n3A_161 = arith.select %or3A, %sub3A_153, %add3A_160 : vector<128x1024xi1>, vector<128x1024xi32>
    %swap3A = arith.constant 0 : index
    %swap3A_162 = arith.constant 0 : index
    %swap3A_163 = vector.load %arg1[%swap3A, %swap3A_162] : memref<128x1024xi32, #tpu.memory_space<vmem>>, vector<128x1024xi32>
    tpu.vector_store %arg1[%swap3A, %swap3A_162], %select_n3A_161 {strides = array<i32>} : memref<128x1024xi32, #tpu.memory_space<vmem>>, vector<128x1024xi32>,
    return
  }
}

</mosaic_0001>

<sc_bundles>
// kernel: kernel.4.cloned.1.call-start
scs
__scs_entry_jumppad:
0x0: {  	(pc) =	sbr.rel $0x88, $3  }
0x1: {  	(tag) =	ssettag $0x0;
	lr =	simm.s32 $0x1  }
0x2: {  	[smem:$0x3F9F] =	sst lr;
	_ =	strace $0xD0000000  }
0x3: {  	_ = 	snop  }
0x4: {  	_ = 	snop  }
0x5: {  	_ = 	snop  }
0x6: {  	_ = 	snop  }
0x7: {  	_ = 	snop  }
__scs_overlays_trampoline_lowered:
0x8: {  	[smem:$0x3FAE] =	sst s0  }
0x9: {  	[smem:$0x3FAF] =	sst s1  }
0xa: {  	[smem:$0x3FB0] =	sst s2  }
0xb: {  	[smem:$0x3FB1] =	sst s3  }
0xc: {  	[smem:$0x3FB2] =	sst s4  }
0xd: {  	[smem:$0x3FB3] =	sst s5  }
0xe: {  	[smem:$0x3FB4] =	sst s6  }
0xf: {  	[smem:$0x3FB5] =	sst s7  }
0x10: {  	[smem:$0x3FB6] =	sst s8  }
0x11: {  	[smem:$0x3FB7] =	sst s9;
	s0 =	simm.s32 @!p0 $0x0  }
0x12: {  	s1 =	sld [smem:$0x3F9D];
	s0 =	simm.s32 @p0 $0x1  }
0x13: {  	[smem:$0x3FB8] =	sst s0;
	s0 =	simm.s32 @!p1 $0x0  }
0x14: {  	s2 =	sld [smem:$0x3F9C];
	s0 =	simm.s32 @p1 $0x1  }
0x15: {  	[smem:$0x3FB9] =	sst s0;
	s0 =	simm.s32 @!p2 $0x0  }
0x16: {  	s3 =	sld [smem:$0x3FDB];
	s0 =	simm.s32 @p2 $0x1  }
0x17: {  	s4 =	simm.s32 $0x1BF5;
	[smem:$0x3FBB] =	sst s0  }
0x18: {  	s0 =	sld [smem:$0x3F9E];
	_ =	swait.ge [sflag:s4], $0x0  }
0x19: {  	s7 =	sld [smem:$0x3F9F]  }
0x1a: {  	s8 =	sadd.s32 $0xFFFFE003, lr  }
0x1b: {  	s9 =	sadd.s32 $0xFFFFFEF7, lr;
	s5 =	simm.s32 $0xFFFFFFFF;
	p2 =	slt.u32 s8, $0xFFFFF086  }
0x1c: {  	p1 =	slt.u32 s9, $0xF7A;
	s5 =	simm.s32 @!p2 $0x0  }
0x1d: {  	s5 =	simm.s32 @p1 $0x1;
	p0 =	seq.s32 s7, s2  }
0x1e: {  	s7 =	smul.u32 @!p0 $0xF7A, s2;
	p2 =	seq.s32 @!p0 s5, $0x0  }
0x1f: {  	s9 =	smul.u32 $0xF7A, s1;
	s8 =	simm.s32 @!p0 $0x1BF5;
	p2 =	por !p2, p0  }
0x20: {  	[sflag:s8] =	ssyncset.s32 @!p0 $0xFFFFF086;
	s6 =	sadd.s32 @!p0 s3, s7;
	s7 =	simm.s32 @!p0 $0x108  }
0x21: {  	s3 =	sadd.s32 s3, s9;
	s6 =	sadd.s32 @!p0 $0x88, s6;
	s7 =	simm.s32 @p2 $0x1082  }
0x22: {  	[simem:s7], [sflag:s8] =	dma.local @!p0 [hbm:s6], $0xF7A  }
0x23: {  	s9 =	sor.u32 $0xD0000000, s2;
	s6 =	simm.s32 $0x108;
	_ =	swait.ge @!p0 [sflag:s8], $0x0  }
0x24: {  	s3 =	sadd.s32 $0x88, s3;
	s6 =	simm.s32 @!p1 $0x1082;
	[sflag:s4] =	ssyncset.s32 $0xFFFFF086  }
0x25: {  	[simem:s6], [sflag:s4] =	dma.local [hbm:s3], $0xF7A  }
0x26: {  	[smem:$0x3F9F] =	sst s1;
	(tag) =	ssettag s2;
	_ =	strace s9  }
0x27: {  	s1 =	sld [smem:$0x3FAF]  }
0x28: {  	s2 =	sld [smem:$0x3FB0]  }
0x29: {  	s4 =	sld [smem:$0x3FB2]  }
0x2a: {  	p0 =	seq.s32 s5, $0x0;
	s5 =	sld [smem:$0x3FB3]  }
0x2b: {  	s6 =	sld [smem:$0x3FB4]  }
0x2c: {  	s7 =	sld [smem:$0x3FB5]  }
0x2d: {  	s3 =	simm.s32 $0x108;
	s8 =	sld [smem:$0x3FB6]  }
0x2e: {  	s3 =	simm.s32 @!p0 $0x1082;
	s9 =	sld [smem:$0x3FB7]  }
0x2f: {  	lr =	sadd.s32 s0, s3;
	s0 =	sld [smem:$0x3FAE]  }
0x30: {  	s3 =	sld [smem:$0x3FB1]  }
0x31: {  	[smem:$0x3FBA] =	sst s10  }
0x32: {  	s10 =	sld [smem:$0x3FB8];
	_ =	sdelay $0x3  }
0x33: {  	p0 =	seq.s32 s10, $0x1;
	s10 =	sld [smem:$0x3FBA];
	_ =	sdelay $0x3  }
0x34: {  	[smem:$0x3FBA] =	sst s10  }
0x35: {  	s10 =	sld [smem:$0x3FB9];
	_ =	sdelay $0x3  }
0x36: {  	p1 =	seq.s32 s10, $0x1;
	s10 =	sld [smem:$0x3FBA];
	_ =	sdelay $0x3  }
0x37: {  	[smem:$0x3FBA] =	sst s10  }
0x38: {  	s10 =	sld [smem:$0x3FBB]  }
0x39: {  	_ = 	snop;
	(pc) =	sbr.ind lr, $3  }
0x3a: {  	_ = 	snop  }
0x3b: {  	_ = 	snop  }
0x3c: {  	p2 =	seq.s32 s10, $0x1;
	s10 =	sld [smem:$0x3FBA]  }
0x3d: {  	_ =	shalt  }
0x3e: {  	_ =	shalt  }
0x3f: {  	_ =	shalt  }
0x40: {  	_ =	shalt  }
0x41: {  	_ =	shalt  }
0x42: {  	_ =	shalt  }
0x43: {  	_ =	shalt  }
0x44: {  	_ =	shalt  }
0x45: {  	_ =	shalt  }
0x46: {  	_ =	shalt  }
0x47: {  	_ =	shalt  }
0x48: {  	_ =	shalt  }
0x49: {  	_ =	shalt  }
0x4a: {  	_ =	shalt  }
0x4b: {  	_ =	shalt  }
0x4c: {  	_ =	shalt  }
0x4d: {  	_ =	shalt  }
0x4e: {  	_ =	shalt  }
0x4f: {  	_ =	shalt  }
0x50: {  	_ =	shalt  }
0x51: {  	_ =	shalt  }
0x52: {  	_ =	shalt  }
0x53: {  	_ =	shalt  }
0x54: {  	_ =	shalt  }
0x55: {  	_ =	shalt  }
0x56: {  	_ =	shalt  }
0x57: {  	_ =	shalt  }
0x58: {  	_ =	shalt  }
0x59: {  	_ =	shalt  }
0x5a: {  	_ =	shalt  }
0x5b: {  	_ =	shalt  }
0x5c: {  	_ =	shalt  }
0x5d: {  	_ =	shalt  }
0x5e: {  	_ =	shalt  }
0x5f: {  	_ =	shalt  }
0x60: {  	_ =	shalt  }
0x61: {  	_ =	shalt  }
0x62: {  	_ =	shalt  }
0x63: {  	_ =	shalt  }
0x64: {  	_ =	shalt  }
0x65: {  	_ =	shalt  }
0x66: {  	_ =	shalt  }
0x67: {  	_ =	shalt  }
0x68: {  	_ =	shalt  }
0x69: {  	_ =	shalt  }
0x6a: {  	_ =	shalt  }
0x6b: {  	_ =	shalt  }
0x6c: {  	_ =	shalt  }
0x6d: {  	_ =	shalt  }
0x6e: {  	_ =	shalt  }
0x6f: {  	_ =	shalt  }
0x70: {  	_ =	shalt  }
0x71: {  	_ =	shalt  }
0x72: {  	_ =	shalt  }
0x73: {  	_ =	shalt  }
0x74: {  	_ =	shalt  }
0x75: {  	_ =	shalt  }
0x76: {  	_ =	shalt  }
0x77: {  	_ =	shalt  }
0x78: {  	_ =	shalt  }
0x79: {  	_ =	shalt  }
0x7a: {  	_ =	shalt  }
0x7b: {  	_ =	shalt  }
0x7c: {  	_ =	shalt  }
0x7d: {  	_ =	shalt  }
0x7e: {  	_ =	shalt  }
0x7f: {  	_ =	shalt  }
0x80: {  	_ =	shalt  }
0x81: {  	_ =	shalt  }
0x82: {  	_ =	shalt  }
0x83: {  	_ =	shalt  }
0x84: {  	_ =	shalt  }
0x85: {  	_ =	shalt  }
0x86: {  	_ =	shalt  }
0x87: {  	_ =	shalt  }
.Lfunc_end0:
.L_simem_size_0:
called_computation_lowered:
.L_overlay_start_0:
0x88: {  	s2 =	sld [smem:$0x3FD9]  }
0x89: {  	s3 =	sld [smem:$0x3FFE];
	_ =	sdelay $0x1  }
0x8a: {  	s1 =	srdreg.scid  }
0x8b: {  	s0 =	sand.u32 $0x1, s1  }
0x8c: {  	s14 =	sshll.u32 s0, $0xA;
	s2 =	sadd.s32 s3, s2  }
0x8d: {  	s2 =	sadd.s32 s2, s14  }
0x8e: {  	[smem:$0x3FC6] =	sst s2  }
0x8f: {  	_ = 	snop  }
0x90: {  	s2 =	sld [smem:$0x3FD0];
	_ =	sdelay $0x2  }
0x91: {  	s4 =	simm.s32 $0xA;
	s5 =	simm.s32 $0x10;
	s15 =	sld [smem:$0x3FC9]  }
0x92: {  	[smem:s5], [sflag:s4] =	dma.local [hbm:s2], $0x1  }
0x93: {  	_ =	swait.eq [sflag:s4], $0x1  }
0x94: {  	s16 =	sld [smem:$0x10];
	[sflag:s4] =	ssyncset.done $0x0  }
0x95: {  	s17 =	sld [smem:$0x11];
	[sflag:s4] =	ssyncadd.s32 $0xFFFFFFFF  }
0x96: {  	s18 =	sld [smem:$0x12];
	(tm) =	ssettm $0x1  }
0x97: {  	s6 =	sld [smem:$0x3FFB];
	_ =	sdelay $0x3  }
0x98: {  	_ =	strace s6  }
0x99: {  	s6 =	sld [smem:$0x3FFC];
	_ =	sdelay $0x3  }
0x9a: {  	_ =	strace s6  }
0x9b: {  	s6 =	sld [smem:$0x3FFD];
	_ =	sdelay $0x3  }
0x9c: {  	_ =	strace s6  }
0x9d: {  	_ =	strace $0x8FFFFFFF  }
0x9e: {  	s19 =	sld [smem:$0x3FDB];
	_ =	sdelay $0x1  }
0x9f: {  	s7 =	simm.s32 $_scs_section_size  }
0xa0: {  	s8 =	simm.s32 $_size__tile_overlayer_lowered;
	s9 =	simm.s32 $_tile_overlayer_lowered  }
0xa1: {  	s22 =	simm.s32 $0x1BFF;
	s21 =	sshll.u32 s9, $0x1;
	s6 =	sadd.s32 s7, s19  }
0xa2: {  	s10 =	simm.s32 $0x0;
	s20 =	sshll.u32 s8, $0x1;
	s8 =	sadd.s32 s21, s6  }
0xa3: {  	[timem:s10], [sflag:s22] =	dma.local [hbm:s8], s20  }
0xa4: {  	_ =	swait.ge [sflag:s22], s20  }
0xa5: {  	s7 =	ssub.s32 $0x0, s20;
	[sflag:s22] =	ssyncset.done $0x0  }
0xa6: {  	[sflag:s22] =	ssyncadd.s32 s7;
	_ =	sdelay $0x1  }
0xa7: {  	s23 =	simm.s32 $0x1B8B  }
0xa8: {  	_ =	swait.ge [sflag:s23], $0x1  }
0xa9: {  	[sflag:s23] =	ssyncset.done $0x0  }
0xaa: {  	s25 =	simm.s32 $0x1B8E;
	s24 =	sld [smem:$0x3FFE];
	[sflag:s23] =	ssyncadd.s32 $0xFFFFFFFF  }
0xab: {  	s26 =	simm.s32 $execute0_lowered;
	[smem:$0x3FD2] =	sst s25  }
0xac: {  	s8 =	sshll.u32 s26, $0x1;
	_ =	strace $0x80000046;
	[dreg:$0x1] =	wrdreg $0xFFFFFFFF  }
0xad: {  	s28 =	simm.s32 $_size_execute0_lowered;
	s6 =	sadd.s32 s6, s8;
	[dreg:$0x0] =	wrdreg $0x0  }
0xae: {  	s8 =	sshll.u32 s28, $0x1;
	[dreg:$0x2] =	wrdreg s6  }
0xaf: {  	[dreg:$0x3] =	wrdreg s8  }
0xb0: {  	[dreg:$0x4] =	wrdreg $0xC0  }
0xb1: {  	_ =	task [dreg:s10], $0x5FFFF  }
0xb2: {  	[dreg:$0x1] =	wrdreg $0xFFFFFFFF  }
0xb3: {  	[dreg:$0x0] =	wrdreg $0x60  }
0xb4: {  	[dreg:$0x2] =	wrdreg s24  }
0xb5: {  	[dreg:$0x3] =	wrdreg s15  }
0xb6: {  	[dreg:$0x4] =	wrdreg s16  }
0xb7: {  	[dreg:$0x5] =	wrdreg s17  }
0xb8: {  	[dreg:$0x6] =	wrdreg s18  }
0xb9: {  	[dreg:$0x7] =	wrdreg $0x9  }
0xba: {  	_ =	task.clear_ibuf [dreg:s10], $0x8FFFF;
	_ =	strace $0x90000046  }
0xbb: {  	s29 =	simm.s32 $0x9;
	_ =	strace $0x80000048  }
0xbc: {  	_ =	swait.ge [sflag:s29], $0x1  }
0xbd: {  	[sflag:s29] =	ssyncadd.s32 $0xFFFFFFFF  }
0xbe: {  	_ =	strace $0x90000048  }
0xbf: {  	_ =	sfence  }
0xc0: {  	s30 =	sld [smem:$0x0];
	_ =	sdelay $0x2  }
0xc1: {  	s31 =	sshll.u32 s1, $0xD;
	s1 =	sshrl.u32 s1, $0x2  }
0xc2: {  	s3 =	sand.u32 $0x4000, s31;
	s1 =	sadd.s32 s1, s30  }
0xc3: {  	s0 =	sor.u32 s3, s0;
	s1 =	sshll.u32 s1, $0x11  }
0xc4: {  	s0 =	sor.u32 s1, s0  }
0xc5: {  	s0 =	sadd.s32 $0x8F2B, s0  }
0xc6: {  	[sflag:s0] =	ssyncadd.remote.s32 $0x1  }
0xc7: {  	_ =	sfence.sel $0xFFFF  }
0xc8: {  	[dreg:$0x0] =	wrdreg $0xFFFFFFFF;
	(pc) =	sbr.abs _section_cstart, $3  }
0xc9: {  	[dreg:$0x1] =	wrdreg $0xFFFFFFFF  }
0xca: {  	_ =	task.clear_ibuf [dreg:s10], $0x2FFFF;
	_ =	strace $0x9FFFFFFF  }
0xcb: {  	(tm) =	ssettm $0x7FFFFFFF  }
tec
execute0_lowered:
.L_overlay_start_1:
0x0: {  	(tag) =	ssettag $0x1  }
0x1: {  	s0 =	rddreg [dreg:$0x0]  }
0x2: {  	s1 =	rddreg [dreg:$0x1]  }
0x3: {  	s2 =	rddreg [dreg:$0x2]  }
0x4: {  	s4 =	rddreg [dreg:$0x3]  }
0x5: {  	s5 =	rddreg [dreg:$0x4];
	s3 =	simm.s32 $0x0;
	s6 =	srdreg.scid  }
0x6: {  	s18 =	stileid.u32;
	[smem:$0x7FF] =	sst s3;
	s6 =	sand.u32 $0x1, s6  }
0x7: {  	s7 =	sadd.s32 $0xA00, s0;
	s8 =	sshll.u32 s18, $0x1;
	s26 =	sshll.u32 s18, $0xD  }
0x8: {  	_ =	strace $0x80000047;
	s25 =	ssub.s32 $0x2, s6;
	s9 =	sor.u32 s6, s8  }
0x9: {  	s6 =	sshll.u32 s6, $0x9;
	s10 =	sshrl.u32 s25, $0x1;
	s11 =	sshll.u32 s9, $0x2  }
0xa: {  	s8 =	sor.u32 s6, s26;
	s15 =	sshllo.u32 s9, $0x2;
	s17 =	smul.u32 $0xC0000, s9  }
0xb: {  	s0 =	ssub.s32 s25, s10;
	s8 =	sshrl.u32 s8, $0x3;
	s31 =	sor.u32 $0x1, s11  }
0xc: {  	s11 =	sor.u32 $0x2, s11;
	s16 =	sshll.u32 s15, $0x7;
	s8 =	sadd.s32 s7, s8  }
0xd: {  	s12 =	sshll.u32 s31, $0x7;
	s14 =	sshll.u32 s11, $0x7;
	s16 =	sand.u32 $0x380, s16  }
0xe: {  	s0 =	smax.u32 s0, $0x1;
	[dreg:$0x6] =	wrdreg s8;
	s8 =	sshll.u32 s9, $0xC  }
0xf: {  	s12 =	sand.u32 $0x280, s12;
	s14 =	sand.u32 $0x300, s14;
	s13 =	sand.u32 $0x1E000, s8  }
0x10: {  	s9 =	smul.u32 $0x18000, s9;
	[smem:$0x7E8] =	sst s0;
	s12 =	sor.u32 s13, s12  }
0x11: {  	s14 =	sor.u32 s13, s14;
	s13 =	sor.u32 s13, s16;
	s16 =	sshrl.u32 s17, $0x3  }
0x12: {  	s9 =	sadd.s32 s2, s9;
	s12 =	sshrl.u32 s12, $0x3;
	s14 =	sshrl.u32 s14, $0x3  }
0x13: {  	s13 =	sshrl.u32 s13, $0x3;
	[dreg:$0xa] =	wrdreg s9;
	s12 =	sadd.s32 s7, s12  }
0x14: {  	[dreg:$0x7] =	wrdreg s12;
	s12 =	sadd.s32 s7, s14;
	s7 =	sadd.s32 s7, s13  }
0x15: {  	[dreg:$0x9] =	wrdreg s7;
	s7 =	sadd.s32 s2, s16  }
0x16: {  	[dreg:$0x8] =	wrdreg s12;
	s17 =	sadd.s32 $0x8400, s7  }
0x17: {  	s19 =	sadd.s32 $0x8A00, s7;
	[dreg:$0xb] =	wrdreg s17  }
0x18: {  	s20 =	sadd.s32 $0x9000, s7;
	[dreg:$0xc] =	wrdreg s19  }
0x19: {  	s23 =	sadd.s32 $0x9600, s7;
	[dreg:$0xd] =	wrdreg s20  }
0x1a: {  	s24 =	sadd.s32 $0x9C00, s7;
	[dreg:$0xe] =	wrdreg s23  }
0x1b: {  	s25 =	sadd.s32 $0xA200, s7;
	[dreg:$0xf] =	wrdreg s24  }
0x1c: {  	s21 =	sshll.u32 s18, $0xC;
	s26 =	sadd.s32 $0xA800, s7;
	[dreg:$0x10] =	wrdreg s25  }
0x1d: {  	s22 =	sshll.u32 s31, $0xA;
	s31 =	sadd.s32 $0xAE00, s7;
	[dreg:$0x11] =	wrdreg s26  }
0x1e: {  	s2 =	sor.u32 s6, s21;
	s6 =	sadd.s32 $0xBA00, s7;
	[dreg:$0x12] =	wrdreg s31  }
0x1f: {  	s10 =	sshll.u32 s11, $0xA;
	s11 =	sadd.s32 $0xC000, s7;
	[dreg:$0x16] =	wrdreg s6  }
0x20: {  	s12 =	sadd.s32 $0xC600, s7;
	[dreg:$0x17] =	wrdreg s11  }
0x21: {  	s13 =	sadd.s32 $0xCC00, s7;
	[dreg:$0x18] =	wrdreg s12  }
0x22: {  	s14 =	sadd.s32 $0xD200, s7;
	[dreg:$0x19] =	wrdreg s13  }
0x23: {  	s16 =	sadd.s32 $0xDE00, s7;
	[dreg:$0x1a] =	wrdreg s14  }
0x24: {  	s18 =	sadd.s32 $0xEA00, s7;
	[dreg:$0x1c] =	wrdreg s16  }
0x25: {  	s2 =	sshrl.u32 s2, $0x3;
	s21 =	sadd.s32 $0xFC00, s7;
	[dreg:$0x1e] =	wrdreg s18  }
0x26: {  	s4 =	sadd.s32 s4, s2;
	[smem:$0x7D2] =	sst s21  }
0x27: {  	s2 =	sadd.s32 s5, s2;
	[dreg:$0x13] =	wrdreg s4  }
0x28: {  	s5 =	sadd.s32 $0xB400, s7;
	[dreg:$0x14] =	wrdreg s2  }
0x29: {  	s26 =	sshll.u32 s15, $0xA;
	s15 =	sadd.s32 $0xD800, s7;
	[dreg:$0x15] =	wrdreg s5  }
0x2a: {  	s17 =	sadd.s32 $0xE400, s7;
	[dreg:$0x1b] =	wrdreg s15  }
0x2b: {  	s19 =	sadd.s32 $0xF000, s7;
	[dreg:$0x1d] =	wrdreg s17  }
0x2c: {  	s20 =	sadd.s32 $0xF600, s7;
	[dreg:$0x1f] =	wrdreg s19  }
0x2d: {  	s23 =	sadd.s32 $0x10200, s7;
	[smem:$0x7D1] =	sst s20  }
0x2e: {  	s24 =	sadd.s32 $0x10800, s7;
	[smem:$0x7D3] =	sst s23  }
0x2f: {  	s25 =	sadd.s32 $0x10E00, s7;
	[smem:$0x7D4] =	sst s24  }
0x30: {  	s31 =	sadd.s32 $0x11400, s7;
	[smem:$0x7D5] =	sst s25  }
0x31: {  	s6 =	sadd.s32 $0x12600, s7;
	[smem:$0x7D6] =	sst s31  }
0x32: {  	s11 =	sadd.s32 $0x12C00, s7;
	[smem:$0x7D9] =	sst s6  }
0x33: {  	s12 =	sadd.s32 $0x13200, s7;
	[smem:$0x7DA] =	sst s11  }
0x34: {  	s13 =	sadd.s32 $0x13800, s7;
	[smem:$0x7DB] =	sst s12  }
0x35: {  	s14 =	sadd.s32 $0x13E00, s7;
	[smem:$0x7DC] =	sst s13  }
0x36: {  	s16 =	sadd.s32 $0x14A00, s7;
	[smem:$0x7DD] =	sst s14  }
0x37: {  	s18 =	sadd.s32 $0x15600, s7;
	[smem:$0x7DF] =	sst s16  }
0x38: {  	s21 =	sadd.s32 $0x16800, s7;
	[smem:$0x7E1] =	sst s18  }
0x39: {  	s4 =	sadd.s32 $0x11A00, s7;
	[smem:$0x7E4] =	sst s21  }
0x3a: {  	s5 =	sadd.s32 $0x12000, s7;
	[smem:$0x7D7] =	sst s4  }
0x3b: {  	s15 =	sadd.s32 $0x14400, s7;
	[smem:$0x7D8] =	sst s5  }
0x3c: {  	s17 =	sadd.s32 $0x15000, s7;
	[smem:$0x7DE] =	sst s15  }
0x3d: {  	s19 =	sadd.s32 $0x15C00, s7;
	[smem:$0x7E0] =	sst s17  }
0x3e: {  	s20 =	sadd.s32 $0x16200, s7;
	[smem:$0x7E2] =	sst s19  }
0x3f: {  	s23 =	sadd.s32 $0x16E00, s7;
	[smem:$0x7E3] =	sst s20  }
0x40: {  	s24 =	sadd.s32 $0x17400, s7;
	[smem:$0x7E5] =	sst s23  }
0x41: {  	s25 =	sadd.s32 $0x17A00, s7;
	[smem:$0x7E6] =	sst s24  }
0x42: {  	s31 =	sadd.s32 $0x600, s9;
	[smem:$0x7E7] =	sst s25  }
0x43: {  	s2 =	sadd.s32 $0xC00, s9;
	[smem:$0x7E9] =	sst s31  }
0x44: {  	s6 =	sadd.s32 $0x1E00, s9;
	[smem:$0x7EA] =	sst s2  }
0x45: {  	s7 =	sadd.s32 $0x2400, s9;
	[smem:$0x7ED] =	sst s6  }
0x46: {  	s11 =	sadd.s32 $0x2A00, s9;
	[smem:$0x7EE] =	sst s7  }
0x47: {  	s12 =	sadd.s32 $0x3000, s9;
	[smem:$0x7EF] =	sst s11  }
0x48: {  	s13 =	sadd.s32 $0x3600, s9;
	[smem:$0x7F0] =	sst s12  }
0x49: {  	s14 =	sadd.s32 $0x3C00, s9;
	[smem:$0x7F1] =	sst s13  }
0x4a: {  	s16 =	sadd.s32 $0x4800, s9;
	[smem:$0x7F2] =	sst s14  }
0x4b: {  	s18 =	sadd.s32 $0x5400, s9;
	[smem:$0x7F4] =	sst s16  }
0x4c: {  	s21 =	sadd.s32 $0x6600, s9;
	[smem:$0x7F6] =	sst s18  }
0x4d: {  	s4 =	sadd.s32 $0x1200, s9;
	[smem:$0x7F9] =	sst s21  }
0x4e: {  	s5 =	sadd.s32 $0x1800, s9;
	[smem:$0x7EB] =	sst s4  }
0x4f: {  	s15 =	sadd.s32 $0x4200, s9;
	[smem:$0x7EC] =	sst s5  }
0x50: {  	s17 =	sadd.s32 $0x4E00, s9;
	[smem:$0x7F3] =	sst s15  }
0x51: {  	s19 =	sadd.s32 $0x5A00, s9;
	[smem:$0x7F5] =	sst s17  }
0x52: {  	s20 =	sadd.s32 $0x6000, s9;
	[smem:$0x7F7] =	sst s19  }
0x53: {  	v0 =	vlaneseq.u32;
	v5 =	vimm.s32 $0x200;
	vm0 =	vmmov $0xffff;
	s23 =	sadd.s32 $0x6C00, s9;
	[smem:$0x7F8] =	sst s20  }
0x54: {  	vm1 =	vmmov $0xff;
	v9 =	vimm.s32 $0x280;
	v10 =	vimm.s32 $0x300;
	s24 =	sadd.s32 $0x7200, s9;
	[smem:$0x7FA] =	sst s23  }
0x55: {  	s28 =	simm.s32 $0x1000;
	v11 =	vimm.s32 $0x380;
	v7 =	vshrl.u32 v0, $0x3;
	v6 =	vand.u32 $0x7, v0;
	s25 =	sadd.s32 $0x7800, s9;
	[smem:$0x7FB] =	sst s24  }
0x56: {  	s30 =	simm.s32 $0x2000;
	v8 =	vor.u32 $0x8, v0;
	v7 =	vmul.u32 $0x8, v7;
	v2 =	vor.u32 s22, v0;
	s31 =	sadd.s32 $0x7E00, s9;
	[smem:$0x7FC] =	sst s25  }
0x57: {  	s29 =	sadd.s32 $0x100, s1;
	v3 =	vor.u32 s10, v0;
	v1 =	vor.u32 s8, v0;
	v4 =	vor.u32 s26, v0;
	s2 =	simm.s32 $0x0;
	[smem:$0x7FD] =	sst s31  }
.LBB2_1:
0x58: {  	s8 =	rddreg [dreg:$0x6];
	s26 =	simm.s32 $0x80;
	s31 =	simm.s32 $0x400  }
0x59: {  	[tilespmem:s3], [sflag:$0x11] =	stream.strided.gather [hbm4b:s8+s26], $0x400, s31, s26, $0x38;
	[tilespmem:$0x1A800] =	vst v63  }
0x5a: {  	s22 =	rddreg [dreg:$0x7]  }
0x5b: {  	[tilespmem:s31], [sflag:$0x12] =	stream.strided.gather [hbm4b:s22+s26], $0x400, s31, s26, $0x38;
	[tilespmem:$0x1A800] =	vst v63  }
0x5c: {  	s23 =	rddreg [dreg:$0x8];
	s10 =	simm.s32 $0x800  }
0x5d: {  	[tilespmem:s10], [sflag:$0x13] =	stream.strided.gather [hbm4b:s23+s26], $0x400, s31, s26, $0x38;
	[tilespmem:$0x1A800] =	vst v63  }
0x5e: {  	s24 =	rddreg [dreg:$0x9];
	s25 =	simm.s32 $0xC00  }
0x5f: {  	[tilespmem:s25], [sflag:$0x14] =	stream.strided.gather [hbm4b:s24+s26], $0x400, s31, s26, $0x38;
	[tilespmem:$0x1A800] =	vst v63  }
0x60: {  	[smem:$0x7D0] =	sst s2;
	s26 =	simm.s32 $0x11  }
0x61: {  	_ =	swait.ge [sflag:s26], $0x400  }
0x62: {  	[sflag:s26] =	ssyncset.done $0x0  }
0x63: {  	[sflag:s26] =	ssyncadd.s32 $0xFFFFFC00  }
0x64: {  	v12 =	vld [tilespmem:s3+$0x0]  }
0x65: {  	s8 =	simm.s32 $0x0;
	s31 =	simm.s32 $0x0;
	s26 =	simm.s32 $0x10  }
.LBB2_2:
0x66: {  	p0 =	sne.s32 s26, $0x3F0;
	_ =	sdelay $0x2  }
0x67: {  	vm2 =	vlt.s32 v12, $0x200;
	v13 =	vadd.s32 $0xFFFFFE00, v12  }
0x68: {  	v13 =	vsel vm2, v12, v13;
	v12 =	vnsel vm2, $0x0, v12  }
0x69: {  	v15 =	vsel vm2, $0x0, v5;
	v14 =	vand.u32 $0x7F, v13;
	v13 =	vshll.u32 v13, $0x3  }
0x6a: {  	v13 =	vand.u32 $0xFFFFFC00, v13;
	v14 =	vor.u32 v15, v14  }
0x6b: {  	v13 =	vor.u32 v13, v14;
	_ =	sdelay $0x3  }
.Ltmp0:
0x6c: {  	v14 =	vor.u32 s8, v0;
	(pc) =	sbr.rel @p0 .LBB2_2-.Ltmp0, $4  }
0x6d: {  	[tilespmem:v13+s28+$0x0] =	vst.idx.msk $0xffff, v14;
	v13 =	vor.u32 s8, v1;
	s8 =	smov.u32 s26  }
0x6e: {  	s31 =	sadd.s32 $0x10, s31;
	[tilespmem:v12+s30+$0x0] =	vst.idx.msk vm2, v13  }
0x6f: {  	v12 =	vld [tilespmem:s31+$0x0]  }
0x70: {  	s26 =	sadd.s32 $0x10, s26  }
0x71: {  	_ =	sdelay $0x2  }
0x72: {  	vm2 =	vlt.s32 v12, $0x200;
	v13 =	vadd.s32 $0xFFFFFE00, v12  }
0x73: {  	v13 =	vsel vm2, v12, v13  }
0x74: {  	v15 =	vsel vm2, $0x0, v5;
	v14 =	vand.u32 $0x7F, v13;
	v13 =	vshll.u32 v13, $0x3  }
0x75: {  	v13 =	vand.u32 $0xFFFFFC00, v13;
	v14 =	vor.u32 v15, v14  }
0x76: {  	v13 =	vor.u32 v13, v14  }
0x77: {  	v12 =	vnsel vm2, $0x0, v12;
	_ =	sdelay $0x2  }
0x78: {  	v14 =	vor.u32 s8, v0  }
0x79: {  	[tilespmem:v13+s28+$0x0] =	vst.idx.msk $0xffff, v14;
	v13 =	vor.u32 s8, v1  }
0x7a: {  	[tilespmem:v12+s30+$0x0] =	vst.idx.msk vm2, v13  }
0x7b: {  	v12 =	vld [tilespmem:$0x2000];
	_ =	sdelay $0x4  }
0x7c: {  	v13 =	vshrl.u32 v12, $0x3  }
0x7d: {  	v13 =	vmul.u32 $0x18, v13  }
0x7e: {  	v12 =	vand.u32 $0x7, v12  }
0x7f: {  	v12 =	vor.u32 v12, v13  }
0x80: {  	v13 =	vperm.xlane v12, v6;
	_ =	sdelay $0x1  }
0x81: {  	v13 =	vadd.s32 v7, v13;
	_ =	sdelay $0x1  }
0x82: {  	v12 =	vperm.xlane v12, v8;
	_ =	sdelay $0x1  }
0x83: {  	s0 =	simm.s32 $0x2800;
	s8 =	simm.s32 $0x0;
	v12 =	vadd.s32 v7, v12  }
0x84: {  	[tilespmem:s0], [sflag:$0x1] =	stream.indirect_vreg.gather [hbm4b:s1+s8], $0x80, v13, vm0, $0xb8;
	[tilespmem:$0x1A800] =	vst v63  }
0x85: {  	s31 =	simm.s32 $0x3000  }
0x86: {  	[tilespmem:s31], [sflag:$0x1] =	stream.indirect_vreg.gather [hbm4b:s29+s8], $0x80, v13, vm1, $0xb8;
	[tilespmem:$0x1A800] =	vst v63  }
0x87: {  	s20 =	simm.s32 $0x3400  }
0x88: {  	[tilespmem:s20], [sflag:$0x1] =	stream.indirect_vreg.gather [hbm4b:s1+s8], $0x80, v12, vm0, $0xb8;
	[tilespmem:$0x1A800] =	vst v63  }
0x89: {  	s17 =	simm.s32 $0x3C00  }
0x8a: {  	[tilespmem:s17], [sflag:$0x1] =	stream.indirect_vreg.gather [hbm4b:s29+s8], $0x80, v12, vm1, $0xb8;
	[tilespmem:$0x1A800] =	vst v63  }
0x8b: {  	v12 =	vld [tilespmem:$0x2010];
	_ =	sdelay $0x4  }
0x8c: {  	v13 =	vshrl.u32 v12, $0x3  }
0x8d: {  	v13 =	vmul.u32 $0x18, v13  }
0x8e: {  	v12 =	vand.u32 $0x7, v12  }
0x8f: {  	v12 =	vor.u32 v12, v13  }
0x90: {  	v13 =	vperm.xlane v12, v6;
	_ =	sdelay $0x1  }
0x91: {  	v13 =	vadd.s32 v7, v13;
	_ =	sdelay $0x1  }
0x92: {  	v12 =	vperm.xlane v12, v8;
	_ =	sdelay $0x1  }
0x93: {  	s11 =	simm.s32 $0x4000;
	v12 =	vadd.s32 v7, v12  }
0x94: {  	[tilespmem:s11], [sflag:$0x1] =	stream.indirect_vreg.gather [hbm4b:s1+s8], $0x80, v13, vm0, $0xb8;
	[tilespmem:$0x1A800] =	vst v63  }
0x95: {  	s21 =	simm.s32 $0x4800  }
0x96: {  	[tilespmem:s21], [sflag:$0x1] =	stream.indirect_vreg.gather [hbm4b:s29+s8], $0x80, v13, vm1, $0xb8;
	[tilespmem:$0x1A800] =	vst v63  }
0x97: {  	s10 =	simm.s32 $0x4C00  }
0x98: {  	[tilespmem:s10], [sflag:$0x1] =	stream.indirect_vreg.gather [hbm4b:s1+s8], $0x80, v12, vm0, $0xb8;
	[tilespmem:$0x1A800] =	vst v63  }
0x99: {  	s14 =	simm.s32 $0x5400  }
0x9a: {  	[tilespmem:s14], [sflag:$0x1] =	stream.indirect_vreg.gather [hbm4b:s29+s8], $0x80, v12, vm1, $0xb8;
	[tilespmem:$0x1A800] =	vst v63  }
0x9b: {  	v12 =	vld [tilespmem:$0x2020];
	_ =	sdelay $0x4  }
0x9c: {  	v13 =	vshrl.u32 v12, $0x3  }
0x9d: {  	v13 =	vmul.u32 $0x18, v13  }
0x9e: {  	v12 =	vand.u32 $0x7, v12  }
0x9f: {  	v12 =	vor.u32 v12, v13  }
0xa0: {  	v13 =	vperm.xlane v12, v6;
	_ =	sdelay $0x1  }
0xa1: {  	v13 =	vadd.s32 v7, v13;
	_ =	sdelay $0x1  }
0xa2: {  	v12 =	vperm.xlane v12, v8;
	_ =	sdelay $0x1  }
0xa3: {  	s7 =	simm.s32 $0x5800;
	v12 =	vadd.s32 v7, v12  }
0xa4: {  	[tilespmem:s7], [sflag:$0x2] =	stream.indirect_vreg.gather [hbm4b:s1+s8], $0x80, v13, vm0, $0xb8;
	[tilespmem:$0x1A800] =	vst v63  }
0xa5: {  	s22 =	simm.s32 $0x6000  }
0xa6: {  	[tilespmem:s22], [sflag:$0x2] =	stream.indirect_vreg.gather [hbm4b:s29+s8], $0x80, v13, vm1, $0xb8;
	[tilespmem:$0x1A800] =	vst v63  }
0xa7: {  	s24 =	simm.s32 $0x6400  }
0xa8: {  	[tilespmem:s24], [sflag:$0x2] =	stream.indirect_vreg.gather [hbm4b:s1+s8], $0x80, v12, vm0, $0xb8;
	[tilespmem:$0x1A800] =	vst v63  }
0xa9: {  	s25 =	simm.s32 $0x6C00  }
0xaa: {  	[tilespmem:s25], [sflag:$0x2] =	stream.indirect_vreg.gather [hbm4b:s29+s8], $0x80, v12, vm1, $0xb8;
	[tilespmem:$0x1A800] =	vst v63  }
0xab: {  	v12 =	vld [tilespmem:$0x2030];
	_ =	sdelay $0x4  }
0xac: {  	v13 =	vshrl.u32 v12, $0x3  }
0xad: {  	v13 =	vmul.u32 $0x18, v13  }
0xae: {  	v12 =	vand.u32 $0x7, v12  }
0xaf: {  	v12 =	vor.u32 v12, v13  }
0xb0: {  	v13 =	vperm.xlane v12, v6;
	_ =	sdelay $0x1  }
0xb1: {  	v13 =	vadd.s32 v7, v13;
	_ =	sdelay $0x1  }
0xb2: {  	v12 =	vperm.xlane v12, v8;
	_ =	sdelay $0x1  }
0xb3: {  	s18 =	simm.s32 $0x7000;
	v12 =	vadd.s32 v7, v12  }
0xb4: {  	[tilespmem:s18], [sflag:$0x2] =	stream.indirect_vreg.gather [hbm4b:s1+s8], $0x80, v13, vm0, $0xb8;
	[tilespmem:$0x1A800] =	vst v63  }
0xb5: {  	s19 =	simm.s32 $0x7800  }
0xb6: {  	[tilespmem:s19], [sflag:$0x2] =	stream.indirect_vreg.gather [hbm4b:s29+s8], $0x80, v13, vm1, $0xb8;
	[tilespmem:$0x1A800] =	vst v63  }
0xb7: {  	s15 =	simm.s32 $0x7C00  }
0xb8: {  	[tilespmem:s15], [sflag:$0x2] =	stream.indirect_vreg.gather [hbm4b:s1+s8], $0x80, v12, vm0, $0xb8;
	[tilespmem:$0x1A800] =	vst v63  }
0xb9: {  	s16 =	simm.s32 $0x8400  }
0xba: {  	[tilespmem:s16], [sflag:$0x2] =	stream.indirect_vreg.gather [hbm4b:s29+s8], $0x80, v12, vm1, $0xb8;
	[tilespmem:$0x1A800] =	vst v63  }
0xbb: {  	v12 =	vld [tilespmem:$0x2040];
	_ =	sdelay $0x4  }
0xbc: {  	v13 =	vshrl.u32 v12, $0x3  }
0xbd: {  	v13 =	vmul.u32 $0x18, v13  }
0xbe: {  	v12 =	vand.u32 $0x7, v12  }
0xbf: {  	v12 =	vor.u32 v12, v13  }
0xc0: {  	v13 =	vperm.xlane v12, v6;
	_ =	sdelay $0x1  }
0xc1: {  	v13 =	vadd.s32 v7, v13;
	_ =	sdelay $0x1  }
0xc2: {  	v12 =	vperm.xlane v12, v8;
	_ =	sdelay $0x1  }
0xc3: {  	s6 =	simm.s32 $0x8800;
	v12 =	vadd.s32 v7, v12  }
0xc4: {  	[tilespmem:s6], [sflag:$0x3] =	stream.indirect_vreg.gather [hbm4b:s1+s8], $0x80, v13, vm0, $0xb8;
	[tilespmem:$0x1A800] =	vst v63  }
0xc5: {  	s9 =	simm.s32 $0x9000  }
0xc6: {  	[tilespmem:s9], [sflag:$0x3] =	stream.indirect_vreg.gather [hbm4b:s29+s8], $0x80, v13, vm1, $0xb8;
	[tilespmem:$0x1A800] =	vst v63  }
0xc7: {  	s12 =	simm.s32 $0x9400  }
0xc8: {  	[tilespmem:s12], [sflag:$0x3] =	stream.indirect_vreg.gather [hbm4b:s1+s8], $0x80, v12, vm0, $0xb8;
	[tilespmem:$0x1A800] =	vst v63  }
0xc9: {  	s13 =	simm.s32 $0x9C00  }
0xca: {  	[tilespmem:s13], [sflag:$0x3] =	stream.indirect_vreg.gather [hbm4b:s29+s8], $0x80, v12, vm1, $0xb8;
	[tilespmem:$0x1A800] =	vst v63  }
0xcb: {  	v12 =	vld [tilespmem:$0x2050];
	_ =	sdelay $0x4  }
0xcc: {  	v13 =	vshrl.u32 v12, $0x3  }
0xcd: {  	v13 =	vmul.u32 $0x18, v13  }
0xce: {  	v12 =	vand.u32 $0x7, v12  }
0xcf: {  	v12 =	vor.u32 v12, v13  }
0xd0: {  	v13 =	vperm.xlane v12, v6;
	_ =	sdelay $0x1  }
0xd1: {  	v13 =	vadd.s32 v7, v13;
	_ =	sdelay $0x1  }
0xd2: {  	v12 =	vperm.xlane v12, v8;
	_ =	sdelay $0x1  }
0xd3: {  	s23 =	simm.s32 $0xA000;
	v12 =	vadd.s32 v7, v12  }
0xd4: {  	[tilespmem:s23], [sflag:$0x3] =	stream.indirect_vreg.gather [hbm4b:s1+s8], $0x80, v13, vm0, $0xb8;
	[tilespmem:$0x1A800] =	vst v63  }
0xd5: {  	s26 =	simm.s32 $0xA800  }
0xd6: {  	[tilespmem:s26], [sflag:$0x3] =	stream.indirect_vreg.gather [hbm4b:s29+s8], $0x80, v13, vm1, $0xb8;
	[tilespmem:$0x1A800] =	vst v63  }
0xd7: {  	s2 =	simm.s32 $0xAC00  }
0xd8: {  	[tilespmem:s2], [sflag:$0x3] =	stream.indirect_vreg.gather [hbm4b:s1+s8], $0x80, v12, vm0, $0xb8;
	[tilespmem:$0x1A800] =	vst v63  }
0xd9: {  	s4 =	simm.s32 $0xB400  }
0xda: {  	[tilespmem:s4], [sflag:$0x3] =	stream.indirect_vreg.gather [hbm4b:s29+s8], $0x80, v12, vm1, $0xb8;
	[tilespmem:$0x1A800] =	vst v63  }
0xdb: {  	v12 =	vld [tilespmem:$0x2060];
	_ =	sdelay $0x4  }
0xdc: {  	v13 =	vshrl.u32 v12, $0x3  }
0xdd: {  	v13 =	vmul.u32 $0x18, v13  }
0xde: {  	v12 =	vand.u32 $0x7, v12  }
0xdf: {  	v12 =	vor.u32 v12, v13  }
0xe0: {  	v13 =	vperm.xlane v12, v6;
	_ =	sdelay $0x1  }
0xe1: {  	v13 =	vadd.s32 v7, v13;
	_ =	sdelay $0x1  }
0xe2: {  	v12 =	vperm.xlane v12, v8;
	_ =	sdelay $0x1  }
0xe3: {  	s23 =	simm.s32 $0xB800;
	v12 =	vadd.s32 v7, v12  }
0xe4: {  	[tilespmem:s23], [sflag:$0x4] =	stream.indirect_vreg.gather [hbm4b:s1+s8], $0x80, v13, vm0, $0xb8;
	[tilespmem:$0x1A800] =	vst v63  }
0xe5: {  	s26 =	simm.s32 $0xC000  }
0xe6: {  	[tilespmem:s26], [sflag:$0x4] =	stream.indirect_vreg.gather [hbm4b:s29+s8], $0x80, v13, vm1, $0xb8;
	[tilespmem:$0x1A800] =	vst v63  }
0xe7: {  	s5 =	simm.s32 $0xC400  }
0xe8: {  	[tilespmem:s5], [sflag:$0x4] =	stream.indirect_vreg.gather [hbm4b:s1+s8], $0x80, v12, vm0, $0xb8;
	[tilespmem:$0x1A800] =	vst v63  }
0xe9: {  	s7 =	simm.s32 $0xCC00  }
0xea: {  	[tilespmem:s7], [sflag:$0x4] =	stream.indirect_vreg.gather [hbm4b:s29+s8], $0x80, v12, vm1, $0xb8;
	[tilespmem:$0x1A800] =	vst v63  }
0xeb: {  	v12 =	vld [tilespmem:$0x2070];
	_ =	sdelay $0x4  }
0xec: {  	v13 =	vshrl.u32 v12, $0x3  }
0xed: {  	v13 =	vmul.u32 $0x18, v13  }
0xee: {  	v12 =	vand.u32 $0x7, v12  }
0xef: {  	v12 =	vor.u32 v12, v13  }
0xf0: {  	v13 =	vperm.xlane v12, v6;
	_ =	sdelay $0x1  }
0xf1: {  	v13 =	vadd.s32 v7, v13;
	_ =	sdelay $0x1  }
0xf2: {  	v12 =	vperm.xlane v12, v8;
	_ =	sdelay $0x1  }
0xf3: {  	s9 =	simm.s32 $0xD000;
	v12 =	vadd.s32 v7, v12  }
0xf4: {  	[tilespmem:s9], [sflag:$0x4] =	stream.indirect_vreg.gather [hbm4b:s1+s8], $0x80, v13, vm0, $0xb8;
	[tilespmem:$0x1A800] =	vst v63  }
0xf5: {  	s12 =	simm.s32 $0xD800  }
0xf6: {  	[tilespmem:s12], [sflag:$0x4] =	stream.indirect_vreg.gather [hbm4b:s29+s8], $0x80, v13, vm1, $0xb8;
	[tilespmem:$0x1A800] =	vst v63  }
0xf7: {  	s13 =	simm.s32 $0xDC00  }
0xf8: {  	[tilespmem:s13], [sflag:$0x4] =	stream.indirect_vreg.gather [hbm4b:s1+s8], $0x80, v12, vm0, $0xb8;
	[tilespmem:$0x1A800] =	vst v63  }
0xf9: {  	s26 =	simm.s32 $0xE400  }
0xfa: {  	[tilespmem:s26], [sflag:$0x4] =	stream.indirect_vreg.gather [hbm4b:s29+s8], $0x80, v12, vm1, $0xb8;
	[tilespmem:$0x1A800] =	vst v63  }
0xfb: {  	v12 =	vld [tilespmem:$0x2080];
	_ =	sdelay $0x4  }
0xfc: {  	v13 =	vshrl.u32 v12, $0x3  }
0xfd: {  	v13 =	vmul.u32 $0x18, v13  }
0xfe: {  	v12 =	vand.u32 $0x7, v12  }
0xff: {  	v12 =	vor.u32 v12, v13  }
0x100: {  	v13 =	vperm.xlane v12, v6;
	_ =	sdelay $0x1  }
0x101: {  	v13 =	vadd.s32 v7, v13;
	_ =	sdelay $0x1  }
0x102: {  	v12 =	vperm.xlane v12, v8;
	_ =	sdelay $0x1  }
0x103: {  	s4 =	simm.s32 $0xE800;
	v12 =	vadd.s32 v7, v12  }
0x104: {  	[tilespmem:s4], [sflag:$0x5] =	stream.indirect_vreg.gather [hbm4b:s1+s8], $0x80, v13, vm0, $0xb8;
	[tilespmem:$0x1A800] =	vst v63  }
0x105: {  	s2 =	simm.s32 $0xF000  }
0x106: {  	[tilespmem:s2], [sflag:$0x5] =	stream.indirect_vreg.gather [hbm4b:s29+s8], $0x80, v13, vm1, $0xb8;
	[tilespmem:$0x1A800] =	vst v63  }
0x107: {  	s5 =	simm.s32 $0xF400  }
0x108: {  	[tilespmem:s5], [sflag:$0x5] =	stream.indirect_vreg.gather [hbm4b:s1+s8], $0x80, v12, vm0, $0xb8;
	[tilespmem:$0x1A800] =	vst v63  }
0x109: {  	s7 =	simm.s32 $0xFC00  }
0x10a: {  	[tilespmem:s7], [sflag:$0x5] =	stream.indirect_vreg.gather [hbm4b:s29+s8], $0x80, v12, vm1, $0xb8;
	[tilespmem:$0x1A800] =	vst v63  }
0x10b: {  	v12 =	vld [tilespmem:$0x2090];
	_ =	sdelay $0x4  }
0x10c: {  	v13 =	vshrl.u32 v12, $0x3  }
0x10d: {  	v13 =	vmul.u32 $0x18, v13  }
0x10e: {  	v12 =	vand.u32 $0x7, v12  }
0x10f: {  	v12 =	vor.u32 v12, v13  }
0x110: {  	v13 =	vperm.xlane v12, v6;
	_ =	sdelay $0x1  }
0x111: {  	v13 =	vadd.s32 v7, v13;
	_ =	sdelay $0x1  }
0x112: {  	v12 =	vperm.xlane v12, v8;
	_ =	sdelay $0x1  }
0x113: {  	s9 =	simm.s32 $0x10000;
	v12 =	vadd.s32 v7, v12  }
0x114: {  	[tilespmem:s9], [sflag:$0x5] =	stream.indirect_vreg.gather [hbm4b:s1+s8], $0x80, v13, vm0, $0xb8;
	[tilespmem:$0x1A800] =	vst v63  }
0x115: {  	s12 =	simm.s32 $0x10800  }
0x116: {  	[tilespmem:s12], [sflag:$0x5] =	stream.indirect_vreg.gather [hbm4b:s29+s8], $0x80, v13, vm1, $0xb8;
	[tilespmem:$0x1A800] =	vst v63  }
0x117: {  	s13 =	simm.s32 $0x10C00  }
0x118: {  	[tilespmem:s13], [sflag:$0x5] =	stream.indirect_vreg.gather [hbm4b:s1+s8], $0x80, v12, vm0, $0xb8;
	[tilespmem:$0x1A800] =	vst v63  }
0x119: {  	s26 =	simm.s32 $0x11400  }
0x11a: {  	[tilespmem:s26], [sflag:$0x5] =	stream.indirect_vreg.gather [hbm4b:s29+s8], $0x80, v12, vm1, $0xb8;
	[tilespmem:$0x1A800] =	vst v63  }
0x11b: {  	v12 =	vld [tilespmem:$0x20A0];
	_ =	sdelay $0x4  }
0x11c: {  	v13 =	vshrl.u32 v12, $0x3  }
0x11d: {  	v13 =	vmul.u32 $0x18, v13  }
0x11e: {  	v12 =	vand.u32 $0x7, v12  }
0x11f: {  	v12 =	vor.u32 v12, v13  }
0x120: {  	v13 =	vperm.xlane v12, v6;
	_ =	sdelay $0x1  }
0x121: {  	v13 =	vadd.s32 v7, v13;
	_ =	sdelay $0x1  }
0x122: {  	v12 =	vperm.xlane v12, v8;
	_ =	sdelay $0x1  }
0x123: {  	s9 =	simm.s32 $0x11800;
	v12 =	vadd.s32 v7, v12  }
0x124: {  	[tilespmem:s9], [sflag:$0x6] =	stream.indirect_vreg.gather [hbm4b:s1+s8], $0x80, v13, vm0, $0xb8;
	[tilespmem:$0x1A800] =	vst v63  }
0x125: {  	s2 =	simm.s32 $0x12000  }
0x126: {  	[tilespmem:s2], [sflag:$0x6] =	stream.indirect_vreg.gather [hbm4b:s29+s8], $0x80, v13, vm1, $0xb8;
	[tilespmem:$0x1A800] =	vst v63  }
0x127: {  	s5 =	simm.s32 $0x12400  }
0x128: {  	[tilespmem:s5], [sflag:$0x6] =	stream.indirect_vreg.gather [hbm4b:s1+s8], $0x80, v12, vm0, $0xb8;
	[tilespmem:$0x1A800] =	vst v63  }
0x129: {  	s7 =	simm.s32 $0x12C00  }
0x12a: {  	[tilespmem:s7], [sflag:$0x6] =	stream.indirect_vreg.gather [hbm4b:s29+s8], $0x80, v12, vm1, $0xb8;
	[tilespmem:$0x1A800] =	vst v63  }
0x12b: {  	v12 =	vld [tilespmem:$0x20B0];
	_ =	sdelay $0x4  }
0x12c: {  	v13 =	vshrl.u32 v12, $0x3  }
0x12d: {  	v13 =	vmul.u32 $0x18, v13  }
0x12e: {  	v12 =	vand.u32 $0x7, v12  }
0x12f: {  	v12 =	vor.u32 v12, v13  }
0x130: {  	v13 =	vperm.xlane v12, v6;
	_ =	sdelay $0x1  }
0x131: {  	v13 =	vadd.s32 v7, v13;
	_ =	sdelay $0x1  }
0x132: {  	v12 =	vperm.xlane v12, v8;
	_ =	sdelay $0x1  }
0x133: {  	s12 =	simm.s32 $0x13000;
	v12 =	vadd.s32 v7, v12  }
0x134: {  	[tilespmem:s12], [sflag:$0x6] =	stream.indirect_vreg.gather [hbm4b:s1+s8], $0x80, v13, vm0, $0xb8;
	[tilespmem:$0x1A800] =	vst v63  }
0x135: {  	s13 =	simm.s32 $0x13800  }
0x136: {  	[tilespmem:s13], [sflag:$0x6] =	stream.indirect_vreg.gather [hbm4b:s29+s8], $0x80, v13, vm1, $0xb8;
	[tilespmem:$0x1A800] =	vst v63  }
0x137: {  	s26 =	simm.s32 $0x13C00  }
0x138: {  	[tilespmem:s26], [sflag:$0x6] =	stream.indirect_vreg.gather [hbm4b:s1+s8], $0x80, v12, vm0, $0xb8;
	[tilespmem:$0x1A800] =	vst v63  }
0x139: {  	s2 =	simm.s32 $0x14400  }
0x13a: {  	[tilespmem:s2], [sflag:$0x6] =	stream.indirect_vreg.gather [hbm4b:s29+s8], $0x80, v12, vm1, $0xb8;
	[tilespmem:$0x1A800] =	vst v63  }
0x13b: {  	v12 =	vld [tilespmem:$0x20C0];
	_ =	sdelay $0x4  }
0x13c: {  	v13 =	vshrl.u32 v12, $0x3  }
0x13d: {  	v13 =	vmul.u32 $0x18, v13  }
0x13e: {  	v12 =	vand.u32 $0x7, v12  }
0x13f: {  	v12 =	vor.u32 v12, v13  }
0x140: {  	v13 =	vperm.xlane v12, v6;
	_ =	sdelay $0x1  }
0x141: {  	v13 =	vadd.s32 v7, v13;
	_ =	sdelay $0x1  }
0x142: {  	v12 =	vperm.xlane v12, v8;
	_ =	sdelay $0x1  }
0x143: {  	s12 =	simm.s32 $0x14800;
	v12 =	vadd.s32 v7, v12  }
0x144: {  	[tilespmem:s12], [sflag:$0x7] =	stream.indirect_vreg.gather [hbm4b:s1+s8], $0x80, v13, vm0, $0xb8;
	[tilespmem:$0x1A800] =	vst v63  }
0x145: {  	s5 =	simm.s32 $0x15000  }
0x146: {  	[tilespmem:s5], [sflag:$0x7] =	stream.indirect_vreg.gather [hbm4b:s29+s8], $0x80, v13, vm1, $0xb8;
	[tilespmem:$0x1A800] =	vst v63  }
0x147: {  	s7 =	simm.s32 $0x15400  }
0x148: {  	[tilespmem:s7], [sflag:$0x7] =	stream.indirect_vreg.gather [hbm4b:s1+s8], $0x80, v12, vm0, $0xb8;
	[tilespmem:$0x1A800] =	vst v63  }
0x149: {  	s13 =	simm.s32 $0x15C00  }
0x14a: {  	[tilespmem:s13], [sflag:$0x7] =	stream.indirect_vreg.gather [hbm4b:s29+s8], $0x80, v12, vm1, $0xb8;
	[tilespmem:$0x1A800] =	vst v63  }
0x14b: {  	v12 =	vld [tilespmem:$0x20D0];
	_ =	sdelay $0x4  }
0x14c: {  	v13 =	vshrl.u32 v12, $0x3  }
0x14d: {  	v13 =	vmul.u32 $0x18, v13  }
0x14e: {  	v12 =	vand.u32 $0x7, v12  }
0x14f: {  	v12 =	vor.u32 v12, v13  }
0x150: {  	v13 =	vperm.xlane v12, v6;
	_ =	sdelay $0x1  }
0x151: {  	v13 =	vadd.s32 v7, v13;
	_ =	sdelay $0x1  }
0x152: {  	v12 =	vperm.xlane v12, v8;
	_ =	sdelay $0x1  }
0x153: {  	s26 =	simm.s32 $0x16000;
	v12 =	vadd.s32 v7, v12  }
0x154: {  	[tilespmem:s26], [sflag:$0x7] =	stream.indirect_vreg.gather [hbm4b:s1+s8], $0x80, v13, vm0, $0xb8;
	[tilespmem:$0x1A800] =	vst v63  }
0x155: {  	s2 =	simm.s32 $0x16800  }
0x156: {  	[tilespmem:s2], [sflag:$0x7] =	stream.indirect_vreg.gather [hbm4b:s29+s8], $0x80, v13, vm1, $0xb8;
	[tilespmem:$0x1A800] =	vst v63  }
0x157: {  	s5 =	simm.s32 $0x16C00  }
0x158: {  	[tilespmem:s5], [sflag:$0x7] =	stream.indirect_vreg.gather [hbm4b:s1+s8], $0x80, v12, vm0, $0xb8;
	[tilespmem:$0x1A800] =	vst v63  }
0x159: {  	s7 =	simm.s32 $0x17400;
	s5 =	simm.s32 $0x1  }
0x15a: {  	[tilespmem:s7], [sflag:$0x7] =	stream.indirect_vreg.gather [hbm4b:s29+s8], $0x80, v12, vm1, $0xb8;
	[tilespmem:$0x1A800] =	vst v63  }
0x15b: {  	_ =	swait.ge [sflag:s5], $0x3000  }
0x15c: {  	[sflag:s5] =	ssyncset.done $0x0  }
0x15d: {  	s0 =	simm.s32 $0x2800;
	s13 =	rddreg [dreg:$0xa];
	[sflag:s5] =	ssyncadd.s32 $0xFFFFD000  }
0x15e: {  	[hbm4b:s13+s8] =	stream.linear.scatter [tilespmem:s0], [sflag:$0x9], $0x3000, $0x38;
	[tilespmem:$0x1A800] =	vst v63  }
0x15f: {  	v12 =	vld [tilespmem:$0x20E0];
	_ =	sdelay $0x4  }
0x160: {  	v13 =	vshrl.u32 v12, $0x3  }
0x161: {  	v13 =	vmul.u32 $0x18, v13  }
0x162: {  	v12 =	vand.u32 $0x7, v12  }
0x163: {  	v12 =	vor.u32 v12, v13  }
0x164: {  	v13 =	vperm.xlane v12, v6;
	_ =	sdelay $0x1  }
0x165: {  	v13 =	vadd.s32 v7, v13;
	_ =	sdelay $0x1  }
0x166: {  	v12 =	vperm.xlane v12, v8;
	_ =	sdelay $0x1  }
0x167: {  	s13 =	simm.s32 $0x17800;
	v12 =	vadd.s32 v7, v12  }
0x168: {  	[tilespmem:s13], [sflag:$0x8] =	stream.indirect_vreg.gather [hbm4b:s1+s8], $0x80, v13, vm0, $0xb8;
	[tilespmem:$0x1A800] =	vst v63  }
0x169: {  	s2 =	simm.s32 $0x18000  }
0x16a: {  	[tilespmem:s2], [sflag:$0x8] =	stream.indirect_vreg.gather [hbm4b:s29+s8], $0x80, v13, vm1, $0xb8;
	[tilespmem:$0x1A800] =	vst v63  }
0x16b: {  	s26 =	simm.s32 $0x18400  }
0x16c: {  	[tilespmem:s26], [sflag:$0x8] =	stream.indirect_vreg.gather [hbm4b:s1+s8], $0x80, v12, vm0, $0xb8;
	[tilespmem:$0x1A800] =	vst v63  }
0x16d: {  	s7 =	simm.s32 $0x18C00  }
0x16e: {  	[tilespmem:s7], [sflag:$0x8] =	stream.indirect_vreg.gather [hbm4b:s29+s8], $0x80, v12, vm1, $0xb8;
	[tilespmem:$0x1A800] =	vst v63  }
0x16f: {  	v12 =	vld [tilespmem:$0x20F0];
	_ =	sdelay $0x4  }
0x170: {  	v13 =	vshrl.u32 v12, $0x3  }
0x171: {  	v13 =	vmul.u32 $0x18, v13  }
0x172: {  	v12 =	vand.u32 $0x7, v12  }
0x173: {  	v12 =	vor.u32 v12, v13  }
0x174: {  	v13 =	vperm.xlane v12, v6;
	_ =	sdelay $0x1  }
0x175: {  	v13 =	vadd.s32 v7, v13;
	_ =	sdelay $0x1  }
0x176: {  	v12 =	vperm.xlane v12, v8;
	_ =	sdelay $0x1  }
0x177: {  	s26 =	simm.s32 $0x19000;
	v12 =	vadd.s32 v7, v12  }
0x178: {  	[tilespmem:s26], [sflag:$0x8] =	stream.indirect_vreg.gather [hbm4b:s1+s8], $0x80, v13, vm0, $0xb8;
	[tilespmem:$0x1A800] =	vst v63  }
0x179: {  	s7 =	simm.s32 $0x19800  }
0x17a: {  	[tilespmem:s7], [sflag:$0x8] =	stream.indirect_vreg.gather [hbm4b:s29+s8], $0x80, v13, vm1, $0xb8;
	[tilespmem:$0x1A800] =	vst v63  }
0x17b: {  	s26 =	simm.s32 $0x19C00  }
0x17c: {  	[tilespmem:s26], [sflag:$0x8] =	stream.indirect_vreg.gather [hbm4b:s1+s8], $0x80, v12, vm0, $0xb8;
	[tilespmem:$0x1A800] =	vst v63  }
0x17d: {  	s7 =	simm.s32 $0x1A400  }
0x17e: {  	[tilespmem:s7], [sflag:$0x8] =	stream.indirect_vreg.gather [hbm4b:s29+s8], $0x80, v12, vm1, $0xb8;
	[tilespmem:$0x1A800] =	vst v63  }
0x17f: {  	s7 =	simm.s32 $0x2  }
0x180: {  	_ =	swait.ge [sflag:s7], $0x3000  }
0x181: {  	s26 =	sld [smem:$0x7E9]  }
0x182: {  	[sflag:s7] =	ssyncset.done $0x0  }
0x183: {  	s2 =	simm.s32 $0x5800;
	[sflag:s7] =	ssyncadd.s32 $0xFFFFD000  }
0x184: {  	[hbm4b:s26+s8] =	stream.linear.scatter [tilespmem:s2], [sflag:$0xA], $0x3000, $0x38;
	[tilespmem:$0x1A800] =	vst v63  }
0x185: {  	s26 =	simm.s32 $0x9  }
0x186: {  	_ =	swait.ge [sflag:s26], $0x3000  }
0x187: {  	[sflag:s26] =	ssyncset.done $0x0  }
0x188: {  	[sflag:s26] =	ssyncadd.s32 $0xFFFFD000  }
0x189: {  	v12 =	vld [tilespmem:$0x2100];
	_ =	sdelay $0x4  }
0x18a: {  	v13 =	vshrl.u32 v12, $0x3  }
0x18b: {  	v13 =	vmul.u32 $0x18, v13  }
0x18c: {  	v12 =	vand.u32 $0x7, v12  }
0x18d: {  	v12 =	vor.u32 v12, v13  }
0x18e: {  	v13 =	vperm.xlane v12, v6;
	_ =	sdelay $0x1  }
0x18f: {  	v13 =	vadd.s32 v7, v13;
	_ =	sdelay $0x1  }
0x190: {  	v12 =	vperm.xlane v12, v8;
	_ =	sdelay $0x1  }
0x191: {  	v12 =	vadd.s32 v7, v12  }
0x192: {  	[tilespmem:s0], [sflag:$0x1] =	stream.indirect_vreg.gather [hbm4b:s1+s8], $0x80, v13, vm0, $0xb8;
	[tilespmem:$0x1A800] =	vst v63  }
0x193: {  	_ = 	snop  }
0x194: {  	[tilespmem:s31], [sflag:$0x1] =	stream.indirect_vreg.gather [hbm4b:s29+s8], $0x80, v13, vm1, $0xb8;
	[tilespmem:$0x1A800] =	vst v63  }
0x195: {  	_ = 	snop  }
0x196: {  	[tilespmem:s20], [sflag:$0x1] =	stream.indirect_vreg.gather [hbm4b:s1+s8], $0x80, v12, vm0, $0xb8;
	[tilespmem:$0x1A800] =	vst v63  }
0x197: {  	_ = 	snop  }
0x198: {  	[tilespmem:s17], [sflag:$0x1] =	stream.indirect_vreg.gather [hbm4b:s29+s8], $0x80, v12, vm1, $0xb8;
	[tilespmem:$0x1A800] =	vst v63  }
0x199: {  	v12 =	vld [tilespmem:$0x2110];
	_ =	sdelay $0x4  }
0x19a: {  	v13 =	vshrl.u32 v12, $0x3  }
0x19b: {  	v13 =	vmul.u32 $0x18, v13  }
0x19c: {  	v12 =	vand.u32 $0x7, v12  }
0x19d: {  	v12 =	vor.u32 v12, v13  }
0x19e: {  	v13 =	vperm.xlane v12, v6;
	_ =	sdelay $0x1  }
0x19f: {  	v13 =	vadd.s32 v7, v13;
	_ =	sdelay $0x1  }
0x1a0: {  	v12 =	vperm.xlane v12, v8;
	_ =	sdelay $0x1  }
0x1a1: {  	v12 =	vadd.s32 v7, v12  }
0x1a2: {  	[tilespmem:s11], [sflag:$0x1] =	stream.indirect_vreg.gather [hbm4b:s1+s8], $0x80, v13, vm0, $0xb8;
	[tilespmem:$0x1A800] =	vst v63  }
0x1a3: {  	_ = 	snop  }
0x1a4: {  	[tilespmem:s21], [sflag:$0x1] =	stream.indirect_vreg.gather [hbm4b:s29+s8], $0x80, v13, vm1, $0xb8;
	[tilespmem:$0x1A800] =	vst v63  }
0x1a5: {  	_ = 	snop  }
0x1a6: {  	[tilespmem:s10], [sflag:$0x1] =	stream.indirect_vreg.gather [hbm4b:s1+s8], $0x80, v12, vm0, $0xb8;
	[tilespmem:$0x1A800] =	vst v63  }
0x1a7: {  	s20 =	simm.s32 $0x3  }
0x1a8: {  	[tilespmem:s14], [sflag:$0x1] =	stream.indirect_vreg.gather [hbm4b:s29+s8], $0x80, v12, vm1, $0xb8;
	[tilespmem:$0x1A800] =	vst v63  }
0x1a9: {  	_ =	swait.ge [sflag:s20], $0x3000  }
0x1aa: {  	s21 =	sld [smem:$0x7EA]  }
0x1ab: {  	[sflag:s20] =	ssyncset.done $0x0  }
0x1ac: {  	s0 =	simm.s32 $0xA;
	[sflag:s20] =	ssyncadd.s32 $0xFFFFD000  }
0x1ad: {  	[hbm4b:s21+s8] =	stream.linear.scatter [tilespmem:s6], [sflag:$0xB], $0x3000, $0x38;
	[tilespmem:$0x1A800] =	vst v63  }
0x1ae: {  	_ =	swait.ge [sflag:s0], $0x3000  }
0x1af: {  	[sflag:s0] =	ssyncset.done $0x0  }
0x1b0: {  	[sflag:s0] =	ssyncadd.s32 $0xFFFFD000  }
0x1b1: {  	v12 =	vld [tilespmem:$0x2120];
	_ =	sdelay $0x4  }
0x1b2: {  	v13 =	vshrl.u32 v12, $0x3  }
0x1b3: {  	v13 =	vmul.u32 $0x18, v13  }
0x1b4: {  	v12 =	vand.u32 $0x7, v12  }
0x1b5: {  	v12 =	vor.u32 v12, v13  }
0x1b6: {  	v13 =	vperm.xlane v12, v6;
	_ =	sdelay $0x1  }
0x1b7: {  	v13 =	vadd.s32 v7, v13;
	_ =	sdelay $0x1  }
0x1b8: {  	v12 =	vperm.xlane v12, v8;
	_ =	sdelay $0x1  }
0x1b9: {  	v12 =	vadd.s32 v7, v12  }
0x1ba: {  	[tilespmem:s2], [sflag:$0x2] =	stream.indirect_vreg.gather [hbm4b:s1+s8], $0x80, v13, vm0, $0xb8;
	[tilespmem:$0x1A800] =	vst v63  }
0x1bb: {  	_ = 	snop  }
0x1bc: {  	[tilespmem:s22], [sflag:$0x2] =	stream.indirect_vreg.gather [hbm4b:s29+s8], $0x80, v13, vm1, $0xb8;
	[tilespmem:$0x1A800] =	vst v63  }
0x1bd: {  	_ = 	snop  }
0x1be: {  	[tilespmem:s24], [sflag:$0x2] =	stream.indirect_vreg.gather [hbm4b:s1+s8], $0x80, v12, vm0, $0xb8;
	[tilespmem:$0x1A800] =	vst v63  }
0x1bf: {  	_ = 	snop  }
0x1c0: {  	[tilespmem:s25], [sflag:$0x2] =	stream.indirect_vreg.gather [hbm4b:s29+s8], $0x80, v12, vm1, $0xb8;
	[tilespmem:$0x1A800] =	vst v63  }
0x1c1: {  	v12 =	vld [tilespmem:$0x2130];
	_ =	sdelay $0x4  }
0x1c2: {  	v13 =	vshrl.u32 v12, $0x3  }
0x1c3: {  	v13 =	vmul.u32 $0x18, v13  }
0x1c4: {  	v12 =	vand.u32 $0x7, v12  }
0x1c5: {  	v12 =	vor.u32 v12, v13  }
0x1c6: {  	v13 =	vperm.xlane v12, v6;
	_ =	sdelay $0x1  }
0x1c7: {  	v13 =	vadd.s32 v7, v13;
	_ =	sdelay $0x1  }
0x1c8: {  	v12 =	vperm.xlane v12, v8;
	_ =	sdelay $0x1  }
0x1c9: {  	v12 =	vadd.s32 v7, v12  }
0x1ca: {  	[tilespmem:s18], [sflag:$0x2] =	stream.indirect_vreg.gather [hbm4b:s1+s8], $0x80, v13, vm0, $0xb8;
	[tilespmem:$0x1A800] =	vst v63  }
0x1cb: {  	_ = 	snop  }
0x1cc: {  	[tilespmem:s19], [sflag:$0x2] =	stream.indirect_vreg.gather [hbm4b:s29+s8], $0x80, v13, vm1, $0xb8;
	[tilespmem:$0x1A800] =	vst v63  }
0x1cd: {  	_ = 	snop  }
0x1ce: {  	[tilespmem:s15], [sflag:$0x2] =	stream.indirect_vreg.gather [hbm4b:s1+s8], $0x80, v12, vm0, $0xb8;
	[tilespmem:$0x1A800] =	vst v63  }
0x1cf: {  	s11 =	simm.s32 $0x4  }
0x1d0: {  	[tilespmem:s16], [sflag:$0x2] =	stream.indirect_vreg.gather [hbm4b:s29+s8], $0x80, v12, vm1, $0xb8;
	[tilespmem:$0x1A800] =	vst v63  }
0x1d1: {  	_ =	swait.ge [sflag:s11], $0x3000  }
0x1d2: {  	s15 =	sld [smem:$0x7EB]  }
0x1d3: {  	[sflag:s11] =	ssyncset.done $0x0  }
0x1d4: {  	s17 =	simm.s32 $0xB;
	[sflag:s11] =	ssyncadd.s32 $0xFFFFD000  }
0x1d5: {  	[hbm4b:s15+s8] =	stream.linear.scatter [tilespmem:s23], [sflag:$0xC], $0x3000, $0x38;
	[tilespmem:$0x1A800] =	vst v63  }
0x1d6: {  	_ =	swait.ge [sflag:s17], $0x3000  }
0x1d7: {  	[sflag:s17] =	ssyncset.done $0x0  }
0x1d8: {  	[sflag:s17] =	ssyncadd.s32 $0xFFFFD000  }
0x1d9: {  	v12 =	vld [tilespmem:$0x2140];
	_ =	sdelay $0x4  }
0x1da: {  	v13 =	vshrl.u32 v12, $0x3  }
0x1db: {  	v13 =	vmul.u32 $0x18, v13  }
0x1dc: {  	v12 =	vand.u32 $0x7, v12  }
0x1dd: {  	v12 =	vor.u32 v12, v13  }
0x1de: {  	v13 =	vperm.xlane v12, v6;
	_ =	sdelay $0x1  }
0x1df: {  	v13 =	vadd.s32 v7, v13;
	_ =	sdelay $0x1  }
0x1e0: {  	v12 =	vperm.xlane v12, v8;
	_ =	sdelay $0x1  }
0x1e1: {  	v12 =	vadd.s32 v7, v12  }
0x1e2: {  	[tilespmem:s6], [sflag:$0x3] =	stream.indirect_vreg.gather [hbm4b:s1+s8], $0x80, v13, vm0, $0xb8;
	[tilespmem:$0x1A800] =	vst v63  }
0x1e3: {  	s18 =	simm.s32 $0x9000  }
0x1e4: {  	[tilespmem:s18], [sflag:$0x3] =	stream.indirect_vreg.gather [hbm4b:s29+s8], $0x80, v13, vm1, $0xb8;
	[tilespmem:$0x1A800] =	vst v63  }
0x1e5: {  	s19 =	simm.s32 $0x9400  }
0x1e6: {  	[tilespmem:s19], [sflag:$0x3] =	stream.indirect_vreg.gather [hbm4b:s1+s8], $0x80, v12, vm0, $0xb8;
	[tilespmem:$0x1A800] =	vst v63  }
0x1e7: {  	s20 =	simm.s32 $0x9C00  }
0x1e8: {  	[tilespmem:s20], [sflag:$0x3] =	stream.indirect_vreg.gather [hbm4b:s29+s8], $0x80, v12, vm1, $0xb8;
	[tilespmem:$0x1A800] =	vst v63  }
0x1e9: {  	v12 =	vld [tilespmem:$0x2150];
	_ =	sdelay $0x4  }
0x1ea: {  	v13 =	vshrl.u32 v12, $0x3  }
0x1eb: {  	v13 =	vmul.u32 $0x18, v13  }
0x1ec: {  	v12 =	vand.u32 $0x7, v12  }
0x1ed: {  	v12 =	vor.u32 v12, v13  }
0x1ee: {  	v13 =	vperm.xlane v12, v6;
	_ =	sdelay $0x1  }
0x1ef: {  	v13 =	vadd.s32 v7, v13;
	_ =	sdelay $0x1  }
0x1f0: {  	v12 =	vperm.xlane v12, v8;
	_ =	sdelay $0x1  }
0x1f1: {  	s21 =	simm.s32 $0xA000;
	v12 =	vadd.s32 v7, v12  }
0x1f2: {  	[tilespmem:s21], [sflag:$0x3] =	stream.indirect_vreg.gather [hbm4b:s1+s8], $0x80, v13, vm0, $0xb8;
	[tilespmem:$0x1A800] =	vst v63  }
0x1f3: {  	s22 =	simm.s32 $0xA800  }
0x1f4: {  	[tilespmem:s22], [sflag:$0x3] =	stream.indirect_vreg.gather [hbm4b:s29+s8], $0x80, v13, vm1, $0xb8;
	[tilespmem:$0x1A800] =	vst v63  }
0x1f5: {  	s23 =	simm.s32 $0xAC00  }
0x1f6: {  	[tilespmem:s23], [sflag:$0x3] =	stream.indirect_vreg.gather [hbm4b:s1+s8], $0x80, v12, vm0, $0xb8;
	[tilespmem:$0x1A800] =	vst v63  }
0x1f7: {  	s26 =	simm.s32 $0x5;
	s24 =	simm.s32 $0xB400  }
0x1f8: {  	[tilespmem:s24], [sflag:$0x3] =	stream.indirect_vreg.gather [hbm4b:s29+s8], $0x80, v12, vm1, $0xb8;
	[tilespmem:$0x1A800] =	vst v63  }
0x1f9: {  	_ =	swait.ge [sflag:s26], $0x3000  }
0x1fa: {  	s0 =	sld [smem:$0x7EC]  }
0x1fb: {  	[sflag:s26] =	ssyncset.done $0x0  }
0x1fc: {  	s2 =	simm.s32 $0xC;
	[sflag:s26] =	ssyncadd.s32 $0xFFFFD000  }
0x1fd: {  	[hbm4b:s0+s8] =	stream.linear.scatter [tilespmem:s4], [sflag:$0xD], $0x3000, $0x38;
	[tilespmem:$0x1A800] =	vst v63  }
0x1fe: {  	_ =	swait.ge [sflag:s2], $0x3000  }
0x1ff: {  	[sflag:s2] =	ssyncset.done $0x0  }
0x200: {  	[sflag:s2] =	ssyncadd.s32 $0xFFFFD000  }
0x201: {  	v12 =	vld [tilespmem:$0x2160];
	_ =	sdelay $0x4  }
0x202: {  	v13 =	vshrl.u32 v12, $0x3  }
0x203: {  	v13 =	vmul.u32 $0x18, v13  }
0x204: {  	v12 =	vand.u32 $0x7, v12  }
0x205: {  	v12 =	vor.u32 v12, v13  }
0x206: {  	v13 =	vperm.xlane v12, v6;
	_ =	sdelay $0x1  }
0x207: {  	v13 =	vadd.s32 v7, v13;
	_ =	sdelay $0x1  }
0x208: {  	v12 =	vperm.xlane v12, v8;
	_ =	sdelay $0x1  }
0x209: {  	s25 =	simm.s32 $0xB800;
	v12 =	vadd.s32 v7, v12  }
0x20a: {  	[tilespmem:s25], [sflag:$0x4] =	stream.indirect_vreg.gather [hbm4b:s1+s8], $0x80, v13, vm0, $0xb8;
	[tilespmem:$0x1A800] =	vst v63  }
0x20b: {  	s16 =	simm.s32 $0xC000  }
0x20c: {  	[tilespmem:s16], [sflag:$0x4] =	stream.indirect_vreg.gather [hbm4b:s29+s8], $0x80, v13, vm1, $0xb8;
	[tilespmem:$0x1A800] =	vst v63  }
0x20d: {  	s15 =	simm.s32 $0xC400  }
0x20e: {  	[tilespmem:s15], [sflag:$0x4] =	stream.indirect_vreg.gather [hbm4b:s1+s8], $0x80, v12, vm0, $0xb8;
	[tilespmem:$0x1A800] =	vst v63  }
0x20f: {  	s16 =	simm.s32 $0xCC00  }
0x210: {  	[tilespmem:s16], [sflag:$0x4] =	stream.indirect_vreg.gather [hbm4b:s29+s8], $0x80, v12, vm1, $0xb8;
	[tilespmem:$0x1A800] =	vst v63  }
0x211: {  	v12 =	vld [tilespmem:$0x2170];
	_ =	sdelay $0x4  }
0x212: {  	v13 =	vshrl.u32 v12, $0x3  }
0x213: {  	v13 =	vmul.u32 $0x18, v13  }
0x214: {  	v12 =	vand.u32 $0x7, v12  }
0x215: {  	v12 =	vor.u32 v12, v13  }
0x216: {  	v13 =	vperm.xlane v12, v6;
	_ =	sdelay $0x1  }
0x217: {  	v13 =	vadd.s32 v7, v13;
	_ =	sdelay $0x1  }
0x218: {  	v12 =	vperm.xlane v12, v8;
	_ =	sdelay $0x1  }
0x219: {  	s17 =	simm.s32 $0xD000;
	v12 =	vadd.s32 v7, v12  }
0x21a: {  	[tilespmem:s17], [sflag:$0x4] =	stream.indirect_vreg.gather [hbm4b:s1+s8], $0x80, v13, vm0, $0xb8;
	[tilespmem:$0x1A800] =	vst v63  }
0x21b: {  	s18 =	simm.s32 $0xD800  }
0x21c: {  	[tilespmem:s18], [sflag:$0x4] =	stream.indirect_vreg.gather [hbm4b:s29+s8], $0x80, v13, vm1, $0xb8;
	[tilespmem:$0x1A800] =	vst v63  }
0x21d: {  	s19 =	simm.s32 $0xDC00  }
0x21e: {  	[tilespmem:s19], [sflag:$0x4] =	stream.indirect_vreg.gather [hbm4b:s1+s8], $0x80, v12, vm0, $0xb8;
	[tilespmem:$0x1A800] =	vst v63  }
0x21f: {  	s20 =	simm.s32 $0xE400;
	s21 =	simm.s32 $0x6  }
0x220: {  	[tilespmem:s20], [sflag:$0x4] =	stream.indirect_vreg.gather [hbm4b:s29+s8], $0x80, v12, vm1, $0xb8;
	[tilespmem:$0x1A800] =	vst v63  }
0x221: {  	_ =	swait.ge [sflag:s21], $0x3000  }
0x222: {  	s22 =	sld [smem:$0x7ED]  }
0x223: {  	[sflag:s21] =	ssyncset.done $0x0  }
0x224: {  	s23 =	simm.s32 $0xD;
	[sflag:s21] =	ssyncadd.s32 $0xFFFFD000  }
0x225: {  	[hbm4b:s22+s8] =	stream.linear.scatter [tilespmem:s9], [sflag:$0xE], $0x3000, $0x38;
	[tilespmem:$0x1A800] =	vst v63  }
0x226: {  	_ =	swait.ge [sflag:s23], $0x3000  }
0x227: {  	[sflag:s23] =	ssyncset.done $0x0  }
0x228: {  	[sflag:s23] =	ssyncadd.s32 $0xFFFFD000  }
0x229: {  	v12 =	vld [tilespmem:$0x2180];
	_ =	sdelay $0x4  }
0x22a: {  	v13 =	vshrl.u32 v12, $0x3  }
0x22b: {  	v13 =	vmul.u32 $0x18, v13  }
0x22c: {  	v12 =	vand.u32 $0x7, v12  }
0x22d: {  	v12 =	vor.u32 v12, v13  }
0x22e: {  	v13 =	vperm.xlane v12, v6;
	_ =	sdelay $0x1  }
0x22f: {  	v13 =	vadd.s32 v7, v13;
	_ =	sdelay $0x1  }
0x230: {  	v12 =	vperm.xlane v12, v8;
	_ =	sdelay $0x1  }
0x231: {  	v12 =	vadd.s32 v7, v12  }
0x232: {  	[tilespmem:s4], [sflag:$0x5] =	stream.indirect_vreg.gather [hbm4b:s1+s8], $0x80, v13, vm0, $0xb8;
	[tilespmem:$0x1A800] =	vst v63  }
0x233: {  	s24 =	simm.s32 $0xF000  }
0x234: {  	[tilespmem:s24], [sflag:$0x5] =	stream.indirect_vreg.gather [hbm4b:s29+s8], $0x80, v13, vm1, $0xb8;
	[tilespmem:$0x1A800] =	vst v63  }
0x235: {  	s25 =	simm.s32 $0xF400  }
0x236: {  	[tilespmem:s25], [sflag:$0x5] =	stream.indirect_vreg.gather [hbm4b:s1+s8], $0x80, v12, vm0, $0xb8;
	[tilespmem:$0x1A800] =	vst v63  }
0x237: {  	s26 =	simm.s32 $0xFC00  }
0x238: {  	[tilespmem:s26], [sflag:$0x5] =	stream.indirect_vreg.gather [hbm4b:s29+s8], $0x80, v12, vm1, $0xb8;
	[tilespmem:$0x1A800] =	vst v63  }
0x239: {  	v12 =	vld [tilespmem:$0x2190];
	_ =	sdelay $0x4  }
0x23a: {  	v13 =	vshrl.u32 v12, $0x3  }
0x23b: {  	v13 =	vmul.u32 $0x18, v13  }
0x23c: {  	v12 =	vand.u32 $0x7, v12  }
0x23d: {  	v12 =	vor.u32 v12, v13  }
0x23e: {  	v13 =	vperm.xlane v12, v6;
	_ =	sdelay $0x1  }
0x23f: {  	v13 =	vadd.s32 v7, v13;
	_ =	sdelay $0x1  }
0x240: {  	v12 =	vperm.xlane v12, v8;
	_ =	sdelay $0x1  }
0x241: {  	s2 =	simm.s32 $0x10000;
	v12 =	vadd.s32 v7, v12  }
0x242: {  	[tilespmem:s2], [sflag:$0x5] =	stream.indirect_vreg.gather [hbm4b:s1+s8], $0x80, v13, vm0, $0xb8;
	[tilespmem:$0x1A800] =	vst v63  }
0x243: {  	s4 =	simm.s32 $0x10800  }
0x244: {  	[tilespmem:s4], [sflag:$0x5] =	stream.indirect_vreg.gather [hbm4b:s29+s8], $0x80, v13, vm1, $0xb8;
	[tilespmem:$0x1A800] =	vst v63  }
0x245: {  	s6 =	simm.s32 $0x10C00  }
0x246: {  	[tilespmem:s6], [sflag:$0x5] =	stream.indirect_vreg.gather [hbm4b:s1+s8], $0x80, v12, vm0, $0xb8;
	[tilespmem:$0x1A800] =	vst v63  }
0x247: {  	s10 =	simm.s32 $0x11400;
	s11 =	simm.s32 $0x7  }
0x248: {  	[tilespmem:s10], [sflag:$0x5] =	stream.indirect_vreg.gather [hbm4b:s29+s8], $0x80, v12, vm1, $0xb8;
	[tilespmem:$0x1A800] =	vst v63  }
0x249: {  	_ =	swait.ge [sflag:s11], $0x3000  }
0x24a: {  	s15 =	sld [smem:$0x7EE]  }
0x24b: {  	[sflag:s11] =	ssyncset.done $0x0  }
0x24c: {  	s16 =	simm.s32 $0xE;
	[sflag:s11] =	ssyncadd.s32 $0xFFFFD000  }
0x24d: {  	[hbm4b:s15+s8] =	stream.linear.scatter [tilespmem:s12], [sflag:$0xF], $0x3000, $0x38;
	[tilespmem:$0x1A800] =	vst v63  }
0x24e: {  	_ =	swait.ge [sflag:s16], $0x3000  }
0x24f: {  	[sflag:s16] =	ssyncset.done $0x0  }
0x250: {  	[sflag:s16] =	ssyncadd.s32 $0xFFFFD000  }
0x251: {  	v12 =	vld [tilespmem:$0x21A0];
	_ =	sdelay $0x4  }
0x252: {  	v13 =	vshrl.u32 v12, $0x3  }
0x253: {  	v13 =	vmul.u32 $0x18, v13  }
0x254: {  	v12 =	vand.u32 $0x7, v12  }
0x255: {  	v12 =	vor.u32 v12, v13  }
0x256: {  	v13 =	vperm.xlane v12, v6;
	_ =	sdelay $0x1  }
0x257: {  	v13 =	vadd.s32 v7, v13;
	_ =	sdelay $0x1  }
0x258: {  	v12 =	vperm.xlane v12, v8;
	_ =	sdelay $0x1  }
0x259: {  	v12 =	vadd.s32 v7, v12  }
0x25a: {  	[tilespmem:s9], [sflag:$0x6] =	stream.indirect_vreg.gather [hbm4b:s1+s8], $0x80, v13, vm0, $0xb8;
	[tilespmem:$0x1A800] =	vst v63  }
0x25b: {  	s17 =	simm.s32 $0x12000  }
0x25c: {  	[tilespmem:s17], [sflag:$0x6] =	stream.indirect_vreg.gather [hbm4b:s29+s8], $0x80, v13, vm1, $0xb8;
	[tilespmem:$0x1A800] =	vst v63  }
0x25d: {  	s18 =	simm.s32 $0x12400  }
0x25e: {  	[tilespmem:s18], [sflag:$0x6] =	stream.indirect_vreg.gather [hbm4b:s1+s8], $0x80, v12, vm0, $0xb8;
	[tilespmem:$0x1A800] =	vst v63  }
0x25f: {  	s19 =	simm.s32 $0x12C00  }
0x260: {  	[tilespmem:s19], [sflag:$0x6] =	stream.indirect_vreg.gather [hbm4b:s29+s8], $0x80, v12, vm1, $0xb8;
	[tilespmem:$0x1A800] =	vst v63  }
0x261: {  	v12 =	vld [tilespmem:$0x21B0];
	_ =	sdelay $0x4  }
0x262: {  	v13 =	vshrl.u32 v12, $0x3  }
0x263: {  	v13 =	vmul.u32 $0x18, v13  }
0x264: {  	v12 =	vand.u32 $0x7, v12  }
0x265: {  	v12 =	vor.u32 v12, v13  }
0x266: {  	v13 =	vperm.xlane v12, v6;
	_ =	sdelay $0x1  }
0x267: {  	v13 =	vadd.s32 v7, v13;
	_ =	sdelay $0x1  }
0x268: {  	v12 =	vperm.xlane v12, v8;
	_ =	sdelay $0x1  }
0x269: {  	s20 =	simm.s32 $0x13000;
	v12 =	vadd.s32 v7, v12  }
0x26a: {  	[tilespmem:s20], [sflag:$0x6] =	stream.indirect_vreg.gather [hbm4b:s1+s8], $0x80, v13, vm0, $0xb8;
	[tilespmem:$0x1A800] =	vst v63  }
0x26b: {  	s21 =	simm.s32 $0x13800  }
0x26c: {  	[tilespmem:s21], [sflag:$0x6] =	stream.indirect_vreg.gather [hbm4b:s29+s8], $0x80, v13, vm1, $0xb8;
	[tilespmem:$0x1A800] =	vst v63  }
0x26d: {  	s22 =	simm.s32 $0x13C00  }
0x26e: {  	[tilespmem:s22], [sflag:$0x6] =	stream.indirect_vreg.gather [hbm4b:s1+s8], $0x80, v12, vm0, $0xb8;
	[tilespmem:$0x1A800] =	vst v63  }
0x26f: {  	s23 =	simm.s32 $0x14400;
	s24 =	simm.s32 $0x8  }
0x270: {  	[tilespmem:s23], [sflag:$0x6] =	stream.indirect_vreg.gather [hbm4b:s29+s8], $0x80, v12, vm1, $0xb8;
	[tilespmem:$0x1A800] =	vst v63  }
0x271: {  	_ =	swait.ge [sflag:s24], $0x3000  }
0x272: {  	s25 =	sld [smem:$0x7EF]  }
0x273: {  	[sflag:s24] =	ssyncset.done $0x0  }
0x274: {  	s0 =	simm.s32 $0xF;
	[sflag:s24] =	ssyncadd.s32 $0xFFFFD000  }
0x275: {  	[hbm4b:s25+s8] =	stream.linear.scatter [tilespmem:s13], [sflag:$0x10], $0x3000, $0x38;
	[tilespmem:$0x1A800] =	vst v63  }
0x276: {  	_ =	swait.ge [sflag:s0], $0x3000  }
0x277: {  	[sflag:s0] =	ssyncset.done $0x0  }
0x278: {  	[sflag:s0] =	ssyncadd.s32 $0xFFFFD000  }
0x279: {  	v12 =	vld [tilespmem:$0x21C0];
	_ =	sdelay $0x4  }
0x27a: {  	v13 =	vshrl.u32 v12, $0x3  }
0x27b: {  	v13 =	vmul.u32 $0x18, v13  }
0x27c: {  	v12 =	vand.u32 $0x7, v12  }
0x27d: {  	v12 =	vor.u32 v12, v13  }
0x27e: {  	v13 =	vperm.xlane v12, v6;
	_ =	sdelay $0x1  }
0x27f: {  	v13 =	vadd.s32 v7, v13;
	_ =	sdelay $0x1  }
0x280: {  	v12 =	vperm.xlane v12, v8;
	_ =	sdelay $0x1  }
0x281: {  	v12 =	vadd.s32 v7, v12  }
0x282: {  	[tilespmem:s12], [sflag:$0x7] =	stream.indirect_vreg.gather [hbm4b:s1+s8], $0x80, v13, vm0, $0xb8;
	[tilespmem:$0x1A800] =	vst v63  }
0x283: {  	s2 =	simm.s32 $0x15000  }
0x284: {  	[tilespmem:s2], [sflag:$0x7] =	stream.indirect_vreg.gather [hbm4b:s29+s8], $0x80, v13, vm1, $0xb8;
	[tilespmem:$0x1A800] =	vst v63  }
0x285: {  	s4 =	simm.s32 $0x15400  }
0x286: {  	[tilespmem:s4], [sflag:$0x7] =	stream.indirect_vreg.gather [hbm4b:s1+s8], $0x80, v12, vm0, $0xb8;
	[tilespmem:$0x1A800] =	vst v63  }
0x287: {  	s6 =	simm.s32 $0x15C00  }
0x288: {  	[tilespmem:s6], [sflag:$0x7] =	stream.indirect_vreg.gather [hbm4b:s29+s8], $0x80, v12, vm1, $0xb8;
	[tilespmem:$0x1A800] =	vst v63  }
0x289: {  	v12 =	vld [tilespmem:$0x21D0];
	_ =	sdelay $0x4  }
0x28a: {  	v13 =	vshrl.u32 v12, $0x3  }
0x28b: {  	v13 =	vmul.u32 $0x18, v13  }
0x28c: {  	v12 =	vand.u32 $0x7, v12  }
0x28d: {  	v12 =	vor.u32 v12, v13  }
0x28e: {  	v13 =	vperm.xlane v12, v6;
	_ =	sdelay $0x1  }
0x28f: {  	v13 =	vadd.s32 v7, v13;
	_ =	sdelay $0x1  }
0x290: {  	v12 =	vperm.xlane v12, v8;
	_ =	sdelay $0x1  }
0x291: {  	s9 =	simm.s32 $0x16000;
	v12 =	vadd.s32 v7, v12  }
0x292: {  	[tilespmem:s9], [sflag:$0x7] =	stream.indirect_vreg.gather [hbm4b:s1+s8], $0x80, v13, vm0, $0xb8;
	[tilespmem:$0x1A800] =	vst v63  }
0x293: {  	s10 =	simm.s32 $0x16800  }
0x294: {  	[tilespmem:s10], [sflag:$0x7] =	stream.indirect_vreg.gather [hbm4b:s29+s8], $0x80, v13, vm1, $0xb8;
	[tilespmem:$0x1A800] =	vst v63  }
0x295: {  	s11 =	simm.s32 $0x16C00  }
0x296: {  	[tilespmem:s11], [sflag:$0x7] =	stream.indirect_vreg.gather [hbm4b:s1+s8], $0x80, v12, vm0, $0xb8;
	[tilespmem:$0x1A800] =	vst v63  }
0x297: {  	s12 =	simm.s32 $0x17400  }
0x298: {  	[tilespmem:s12], [sflag:$0x7] =	stream.indirect_vreg.gather [hbm4b:s29+s8], $0x80, v12, vm1, $0xb8;
	[tilespmem:$0x1A800] =	vst v63  }
0x299: {  	_ =	swait.ge [sflag:s5], $0x3000  }
0x29a: {  	s15 =	sld [smem:$0x7F0]  }
0x29b: {  	[sflag:s5] =	ssyncset.done $0x0  }
0x29c: {  	s16 =	simm.s32 $0x2800;
	s17 =	simm.s32 $0x10;
	[sflag:s5] =	ssyncadd.s32 $0xFFFFD000  }
0x29d: {  	[hbm4b:s15+s8] =	stream.linear.scatter [tilespmem:s16], [sflag:$0x9], $0x3000, $0x38;
	[tilespmem:$0x1A800] =	vst v63  }
0x29e: {  	_ =	swait.ge [sflag:s17], $0x3000  }
0x29f: {  	[sflag:s17] =	ssyncset.done $0x0  }
0x2a0: {  	[sflag:s17] =	ssyncadd.s32 $0xFFFFD000  }
0x2a1: {  	v12 =	vld [tilespmem:$0x21E0];
	_ =	sdelay $0x4  }
0x2a2: {  	v13 =	vshrl.u32 v12, $0x3  }
0x2a3: {  	v13 =	vmul.u32 $0x18, v13  }
0x2a4: {  	v12 =	vand.u32 $0x7, v12  }
0x2a5: {  	v12 =	vor.u32 v12, v13  }
0x2a6: {  	v13 =	vperm.xlane v12, v6;
	_ =	sdelay $0x1  }
0x2a7: {  	v13 =	vadd.s32 v7, v13;
	_ =	sdelay $0x1  }
0x2a8: {  	v12 =	vperm.xlane v12, v8;
	_ =	sdelay $0x1  }
0x2a9: {  	v12 =	vadd.s32 v7, v12  }
0x2aa: {  	[tilespmem:s13], [sflag:$0x8] =	stream.indirect_vreg.gather [hbm4b:s1+s8], $0x80, v13, vm0, $0xb8;
	[tilespmem:$0x1A800] =	vst v63  }
0x2ab: {  	s18 =	simm.s32 $0x18000  }
0x2ac: {  	[tilespmem:s18], [sflag:$0x8] =	stream.indirect_vreg.gather [hbm4b:s29+s8], $0x80, v13, vm1, $0xb8;
	[tilespmem:$0x1A800] =	vst v63  }
0x2ad: {  	s19 =	simm.s32 $0x18400  }
0x2ae: {  	[tilespmem:s19], [sflag:$0x8] =	stream.indirect_vreg.gather [hbm4b:s1+s8], $0x80, v12, vm0, $0xb8;
	[tilespmem:$0x1A800] =	vst v63  }
0x2af: {  	s20 =	simm.s32 $0x18C00  }
0x2b0: {  	[tilespmem:s20], [sflag:$0x8] =	stream.indirect_vreg.gather [hbm4b:s29+s8], $0x80, v12, vm1, $0xb8;
	[tilespmem:$0x1A800] =	vst v63  }
0x2b1: {  	v12 =	vld [tilespmem:$0x21F0];
	_ =	sdelay $0x4  }
0x2b2: {  	v13 =	vshrl.u32 v12, $0x3  }
0x2b3: {  	v13 =	vmul.u32 $0x18, v13  }
0x2b4: {  	v12 =	vand.u32 $0x7, v12  }
0x2b5: {  	v12 =	vor.u32 v12, v13  }
0x2b6: {  	v13 =	vperm.xlane v12, v6;
	_ =	sdelay $0x1  }
0x2b7: {  	v13 =	vadd.s32 v7, v13;
	_ =	sdelay $0x1  }
0x2b8: {  	v12 =	vperm.xlane v12, v8;
	_ =	sdelay $0x1  }
0x2b9: {  	s21 =	simm.s32 $0x19000;
	v12 =	vadd.s32 v7, v12  }
0x2ba: {  	[tilespmem:s21], [sflag:$0x8] =	stream.indirect_vreg.gather [hbm4b:s1+s8], $0x80, v13, vm0, $0xb8;
	[tilespmem:$0x1A800] =	vst v63  }
0x2bb: {  	s22 =	simm.s32 $0x19800  }
0x2bc: {  	[tilespmem:s22], [sflag:$0x8] =	stream.indirect_vreg.gather [hbm4b:s29+s8], $0x80, v13, vm1, $0xb8;
	[tilespmem:$0x1A800] =	vst v63  }
0x2bd: {  	s23 =	simm.s32 $0x19C00  }
0x2be: {  	[tilespmem:s23], [sflag:$0x8] =	stream.indirect_vreg.gather [hbm4b:s1+s8], $0x80, v12, vm0, $0xb8;
	[tilespmem:$0x1A800] =	vst v63  }
0x2bf: {  	s24 =	simm.s32 $0x1A400  }
0x2c0: {  	[tilespmem:s24], [sflag:$0x8] =	stream.indirect_vreg.gather [hbm4b:s29+s8], $0x80, v12, vm1, $0xb8;
	[tilespmem:$0x1A800] =	vst v63  }
0x2c1: {  	_ =	swait.ge [sflag:s7], $0x3000  }
0x2c2: {  	s25 =	sld [smem:$0x7F1]  }
0x2c3: {  	[sflag:s7] =	ssyncset.done $0x0  }
0x2c4: {  	s14 =	simm.s32 $0x5800;
	s26 =	simm.s32 $0x12;
	[sflag:s7] =	ssyncadd.s32 $0xFFFFD000  }
0x2c5: {  	[hbm4b:s25+s8] =	stream.linear.scatter [tilespmem:s14], [sflag:$0xA], $0x3000, $0x38;
	[tilespmem:$0x1A800] =	vst v63  }
0x2c6: {  	_ =	swait.ge [sflag:s26], $0x400  }
0x2c7: {  	[sflag:s26] =	ssyncset.done $0x0  }
0x2c8: {  	[sflag:s26] =	ssyncadd.s32 $0xFFFFFC00;
	s26 =	simm.s32 $0x400  }
0x2c9: {  	v12 =	vld [tilespmem:s26+$0x0]  }
0x2ca: {  	s31 =	simm.s32 $0x10  }
.LBB2_4:
0x2cb: {  	p0 =	sne.s32 s31, $0x3F0;
	_ =	sdelay $0x2  }
0x2cc: {  	vm2 =	vlt.s32 v12, $0x200;
	v13 =	vadd.s32 $0xFFFFFE00, v12;
	v14 =	vadd.s32 $0x200, v12  }
0x2cd: {  	v12 =	vsel vm2, v12, v13;
	v13 =	vnsel vm2, $0x0, v14  }
0x2ce: {  	v15 =	vsel vm2, $0x80, v9;
	v14 =	vand.u32 $0x7F, v12;
	v12 =	vshll.u32 v12, $0x3  }
0x2cf: {  	v12 =	vand.u32 $0xFFFFFC00, v12;
	v14 =	vor.u32 v15, v14  }
0x2d0: {  	v12 =	vor.u32 v12, v14;
	_ =	sdelay $0x3  }
.Ltmp1:
0x2d1: {  	v14 =	vor.u32 s8, v0;
	(pc) =	sbr.rel @p0 .LBB2_4-.Ltmp1, $4  }
0x2d2: {  	[tilespmem:v12+s28+$0x0] =	vst.idx.msk $0xffff, v14;
	v12 =	vor.u32 s8, v2;
	s8 =	smov.u32 s31  }
0x2d3: {  	s26 =	sadd.s32 $0x10, s26;
	[tilespmem:v13+s30+$0x0] =	vst.idx.msk vm2, v12  }
0x2d4: {  	v12 =	vld [tilespmem:s26+$0x0]  }
0x2d5: {  	s31 =	sadd.s32 $0x10, s31  }
0x2d6: {  	_ =	sdelay $0x2  }
0x2d7: {  	vm2 =	vlt.s32 v12, $0x200;
	v13 =	vadd.s32 $0xFFFFFE00, v12  }
0x2d8: {  	v13 =	vsel vm2, v12, v13  }
0x2d9: {  	v15 =	vsel vm2, $0x80, v9;
	v14 =	vand.u32 $0x7F, v13;
	v13 =	vshll.u32 v13, $0x3  }
0x2da: {  	v13 =	vand.u32 $0xFFFFFC00, v13;
	v14 =	vor.u32 v15, v14  }
0x2db: {  	v12 =	vadd.s32 $0x200, v12;
	v13 =	vor.u32 v13, v14  }
0x2dc: {  	v12 =	vnsel vm2, $0x0, v12;
	_ =	sdelay $0x2  }
0x2dd: {  	v14 =	vor.u32 s8, v0  }
0x2de: {  	[tilespmem:v13+s28+$0x0] =	vst.idx.msk $0xffff, v14;
	v13 =	vor.u32 s8, v2  }
0x2df: {  	s20 =	simm.s32 $0x9;
	[tilespmem:v12+s30+$0x0] =	vst.idx.msk vm2, v13  }
0x2e0: {  	_ =	swait.ge [sflag:s20], $0x3000  }
0x2e1: {  	[sflag:s20] =	ssyncset.done $0x0  }
0x2e2: {  	[sflag:s20] =	ssyncadd.s32 $0xFFFFD000  }
0x2e3: {  	v12 =	vld [tilespmem:$0x2200];
	_ =	sdelay $0x4  }
0x2e4: {  	v13 =	vshrl.u32 v12, $0x3  }
0x2e5: {  	v13 =	vmul.u32 $0x18, v13  }
0x2e6: {  	v12 =	vand.u32 $0x7, v12  }
0x2e7: {  	v12 =	vor.u32 v12, v13  }
0x2e8: {  	v13 =	vperm.xlane v12, v6;
	_ =	sdelay $0x1  }
0x2e9: {  	v13 =	vadd.s32 v7, v13;
	_ =	sdelay $0x1  }
0x2ea: {  	v12 =	vperm.xlane v12, v8;
	_ =	sdelay $0x1  }
0x2eb: {  	s0 =	simm.s32 $0x2800;
	s8 =	simm.s32 $0x0;
	v12 =	vadd.s32 v7, v12  }
0x2ec: {  	[tilespmem:s0], [sflag:$0x1] =	stream.indirect_vreg.gather [hbm4b:s1+s8], $0x80, v13, vm0, $0xb8;
	[tilespmem:$0x1A800] =	vst v63  }
0x2ed: {  	s10 =	simm.s32 $0x3000  }
0x2ee: {  	[tilespmem:s10], [sflag:$0x1] =	stream.indirect_vreg.gather [hbm4b:s29+s8], $0x80, v13, vm1, $0xb8;
	[tilespmem:$0x1A800] =	vst v63  }
0x2ef: {  	s11 =	simm.s32 $0x3400  }
0x2f0: {  	[tilespmem:s11], [sflag:$0x1] =	stream.indirect_vreg.gather [hbm4b:s1+s8], $0x80, v12, vm0, $0xb8;
	[tilespmem:$0x1A800] =	vst v63  }
0x2f1: {  	s12 =	simm.s32 $0x3C00  }
0x2f2: {  	[tilespmem:s12], [sflag:$0x1] =	stream.indirect_vreg.gather [hbm4b:s29+s8], $0x80, v12, vm1, $0xb8;
	[tilespmem:$0x1A800] =	vst v63  }
0x2f3: {  	v12 =	vld [tilespmem:$0x2210];
	_ =	sdelay $0x4  }
0x2f4: {  	v13 =	vshrl.u32 v12, $0x3  }
0x2f5: {  	v13 =	vmul.u32 $0x18, v13  }
0x2f6: {  	v12 =	vand.u32 $0x7, v12  }
0x2f7: {  	v12 =	vor.u32 v12, v13  }
0x2f8: {  	v13 =	vperm.xlane v12, v6;
	_ =	sdelay $0x1  }
0x2f9: {  	v13 =	vadd.s32 v7, v13;
	_ =	sdelay $0x1  }
0x2fa: {  	v12 =	vperm.xlane v12, v8;
	_ =	sdelay $0x1  }
0x2fb: {  	s13 =	simm.s32 $0x4000;
	v12 =	vadd.s32 v7, v12  }
0x2fc: {  	[tilespmem:s13], [sflag:$0x1] =	stream.indirect_vreg.gather [hbm4b:s1+s8], $0x80, v13, vm0, $0xb8;
	[tilespmem:$0x1A800] =	vst v63  }
0x2fd: {  	s14 =	simm.s32 $0x4800  }
0x2fe: {  	[tilespmem:s14], [sflag:$0x1] =	stream.indirect_vreg.gather [hbm4b:s29+s8], $0x80, v13, vm1, $0xb8;
	[tilespmem:$0x1A800] =	vst v63  }
0x2ff: {  	s15 =	simm.s32 $0x4C00  }
0x300: {  	[tilespmem:s15], [sflag:$0x1] =	stream.indirect_vreg.gather [hbm4b:s1+s8], $0x80, v12, vm0, $0xb8;
	[tilespmem:$0x1A800] =	vst v63  }
0x301: {  	s16 =	simm.s32 $0x5400;
	s4 =	simm.s32 $0x3  }
0x302: {  	[tilespmem:s16], [sflag:$0x1] =	stream.indirect_vreg.gather [hbm4b:s29+s8], $0x80, v12, vm1, $0xb8;
	[tilespmem:$0x1A800] =	vst v63  }
0x303: {  	_ =	swait.ge [sflag:s4], $0x3000  }
0x304: {  	s26 =	sld [smem:$0x7F2]  }
0x305: {  	[sflag:s4] =	ssyncset.done $0x0  }
0x306: {  	s22 =	simm.s32 $0x8800;
	s5 =	simm.s32 $0xA;
	[sflag:s4] =	ssyncadd.s32 $0xFFFFD000  }
0x307: {  	[hbm4b:s26+s8] =	stream.linear.scatter [tilespmem:s22], [sflag:$0xB], $0x3000, $0x38;
	[tilespmem:$0x1A800] =	vst v63  }
0x308: {  	_ =	swait.ge [sflag:s5], $0x3000  }
0x309: {  	[sflag:s5] =	ssyncset.done $0x0  }
0x30a: {  	[sflag:s5] =	ssyncadd.s32 $0xFFFFD000  }
0x30b: {  	v12 =	vld [tilespmem:$0x2220];
	_ =	sdelay $0x4  }
0x30c: {  	v13 =	vshrl.u32 v12, $0x3  }
0x30d: {  	v13 =	vmul.u32 $0x18, v13  }
0x30e: {  	v12 =	vand.u32 $0x7, v12  }
0x30f: {  	v12 =	vor.u32 v12, v13  }
0x310: {  	v13 =	vperm.xlane v12, v6;
	_ =	sdelay $0x1  }
0x311: {  	v13 =	vadd.s32 v7, v13;
	_ =	sdelay $0x1  }
0x312: {  	v12 =	vperm.xlane v12, v8;
	_ =	sdelay $0x1  }
0x313: {  	s17 =	simm.s32 $0x5800;
	v12 =	vadd.s32 v7, v12  }
0x314: {  	[tilespmem:s17], [sflag:$0x2] =	stream.indirect_vreg.gather [hbm4b:s1+s8], $0x80, v13, vm0, $0xb8;
	[tilespmem:$0x1A800] =	vst v63  }
0x315: {  	s18 =	simm.s32 $0x6000  }
0x316: {  	[tilespmem:s18], [sflag:$0x2] =	stream.indirect_vreg.gather [hbm4b:s29+s8], $0x80, v13, vm1, $0xb8;
	[tilespmem:$0x1A800] =	vst v63  }
0x317: {  	s19 =	simm.s32 $0x6400  }
0x318: {  	[tilespmem:s19], [sflag:$0x2] =	stream.indirect_vreg.gather [hbm4b:s1+s8], $0x80, v12, vm0, $0xb8;
	[tilespmem:$0x1A800] =	vst v63  }
0x319: {  	s21 =	simm.s32 $0x6C00  }
0x31a: {  	[tilespmem:s21], [sflag:$0x2] =	stream.indirect_vreg.gather [hbm4b:s29+s8], $0x80, v12, vm1, $0xb8;
	[tilespmem:$0x1A800] =	vst v63  }
0x31b: {  	v12 =	vld [tilespmem:$0x2230];
	_ =	sdelay $0x4  }
0x31c: {  	v13 =	vshrl.u32 v12, $0x3  }
0x31d: {  	v13 =	vmul.u32 $0x18, v13  }
0x31e: {  	v12 =	vand.u32 $0x7, v12  }
0x31f: {  	v12 =	vor.u32 v12, v13  }
0x320: {  	v13 =	vperm.xlane v12, v6;
	_ =	sdelay $0x1  }
0x321: {  	v13 =	vadd.s32 v7, v13;
	_ =	sdelay $0x1  }
0x322: {  	v12 =	vperm.xlane v12, v8;
	_ =	sdelay $0x1  }
0x323: {  	s23 =	simm.s32 $0x7000;
	v12 =	vadd.s32 v7, v12  }
0x324: {  	[tilespmem:s23], [sflag:$0x2] =	stream.indirect_vreg.gather [hbm4b:s1+s8], $0x80, v13, vm0, $0xb8;
	[tilespmem:$0x1A800] =	vst v63  }
0x325: {  	s24 =	simm.s32 $0x7800  }
0x326: {  	[tilespmem:s24], [sflag:$0x2] =	stream.indirect_vreg.gather [hbm4b:s29+s8], $0x80, v13, vm1, $0xb8;
	[tilespmem:$0x1A800] =	vst v63  }
0x327: {  	s25 =	simm.s32 $0x7C00  }
0x328: {  	[tilespmem:s25], [sflag:$0x2] =	stream.indirect_vreg.gather [hbm4b:s1+s8], $0x80, v12, vm0, $0xb8;
	[tilespmem:$0x1A800] =	vst v63  }
0x329: {  	s6 =	simm.s32 $0x4;
	s26 =	simm.s32 $0x8400  }
0x32a: {  	[tilespmem:s26], [sflag:$0x2] =	stream.indirect_vreg.gather [hbm4b:s29+s8], $0x80, v12, vm1, $0xb8;
	[tilespmem:$0x1A800] =	vst v63  }
0x32b: {  	_ =	swait.ge [sflag:s6], $0x3000  }
0x32c: {  	s0 =	sld [smem:$0x7F3]  }
0x32d: {  	[sflag:s6] =	ssyncset.done $0x0  }
0x32e: {  	s7 =	simm.s32 $0xB;
	s24 =	simm.s32 $0xB800;
	[sflag:s6] =	ssyncadd.s32 $0xFFFFD000  }
0x32f: {  	[hbm4b:s0+s8] =	stream.linear.scatter [tilespmem:s24], [sflag:$0xC], $0x3000, $0x38;
	[tilespmem:$0x1A800] =	vst v63  }
0x330: {  	_ =	swait.ge [sflag:s7], $0x3000  }
0x331: {  	[sflag:s7] =	ssyncset.done $0x0  }
0x332: {  	[sflag:s7] =	ssyncadd.s32 $0xFFFFD000  }
0x333: {  	v12 =	vld [tilespmem:$0x2240];
	_ =	sdelay $0x4  }
0x334: {  	v13 =	vshrl.u32 v12, $0x3  }
0x335: {  	v13 =	vmul.u32 $0x18, v13  }
0x336: {  	v12 =	vand.u32 $0x7, v12  }
0x337: {  	v12 =	vor.u32 v12, v13  }
0x338: {  	v13 =	vperm.xlane v12, v6;
	_ =	sdelay $0x1  }
0x339: {  	v13 =	vadd.s32 v7, v13;
	_ =	sdelay $0x1  }
0x33a: {  	v12 =	vperm.xlane v12, v8;
	_ =	sdelay $0x1  }
0x33b: {  	v12 =	vadd.s32 v7, v12  }
0x33c: {  	[tilespmem:s22], [sflag:$0x3] =	stream.indirect_vreg.gather [hbm4b:s1+s8], $0x80, v13, vm0, $0xb8;
	[tilespmem:$0x1A800] =	vst v63  }
0x33d: {  	s2 =	simm.s32 $0x9000  }
0x33e: {  	[tilespmem:s2], [sflag:$0x3] =	stream.indirect_vreg.gather [hbm4b:s29+s8], $0x80, v13, vm1, $0xb8;
	[tilespmem:$0x1A800] =	vst v63  }
0x33f: {  	s9 =	simm.s32 $0x9400  }
0x340: {  	[tilespmem:s9], [sflag:$0x3] =	stream.indirect_vreg.gather [hbm4b:s1+s8], $0x80, v12, vm0, $0xb8;
	[tilespmem:$0x1A800] =	vst v63  }
0x341: {  	s10 =	simm.s32 $0x9C00  }
0x342: {  	[tilespmem:s10], [sflag:$0x3] =	stream.indirect_vreg.gather [hbm4b:s29+s8], $0x80, v12, vm1, $0xb8;
	[tilespmem:$0x1A800] =	vst v63  }
0x343: {  	v12 =	vld [tilespmem:$0x2250];
	_ =	sdelay $0x4  }
0x344: {  	v13 =	vshrl.u32 v12, $0x3  }
0x345: {  	v13 =	vmul.u32 $0x18, v13  }
0x346: {  	v12 =	vand.u32 $0x7, v12  }
0x347: {  	v12 =	vor.u32 v12, v13  }
0x348: {  	v13 =	vperm.xlane v12, v6;
	_ =	sdelay $0x1  }
0x349: {  	v13 =	vadd.s32 v7, v13;
	_ =	sdelay $0x1  }
0x34a: {  	v12 =	vperm.xlane v12, v8;
	_ =	sdelay $0x1  }
0x34b: {  	s11 =	simm.s32 $0xA000;
	v12 =	vadd.s32 v7, v12  }
0x34c: {  	[tilespmem:s11], [sflag:$0x3] =	stream.indirect_vreg.gather [hbm4b:s1+s8], $0x80, v13, vm0, $0xb8;
	[tilespmem:$0x1A800] =	vst v63  }
0x34d: {  	s12 =	simm.s32 $0xA800  }
0x34e: {  	[tilespmem:s12], [sflag:$0x3] =	stream.indirect_vreg.gather [hbm4b:s29+s8], $0x80, v13, vm1, $0xb8;
	[tilespmem:$0x1A800] =	vst v63  }
0x34f: {  	s13 =	simm.s32 $0xAC00  }
0x350: {  	[tilespmem:s13], [sflag:$0x3] =	stream.indirect_vreg.gather [hbm4b:s1+s8], $0x80, v12, vm0, $0xb8;
	[tilespmem:$0x1A800] =	vst v63  }
0x351: {  	s14 =	simm.s32 $0xB400;
	s9 =	simm.s32 $0x5  }
0x352: {  	[tilespmem:s14], [sflag:$0x3] =	stream.indirect_vreg.gather [hbm4b:s29+s8], $0x80, v12, vm1, $0xb8;
	[tilespmem:$0x1A800] =	vst v63  }
0x353: {  	_ =	swait.ge [sflag:s9], $0x3000  }
0x354: {  	s15 =	sld [smem:$0x7F4]  }
0x355: {  	[sflag:s9] =	ssyncset.done $0x0  }
0x356: {  	s21 =	simm.s32 $0xE800;
	s10 =	simm.s32 $0xC;
	[sflag:s9] =	ssyncadd.s32 $0xFFFFD000  }
0x357: {  	[hbm4b:s15+s8] =	stream.linear.scatter [tilespmem:s21], [sflag:$0xD], $0x3000, $0x38;
	[tilespmem:$0x1A800] =	vst v63  }
0x358: {  	_ =	swait.ge [sflag:s10], $0x3000  }
0x359: {  	[sflag:s10] =	ssyncset.done $0x0  }
0x35a: {  	[sflag:s10] =	ssyncadd.s32 $0xFFFFD000  }
0x35b: {  	v12 =	vld [tilespmem:$0x2260];
	_ =	sdelay $0x4  }
0x35c: {  	v13 =	vshrl.u32 v12, $0x3  }
0x35d: {  	v13 =	vmul.u32 $0x18, v13  }
0x35e: {  	v12 =	vand.u32 $0x7, v12  }
0x35f: {  	v12 =	vor.u32 v12, v13  }
0x360: {  	v13 =	vperm.xlane v12, v6;
	_ =	sdelay $0x1  }
0x361: {  	v13 =	vadd.s32 v7, v13;
	_ =	sdelay $0x1  }
0x362: {  	v12 =	vperm.xlane v12, v8;
	_ =	sdelay $0x1  }
0x363: {  	v12 =	vadd.s32 v7, v12  }
0x364: {  	[tilespmem:s24], [sflag:$0x4] =	stream.indirect_vreg.gather [hbm4b:s1+s8], $0x80, v13, vm0, $0xb8;
	[tilespmem:$0x1A800] =	vst v63  }
0x365: {  	s16 =	simm.s32 $0xC000  }
0x366: {  	[tilespmem:s16], [sflag:$0x4] =	stream.indirect_vreg.gather [hbm4b:s29+s8], $0x80, v13, vm1, $0xb8;
	[tilespmem:$0x1A800] =	vst v63  }
0x367: {  	s17 =	simm.s32 $0xC400  }
0x368: {  	[tilespmem:s17], [sflag:$0x4] =	stream.indirect_vreg.gather [hbm4b:s1+s8], $0x80, v12, vm0, $0xb8;
	[tilespmem:$0x1A800] =	vst v63  }
0x369: {  	s18 =	simm.s32 $0xCC00  }
0x36a: {  	[tilespmem:s18], [sflag:$0x4] =	stream.indirect_vreg.gather [hbm4b:s29+s8], $0x80, v12, vm1, $0xb8;
	[tilespmem:$0x1A800] =	vst v63  }
0x36b: {  	v12 =	vld [tilespmem:$0x2270];
	_ =	sdelay $0x4  }
0x36c: {  	v13 =	vshrl.u32 v12, $0x3  }
0x36d: {  	v13 =	vmul.u32 $0x18, v13  }
0x36e: {  	v12 =	vand.u32 $0x7, v12  }
0x36f: {  	v12 =	vor.u32 v12, v13  }
0x370: {  	v13 =	vperm.xlane v12, v6;
	_ =	sdelay $0x1  }
0x371: {  	v13 =	vadd.s32 v7, v13;
	_ =	sdelay $0x1  }
0x372: {  	v12 =	vperm.xlane v12, v8;
	_ =	sdelay $0x1  }
0x373: {  	s19 =	simm.s32 $0xD000;
	v12 =	vadd.s32 v7, v12  }
0x374: {  	[tilespmem:s19], [sflag:$0x4] =	stream.indirect_vreg.gather [hbm4b:s1+s8], $0x80, v13, vm0, $0xb8;
	[tilespmem:$0x1A800] =	vst v63  }
0x375: {  	s23 =	simm.s32 $0xD800  }
0x376: {  	[tilespmem:s23], [sflag:$0x4] =	stream.indirect_vreg.gather [hbm4b:s29+s8], $0x80, v13, vm1, $0xb8;
	[tilespmem:$0x1A800] =	vst v63  }
0x377: {  	s25 =	simm.s32 $0xDC00  }
0x378: {  	[tilespmem:s25], [sflag:$0x4] =	stream.indirect_vreg.gather [hbm4b:s1+s8], $0x80, v12, vm0, $0xb8;
	[tilespmem:$0x1A800] =	vst v63  }
0x379: {  	s26 =	simm.s32 $0xE400;
	s11 =	simm.s32 $0x6  }
0x37a: {  	[tilespmem:s26], [sflag:$0x4] =	stream.indirect_vreg.gather [hbm4b:s29+s8], $0x80, v12, vm1, $0xb8;
	[tilespmem:$0x1A800] =	vst v63  }
0x37b: {  	_ =	swait.ge [sflag:s11], $0x3000  }
0x37c: {  	s0 =	sld [smem:$0x7F5]  }
0x37d: {  	[sflag:s11] =	ssyncset.done $0x0  }
0x37e: {  	s12 =	simm.s32 $0xD;
	s25 =	simm.s32 $0x11800;
	[sflag:s11] =	ssyncadd.s32 $0xFFFFD000  }
0x37f: {  	[hbm4b:s0+s8] =	stream.linear.scatter [tilespmem:s25], [sflag:$0xE], $0x3000, $0x38;
	[tilespmem:$0x1A800] =	vst v63  }
0x380: {  	_ =	swait.ge [sflag:s12], $0x3000  }
0x381: {  	[sflag:s12] =	ssyncset.done $0x0  }
0x382: {  	[sflag:s12] =	ssyncadd.s32 $0xFFFFD000  }
0x383: {  	v12 =	vld [tilespmem:$0x2280];
	_ =	sdelay $0x4  }
0x384: {  	v13 =	vshrl.u32 v12, $0x3  }
0x385: {  	v13 =	vmul.u32 $0x18, v13  }
0x386: {  	v12 =	vand.u32 $0x7, v12  }
0x387: {  	v12 =	vor.u32 v12, v13  }
0x388: {  	v13 =	vperm.xlane v12, v6;
	_ =	sdelay $0x1  }
0x389: {  	v13 =	vadd.s32 v7, v13;
	_ =	sdelay $0x1  }
0x38a: {  	v12 =	vperm.xlane v12, v8;
	_ =	sdelay $0x1  }
0x38b: {  	v12 =	vadd.s32 v7, v12  }
0x38c: {  	[tilespmem:s21], [sflag:$0x5] =	stream.indirect_vreg.gather [hbm4b:s1+s8], $0x80, v13, vm0, $0xb8;
	[tilespmem:$0x1A800] =	vst v63  }
0x38d: {  	s2 =	simm.s32 $0xF000  }
0x38e: {  	[tilespmem:s2], [sflag:$0x5] =	stream.indirect_vreg.gather [hbm4b:s29+s8], $0x80, v13, vm1, $0xb8;
	[tilespmem:$0x1A800] =	vst v63  }
0x38f: {  	s13 =	simm.s32 $0xF400  }
0x390: {  	[tilespmem:s13], [sflag:$0x5] =	stream.indirect_vreg.gather [hbm4b:s1+s8], $0x80, v12, vm0, $0xb8;
	[tilespmem:$0x1A800] =	vst v63  }
0x391: {  	s14 =	simm.s32 $0xFC00  }
0x392: {  	[tilespmem:s14], [sflag:$0x5] =	stream.indirect_vreg.gather [hbm4b:s29+s8], $0x80, v12, vm1, $0xb8;
	[tilespmem:$0x1A800] =	vst v63  }
0x393: {  	v12 =	vld [tilespmem:$0x2290];
	_ =	sdelay $0x4  }
0x394: {  	v13 =	vshrl.u32 v12, $0x3  }
0x395: {  	v13 =	vmul.u32 $0x18, v13  }
0x396: {  	v12 =	vand.u32 $0x7, v12  }
0x397: {  	v12 =	vor.u32 v12, v13  }
0x398: {  	v13 =	vperm.xlane v12, v6;
	_ =	sdelay $0x1  }
0x399: {  	v13 =	vadd.s32 v7, v13;
	_ =	sdelay $0x1  }
0x39a: {  	v12 =	vperm.xlane v12, v8;
	_ =	sdelay $0x1  }
0x39b: {  	s15 =	simm.s32 $0x10000;
	v12 =	vadd.s32 v7, v12  }
0x39c: {  	[tilespmem:s15], [sflag:$0x5] =	stream.indirect_vreg.gather [hbm4b:s1+s8], $0x80, v13, vm0, $0xb8;
	[tilespmem:$0x1A800] =	vst v63  }
0x39d: {  	s16 =	simm.s32 $0x10800  }
0x39e: {  	[tilespmem:s16], [sflag:$0x5] =	stream.indirect_vreg.gather [hbm4b:s29+s8], $0x80, v13, vm1, $0xb8;
	[tilespmem:$0x1A800] =	vst v63  }
0x39f: {  	s17 =	simm.s32 $0x10C00  }
0x3a0: {  	[tilespmem:s17], [sflag:$0x5] =	stream.indirect_vreg.gather [hbm4b:s1+s8], $0x80, v12, vm0, $0xb8;
	[tilespmem:$0x1A800] =	vst v63  }
0x3a1: {  	s18 =	simm.s32 $0x11400;
	s13 =	simm.s32 $0x7  }
0x3a2: {  	[tilespmem:s18], [sflag:$0x5] =	stream.indirect_vreg.gather [hbm4b:s29+s8], $0x80, v12, vm1, $0xb8;
	[tilespmem:$0x1A800] =	vst v63  }
0x3a3: {  	_ =	swait.ge [sflag:s13], $0x3000  }
0x3a4: {  	s19 =	sld [smem:$0x7F6]  }
0x3a5: {  	[sflag:s13] =	ssyncset.done $0x0  }
0x3a6: {  	s31 =	simm.s32 $0x14800;
	s14 =	simm.s32 $0xE;
	[sflag:s13] =	ssyncadd.s32 $0xFFFFD000  }
0x3a7: {  	[hbm4b:s19+s8] =	stream.linear.scatter [tilespmem:s31], [sflag:$0xF], $0x3000, $0x38;
	[tilespmem:$0x1A800] =	vst v63  }
0x3a8: {  	_ =	swait.ge [sflag:s14], $0x3000  }
0x3a9: {  	[sflag:s14] =	ssyncset.done $0x0  }
0x3aa: {  	[sflag:s14] =	ssyncadd.s32 $0xFFFFD000  }
0x3ab: {  	v12 =	vld [tilespmem:$0x22A0];
	_ =	sdelay $0x4  }
0x3ac: {  	v13 =	vshrl.u32 v12, $0x3  }
0x3ad: {  	v13 =	vmul.u32 $0x18, v13  }
0x3ae: {  	v12 =	vand.u32 $0x7, v12  }
0x3af: {  	v12 =	vor.u32 v12, v13  }
0x3b0: {  	v13 =	vperm.xlane v12, v6;
	_ =	sdelay $0x1  }
0x3b1: {  	v13 =	vadd.s32 v7, v13;
	_ =	sdelay $0x1  }
0x3b2: {  	v12 =	vperm.xlane v12, v8;
	_ =	sdelay $0x1  }
0x3b3: {  	v12 =	vadd.s32 v7, v12  }
0x3b4: {  	[tilespmem:s25], [sflag:$0x6] =	stream.indirect_vreg.gather [hbm4b:s1+s8], $0x80, v13, vm0, $0xb8;
	[tilespmem:$0x1A800] =	vst v63  }
0x3b5: {  	s23 =	simm.s32 $0x12000  }
0x3b6: {  	[tilespmem:s23], [sflag:$0x6] =	stream.indirect_vreg.gather [hbm4b:s29+s8], $0x80, v13, vm1, $0xb8;
	[tilespmem:$0x1A800] =	vst v63  }
0x3b7: {  	s26 =	simm.s32 $0x12400  }
0x3b8: {  	[tilespmem:s26], [sflag:$0x6] =	stream.indirect_vreg.gather [hbm4b:s1+s8], $0x80, v12, vm0, $0xb8;
	[tilespmem:$0x1A800] =	vst v63  }
0x3b9: {  	s2 =	simm.s32 $0x12C00  }
0x3ba: {  	[tilespmem:s2], [sflag:$0x6] =	stream.indirect_vreg.gather [hbm4b:s29+s8], $0x80, v12, vm1, $0xb8;
	[tilespmem:$0x1A800] =	vst v63  }
0x3bb: {  	v12 =	vld [tilespmem:$0x22B0];
	_ =	sdelay $0x4  }
0x3bc: {  	v13 =	vshrl.u32 v12, $0x3  }
0x3bd: {  	v13 =	vmul.u32 $0x18, v13  }
0x3be: {  	v12 =	vand.u32 $0x7, v12  }
0x3bf: {  	v12 =	vor.u32 v12, v13  }
0x3c0: {  	v13 =	vperm.xlane v12, v6;
	_ =	sdelay $0x1  }
0x3c1: {  	v13 =	vadd.s32 v7, v13;
	_ =	sdelay $0x1  }
0x3c2: {  	v12 =	vperm.xlane v12, v8;
	_ =	sdelay $0x1  }
0x3c3: {  	s15 =	simm.s32 $0x13000;
	v12 =	vadd.s32 v7, v12  }
0x3c4: {  	[tilespmem:s15], [sflag:$0x6] =	stream.indirect_vreg.gather [hbm4b:s1+s8], $0x80, v13, vm0, $0xb8;
	[tilespmem:$0x1A800] =	vst v63  }
0x3c5: {  	s16 =	simm.s32 $0x13800  }
0x3c6: {  	[tilespmem:s16], [sflag:$0x6] =	stream.indirect_vreg.gather [hbm4b:s29+s8], $0x80, v13, vm1, $0xb8;
	[tilespmem:$0x1A800] =	vst v63  }
0x3c7: {  	s17 =	simm.s32 $0x13C00  }
0x3c8: {  	[tilespmem:s17], [sflag:$0x6] =	stream.indirect_vreg.gather [hbm4b:s1+s8], $0x80, v12, vm0, $0xb8;
	[tilespmem:$0x1A800] =	vst v63  }
0x3c9: {  	s18 =	simm.s32 $0x14400;
	s15 =	simm.s32 $0x8  }
0x3ca: {  	[tilespmem:s18], [sflag:$0x6] =	stream.indirect_vreg.gather [hbm4b:s29+s8], $0x80, v12, vm1, $0xb8;
	[tilespmem:$0x1A800] =	vst v63  }
0x3cb: {  	_ =	swait.ge [sflag:s15], $0x3000  }
0x3cc: {  	s19 =	sld [smem:$0x7F7]  }
0x3cd: {  	[sflag:s15] =	ssyncset.done $0x0  }
0x3ce: {  	s23 =	simm.s32 $0x17800;
	s16 =	simm.s32 $0xF;
	[sflag:s15] =	ssyncadd.s32 $0xFFFFD000  }
0x3cf: {  	[hbm4b:s19+s8] =	stream.linear.scatter [tilespmem:s23], [sflag:$0x10], $0x3000, $0x38;
	[tilespmem:$0x1A800] =	vst v63  }
0x3d0: {  	_ =	swait.ge [sflag:s16], $0x3000  }
0x3d1: {  	[sflag:s16] =	ssyncset.done $0x0  }
0x3d2: {  	[sflag:s16] =	ssyncadd.s32 $0xFFFFD000  }
0x3d3: {  	v12 =	vld [tilespmem:$0x22C0];
	_ =	sdelay $0x4  }
0x3d4: {  	v13 =	vshrl.u32 v12, $0x3  }
0x3d5: {  	v13 =	vmul.u32 $0x18, v13  }
0x3d6: {  	v12 =	vand.u32 $0x7, v12  }
0x3d7: {  	v12 =	vor.u32 v12, v13  }
0x3d8: {  	v13 =	vperm.xlane v12, v6;
	_ =	sdelay $0x1  }
0x3d9: {  	v13 =	vadd.s32 v7, v13;
	_ =	sdelay $0x1  }
0x3da: {  	v12 =	vperm.xlane v12, v8;
	_ =	sdelay $0x1  }
0x3db: {  	v12 =	vadd.s32 v7, v12  }
0x3dc: {  	[tilespmem:s31], [sflag:$0x7] =	stream.indirect_vreg.gather [hbm4b:s1+s8], $0x80, v13, vm0, $0xb8;
	[tilespmem:$0x1A800] =	vst v63  }
0x3dd: {  	s26 =	simm.s32 $0x15000  }
0x3de: {  	[tilespmem:s26], [sflag:$0x7] =	stream.indirect_vreg.gather [hbm4b:s29+s8], $0x80, v13, vm1, $0xb8;
	[tilespmem:$0x1A800] =	vst v63  }
0x3df: {  	s2 =	simm.s32 $0x15400  }
0x3e0: {  	[tilespmem:s2], [sflag:$0x7] =	stream.indirect_vreg.gather [hbm4b:s1+s8], $0x80, v12, vm0, $0xb8;
	[tilespmem:$0x1A800] =	vst v63  }
0x3e1: {  	s17 =	simm.s32 $0x15C00  }
0x3e2: {  	[tilespmem:s17], [sflag:$0x7] =	stream.indirect_vreg.gather [hbm4b:s29+s8], $0x80, v12, vm1, $0xb8;
	[tilespmem:$0x1A800] =	vst v63  }
0x3e3: {  	v12 =	vld [tilespmem:$0x22D0];
	_ =	sdelay $0x4  }
0x3e4: {  	v13 =	vshrl.u32 v12, $0x3  }
0x3e5: {  	v13 =	vmul.u32 $0x18, v13  }
0x3e6: {  	v12 =	vand.u32 $0x7, v12  }
0x3e7: {  	v12 =	vor.u32 v12, v13  }
0x3e8: {  	v13 =	vperm.xlane v12, v6;
	_ =	sdelay $0x1  }
0x3e9: {  	v13 =	vadd.s32 v7, v13;
	_ =	sdelay $0x1  }
0x3ea: {  	v12 =	vperm.xlane v12, v8;
	_ =	sdelay $0x1  }
0x3eb: {  	s18 =	simm.s32 $0x16000;
	v12 =	vadd.s32 v7, v12  }
0x3ec: {  	[tilespmem:s18], [sflag:$0x7] =	stream.indirect_vreg.gather [hbm4b:s1+s8], $0x80, v13, vm0, $0xb8;
	[tilespmem:$0x1A800] =	vst v63  }
0x3ed: {  	s19 =	simm.s32 $0x16800  }
0x3ee: {  	[tilespmem:s19], [sflag:$0x7] =	stream.indirect_vreg.gather [hbm4b:s29+s8], $0x80, v13, vm1, $0xb8;
	[tilespmem:$0x1A800] =	vst v63  }
0x3ef: {  	s26 =	simm.s32 $0x16C00  }
0x3f0: {  	[tilespmem:s26], [sflag:$0x7] =	stream.indirect_vreg.gather [hbm4b:s1+s8], $0x80, v12, vm0, $0xb8;
	[tilespmem:$0x1A800] =	vst v63  }
0x3f1: {  	s2 =	simm.s32 $0x17400;
	s18 =	simm.s32 $0x1  }
0x3f2: {  	[tilespmem:s2], [sflag:$0x7] =	stream.indirect_vreg.gather [hbm4b:s29+s8], $0x80, v12, vm1, $0xb8;
	[tilespmem:$0x1A800] =	vst v63  }
0x3f3: {  	_ =	swait.ge [sflag:s18], $0x3000  }
0x3f4: {  	s17 =	sld [smem:$0x7F8]  }
0x3f5: {  	[sflag:s18] =	ssyncset.done $0x0  }
0x3f6: {  	s2 =	simm.s32 $0x2800;
	[sflag:s18] =	ssyncadd.s32 $0xFFFFD000  }
0x3f7: {  	[hbm4b:s17+s8] =	stream.linear.scatter [tilespmem:s2], [sflag:$0x9], $0x3000, $0x38;
	[tilespmem:$0x1A800] =	vst v63  }
0x3f8: {  	s17 =	simm.s32 $0x10  }
0x3f9: {  	_ =	swait.ge [sflag:s17], $0x3000  }
0x3fa: {  	[sflag:s17] =	ssyncset.done $0x0  }
0x3fb: {  	[sflag:s17] =	ssyncadd.s32 $0xFFFFD000  }
0x3fc: {  	v12 =	vld [tilespmem:$0x22E0];
	_ =	sdelay $0x4  }
0x3fd: {  	v13 =	vshrl.u32 v12, $0x3  }
0x3fe: {  	v13 =	vmul.u32 $0x18, v13  }
0x3ff: {  	v12 =	vand.u32 $0x7, v12  }
0x400: {  	v12 =	vor.u32 v12, v13  }
0x401: {  	v13 =	vperm.xlane v12, v6;
	_ =	sdelay $0x1  }
0x402: {  	v13 =	vadd.s32 v7, v13;
	_ =	sdelay $0x1  }
0x403: {  	v12 =	vperm.xlane v12, v8;
	_ =	sdelay $0x1  }
0x404: {  	v12 =	vadd.s32 v7, v12  }
0x405: {  	[tilespmem:s23], [sflag:$0x8] =	stream.indirect_vreg.gather [hbm4b:s1+s8], $0x80, v13, vm0, $0xb8;
	[tilespmem:$0x1A800] =	vst v63  }
0x406: {  	s19 =	simm.s32 $0x18000  }
0x407: {  	[tilespmem:s19], [sflag:$0x8] =	stream.indirect_vreg.gather [hbm4b:s29+s8], $0x80, v13, vm1, $0xb8;
	[tilespmem:$0x1A800] =	vst v63  }
0x408: {  	s26 =	simm.s32 $0x18400  }
0x409: {  	[tilespmem:s26], [sflag:$0x8] =	stream.indirect_vreg.gather [hbm4b:s1+s8], $0x80, v12, vm0, $0xb8;
	[tilespmem:$0x1A800] =	vst v63  }
0x40a: {  	s19 =	simm.s32 $0x18C00  }
0x40b: {  	[tilespmem:s19], [sflag:$0x8] =	stream.indirect_vreg.gather [hbm4b:s29+s8], $0x80, v12, vm1, $0xb8;
	[tilespmem:$0x1A800] =	vst v63  }
0x40c: {  	v12 =	vld [tilespmem:$0x22F0];
	_ =	sdelay $0x4  }
0x40d: {  	v13 =	vshrl.u32 v12, $0x3  }
0x40e: {  	v13 =	vmul.u32 $0x18, v13  }
0x40f: {  	v12 =	vand.u32 $0x7, v12  }
0x410: {  	v12 =	vor.u32 v12, v13  }
0x411: {  	v13 =	vperm.xlane v12, v6;
	_ =	sdelay $0x1  }
0x412: {  	v13 =	vadd.s32 v7, v13;
	_ =	sdelay $0x1  }
0x413: {  	v12 =	vperm.xlane v12, v8;
	_ =	sdelay $0x1  }
0x414: {  	s26 =	simm.s32 $0x19000;
	v12 =	vadd.s32 v7, v12  }
0x415: {  	[tilespmem:s26], [sflag:$0x8] =	stream.indirect_vreg.gather [hbm4b:s1+s8], $0x80, v13, vm0, $0xb8;
	[tilespmem:$0x1A800] =	vst v63  }
0x416: {  	s19 =	simm.s32 $0x19800  }
0x417: {  	[tilespmem:s19], [sflag:$0x8] =	stream.indirect_vreg.gather [hbm4b:s29+s8], $0x80, v13, vm1, $0xb8;
	[tilespmem:$0x1A800] =	vst v63  }
0x418: {  	s26 =	simm.s32 $0x19C00  }
0x419: {  	[tilespmem:s26], [sflag:$0x8] =	stream.indirect_vreg.gather [hbm4b:s1+s8], $0x80, v12, vm0, $0xb8;
	[tilespmem:$0x1A800] =	vst v63  }
0x41a: {  	s19 =	simm.s32 $0x1A400  }
0x41b: {  	[tilespmem:s19], [sflag:$0x8] =	stream.indirect_vreg.gather [hbm4b:s29+s8], $0x80, v12, vm1, $0xb8;
	[tilespmem:$0x1A800] =	vst v63  }
0x41c: {  	s19 =	simm.s32 $0x2  }
0x41d: {  	_ =	swait.ge [sflag:s19], $0x3000  }
0x41e: {  	s26 =	sld [smem:$0x7F9]  }
0x41f: {  	[sflag:s19] =	ssyncset.done $0x0  }
0x420: {  	s0 =	simm.s32 $0x5800;
	[sflag:s19] =	ssyncadd.s32 $0xFFFFD000  }
0x421: {  	[hbm4b:s26+s8] =	stream.linear.scatter [tilespmem:s0], [sflag:$0xA], $0x3000, $0x38;
	[tilespmem:$0x1A800] =	vst v63  }
0x422: {  	_ =	swait.ge [sflag:s20], $0x3000  }
0x423: {  	[sflag:s20] =	ssyncset.done $0x0  }
0x424: {  	[sflag:s20] =	ssyncadd.s32 $0xFFFFD000  }
0x425: {  	v12 =	vld [tilespmem:$0x2300];
	_ =	sdelay $0x4  }
0x426: {  	v13 =	vshrl.u32 v12, $0x3  }
0x427: {  	v13 =	vmul.u32 $0x18, v13  }
0x428: {  	v12 =	vand.u32 $0x7, v12  }
0x429: {  	v12 =	vor.u32 v12, v13  }
0x42a: {  	v13 =	vperm.xlane v12, v6;
	_ =	sdelay $0x1  }
0x42b: {  	v13 =	vadd.s32 v7, v13;
	_ =	sdelay $0x1  }
0x42c: {  	v12 =	vperm.xlane v12, v8;
	_ =	sdelay $0x1  }
0x42d: {  	v12 =	vadd.s32 v7, v12  }
0x42e: {  	[tilespmem:s2], [sflag:$0x1] =	stream.indirect_vreg.gather [hbm4b:s1+s8], $0x80, v13, vm0, $0xb8;
	[tilespmem:$0x1A800] =	vst v63  }
0x42f: {  	s26 =	simm.s32 $0x3000  }
0x430: {  	[tilespmem:s26], [sflag:$0x1] =	stream.indirect_vreg.gather [hbm4b:s29+s8], $0x80, v13, vm1, $0xb8;
	[tilespmem:$0x1A800] =	vst v63  }
0x431: {  	s26 =	simm.s32 $0x3400  }
0x432: {  	[tilespmem:s26], [sflag:$0x1] =	stream.indirect_vreg.gather [hbm4b:s1+s8], $0x80, v12, vm0, $0xb8;
	[tilespmem:$0x1A800] =	vst v63  }
0x433: {  	s26 =	simm.s32 $0x3C00  }
0x434: {  	[tilespmem:s26], [sflag:$0x1] =	stream.indirect_vreg.gather [hbm4b:s29+s8], $0x80, v12, vm1, $0xb8;
	[tilespmem:$0x1A800] =	vst v63  }
0x435: {  	v12 =	vld [tilespmem:$0x2310];
	_ =	sdelay $0x4  }
0x436: {  	v13 =	vshrl.u32 v12, $0x3  }
0x437: {  	v13 =	vmul.u32 $0x18, v13  }
0x438: {  	v12 =	vand.u32 $0x7, v12  }
0x439: {  	v12 =	vor.u32 v12, v13  }
0x43a: {  	v13 =	vperm.xlane v12, v6;
	_ =	sdelay $0x1  }
0x43b: {  	v13 =	vadd.s32 v7, v13;
	_ =	sdelay $0x1  }
0x43c: {  	v12 =	vperm.xlane v12, v8;
	_ =	sdelay $0x1  }
0x43d: {  	s26 =	simm.s32 $0x4000;
	v12 =	vadd.s32 v7, v12  }
0x43e: {  	[tilespmem:s26], [sflag:$0x1] =	stream.indirect_vreg.gather [hbm4b:s1+s8], $0x80, v13, vm0, $0xb8;
	[tilespmem:$0x1A800] =	vst v63  }
0x43f: {  	s26 =	simm.s32 $0x4800  }
0x440: {  	[tilespmem:s26], [sflag:$0x1] =	stream.indirect_vreg.gather [hbm4b:s29+s8], $0x80, v13, vm1, $0xb8;
	[tilespmem:$0x1A800] =	vst v63  }
0x441: {  	s26 =	simm.s32 $0x4C00  }
0x442: {  	[tilespmem:s26], [sflag:$0x1] =	stream.indirect_vreg.gather [hbm4b:s1+s8], $0x80, v12, vm0, $0xb8;
	[tilespmem:$0x1A800] =	vst v63  }
0x443: {  	s26 =	simm.s32 $0x5400  }
0x444: {  	[tilespmem:s26], [sflag:$0x1] =	stream.indirect_vreg.gather [hbm4b:s29+s8], $0x80, v12, vm1, $0xb8;
	[tilespmem:$0x1A800] =	vst v63  }
0x445: {  	_ =	swait.ge [sflag:s4], $0x3000  }
0x446: {  	s20 =	sld [smem:$0x7FA]  }
0x447: {  	[sflag:s4] =	ssyncset.done $0x0  }
0x448: {  	[sflag:s4] =	ssyncadd.s32 $0xFFFFD000  }
0x449: {  	[hbm4b:s20+s8] =	stream.linear.scatter [tilespmem:s22], [sflag:$0xB], $0x3000, $0x38;
	[tilespmem:$0x1A800] =	vst v63  }
0x44a: {  	_ =	swait.ge [sflag:s5], $0x3000  }
0x44b: {  	[sflag:s5] =	ssyncset.done $0x0  }
0x44c: {  	[sflag:s5] =	ssyncadd.s32 $0xFFFFD000  }
0x44d: {  	v12 =	vld [tilespmem:$0x2320];
	_ =	sdelay $0x4  }
0x44e: {  	v13 =	vshrl.u32 v12, $0x3  }
0x44f: {  	v13 =	vmul.u32 $0x18, v13  }
0x450: {  	v12 =	vand.u32 $0x7, v12  }
0x451: {  	v12 =	vor.u32 v12, v13  }
0x452: {  	v13 =	vperm.xlane v12, v6;
	_ =	sdelay $0x1  }
0x453: {  	v13 =	vadd.s32 v7, v13;
	_ =	sdelay $0x1  }
0x454: {  	v12 =	vperm.xlane v12, v8;
	_ =	sdelay $0x1  }
0x455: {  	v12 =	vadd.s32 v7, v12  }
0x456: {  	[tilespmem:s0], [sflag:$0x2] =	stream.indirect_vreg.gather [hbm4b:s1+s8], $0x80, v13, vm0, $0xb8;
	[tilespmem:$0x1A800] =	vst v63  }
0x457: {  	s26 =	simm.s32 $0x6000  }
0x458: {  	[tilespmem:s26], [sflag:$0x2] =	stream.indirect_vreg.gather [hbm4b:s29+s8], $0x80, v13, vm1, $0xb8;
	[tilespmem:$0x1A800] =	vst v63  }
0x459: {  	s5 =	simm.s32 $0x6400  }
0x45a: {  	[tilespmem:s5], [sflag:$0x2] =	stream.indirect_vreg.gather [hbm4b:s1+s8], $0x80, v12, vm0, $0xb8;
	[tilespmem:$0x1A800] =	vst v63  }
0x45b: {  	s20 =	simm.s32 $0x6C00  }
0x45c: {  	[tilespmem:s20], [sflag:$0x2] =	stream.indirect_vreg.gather [hbm4b:s29+s8], $0x80, v12, vm1, $0xb8;
	[tilespmem:$0x1A800] =	vst v63  }
0x45d: {  	v12 =	vld [tilespmem:$0x2330];
	_ =	sdelay $0x4  }
0x45e: {  	v13 =	vshrl.u32 v12, $0x3  }
0x45f: {  	v13 =	vmul.u32 $0x18, v13  }
0x460: {  	v12 =	vand.u32 $0x7, v12  }
0x461: {  	v12 =	vor.u32 v12, v13  }
0x462: {  	v13 =	vperm.xlane v12, v6;
	_ =	sdelay $0x1  }
0x463: {  	v13 =	vadd.s32 v7, v13;
	_ =	sdelay $0x1  }
0x464: {  	v12 =	vperm.xlane v12, v8;
	_ =	sdelay $0x1  }
0x465: {  	s26 =	simm.s32 $0x7000;
	v12 =	vadd.s32 v7, v12  }
0x466: {  	[tilespmem:s26], [sflag:$0x2] =	stream.indirect_vreg.gather [hbm4b:s1+s8], $0x80, v13, vm0, $0xb8;
	[tilespmem:$0x1A800] =	vst v63  }
0x467: {  	s5 =	simm.s32 $0x7800  }
0x468: {  	[tilespmem:s5], [sflag:$0x2] =	stream.indirect_vreg.gather [hbm4b:s29+s8], $0x80, v13, vm1, $0xb8;
	[tilespmem:$0x1A800] =	vst v63  }
0x469: {  	s20 =	simm.s32 $0x7C00  }
0x46a: {  	[tilespmem:s20], [sflag:$0x2] =	stream.indirect_vreg.gather [hbm4b:s1+s8], $0x80, v12, vm0, $0xb8;
	[tilespmem:$0x1A800] =	vst v63  }
0x46b: {  	s26 =	simm.s32 $0x8400  }
0x46c: {  	[tilespmem:s26], [sflag:$0x2] =	stream.indirect_vreg.gather [hbm4b:s29+s8], $0x80, v12, vm1, $0xb8;
	[tilespmem:$0x1A800] =	vst v63  }
0x46d: {  	_ =	swait.ge [sflag:s6], $0x3000  }
0x46e: {  	s0 =	sld [smem:$0x7FB]  }
0x46f: {  	[sflag:s6] =	ssyncset.done $0x0  }
0x470: {  	[sflag:s6] =	ssyncadd.s32 $0xFFFFD000  }
0x471: {  	[hbm4b:s0+s8] =	stream.linear.scatter [tilespmem:s24], [sflag:$0xC], $0x3000, $0x38;
	[tilespmem:$0x1A800] =	vst v63  }
0x472: {  	_ =	swait.ge [sflag:s7], $0x3000  }
0x473: {  	[sflag:s7] =	ssyncset.done $0x0  }
0x474: {  	[sflag:s7] =	ssyncadd.s32 $0xFFFFD000  }
0x475: {  	v12 =	vld [tilespmem:$0x2340];
	_ =	sdelay $0x4  }
0x476: {  	v13 =	vshrl.u32 v12, $0x3  }
0x477: {  	v13 =	vmul.u32 $0x18, v13  }
0x478: {  	v12 =	vand.u32 $0x7, v12  }
0x479: {  	v12 =	vor.u32 v12, v13  }
0x47a: {  	v13 =	vperm.xlane v12, v6;
	_ =	sdelay $0x1  }
0x47b: {  	v13 =	vadd.s32 v7, v13;
	_ =	sdelay $0x1  }
0x47c: {  	v12 =	vperm.xlane v12, v8;
	_ =	sdelay $0x1  }
0x47d: {  	v12 =	vadd.s32 v7, v12  }
0x47e: {  	[tilespmem:s22], [sflag:$0x3] =	stream.indirect_vreg.gather [hbm4b:s1+s8], $0x80, v13, vm0, $0xb8;
	[tilespmem:$0x1A800] =	vst v63  }
0x47f: {  	s5 =	simm.s32 $0x9000  }
0x480: {  	[tilespmem:s5], [sflag:$0x3] =	stream.indirect_vreg.gather [hbm4b:s29+s8], $0x80, v13, vm1, $0xb8;
	[tilespmem:$0x1A800] =	vst v63  }
0x481: {  	s6 =	simm.s32 $0x9400  }
0x482: {  	[tilespmem:s6], [sflag:$0x3] =	stream.indirect_vreg.gather [hbm4b:s1+s8], $0x80, v12, vm0, $0xb8;
	[tilespmem:$0x1A800] =	vst v63  }
0x483: {  	s7 =	simm.s32 $0x9C00  }
0x484: {  	[tilespmem:s7], [sflag:$0x3] =	stream.indirect_vreg.gather [hbm4b:s29+s8], $0x80, v12, vm1, $0xb8;
	[tilespmem:$0x1A800] =	vst v63  }
0x485: {  	v12 =	vld [tilespmem:$0x2350];
	_ =	sdelay $0x4  }
0x486: {  	v13 =	vshrl.u32 v12, $0x3  }
0x487: {  	v13 =	vmul.u32 $0x18, v13  }
0x488: {  	v12 =	vand.u32 $0x7, v12  }
0x489: {  	v12 =	vor.u32 v12, v13  }
0x48a: {  	v13 =	vperm.xlane v12, v6;
	_ =	sdelay $0x1  }
0x48b: {  	v13 =	vadd.s32 v7, v13;
	_ =	sdelay $0x1  }
0x48c: {  	v12 =	vperm.xlane v12, v8;
	_ =	sdelay $0x1  }
0x48d: {  	s20 =	simm.s32 $0xA000;
	v12 =	vadd.s32 v7, v12  }
0x48e: {  	[tilespmem:s20], [sflag:$0x3] =	stream.indirect_vreg.gather [hbm4b:s1+s8], $0x80, v13, vm0, $0xb8;
	[tilespmem:$0x1A800] =	vst v63  }
0x48f: {  	s22 =	simm.s32 $0xA800  }
0x490: {  	[tilespmem:s22], [sflag:$0x3] =	stream.indirect_vreg.gather [hbm4b:s29+s8], $0x80, v13, vm1, $0xb8;
	[tilespmem:$0x1A800] =	vst v63  }
0x491: {  	s26 =	simm.s32 $0xAC00  }
0x492: {  	[tilespmem:s26], [sflag:$0x3] =	stream.indirect_vreg.gather [hbm4b:s1+s8], $0x80, v12, vm0, $0xb8;
	[tilespmem:$0x1A800] =	vst v63  }
0x493: {  	s5 =	simm.s32 $0xB400  }
0x494: {  	[tilespmem:s5], [sflag:$0x3] =	stream.indirect_vreg.gather [hbm4b:s29+s8], $0x80, v12, vm1, $0xb8;
	[tilespmem:$0x1A800] =	vst v63  }
0x495: {  	_ =	swait.ge [sflag:s9], $0x3000  }
0x496: {  	s6 =	sld [smem:$0x7FC]  }
0x497: {  	[sflag:s9] =	ssyncset.done $0x0  }
0x498: {  	[sflag:s9] =	ssyncadd.s32 $0xFFFFD000  }
0x499: {  	[hbm4b:s6+s8] =	stream.linear.scatter [tilespmem:s21], [sflag:$0xD], $0x3000, $0x38;
	[tilespmem:$0x1A800] =	vst v63  }
0x49a: {  	_ =	swait.ge [sflag:s10], $0x3000  }
0x49b: {  	[sflag:s10] =	ssyncset.done $0x0  }
0x49c: {  	[sflag:s10] =	ssyncadd.s32 $0xFFFFD000  }
0x49d: {  	v12 =	vld [tilespmem:$0x2360];
	_ =	sdelay $0x4  }
0x49e: {  	v13 =	vshrl.u32 v12, $0x3  }
0x49f: {  	v13 =	vmul.u32 $0x18, v13  }
0x4a0: {  	v12 =	vand.u32 $0x7, v12  }
0x4a1: {  	v12 =	vor.u32 v12, v13  }
0x4a2: {  	v13 =	vperm.xlane v12, v6;
	_ =	sdelay $0x1  }
0x4a3: {  	v13 =	vadd.s32 v7, v13;
	_ =	sdelay $0x1  }
0x4a4: {  	v12 =	vperm.xlane v12, v8;
	_ =	sdelay $0x1  }
0x4a5: {  	v12 =	vadd.s32 v7, v12  }
0x4a6: {  	[tilespmem:s24], [sflag:$0x4] =	stream.indirect_vreg.gather [hbm4b:s1+s8], $0x80, v13, vm0, $0xb8;
	[tilespmem:$0x1A800] =	vst v63  }
0x4a7: {  	s7 =	simm.s32 $0xC000  }
0x4a8: {  	[tilespmem:s7], [sflag:$0x4] =	stream.indirect_vreg.gather [hbm4b:s29+s8], $0x80, v13, vm1, $0xb8;
	[tilespmem:$0x1A800] =	vst v63  }
0x4a9: {  	s9 =	simm.s32 $0xC400  }
0x4aa: {  	[tilespmem:s9], [sflag:$0x4] =	stream.indirect_vreg.gather [hbm4b:s1+s8], $0x80, v12, vm0, $0xb8;
	[tilespmem:$0x1A800] =	vst v63  }
0x4ab: {  	s10 =	simm.s32 $0xCC00  }
0x4ac: {  	[tilespmem:s10], [sflag:$0x4] =	stream.indirect_vreg.gather [hbm4b:s29+s8], $0x80, v12, vm1, $0xb8;
	[tilespmem:$0x1A800] =	vst v63  }
0x4ad: {  	v12 =	vld [tilespmem:$0x2370];
	_ =	sdelay $0x4  }
0x4ae: {  	v13 =	vshrl.u32 v12, $0x3  }
0x4af: {  	v13 =	vmul.u32 $0x18, v13  }
0x4b0: {  	v12 =	vand.u32 $0x7, v12  }
0x4b1: {  	v12 =	vor.u32 v12, v13  }
0x4b2: {  	v13 =	vperm.xlane v12, v6;
	_ =	sdelay $0x1  }
0x4b3: {  	v13 =	vadd.s32 v7, v13;
	_ =	sdelay $0x1  }
0x4b4: {  	v12 =	vperm.xlane v12, v8;
	_ =	sdelay $0x1  }
0x4b5: {  	s20 =	simm.s32 $0xD000;
	v12 =	vadd.s32 v7, v12  }
0x4b6: {  	[tilespmem:s20], [sflag:$0x4] =	stream.indirect_vreg.gather [hbm4b:s1+s8], $0x80, v13, vm0, $0xb8;
	[tilespmem:$0x1A800] =	vst v63  }
0x4b7: {  	s22 =	simm.s32 $0xD800  }
0x4b8: {  	[tilespmem:s22], [sflag:$0x4] =	stream.indirect_vreg.gather [hbm4b:s29+s8], $0x80, v13, vm1, $0xb8;
	[tilespmem:$0x1A800] =	vst v63  }
0x4b9: {  	s24 =	simm.s32 $0xDC00  }
0x4ba: {  	[tilespmem:s24], [sflag:$0x4] =	stream.indirect_vreg.gather [hbm4b:s1+s8], $0x80, v12, vm0, $0xb8;
	[tilespmem:$0x1A800] =	vst v63  }
0x4bb: {  	s26 =	simm.s32 $0xE400  }
0x4bc: {  	[tilespmem:s26], [sflag:$0x4] =	stream.indirect_vreg.gather [hbm4b:s29+s8], $0x80, v12, vm1, $0xb8;
	[tilespmem:$0x1A800] =	vst v63  }
0x4bd: {  	_ =	swait.ge [sflag:s11], $0x3000  }
0x4be: {  	s0 =	sld [smem:$0x7FD]  }
0x4bf: {  	[sflag:s11] =	ssyncset.done $0x0  }
0x4c0: {  	[sflag:s11] =	ssyncadd.s32 $0xFFFFD000  }
0x4c1: {  	[hbm4b:s0+s8] =	stream.linear.scatter [tilespmem:s25], [sflag:$0xE], $0x3000, $0x38;
	[tilespmem:$0x1A800] =	vst v63  }
0x4c2: {  	_ =	swait.ge [sflag:s12], $0x3000  }
0x4c3: {  	[sflag:s12] =	ssyncset.done $0x0  }
0x4c4: {  	[sflag:s12] =	ssyncadd.s32 $0xFFFFD000  }
0x4c5: {  	v12 =	vld [tilespmem:$0x2380];
	_ =	sdelay $0x4  }
0x4c6: {  	v13 =	vshrl.u32 v12, $0x3  }
0x4c7: {  	v13 =	vmul.u32 $0x18, v13  }
0x4c8: {  	v12 =	vand.u32 $0x7, v12  }
0x4c9: {  	v12 =	vor.u32 v12, v13  }
0x4ca: {  	v13 =	vperm.xlane v12, v6;
	_ =	sdelay $0x1  }
0x4cb: {  	v13 =	vadd.s32 v7, v13;
	_ =	sdelay $0x1  }
0x4cc: {  	v12 =	vperm.xlane v12, v8;
	_ =	sdelay $0x1  }
0x4cd: {  	v12 =	vadd.s32 v7, v12  }
0x4ce: {  	[tilespmem:s21], [sflag:$0x5] =	stream.indirect_vreg.gather [hbm4b:s1+s8], $0x80, v13, vm0, $0xb8;
	[tilespmem:$0x1A800] =	vst v63  }
0x4cf: {  	s5 =	simm.s32 $0xF000  }
0x4d0: {  	[tilespmem:s5], [sflag:$0x5] =	stream.indirect_vreg.gather [hbm4b:s29+s8], $0x80, v13, vm1, $0xb8;
	[tilespmem:$0x1A800] =	vst v63  }
0x4d1: {  	s6 =	simm.s32 $0xF400  }
0x4d2: {  	[tilespmem:s6], [sflag:$0x5] =	stream.indirect_vreg.gather [hbm4b:s1+s8], $0x80, v12, vm0, $0xb8;
	[tilespmem:$0x1A800] =	vst v63  }
0x4d3: {  	s7 =	simm.s32 $0xFC00  }
0x4d4: {  	[tilespmem:s7], [sflag:$0x5] =	stream.indirect_vreg.gather [hbm4b:s29+s8], $0x80, v12, vm1, $0xb8;
	[tilespmem:$0x1A800] =	vst v63  }
0x4d5: {  	v12 =	vld [tilespmem:$0x2390];
	_ =	sdelay $0x4  }
0x4d6: {  	v13 =	vshrl.u32 v12, $0x3  }
0x4d7: {  	v13 =	vmul.u32 $0x18, v13  }
0x4d8: {  	v12 =	vand.u32 $0x7, v12  }
0x4d9: {  	v12 =	vor.u32 v12, v13  }
0x4da: {  	v13 =	vperm.xlane v12, v6;
	_ =	sdelay $0x1  }
0x4db: {  	v13 =	vadd.s32 v7, v13;
	_ =	sdelay $0x1  }
0x4dc: {  	v12 =	vperm.xlane v12, v8;
	_ =	sdelay $0x1  }
0x4dd: {  	s9 =	simm.s32 $0x10000;
	v12 =	vadd.s32 v7, v12  }
0x4de: {  	[tilespmem:s9], [sflag:$0x5] =	stream.indirect_vreg.gather [hbm4b:s1+s8], $0x80, v13, vm0, $0xb8;
	[tilespmem:$0x1A800] =	vst v63  }
0x4df: {  	s10 =	simm.s32 $0x10800  }
0x4e0: {  	[tilespmem:s10], [sflag:$0x5] =	stream.indirect_vreg.gather [hbm4b:s29+s8], $0x80, v13, vm1, $0xb8;
	[tilespmem:$0x1A800] =	vst v63  }
0x4e1: {  	s11 =	simm.s32 $0x10C00  }
0x4e2: {  	[tilespmem:s11], [sflag:$0x5] =	stream.indirect_vreg.gather [hbm4b:s1+s8], $0x80, v12, vm0, $0xb8;
	[tilespmem:$0x1A800] =	vst v63  }
0x4e3: {  	s12 =	simm.s32 $0x11400  }
0x4e4: {  	[tilespmem:s12], [sflag:$0x5] =	stream.indirect_vreg.gather [hbm4b:s29+s8], $0x80, v12, vm1, $0xb8;
	[tilespmem:$0x1A800] =	vst v63  }
0x4e5: {  	_ =	swait.ge [sflag:s13], $0x3000  }
0x4e6: {  	[sflag:s13] =	ssyncset.done $0x0  }
0x4e7: {  	s20 =	rddreg [dreg:$0xb];
	[sflag:s13] =	ssyncadd.s32 $0xFFFFD000  }
0x4e8: {  	[hbm4b:s20+s8] =	stream.linear.scatter [tilespmem:s31], [sflag:$0xF], $0x3000, $0x38;
	[tilespmem:$0x1A800] =	vst v63  }
0x4e9: {  	_ =	swait.ge [sflag:s14], $0x3000  }
0x4ea: {  	[sflag:s14] =	ssyncset.done $0x0  }
0x4eb: {  	[sflag:s14] =	ssyncadd.s32 $0xFFFFD000  }
0x4ec: {  	v12 =	vld [tilespmem:$0x23A0];
	_ =	sdelay $0x4  }
0x4ed: {  	v13 =	vshrl.u32 v12, $0x3  }
0x4ee: {  	v13 =	vmul.u32 $0x18, v13  }
0x4ef: {  	v12 =	vand.u32 $0x7, v12  }
0x4f0: {  	v12 =	vor.u32 v12, v13  }
0x4f1: {  	v13 =	vperm.xlane v12, v6;
	_ =	sdelay $0x1  }
0x4f2: {  	v13 =	vadd.s32 v7, v13;
	_ =	sdelay $0x1  }
0x4f3: {  	v12 =	vperm.xlane v12, v8;
	_ =	sdelay $0x1  }
0x4f4: {  	v12 =	vadd.s32 v7, v12  }
0x4f5: {  	[tilespmem:s25], [sflag:$0x6] =	stream.indirect_vreg.gather [hbm4b:s1+s8], $0x80, v13, vm0, $0xb8;
	[tilespmem:$0x1A800] =	vst v63  }
0x4f6: {  	s21 =	simm.s32 $0x12000  }
0x4f7: {  	[tilespmem:s21], [sflag:$0x6] =	stream.indirect_vreg.gather [hbm4b:s29+s8], $0x80, v13, vm1, $0xb8;
	[tilespmem:$0x1A800] =	vst v63  }
0x4f8: {  	s22 =	simm.s32 $0x12400  }
0x4f9: {  	[tilespmem:s22], [sflag:$0x6] =	stream.indirect_vreg.gather [hbm4b:s1+s8], $0x80, v12, vm0, $0xb8;
	[tilespmem:$0x1A800] =	vst v63  }
0x4fa: {  	s24 =	simm.s32 $0x12C00  }
0x4fb: {  	[tilespmem:s24], [sflag:$0x6] =	stream.indirect_vreg.gather [hbm4b:s29+s8], $0x80, v12, vm1, $0xb8;
	[tilespmem:$0x1A800] =	vst v63  }
0x4fc: {  	v12 =	vld [tilespmem:$0x23B0];
	_ =	sdelay $0x4  }
0x4fd: {  	v13 =	vshrl.u32 v12, $0x3  }
0x4fe: {  	v13 =	vmul.u32 $0x18, v13  }
0x4ff: {  	v12 =	vand.u32 $0x7, v12  }
0x500: {  	v12 =	vor.u32 v12, v13  }
0x501: {  	v13 =	vperm.xlane v12, v6;
	_ =	sdelay $0x1  }
0x502: {  	v13 =	vadd.s32 v7, v13;
	_ =	sdelay $0x1  }
0x503: {  	v12 =	vperm.xlane v12, v8;
	_ =	sdelay $0x1  }
0x504: {  	s25 =	simm.s32 $0x13000;
	v12 =	vadd.s32 v7, v12  }
0x505: {  	[tilespmem:s25], [sflag:$0x6] =	stream.indirect_vreg.gather [hbm4b:s1+s8], $0x80, v13, vm0, $0xb8;
	[tilespmem:$0x1A800] =	vst v63  }
0x506: {  	s26 =	simm.s32 $0x13800  }
0x507: {  	[tilespmem:s26], [sflag:$0x6] =	stream.indirect_vreg.gather [hbm4b:s29+s8], $0x80, v13, vm1, $0xb8;
	[tilespmem:$0x1A800] =	vst v63  }
0x508: {  	s5 =	simm.s32 $0x13C00  }
0x509: {  	[tilespmem:s5], [sflag:$0x6] =	stream.indirect_vreg.gather [hbm4b:s1+s8], $0x80, v12, vm0, $0xb8;
	[tilespmem:$0x1A800] =	vst v63  }
0x50a: {  	s6 =	simm.s32 $0x14400  }
0x50b: {  	[tilespmem:s6], [sflag:$0x6] =	stream.indirect_vreg.gather [hbm4b:s29+s8], $0x80, v12, vm1, $0xb8;
	[tilespmem:$0x1A800] =	vst v63  }
0x50c: {  	_ =	swait.ge [sflag:s15], $0x3000  }
0x50d: {  	[sflag:s15] =	ssyncset.done $0x0  }
0x50e: {  	s7 =	rddreg [dreg:$0xc];
	[sflag:s15] =	ssyncadd.s32 $0xFFFFD000  }
0x50f: {  	[hbm4b:s7+s8] =	stream.linear.scatter [tilespmem:s23], [sflag:$0x10], $0x3000, $0x38;
	[tilespmem:$0x1A800] =	vst v63  }
0x510: {  	_ =	swait.ge [sflag:s16], $0x3000  }
0x511: {  	[sflag:s16] =	ssyncset.done $0x0  }
0x512: {  	[sflag:s16] =	ssyncadd.s32 $0xFFFFD000  }
0x513: {  	v12 =	vld [tilespmem:$0x23C0];
	_ =	sdelay $0x4  }
0x514: {  	v13 =	vshrl.u32 v12, $0x3  }
0x515: {  	v13 =	vmul.u32 $0x18, v13  }
0x516: {  	v12 =	vand.u32 $0x7, v12  }
0x517: {  	v12 =	vor.u32 v12, v13  }
0x518: {  	v13 =	vperm.xlane v12, v6;
	_ =	sdelay $0x1  }
0x519: {  	v13 =	vadd.s32 v7, v13;
	_ =	sdelay $0x1  }
0x51a: {  	v12 =	vperm.xlane v12, v8;
	_ =	sdelay $0x1  }
0x51b: {  	v12 =	vadd.s32 v7, v12  }
0x51c: {  	[tilespmem:s31], [sflag:$0x7] =	stream.indirect_vreg.gather [hbm4b:s1+s8], $0x80, v13, vm0, $0xb8;
	[tilespmem:$0x1A800] =	vst v63  }
0x51d: {  	s9 =	simm.s32 $0x15000  }
0x51e: {  	[tilespmem:s9], [sflag:$0x7] =	stream.indirect_vreg.gather [hbm4b:s29+s8], $0x80, v13, vm1, $0xb8;
	[tilespmem:$0x1A800] =	vst v63  }
0x51f: {  	s10 =	simm.s32 $0x15400  }
0x520: {  	[tilespmem:s10], [sflag:$0x7] =	stream.indirect_vreg.gather [hbm4b:s1+s8], $0x80, v12, vm0, $0xb8;
	[tilespmem:$0x1A800] =	vst v63  }
0x521: {  	s11 =	simm.s32 $0x15C00  }
0x522: {  	[tilespmem:s11], [sflag:$0x7] =	stream.indirect_vreg.gather [hbm4b:s29+s8], $0x80, v12, vm1, $0xb8;
	[tilespmem:$0x1A800] =	vst v63  }
0x523: {  	v12 =	vld [tilespmem:$0x23D0];
	_ =	sdelay $0x4  }
0x524: {  	v13 =	vshrl.u32 v12, $0x3  }
0x525: {  	v13 =	vmul.u32 $0x18, v13  }
0x526: {  	v12 =	vand.u32 $0x7, v12  }
0x527: {  	v12 =	vor.u32 v12, v13  }
0x528: {  	v13 =	vperm.xlane v12, v6;
	_ =	sdelay $0x1  }
0x529: {  	v13 =	vadd.s32 v7, v13;
	_ =	sdelay $0x1  }
0x52a: {  	v12 =	vperm.xlane v12, v8;
	_ =	sdelay $0x1  }
0x52b: {  	s12 =	simm.s32 $0x16000;
	v12 =	vadd.s32 v7, v12  }
0x52c: {  	[tilespmem:s12], [sflag:$0x7] =	stream.indirect_vreg.gather [hbm4b:s1+s8], $0x80, v13, vm0, $0xb8;
	[tilespmem:$0x1A800] =	vst v63  }
0x52d: {  	s13 =	simm.s32 $0x16800  }
0x52e: {  	[tilespmem:s13], [sflag:$0x7] =	stream.indirect_vreg.gather [hbm4b:s29+s8], $0x80, v13, vm1, $0xb8;
	[tilespmem:$0x1A800] =	vst v63  }
0x52f: {  	s14 =	simm.s32 $0x16C00  }
0x530: {  	[tilespmem:s14], [sflag:$0x7] =	stream.indirect_vreg.gather [hbm4b:s1+s8], $0x80, v12, vm0, $0xb8;
	[tilespmem:$0x1A800] =	vst v63  }
0x531: {  	s15 =	simm.s32 $0x17400  }
0x532: {  	[tilespmem:s15], [sflag:$0x7] =	stream.indirect_vreg.gather [hbm4b:s29+s8], $0x80, v12, vm1, $0xb8;
	[tilespmem:$0x1A800] =	vst v63  }
0x533: {  	_ =	swait.ge [sflag:s18], $0x3000  }
0x534: {  	[sflag:s18] =	ssyncset.done $0x0  }
0x535: {  	s2 =	simm.s32 $0x2800;
	s16 =	rddreg [dreg:$0xd];
	[sflag:s18] =	ssyncadd.s32 $0xFFFFD000  }
0x536: {  	[hbm4b:s16+s8] =	stream.linear.scatter [tilespmem:s2], [sflag:$0x9], $0x3000, $0x38;
	[tilespmem:$0x1A800] =	vst v63  }
0x537: {  	_ =	swait.ge [sflag:s17], $0x3000  }
0x538: {  	[sflag:s17] =	ssyncset.done $0x0  }
0x539: {  	[sflag:s17] =	ssyncadd.s32 $0xFFFFD000  }
0x53a: {  	v12 =	vld [tilespmem:$0x23E0];
	_ =	sdelay $0x4  }
0x53b: {  	v13 =	vshrl.u32 v12, $0x3  }
0x53c: {  	v13 =	vmul.u32 $0x18, v13  }
0x53d: {  	v12 =	vand.u32 $0x7, v12  }
0x53e: {  	v12 =	vor.u32 v12, v13  }
0x53f: {  	v13 =	vperm.xlane v12, v6;
	_ =	sdelay $0x1  }
0x540: {  	v13 =	vadd.s32 v7, v13;
	_ =	sdelay $0x1  }
0x541: {  	v12 =	vperm.xlane v12, v8;
	_ =	sdelay $0x1  }
0x542: {  	v12 =	vadd.s32 v7, v12  }
0x543: {  	[tilespmem:s23], [sflag:$0x8] =	stream.indirect_vreg.gather [hbm4b:s1+s8], $0x80, v13, vm0, $0xb8;
	[tilespmem:$0x1A800] =	vst v63  }
0x544: {  	s17 =	simm.s32 $0x18000  }
0x545: {  	[tilespmem:s17], [sflag:$0x8] =	stream.indirect_vreg.gather [hbm4b:s29+s8], $0x80, v13, vm1, $0xb8;
	[tilespmem:$0x1A800] =	vst v63  }
0x546: {  	s18 =	simm.s32 $0x18400  }
0x547: {  	[tilespmem:s18], [sflag:$0x8] =	stream.indirect_vreg.gather [hbm4b:s1+s8], $0x80, v12, vm0, $0xb8;
	[tilespmem:$0x1A800] =	vst v63  }
0x548: {  	s20 =	simm.s32 $0x18C00  }
0x549: {  	[tilespmem:s20], [sflag:$0x8] =	stream.indirect_vreg.gather [hbm4b:s29+s8], $0x80, v12, vm1, $0xb8;
	[tilespmem:$0x1A800] =	vst v63  }
0x54a: {  	v12 =	vld [tilespmem:$0x23F0];
	_ =	sdelay $0x4  }
0x54b: {  	v13 =	vshrl.u32 v12, $0x3  }
0x54c: {  	v13 =	vmul.u32 $0x18, v13  }
0x54d: {  	v12 =	vand.u32 $0x7, v12  }
0x54e: {  	v12 =	vor.u32 v12, v13  }
0x54f: {  	v13 =	vperm.xlane v12, v6;
	_ =	sdelay $0x1  }
0x550: {  	v13 =	vadd.s32 v7, v13;
	_ =	sdelay $0x1  }
0x551: {  	v12 =	vperm.xlane v12, v8;
	_ =	sdelay $0x1  }
0x552: {  	s21 =	simm.s32 $0x19000;
	v12 =	vadd.s32 v7, v12  }
0x553: {  	[tilespmem:s21], [sflag:$0x8] =	stream.indirect_vreg.gather [hbm4b:s1+s8], $0x80, v13, vm0, $0xb8;
	[tilespmem:$0x1A800] =	vst v63  }
0x554: {  	s22 =	simm.s32 $0x19800  }
0x555: {  	[tilespmem:s22], [sflag:$0x8] =	stream.indirect_vreg.gather [hbm4b:s29+s8], $0x80, v13, vm1, $0xb8;
	[tilespmem:$0x1A800] =	vst v63  }
0x556: {  	s23 =	simm.s32 $0x19C00  }
0x557: {  	[tilespmem:s23], [sflag:$0x8] =	stream.indirect_vreg.gather [hbm4b:s1+s8], $0x80, v12, vm0, $0xb8;
	[tilespmem:$0x1A800] =	vst v63  }
0x558: {  	s24 =	simm.s32 $0x1A400  }
0x559: {  	[tilespmem:s24], [sflag:$0x8] =	stream.indirect_vreg.gather [hbm4b:s29+s8], $0x80, v12, vm1, $0xb8;
	[tilespmem:$0x1A800] =	vst v63  }
0x55a: {  	_ =	swait.ge [sflag:s19], $0x3000  }
0x55b: {  	s4 =	simm.s32 $0x5800;
	[sflag:s19] =	ssyncset.done $0x0  }
0x55c: {  	s26 =	simm.s32 $0x13;
	s25 =	rddreg [dreg:$0xe];
	[sflag:s19] =	ssyncadd.s32 $0xFFFFD000  }
0x55d: {  	[hbm4b:s25+s8] =	stream.linear.scatter [tilespmem:s4], [sflag:$0xA], $0x3000, $0x38;
	[tilespmem:$0x1A800] =	vst v63  }
0x55e: {  	_ =	swait.ge [sflag:s26], $0x400  }
0x55f: {  	[sflag:s26] =	ssyncset.done $0x0  }
0x560: {  	[sflag:s26] =	ssyncadd.s32 $0xFFFFFC00;
	s26 =	simm.s32 $0x800  }
0x561: {  	v12 =	vld [tilespmem:s26+$0x0]  }
0x562: {  	s31 =	simm.s32 $0x10  }
.LBB2_6:
0x563: {  	p0 =	sne.s32 s31, $0x3F0;
	_ =	sdelay $0x2  }
0x564: {  	vm2 =	vlt.s32 v12, $0x200;
	v13 =	vadd.s32 $0xFFFFFE00, v12;
	v14 =	vadd.s32 $0x400, v12  }
0x565: {  	v12 =	vsel vm2, v12, v13;
	v13 =	vnsel vm2, $0x0, v14  }
0x566: {  	v15 =	vsel vm2, $0x100, v10;
	v14 =	vand.u32 $0x7F, v12;
	v12 =	vshll.u32 v12, $0x3  }
0x567: {  	v12 =	vand.u32 $0xFFFFFC00, v12;
	v14 =	vor.u32 v15, v14  }
0x568: {  	v12 =	vor.u32 v12, v14;
	_ =	sdelay $0x3  }
.Ltmp2:
0x569: {  	v14 =	vor.u32 s8, v0;
	(pc) =	sbr.rel @p0 .LBB2_6-.Ltmp2, $4  }
0x56a: {  	[tilespmem:v12+s28+$0x0] =	vst.idx.msk $0xffff, v14;
	v12 =	vor.u32 s8, v3;
	s8 =	smov.u32 s31  }
0x56b: {  	s26 =	sadd.s32 $0x10, s26;
	[tilespmem:v13+s30+$0x0] =	vst.idx.msk vm2, v12  }
0x56c: {  	v12 =	vld [tilespmem:s26+$0x0]  }
0x56d: {  	s31 =	sadd.s32 $0x10, s31  }
0x56e: {  	_ =	sdelay $0x2  }
0x56f: {  	vm2 =	vlt.s32 v12, $0x200;
	v13 =	vadd.s32 $0xFFFFFE00, v12  }
0x570: {  	v13 =	vsel vm2, v12, v13  }
0x571: {  	v15 =	vsel vm2, $0x100, v10;
	v14 =	vand.u32 $0x7F, v13;
	v13 =	vshll.u32 v13, $0x3  }
0x572: {  	v13 =	vand.u32 $0xFFFFFC00, v13;
	v14 =	vor.u32 v15, v14  }
0x573: {  	v12 =	vadd.s32 $0x400, v12;
	v13 =	vor.u32 v13, v14  }
0x574: {  	v12 =	vnsel vm2, $0x0, v12;
	_ =	sdelay $0x2  }
0x575: {  	v14 =	vor.u32 s8, v0  }
0x576: {  	[tilespmem:v13+s28+$0x0] =	vst.idx.msk $0xffff, v14;
	v13 =	vor.u32 s8, v3  }
0x577: {  	s20 =	simm.s32 $0x9;
	[tilespmem:v12+s30+$0x0] =	vst.idx.msk vm2, v13  }
0x578: {  	_ =	swait.ge [sflag:s20], $0x3000  }
0x579: {  	[sflag:s20] =	ssyncset.done $0x0  }
0x57a: {  	[sflag:s20] =	ssyncadd.s32 $0xFFFFD000  }
0x57b: {  	v12 =	vld [tilespmem:$0x2400];
	_ =	sdelay $0x4  }
0x57c: {  	v13 =	vshrl.u32 v12, $0x3  }
0x57d: {  	v13 =	vmul.u32 $0x18, v13  }
0x57e: {  	v12 =	vand.u32 $0x7, v12  }
0x57f: {  	v12 =	vor.u32 v12, v13  }
0x580: {  	v13 =	vperm.xlane v12, v6;
	_ =	sdelay $0x1  }
0x581: {  	v13 =	vadd.s32 v7, v13;
	_ =	sdelay $0x1  }
0x582: {  	v12 =	vperm.xlane v12, v8;
	_ =	sdelay $0x1  }
0x583: {  	s0 =	simm.s32 $0x2800;
	s8 =	simm.s32 $0x0;
	v12 =	vadd.s32 v7, v12  }
0x584: {  	[tilespmem:s0], [sflag:$0x1] =	stream.indirect_vreg.gather [hbm4b:s1+s8], $0x80, v13, vm0, $0xb8;
	[tilespmem:$0x1A800] =	vst v63  }
0x585: {  	s10 =	simm.s32 $0x3000  }
0x586: {  	[tilespmem:s10], [sflag:$0x1] =	stream.indirect_vreg.gather [hbm4b:s29+s8], $0x80, v13, vm1, $0xb8;
	[tilespmem:$0x1A800] =	vst v63  }
0x587: {  	s11 =	simm.s32 $0x3400  }
0x588: {  	[tilespmem:s11], [sflag:$0x1] =	stream.indirect_vreg.gather [hbm4b:s1+s8], $0x80, v12, vm0, $0xb8;
	[tilespmem:$0x1A800] =	vst v63  }
0x589: {  	s12 =	simm.s32 $0x3C00  }
0x58a: {  	[tilespmem:s12], [sflag:$0x1] =	stream.indirect_vreg.gather [hbm4b:s29+s8], $0x80, v12, vm1, $0xb8;
	[tilespmem:$0x1A800] =	vst v63  }
0x58b: {  	v12 =	vld [tilespmem:$0x2410];
	_ =	sdelay $0x4  }
0x58c: {  	v13 =	vshrl.u32 v12, $0x3  }
0x58d: {  	v13 =	vmul.u32 $0x18, v13  }
0x58e: {  	v12 =	vand.u32 $0x7, v12  }
0x58f: {  	v12 =	vor.u32 v12, v13  }
0x590: {  	v13 =	vperm.xlane v12, v6;
	_ =	sdelay $0x1  }
0x591: {  	v13 =	vadd.s32 v7, v13;
	_ =	sdelay $0x1  }
0x592: {  	v12 =	vperm.xlane v12, v8;
	_ =	sdelay $0x1  }
0x593: {  	s13 =	simm.s32 $0x4000;
	v12 =	vadd.s32 v7, v12  }
0x594: {  	[tilespmem:s13], [sflag:$0x1] =	stream.indirect_vreg.gather [hbm4b:s1+s8], $0x80, v13, vm0, $0xb8;
	[tilespmem:$0x1A800] =	vst v63  }
0x595: {  	s14 =	simm.s32 $0x4800  }
0x596: {  	[tilespmem:s14], [sflag:$0x1] =	stream.indirect_vreg.gather [hbm4b:s29+s8], $0x80, v13, vm1, $0xb8;
	[tilespmem:$0x1A800] =	vst v63  }
0x597: {  	s15 =	simm.s32 $0x4C00  }
0x598: {  	[tilespmem:s15], [sflag:$0x1] =	stream.indirect_vreg.gather [hbm4b:s1+s8], $0x80, v12, vm0, $0xb8;
	[tilespmem:$0x1A800] =	vst v63  }
0x599: {  	s16 =	simm.s32 $0x5400;
	s4 =	simm.s32 $0x3  }
0x59a: {  	[tilespmem:s16], [sflag:$0x1] =	stream.indirect_vreg.gather [hbm4b:s29+s8], $0x80, v12, vm1, $0xb8;
	[tilespmem:$0x1A800] =	vst v63  }
0x59b: {  	_ =	swait.ge [sflag:s4], $0x3000  }
0x59c: {  	s22 =	simm.s32 $0x8800;
	[sflag:s4] =	ssyncset.done $0x0  }
0x59d: {  	s5 =	simm.s32 $0xA;
	s26 =	rddreg [dreg:$0xf];
	[sflag:s4] =	ssyncadd.s32 $0xFFFFD000  }
0x59e: {  	[hbm4b:s26+s8] =	stream.linear.scatter [tilespmem:s22], [sflag:$0xB], $0x3000, $0x38;
	[tilespmem:$0x1A800] =	vst v63  }
0x59f: {  	_ =	swait.ge [sflag:s5], $0x3000  }
0x5a0: {  	[sflag:s5] =	ssyncset.done $0x0  }
0x5a1: {  	[sflag:s5] =	ssyncadd.s32 $0xFFFFD000  }
0x5a2: {  	v12 =	vld [tilespmem:$0x2420];
	_ =	sdelay $0x4  }
0x5a3: {  	v13 =	vshrl.u32 v12, $0x3  }
0x5a4: {  	v13 =	vmul.u32 $0x18, v13  }
0x5a5: {  	v12 =	vand.u32 $0x7, v12  }
0x5a6: {  	v12 =	vor.u32 v12, v13  }
0x5a7: {  	v13 =	vperm.xlane v12, v6;
	_ =	sdelay $0x1  }
0x5a8: {  	v13 =	vadd.s32 v7, v13;
	_ =	sdelay $0x1  }
0x5a9: {  	v12 =	vperm.xlane v12, v8;
	_ =	sdelay $0x1  }
0x5aa: {  	s17 =	simm.s32 $0x5800;
	v12 =	vadd.s32 v7, v12  }
0x5ab: {  	[tilespmem:s17], [sflag:$0x2] =	stream.indirect_vreg.gather [hbm4b:s1+s8], $0x80, v13, vm0, $0xb8;
	[tilespmem:$0x1A800] =	vst v63  }
0x5ac: {  	s18 =	simm.s32 $0x6000  }
0x5ad: {  	[tilespmem:s18], [sflag:$0x2] =	stream.indirect_vreg.gather [hbm4b:s29+s8], $0x80, v13, vm1, $0xb8;
	[tilespmem:$0x1A800] =	vst v63  }
0x5ae: {  	s19 =	simm.s32 $0x6400  }
0x5af: {  	[tilespmem:s19], [sflag:$0x2] =	stream.indirect_vreg.gather [hbm4b:s1+s8], $0x80, v12, vm0, $0xb8;
	[tilespmem:$0x1A800] =	vst v63  }
0x5b0: {  	s21 =	simm.s32 $0x6C00  }
0x5b1: {  	[tilespmem:s21], [sflag:$0x2] =	stream.indirect_vreg.gather [hbm4b:s29+s8], $0x80, v12, vm1, $0xb8;
	[tilespmem:$0x1A800] =	vst v63  }
0x5b2: {  	v12 =	vld [tilespmem:$0x2430];
	_ =	sdelay $0x4  }
0x5b3: {  	v13 =	vshrl.u32 v12, $0x3  }
0x5b4: {  	v13 =	vmul.u32 $0x18, v13  }
0x5b5: {  	v12 =	vand.u32 $0x7, v12  }
0x5b6: {  	v12 =	vor.u32 v12, v13  }
0x5b7: {  	v13 =	vperm.xlane v12, v6;
	_ =	sdelay $0x1  }
0x5b8: {  	v13 =	vadd.s32 v7, v13;
	_ =	sdelay $0x1  }
0x5b9: {  	v12 =	vperm.xlane v12, v8;
	_ =	sdelay $0x1  }
0x5ba: {  	s23 =	simm.s32 $0x7000;
	v12 =	vadd.s32 v7, v12  }
0x5bb: {  	[tilespmem:s23], [sflag:$0x2] =	stream.indirect_vreg.gather [hbm4b:s1+s8], $0x80, v13, vm0, $0xb8;
	[tilespmem:$0x1A800] =	vst v63  }
0x5bc: {  	s24 =	simm.s32 $0x7800  }
0x5bd: {  	[tilespmem:s24], [sflag:$0x2] =	stream.indirect_vreg.gather [hbm4b:s29+s8], $0x80, v13, vm1, $0xb8;
	[tilespmem:$0x1A800] =	vst v63  }
0x5be: {  	s25 =	simm.s32 $0x7C00  }
0x5bf: {  	[tilespmem:s25], [sflag:$0x2] =	stream.indirect_vreg.gather [hbm4b:s1+s8], $0x80, v12, vm0, $0xb8;
	[tilespmem:$0x1A800] =	vst v63  }
0x5c0: {  	s6 =	simm.s32 $0x4;
	s26 =	simm.s32 $0x8400  }
0x5c1: {  	[tilespmem:s26], [sflag:$0x2] =	stream.indirect_vreg.gather [hbm4b:s29+s8], $0x80, v12, vm1, $0xb8;
	[tilespmem:$0x1A800] =	vst v63  }
0x5c2: {  	_ =	swait.ge [sflag:s6], $0x3000  }
0x5c3: {  	s7 =	simm.s32 $0xB;
	[sflag:s6] =	ssyncset.done $0x0  }
0x5c4: {  	s24 =	simm.s32 $0xB800;
	s0 =	rddreg [dreg:$0x10];
	[sflag:s6] =	ssyncadd.s32 $0xFFFFD000  }
0x5c5: {  	[hbm4b:s0+s8] =	stream.linear.scatter [tilespmem:s24], [sflag:$0xC], $0x3000, $0x38;
	[tilespmem:$0x1A800] =	vst v63  }
0x5c6: {  	_ =	swait.ge [sflag:s7], $0x3000  }
0x5c7: {  	[sflag:s7] =	ssyncset.done $0x0  }
0x5c8: {  	[sflag:s7] =	ssyncadd.s32 $0xFFFFD000  }
0x5c9: {  	v12 =	vld [tilespmem:$0x2440];
	_ =	sdelay $0x4  }
0x5ca: {  	v13 =	vshrl.u32 v12, $0x3  }
0x5cb: {  	v13 =	vmul.u32 $0x18, v13  }
0x5cc: {  	v12 =	vand.u32 $0x7, v12  }
0x5cd: {  	v12 =	vor.u32 v12, v13  }
0x5ce: {  	v13 =	vperm.xlane v12, v6;
	_ =	sdelay $0x1  }
0x5cf: {  	v13 =	vadd.s32 v7, v13;
	_ =	sdelay $0x1  }
0x5d0: {  	v12 =	vperm.xlane v12, v8;
	_ =	sdelay $0x1  }
0x5d1: {  	v12 =	vadd.s32 v7, v12  }
0x5d2: {  	[tilespmem:s22], [sflag:$0x3] =	stream.indirect_vreg.gather [hbm4b:s1+s8], $0x80, v13, vm0, $0xb8;
	[tilespmem:$0x1A800] =	vst v63  }
0x5d3: {  	s2 =	simm.s32 $0x9000  }
0x5d4: {  	[tilespmem:s2], [sflag:$0x3] =	stream.indirect_vreg.gather [hbm4b:s29+s8], $0x80, v13, vm1, $0xb8;
	[tilespmem:$0x1A800] =	vst v63  }
0x5d5: {  	s9 =	simm.s32 $0x9400  }
0x5d6: {  	[tilespmem:s9], [sflag:$0x3] =	stream.indirect_vreg.gather [hbm4b:s1+s8], $0x80, v12, vm0, $0xb8;
	[tilespmem:$0x1A800] =	vst v63  }
0x5d7: {  	s10 =	simm.s32 $0x9C00  }
0x5d8: {  	[tilespmem:s10], [sflag:$0x3] =	stream.indirect_vreg.gather [hbm4b:s29+s8], $0x80, v12, vm1, $0xb8;
	[tilespmem:$0x1A800] =	vst v63  }
0x5d9: {  	v12 =	vld [tilespmem:$0x2450];
	_ =	sdelay $0x4  }
0x5da: {  	v13 =	vshrl.u32 v12, $0x3  }
0x5db: {  	v13 =	vmul.u32 $0x18, v13  }
0x5dc: {  	v12 =	vand.u32 $0x7, v12  }
0x5dd: {  	v12 =	vor.u32 v12, v13  }
0x5de: {  	v13 =	vperm.xlane v12, v6;
	_ =	sdelay $0x1  }
0x5df: {  	v13 =	vadd.s32 v7, v13;
	_ =	sdelay $0x1  }
0x5e0: {  	v12 =	vperm.xlane v12, v8;
	_ =	sdelay $0x1  }
0x5e1: {  	s11 =	simm.s32 $0xA000;
	v12 =	vadd.s32 v7, v12  }
0x5e2: {  	[tilespmem:s11], [sflag:$0x3] =	stream.indirect_vreg.gather [hbm4b:s1+s8], $0x80, v13, vm0, $0xb8;
	[tilespmem:$0x1A800] =	vst v63  }
0x5e3: {  	s12 =	simm.s32 $0xA800  }
0x5e4: {  	[tilespmem:s12], [sflag:$0x3] =	stream.indirect_vreg.gather [hbm4b:s29+s8], $0x80, v13, vm1, $0xb8;
	[tilespmem:$0x1A800] =	vst v63  }
0x5e5: {  	s13 =	simm.s32 $0xAC00  }
0x5e6: {  	[tilespmem:s13], [sflag:$0x3] =	stream.indirect_vreg.gather [hbm4b:s1+s8], $0x80, v12, vm0, $0xb8;
	[tilespmem:$0x1A800] =	vst v63  }
0x5e7: {  	s14 =	simm.s32 $0xB400;
	s9 =	simm.s32 $0x5  }
0x5e8: {  	[tilespmem:s14], [sflag:$0x3] =	stream.indirect_vreg.gather [hbm4b:s29+s8], $0x80, v12, vm1, $0xb8;
	[tilespmem:$0x1A800] =	vst v63  }
0x5e9: {  	_ =	swait.ge [sflag:s9], $0x3000  }
0x5ea: {  	s21 =	simm.s32 $0xE800;
	[sflag:s9] =	ssyncset.done $0x0  }
0x5eb: {  	s10 =	simm.s32 $0xC;
	s15 =	rddreg [dreg:$0x11];
	[sflag:s9] =	ssyncadd.s32 $0xFFFFD000  }
0x5ec: {  	[hbm4b:s15+s8] =	stream.linear.scatter [tilespmem:s21], [sflag:$0xD], $0x3000, $0x38;
	[tilespmem:$0x1A800] =	vst v63  }
0x5ed: {  	_ =	swait.ge [sflag:s10], $0x3000  }
0x5ee: {  	[sflag:s10] =	ssyncset.done $0x0  }
0x5ef: {  	[sflag:s10] =	ssyncadd.s32 $0xFFFFD000  }
0x5f0: {  	v12 =	vld [tilespmem:$0x2460];
	_ =	sdelay $0x4  }
0x5f1: {  	v13 =	vshrl.u32 v12, $0x3  }
0x5f2: {  	v13 =	vmul.u32 $0x18, v13  }
0x5f3: {  	v12 =	vand.u32 $0x7, v12  }
0x5f4: {  	v12 =	vor.u32 v12, v13  }
0x5f5: {  	v13 =	vperm.xlane v12, v6;
	_ =	sdelay $0x1  }
0x5f6: {  	v13 =	vadd.s32 v7, v13;
	_ =	sdelay $0x1  }
0x5f7: {  	v12 =	vperm.xlane v12, v8;
	_ =	sdelay $0x1  }
0x5f8: {  	v12 =	vadd.s32 v7, v12  }
0x5f9: {  	[tilespmem:s24], [sflag:$0x4] =	stream.indirect_vreg.gather [hbm4b:s1+s8], $0x80, v13, vm0, $0xb8;
	[tilespmem:$0x1A800] =	vst v63  }
0x5fa: {  	s16 =	simm.s32 $0xC000  }
0x5fb: {  	[tilespmem:s16], [sflag:$0x4] =	stream.indirect_vreg.gather [hbm4b:s29+s8], $0x80, v13, vm1, $0xb8;
	[tilespmem:$0x1A800] =	vst v63  }
0x5fc: {  	s17 =	simm.s32 $0xC400  }
0x5fd: {  	[tilespmem:s17], [sflag:$0x4] =	stream.indirect_vreg.gather [hbm4b:s1+s8], $0x80, v12, vm0, $0xb8;
	[tilespmem:$0x1A800] =	vst v63  }
0x5fe: {  	s18 =	simm.s32 $0xCC00  }
0x5ff: {  	[tilespmem:s18], [sflag:$0x4] =	stream.indirect_vreg.gather [hbm4b:s29+s8], $0x80, v12, vm1, $0xb8;
	[tilespmem:$0x1A800] =	vst v63  }
0x600: {  	v12 =	vld [tilespmem:$0x2470];
	_ =	sdelay $0x4  }
0x601: {  	v13 =	vshrl.u32 v12, $0x3  }
0x602: {  	v13 =	vmul.u32 $0x18, v13  }
0x603: {  	v12 =	vand.u32 $0x7, v12  }
0x604: {  	v12 =	vor.u32 v12, v13  }
0x605: {  	v13 =	vperm.xlane v12, v6;
	_ =	sdelay $0x1  }
0x606: {  	v13 =	vadd.s32 v7, v13;
	_ =	sdelay $0x1  }
0x607: {  	v12 =	vperm.xlane v12, v8;
	_ =	sdelay $0x1  }
0x608: {  	s19 =	simm.s32 $0xD000;
	v12 =	vadd.s32 v7, v12  }
0x609: {  	[tilespmem:s19], [sflag:$0x4] =	stream.indirect_vreg.gather [hbm4b:s1+s8], $0x80, v13, vm0, $0xb8;
	[tilespmem:$0x1A800] =	vst v63  }
0x60a: {  	s23 =	simm.s32 $0xD800  }
0x60b: {  	[tilespmem:s23], [sflag:$0x4] =	stream.indirect_vreg.gather [hbm4b:s29+s8], $0x80, v13, vm1, $0xb8;
	[tilespmem:$0x1A800] =	vst v63  }
0x60c: {  	s25 =	simm.s32 $0xDC00  }
0x60d: {  	[tilespmem:s25], [sflag:$0x4] =	stream.indirect_vreg.gather [hbm4b:s1+s8], $0x80, v12, vm0, $0xb8;
	[tilespmem:$0x1A800] =	vst v63  }
0x60e: {  	s26 =	simm.s32 $0xE400;
	s11 =	simm.s32 $0x6  }
0x60f: {  	[tilespmem:s26], [sflag:$0x4] =	stream.indirect_vreg.gather [hbm4b:s29+s8], $0x80, v12, vm1, $0xb8;
	[tilespmem:$0x1A800] =	vst v63  }
0x610: {  	_ =	swait.ge [sflag:s11], $0x3000  }
0x611: {  	s12 =	simm.s32 $0xD;
	[sflag:s11] =	ssyncset.done $0x0  }
0x612: {  	s25 =	simm.s32 $0x11800;
	s0 =	rddreg [dreg:$0x12];
	[sflag:s11] =	ssyncadd.s32 $0xFFFFD000  }
0x613: {  	[hbm4b:s0+s8] =	stream.linear.scatter [tilespmem:s25], [sflag:$0xE], $0x3000, $0x38;
	[tilespmem:$0x1A800] =	vst v63  }
0x614: {  	_ =	swait.ge [sflag:s12], $0x3000  }
0x615: {  	[sflag:s12] =	ssyncset.done $0x0  }
0x616: {  	[sflag:s12] =	ssyncadd.s32 $0xFFFFD000  }
0x617: {  	v12 =	vld [tilespmem:$0x2480];
	_ =	sdelay $0x4  }
0x618: {  	v13 =	vshrl.u32 v12, $0x3  }
0x619: {  	v13 =	vmul.u32 $0x18, v13  }
0x61a: {  	v12 =	vand.u32 $0x7, v12  }
0x61b: {  	v12 =	vor.u32 v12, v13  }
0x61c: {  	v13 =	vperm.xlane v12, v6;
	_ =	sdelay $0x1  }
0x61d: {  	v13 =	vadd.s32 v7, v13;
	_ =	sdelay $0x1  }
0x61e: {  	v12 =	vperm.xlane v12, v8;
	_ =	sdelay $0x1  }
0x61f: {  	v12 =	vadd.s32 v7, v12  }
0x620: {  	[tilespmem:s21], [sflag:$0x5] =	stream.indirect_vreg.gather [hbm4b:s1+s8], $0x80, v13, vm0, $0xb8;
	[tilespmem:$0x1A800] =	vst v63  }
0x621: {  	s2 =	simm.s32 $0xF000  }
0x622: {  	[tilespmem:s2], [sflag:$0x5] =	stream.indirect_vreg.gather [hbm4b:s29+s8], $0x80, v13, vm1, $0xb8;
	[tilespmem:$0x1A800] =	vst v63  }
0x623: {  	s13 =	simm.s32 $0xF400  }
0x624: {  	[tilespmem:s13], [sflag:$0x5] =	stream.indirect_vreg.gather [hbm4b:s1+s8], $0x80, v12, vm0, $0xb8;
	[tilespmem:$0x1A800] =	vst v63  }
0x625: {  	s14 =	simm.s32 $0xFC00  }
0x626: {  	[tilespmem:s14], [sflag:$0x5] =	stream.indirect_vreg.gather [hbm4b:s29+s8], $0x80, v12, vm1, $0xb8;
	[tilespmem:$0x1A800] =	vst v63  }
0x627: {  	v12 =	vld [tilespmem:$0x2490];
	_ =	sdelay $0x4  }
0x628: {  	v13 =	vshrl.u32 v12, $0x3  }
0x629: {  	v13 =	vmul.u32 $0x18, v13  }
0x62a: {  	v12 =	vand.u32 $0x7, v12  }
0x62b: {  	v12 =	vor.u32 v12, v13  }
0x62c: {  	v13 =	vperm.xlane v12, v6;
	_ =	sdelay $0x1  }
0x62d: {  	v13 =	vadd.s32 v7, v13;
	_ =	sdelay $0x1  }
0x62e: {  	v12 =	vperm.xlane v12, v8;
	_ =	sdelay $0x1  }
0x62f: {  	s15 =	simm.s32 $0x10000;
	v12 =	vadd.s32 v7, v12  }
0x630: {  	[tilespmem:s15], [sflag:$0x5] =	stream.indirect_vreg.gather [hbm4b:s1+s8], $0x80, v13, vm0, $0xb8;
	[tilespmem:$0x1A800] =	vst v63  }
0x631: {  	s16 =	simm.s32 $0x10800  }
0x632: {  	[tilespmem:s16], [sflag:$0x5] =	stream.indirect_vreg.gather [hbm4b:s29+s8], $0x80, v13, vm1, $0xb8;
	[tilespmem:$0x1A800] =	vst v63  }
0x633: {  	s17 =	simm.s32 $0x10C00  }
0x634: {  	[tilespmem:s17], [sflag:$0x5] =	stream.indirect_vreg.gather [hbm4b:s1+s8], $0x80, v12, vm0, $0xb8;
	[tilespmem:$0x1A800] =	vst v63  }
0x635: {  	s18 =	simm.s32 $0x11400;
	s13 =	simm.s32 $0x7  }
0x636: {  	[tilespmem:s18], [sflag:$0x5] =	stream.indirect_vreg.gather [hbm4b:s29+s8], $0x80, v12, vm1, $0xb8;
	[tilespmem:$0x1A800] =	vst v63  }
0x637: {  	_ =	swait.ge [sflag:s13], $0x3000  }
0x638: {  	s31 =	simm.s32 $0x14800;
	[sflag:s13] =	ssyncset.done $0x0  }
0x639: {  	s14 =	simm.s32 $0xE;
	s19 =	rddreg [dreg:$0x15];
	[sflag:s13] =	ssyncadd.s32 $0xFFFFD000  }
0x63a: {  	[hbm4b:s19+s8] =	stream.linear.scatter [tilespmem:s31], [sflag:$0xF], $0x3000, $0x38;
	[tilespmem:$0x1A800] =	vst v63  }
0x63b: {  	_ =	swait.ge [sflag:s14], $0x3000  }
0x63c: {  	[sflag:s14] =	ssyncset.done $0x0  }
0x63d: {  	[sflag:s14] =	ssyncadd.s32 $0xFFFFD000  }
0x63e: {  	v12 =	vld [tilespmem:$0x24A0];
	_ =	sdelay $0x4  }
0x63f: {  	v13 =	vshrl.u32 v12, $0x3  }
0x640: {  	v13 =	vmul.u32 $0x18, v13  }
0x641: {  	v12 =	vand.u32 $0x7, v12  }
0x642: {  	v12 =	vor.u32 v12, v13  }
0x643: {  	v13 =	vperm.xlane v12, v6;
	_ =	sdelay $0x1  }
0x644: {  	v13 =	vadd.s32 v7, v13;
	_ =	sdelay $0x1  }
0x645: {  	v12 =	vperm.xlane v12, v8;
	_ =	sdelay $0x1  }
0x646: {  	v12 =	vadd.s32 v7, v12  }
0x647: {  	[tilespmem:s25], [sflag:$0x6] =	stream.indirect_vreg.gather [hbm4b:s1+s8], $0x80, v13, vm0, $0xb8;
	[tilespmem:$0x1A800] =	vst v63  }
0x648: {  	s23 =	simm.s32 $0x12000  }
0x649: {  	[tilespmem:s23], [sflag:$0x6] =	stream.indirect_vreg.gather [hbm4b:s29+s8], $0x80, v13, vm1, $0xb8;
	[tilespmem:$0x1A800] =	vst v63  }
0x64a: {  	s26 =	simm.s32 $0x12400  }
0x64b: {  	[tilespmem:s26], [sflag:$0x6] =	stream.indirect_vreg.gather [hbm4b:s1+s8], $0x80, v12, vm0, $0xb8;
	[tilespmem:$0x1A800] =	vst v63  }
0x64c: {  	s2 =	simm.s32 $0x12C00  }
0x64d: {  	[tilespmem:s2], [sflag:$0x6] =	stream.indirect_vreg.gather [hbm4b:s29+s8], $0x80, v12, vm1, $0xb8;
	[tilespmem:$0x1A800] =	vst v63  }
0x64e: {  	v12 =	vld [tilespmem:$0x24B0];
	_ =	sdelay $0x4  }
0x64f: {  	v13 =	vshrl.u32 v12, $0x3  }
0x650: {  	v13 =	vmul.u32 $0x18, v13  }
0x651: {  	v12 =	vand.u32 $0x7, v12  }
0x652: {  	v12 =	vor.u32 v12, v13  }
0x653: {  	v13 =	vperm.xlane v12, v6;
	_ =	sdelay $0x1  }
0x654: {  	v13 =	vadd.s32 v7, v13;
	_ =	sdelay $0x1  }
0x655: {  	v12 =	vperm.xlane v12, v8;
	_ =	sdelay $0x1  }
0x656: {  	s15 =	simm.s32 $0x13000;
	v12 =	vadd.s32 v7, v12  }
0x657: {  	[tilespmem:s15], [sflag:$0x6] =	stream.indirect_vreg.gather [hbm4b:s1+s8], $0x80, v13, vm0, $0xb8;
	[tilespmem:$0x1A800] =	vst v63  }
0x658: {  	s16 =	simm.s32 $0x13800  }
0x659: {  	[tilespmem:s16], [sflag:$0x6] =	stream.indirect_vreg.gather [hbm4b:s29+s8], $0x80, v13, vm1, $0xb8;
	[tilespmem:$0x1A800] =	vst v63  }
0x65a: {  	s17 =	simm.s32 $0x13C00  }
0x65b: {  	[tilespmem:s17], [sflag:$0x6] =	stream.indirect_vreg.gather [hbm4b:s1+s8], $0x80, v12, vm0, $0xb8;
	[tilespmem:$0x1A800] =	vst v63  }
0x65c: {  	s18 =	simm.s32 $0x14400;
	s15 =	simm.s32 $0x8  }
0x65d: {  	[tilespmem:s18], [sflag:$0x6] =	stream.indirect_vreg.gather [hbm4b:s29+s8], $0x80, v12, vm1, $0xb8;
	[tilespmem:$0x1A800] =	vst v63  }
0x65e: {  	_ =	swait.ge [sflag:s15], $0x3000  }
0x65f: {  	s23 =	simm.s32 $0x17800;
	[sflag:s15] =	ssyncset.done $0x0  }
0x660: {  	s16 =	simm.s32 $0xF;
	s19 =	rddreg [dreg:$0x16];
	[sflag:s15] =	ssyncadd.s32 $0xFFFFD000  }
0x661: {  	[hbm4b:s19+s8] =	stream.linear.scatter [tilespmem:s23], [sflag:$0x10], $0x3000, $0x38;
	[tilespmem:$0x1A800] =	vst v63  }
0x662: {  	_ =	swait.ge [sflag:s16], $0x3000  }
0x663: {  	[sflag:s16] =	ssyncset.done $0x0  }
0x664: {  	[sflag:s16] =	ssyncadd.s32 $0xFFFFD000  }
0x665: {  	v12 =	vld [tilespmem:$0x24C0];
	_ =	sdelay $0x4  }
0x666: {  	v13 =	vshrl.u32 v12, $0x3  }
0x667: {  	v13 =	vmul.u32 $0x18, v13  }
0x668: {  	v12 =	vand.u32 $0x7, v12  }
0x669: {  	v12 =	vor.u32 v12, v13  }
0x66a: {  	v13 =	vperm.xlane v12, v6;
	_ =	sdelay $0x1  }
0x66b: {  	v13 =	vadd.s32 v7, v13;
	_ =	sdelay $0x1  }
0x66c: {  	v12 =	vperm.xlane v12, v8;
	_ =	sdelay $0x1  }
0x66d: {  	v12 =	vadd.s32 v7, v12  }
0x66e: {  	[tilespmem:s31], [sflag:$0x7] =	stream.indirect_vreg.gather [hbm4b:s1+s8], $0x80, v13, vm0, $0xb8;
	[tilespmem:$0x1A800] =	vst v63  }
0x66f: {  	s26 =	simm.s32 $0x15000  }
0x670: {  	[tilespmem:s26], [sflag:$0x7] =	stream.indirect_vreg.gather [hbm4b:s29+s8], $0x80, v13, vm1, $0xb8;
	[tilespmem:$0x1A800] =	vst v63  }
0x671: {  	s2 =	simm.s32 $0x15400  }
0x672: {  	[tilespmem:s2], [sflag:$0x7] =	stream.indirect_vreg.gather [hbm4b:s1+s8], $0x80, v12, vm0, $0xb8;
	[tilespmem:$0x1A800] =	vst v63  }
0x673: {  	s17 =	simm.s32 $0x15C00  }
0x674: {  	[tilespmem:s17], [sflag:$0x7] =	stream.indirect_vreg.gather [hbm4b:s29+s8], $0x80, v12, vm1, $0xb8;
	[tilespmem:$0x1A800] =	vst v63  }
0x675: {  	v12 =	vld [tilespmem:$0x24D0];
	_ =	sdelay $0x4  }
0x676: {  	v13 =	vshrl.u32 v12, $0x3  }
0x677: {  	v13 =	vmul.u32 $0x18, v13  }
0x678: {  	v12 =	vand.u32 $0x7, v12  }
0x679: {  	v12 =	vor.u32 v12, v13  }
0x67a: {  	v13 =	vperm.xlane v12, v6;
	_ =	sdelay $0x1  }
0x67b: {  	v13 =	vadd.s32 v7, v13;
	_ =	sdelay $0x1  }
0x67c: {  	v12 =	vperm.xlane v12, v8;
	_ =	sdelay $0x1  }
0x67d: {  	s18 =	simm.s32 $0x16000;
	v12 =	vadd.s32 v7, v12  }
0x67e: {  	[tilespmem:s18], [sflag:$0x7] =	stream.indirect_vreg.gather [hbm4b:s1+s8], $0x80, v13, vm0, $0xb8;
	[tilespmem:$0x1A800] =	vst v63  }
0x67f: {  	s19 =	simm.s32 $0x16800  }
0x680: {  	[tilespmem:s19], [sflag:$0x7] =	stream.indirect_vreg.gather [hbm4b:s29+s8], $0x80, v13, vm1, $0xb8;
	[tilespmem:$0x1A800] =	vst v63  }
0x681: {  	s26 =	simm.s32 $0x16C00  }
0x682: {  	[tilespmem:s26], [sflag:$0x7] =	stream.indirect_vreg.gather [hbm4b:s1+s8], $0x80, v12, vm0, $0xb8;
	[tilespmem:$0x1A800] =	vst v63  }
0x683: {  	s2 =	simm.s32 $0x17400;
	s18 =	simm.s32 $0x1  }
0x684: {  	[tilespmem:s2], [sflag:$0x7] =	stream.indirect_vreg.gather [hbm4b:s29+s8], $0x80, v12, vm1, $0xb8;
	[tilespmem:$0x1A800] =	vst v63  }
0x685: {  	_ =	swait.ge [sflag:s18], $0x3000  }
0x686: {  	[sflag:s18] =	ssyncset.done $0x0  }
0x687: {  	s2 =	simm.s32 $0x2800;
	s17 =	rddreg [dreg:$0x17];
	[sflag:s18] =	ssyncadd.s32 $0xFFFFD000  }
0x688: {  	[hbm4b:s17+s8] =	stream.linear.scatter [tilespmem:s2], [sflag:$0x9], $0x3000, $0x38;
	[tilespmem:$0x1A800] =	vst v63  }
0x689: {  	s17 =	simm.s32 $0x10  }
0x68a: {  	_ =	swait.ge [sflag:s17], $0x3000  }
0x68b: {  	[sflag:s17] =	ssyncset.done $0x0  }
0x68c: {  	[sflag:s17] =	ssyncadd.s32 $0xFFFFD000  }
0x68d: {  	v12 =	vld [tilespmem:$0x24E0];
	_ =	sdelay $0x4  }
0x68e: {  	v13 =	vshrl.u32 v12, $0x3  }
0x68f: {  	v13 =	vmul.u32 $0x18, v13  }
0x690: {  	v12 =	vand.u32 $0x7, v12  }
0x691: {  	v12 =	vor.u32 v12, v13  }
0x692: {  	v13 =	vperm.xlane v12, v6;
	_ =	sdelay $0x1  }
0x693: {  	v13 =	vadd.s32 v7, v13;
	_ =	sdelay $0x1  }
0x694: {  	v12 =	vperm.xlane v12, v8;
	_ =	sdelay $0x1  }
0x695: {  	v12 =	vadd.s32 v7, v12  }
0x696: {  	[tilespmem:s23], [sflag:$0x8] =	stream.indirect_vreg.gather [hbm4b:s1+s8], $0x80, v13, vm0, $0xb8;
	[tilespmem:$0x1A800] =	vst v63  }
0x697: {  	s19 =	simm.s32 $0x18000  }
0x698: {  	[tilespmem:s19], [sflag:$0x8] =	stream.indirect_vreg.gather [hbm4b:s29+s8], $0x80, v13, vm1, $0xb8;
	[tilespmem:$0x1A800] =	vst v63  }
0x699: {  	s26 =	simm.s32 $0x18400  }
0x69a: {  	[tilespmem:s26], [sflag:$0x8] =	stream.indirect_vreg.gather [hbm4b:s1+s8], $0x80, v12, vm0, $0xb8;
	[tilespmem:$0x1A800] =	vst v63  }
0x69b: {  	s19 =	simm.s32 $0x18C00  }
0x69c: {  	[tilespmem:s19], [sflag:$0x8] =	stream.indirect_vreg.gather [hbm4b:s29+s8], $0x80, v12, vm1, $0xb8;
	[tilespmem:$0x1A800] =	vst v63  }
0x69d: {  	v12 =	vld [tilespmem:$0x24F0];
	_ =	sdelay $0x4  }
0x69e: {  	v13 =	vshrl.u32 v12, $0x3  }
0x69f: {  	v13 =	vmul.u32 $0x18, v13  }
0x6a0: {  	v12 =	vand.u32 $0x7, v12  }
0x6a1: {  	v12 =	vor.u32 v12, v13  }
0x6a2: {  	v13 =	vperm.xlane v12, v6;
	_ =	sdelay $0x1  }
0x6a3: {  	v13 =	vadd.s32 v7, v13;
	_ =	sdelay $0x1  }
0x6a4: {  	v12 =	vperm.xlane v12, v8;
	_ =	sdelay $0x1  }
0x6a5: {  	s26 =	simm.s32 $0x19000;
	v12 =	vadd.s32 v7, v12  }
0x6a6: {  	[tilespmem:s26], [sflag:$0x8] =	stream.indirect_vreg.gather [hbm4b:s1+s8], $0x80, v13, vm0, $0xb8;
	[tilespmem:$0x1A800] =	vst v63  }
0x6a7: {  	s19 =	simm.s32 $0x19800  }
0x6a8: {  	[tilespmem:s19], [sflag:$0x8] =	stream.indirect_vreg.gather [hbm4b:s29+s8], $0x80, v13, vm1, $0xb8;
	[tilespmem:$0x1A800] =	vst v63  }
0x6a9: {  	s26 =	simm.s32 $0x19C00  }
0x6aa: {  	[tilespmem:s26], [sflag:$0x8] =	stream.indirect_vreg.gather [hbm4b:s1+s8], $0x80, v12, vm0, $0xb8;
	[tilespmem:$0x1A800] =	vst v63  }
0x6ab: {  	s19 =	simm.s32 $0x1A400  }
0x6ac: {  	[tilespmem:s19], [sflag:$0x8] =	stream.indirect_vreg.gather [hbm4b:s29+s8], $0x80, v12, vm1, $0xb8;
	[tilespmem:$0x1A800] =	vst v63  }
0x6ad: {  	s19 =	simm.s32 $0x2  }
0x6ae: {  	_ =	swait.ge [sflag:s19], $0x3000  }
0x6af: {  	[sflag:s19] =	ssyncset.done $0x0  }
0x6b0: {  	s0 =	simm.s32 $0x5800;
	s26 =	rddreg [dreg:$0x18];
	[sflag:s19] =	ssyncadd.s32 $0xFFFFD000  }
0x6b1: {  	[hbm4b:s26+s8] =	stream.linear.scatter [tilespmem:s0], [sflag:$0xA], $0x3000, $0x38;
	[tilespmem:$0x1A800] =	vst v63  }
0x6b2: {  	_ =	swait.ge [sflag:s20], $0x3000  }
0x6b3: {  	[sflag:s20] =	ssyncset.done $0x0  }
0x6b4: {  	[sflag:s20] =	ssyncadd.s32 $0xFFFFD000  }
0x6b5: {  	v12 =	vld [tilespmem:$0x2500];
	_ =	sdelay $0x4  }
0x6b6: {  	v13 =	vshrl.u32 v12, $0x3  }
0x6b7: {  	v13 =	vmul.u32 $0x18, v13  }
0x6b8: {  	v12 =	vand.u32 $0x7, v12  }
0x6b9: {  	v12 =	vor.u32 v12, v13  }
0x6ba: {  	v13 =	vperm.xlane v12, v6;
	_ =	sdelay $0x1  }
0x6bb: {  	v13 =	vadd.s32 v7, v13;
	_ =	sdelay $0x1  }
0x6bc: {  	v12 =	vperm.xlane v12, v8;
	_ =	sdelay $0x1  }
0x6bd: {  	v12 =	vadd.s32 v7, v12  }
0x6be: {  	[tilespmem:s2], [sflag:$0x1] =	stream.indirect_vreg.gather [hbm4b:s1+s8], $0x80, v13, vm0, $0xb8;
	[tilespmem:$0x1A800] =	vst v63  }
0x6bf: {  	s26 =	simm.s32 $0x3000  }
0x6c0: {  	[tilespmem:s26], [sflag:$0x1] =	stream.indirect_vreg.gather [hbm4b:s29+s8], $0x80, v13, vm1, $0xb8;
	[tilespmem:$0x1A800] =	vst v63  }
0x6c1: {  	s26 =	simm.s32 $0x3400  }
0x6c2: {  	[tilespmem:s26], [sflag:$0x1] =	stream.indirect_vreg.gather [hbm4b:s1+s8], $0x80, v12, vm0, $0xb8;
	[tilespmem:$0x1A800] =	vst v63  }
0x6c3: {  	s26 =	simm.s32 $0x3C00  }
0x6c4: {  	[tilespmem:s26], [sflag:$0x1] =	stream.indirect_vreg.gather [hbm4b:s29+s8], $0x80, v12, vm1, $0xb8;
	[tilespmem:$0x1A800] =	vst v63  }
0x6c5: {  	v12 =	vld [tilespmem:$0x2510];
	_ =	sdelay $0x4  }
0x6c6: {  	v13 =	vshrl.u32 v12, $0x3  }
0x6c7: {  	v13 =	vmul.u32 $0x18, v13  }
0x6c8: {  	v12 =	vand.u32 $0x7, v12  }
0x6c9: {  	v12 =	vor.u32 v12, v13  }
0x6ca: {  	v13 =	vperm.xlane v12, v6;
	_ =	sdelay $0x1  }
0x6cb: {  	v13 =	vadd.s32 v7, v13;
	_ =	sdelay $0x1  }
0x6cc: {  	v12 =	vperm.xlane v12, v8;
	_ =	sdelay $0x1  }
0x6cd: {  	s26 =	simm.s32 $0x4000;
	v12 =	vadd.s32 v7, v12  }
0x6ce: {  	[tilespmem:s26], [sflag:$0x1] =	stream.indirect_vreg.gather [hbm4b:s1+s8], $0x80, v13, vm0, $0xb8;
	[tilespmem:$0x1A800] =	vst v63  }
0x6cf: {  	s26 =	simm.s32 $0x4800  }
0x6d0: {  	[tilespmem:s26], [sflag:$0x1] =	stream.indirect_vreg.gather [hbm4b:s29+s8], $0x80, v13, vm1, $0xb8;
	[tilespmem:$0x1A800] =	vst v63  }
0x6d1: {  	s26 =	simm.s32 $0x4C00  }
0x6d2: {  	[tilespmem:s26], [sflag:$0x1] =	stream.indirect_vreg.gather [hbm4b:s1+s8], $0x80, v12, vm0, $0xb8;
	[tilespmem:$0x1A800] =	vst v63  }
0x6d3: {  	s26 =	simm.s32 $0x5400  }
0x6d4: {  	[tilespmem:s26], [sflag:$0x1] =	stream.indirect_vreg.gather [hbm4b:s29+s8], $0x80, v12, vm1, $0xb8;
	[tilespmem:$0x1A800] =	vst v63  }
0x6d5: {  	_ =	swait.ge [sflag:s4], $0x3000  }
0x6d6: {  	[sflag:s4] =	ssyncset.done $0x0  }
0x6d7: {  	s20 =	rddreg [dreg:$0x19];
	[sflag:s4] =	ssyncadd.s32 $0xFFFFD000  }
0x6d8: {  	[hbm4b:s20+s8] =	stream.linear.scatter [tilespmem:s22], [sflag:$0xB], $0x3000, $0x38;
	[tilespmem:$0x1A800] =	vst v63  }
0x6d9: {  	_ =	swait.ge [sflag:s5], $0x3000  }
0x6da: {  	[sflag:s5] =	ssyncset.done $0x0  }
0x6db: {  	[sflag:s5] =	ssyncadd.s32 $0xFFFFD000  }
0x6dc: {  	v12 =	vld [tilespmem:$0x2520];
	_ =	sdelay $0x4  }
0x6dd: {  	v13 =	vshrl.u32 v12, $0x3  }
0x6de: {  	v13 =	vmul.u32 $0x18, v13  }
0x6df: {  	v12 =	vand.u32 $0x7, v12  }
0x6e0: {  	v12 =	vor.u32 v12, v13  }
0x6e1: {  	v13 =	vperm.xlane v12, v6;
	_ =	sdelay $0x1  }
0x6e2: {  	v13 =	vadd.s32 v7, v13;
	_ =	sdelay $0x1  }
0x6e3: {  	v12 =	vperm.xlane v12, v8;
	_ =	sdelay $0x1  }
0x6e4: {  	v12 =	vadd.s32 v7, v12  }
0x6e5: {  	[tilespmem:s0], [sflag:$0x2] =	stream.indirect_vreg.gather [hbm4b:s1+s8], $0x80, v13, vm0, $0xb8;
	[tilespmem:$0x1A800] =	vst v63  }
0x6e6: {  	s26 =	simm.s32 $0x6000  }
0x6e7: {  	[tilespmem:s26], [sflag:$0x2] =	stream.indirect_vreg.gather [hbm4b:s29+s8], $0x80, v13, vm1, $0xb8;
	[tilespmem:$0x1A800] =	vst v63  }
0x6e8: {  	s5 =	simm.s32 $0x6400  }
0x6e9: {  	[tilespmem:s5], [sflag:$0x2] =	stream.indirect_vreg.gather [hbm4b:s1+s8], $0x80, v12, vm0, $0xb8;
	[tilespmem:$0x1A800] =	vst v63  }
0x6ea: {  	s20 =	simm.s32 $0x6C00  }
0x6eb: {  	[tilespmem:s20], [sflag:$0x2] =	stream.indirect_vreg.gather [hbm4b:s29+s8], $0x80, v12, vm1, $0xb8;
	[tilespmem:$0x1A800] =	vst v63  }
0x6ec: {  	v12 =	vld [tilespmem:$0x2530];
	_ =	sdelay $0x4  }
0x6ed: {  	v13 =	vshrl.u32 v12, $0x3  }
0x6ee: {  	v13 =	vmul.u32 $0x18, v13  }
0x6ef: {  	v12 =	vand.u32 $0x7, v12  }
0x6f0: {  	v12 =	vor.u32 v12, v13  }
0x6f1: {  	v13 =	vperm.xlane v12, v6;
	_ =	sdelay $0x1  }
0x6f2: {  	v13 =	vadd.s32 v7, v13;
	_ =	sdelay $0x1  }
0x6f3: {  	v12 =	vperm.xlane v12, v8;
	_ =	sdelay $0x1  }
0x6f4: {  	s26 =	simm.s32 $0x7000;
	v12 =	vadd.s32 v7, v12  }
0x6f5: {  	[tilespmem:s26], [sflag:$0x2] =	stream.indirect_vreg.gather [hbm4b:s1+s8], $0x80, v13, vm0, $0xb8;
	[tilespmem:$0x1A800] =	vst v63  }
0x6f6: {  	s5 =	simm.s32 $0x7800  }
0x6f7: {  	[tilespmem:s5], [sflag:$0x2] =	stream.indirect_vreg.gather [hbm4b:s29+s8], $0x80, v13, vm1, $0xb8;
	[tilespmem:$0x1A800] =	vst v63  }
0x6f8: {  	s20 =	simm.s32 $0x7C00  }
0x6f9: {  	[tilespmem:s20], [sflag:$0x2] =	stream.indirect_vreg.gather [hbm4b:s1+s8], $0x80, v12, vm0, $0xb8;
	[tilespmem:$0x1A800] =	vst v63  }
0x6fa: {  	s26 =	simm.s32 $0x8400  }
0x6fb: {  	[tilespmem:s26], [sflag:$0x2] =	stream.indirect_vreg.gather [hbm4b:s29+s8], $0x80, v12, vm1, $0xb8;
	[tilespmem:$0x1A800] =	vst v63  }
0x6fc: {  	_ =	swait.ge [sflag:s6], $0x3000  }
0x6fd: {  	[sflag:s6] =	ssyncset.done $0x0  }
0x6fe: {  	s0 =	rddreg [dreg:$0x1a];
	[sflag:s6] =	ssyncadd.s32 $0xFFFFD000  }
0x6ff: {  	[hbm4b:s0+s8] =	stream.linear.scatter [tilespmem:s24], [sflag:$0xC], $0x3000, $0x38;
	[tilespmem:$0x1A800] =	vst v63  }
0x700: {  	_ =	swait.ge [sflag:s7], $0x3000  }
0x701: {  	[sflag:s7] =	ssyncset.done $0x0  }
0x702: {  	[sflag:s7] =	ssyncadd.s32 $0xFFFFD000  }
0x703: {  	v12 =	vld [tilespmem:$0x2540];
	_ =	sdelay $0x4  }
0x704: {  	v13 =	vshrl.u32 v12, $0x3  }
0x705: {  	v13 =	vmul.u32 $0x18, v13  }
0x706: {  	v12 =	vand.u32 $0x7, v12  }
0x707: {  	v12 =	vor.u32 v12, v13  }
0x708: {  	v13 =	vperm.xlane v12, v6;
	_ =	sdelay $0x1  }
0x709: {  	v13 =	vadd.s32 v7, v13;
	_ =	sdelay $0x1  }
0x70a: {  	v12 =	vperm.xlane v12, v8;
	_ =	sdelay $0x1  }
0x70b: {  	v12 =	vadd.s32 v7, v12  }
0x70c: {  	[tilespmem:s22], [sflag:$0x3] =	stream.indirect_vreg.gather [hbm4b:s1+s8], $0x80, v13, vm0, $0xb8;
	[tilespmem:$0x1A800] =	vst v63  }
0x70d: {  	s5 =	simm.s32 $0x9000  }
0x70e: {  	[tilespmem:s5], [sflag:$0x3] =	stream.indirect_vreg.gather [hbm4b:s29+s8], $0x80, v13, vm1, $0xb8;
	[tilespmem:$0x1A800] =	vst v63  }
0x70f: {  	s6 =	simm.s32 $0x9400  }
0x710: {  	[tilespmem:s6], [sflag:$0x3] =	stream.indirect_vreg.gather [hbm4b:s1+s8], $0x80, v12, vm0, $0xb8;
	[tilespmem:$0x1A800] =	vst v63  }
0x711: {  	s7 =	simm.s32 $0x9C00  }
0x712: {  	[tilespmem:s7], [sflag:$0x3] =	stream.indirect_vreg.gather [hbm4b:s29+s8], $0x80, v12, vm1, $0xb8;
	[tilespmem:$0x1A800] =	vst v63  }
0x713: {  	v12 =	vld [tilespmem:$0x2550];
	_ =	sdelay $0x4  }
0x714: {  	v13 =	vshrl.u32 v12, $0x3  }
0x715: {  	v13 =	vmul.u32 $0x18, v13  }
0x716: {  	v12 =	vand.u32 $0x7, v12  }
0x717: {  	v12 =	vor.u32 v12, v13  }
0x718: {  	v13 =	vperm.xlane v12, v6;
	_ =	sdelay $0x1  }
0x719: {  	v13 =	vadd.s32 v7, v13;
	_ =	sdelay $0x1  }
0x71a: {  	v12 =	vperm.xlane v12, v8;
	_ =	sdelay $0x1  }
0x71b: {  	s20 =	simm.s32 $0xA000;
	v12 =	vadd.s32 v7, v12  }
0x71c: {  	[tilespmem:s20], [sflag:$0x3] =	stream.indirect_vreg.gather [hbm4b:s1+s8], $0x80, v13, vm0, $0xb8;
	[tilespmem:$0x1A800] =	vst v63  }
0x71d: {  	s22 =	simm.s32 $0xA800  }
0x71e: {  	[tilespmem:s22], [sflag:$0x3] =	stream.indirect_vreg.gather [hbm4b:s29+s8], $0x80, v13, vm1, $0xb8;
	[tilespmem:$0x1A800] =	vst v63  }
0x71f: {  	s26 =	simm.s32 $0xAC00  }
0x720: {  	[tilespmem:s26], [sflag:$0x3] =	stream.indirect_vreg.gather [hbm4b:s1+s8], $0x80, v12, vm0, $0xb8;
	[tilespmem:$0x1A800] =	vst v63  }
0x721: {  	s5 =	simm.s32 $0xB400  }
0x722: {  	[tilespmem:s5], [sflag:$0x3] =	stream.indirect_vreg.gather [hbm4b:s29+s8], $0x80, v12, vm1, $0xb8;
	[tilespmem:$0x1A800] =	vst v63  }
0x723: {  	_ =	swait.ge [sflag:s9], $0x3000  }
0x724: {  	[sflag:s9] =	ssyncset.done $0x0  }
0x725: {  	s6 =	rddreg [dreg:$0x1b];
	[sflag:s9] =	ssyncadd.s32 $0xFFFFD000  }
0x726: {  	[hbm4b:s6+s8] =	stream.linear.scatter [tilespmem:s21], [sflag:$0xD], $0x3000, $0x38;
	[tilespmem:$0x1A800] =	vst v63  }
0x727: {  	_ =	swait.ge [sflag:s10], $0x3000  }
0x728: {  	[sflag:s10] =	ssyncset.done $0x0  }
0x729: {  	[sflag:s10] =	ssyncadd.s32 $0xFFFFD000  }
0x72a: {  	v12 =	vld [tilespmem:$0x2560];
	_ =	sdelay $0x4  }
0x72b: {  	v13 =	vshrl.u32 v12, $0x3  }
0x72c: {  	v13 =	vmul.u32 $0x18, v13  }
0x72d: {  	v12 =	vand.u32 $0x7, v12  }
0x72e: {  	v12 =	vor.u32 v12, v13  }
0x72f: {  	v13 =	vperm.xlane v12, v6;
	_ =	sdelay $0x1  }
0x730: {  	v13 =	vadd.s32 v7, v13;
	_ =	sdelay $0x1  }
0x731: {  	v12 =	vperm.xlane v12, v8;
	_ =	sdelay $0x1  }
0x732: {  	v12 =	vadd.s32 v7, v12  }
0x733: {  	[tilespmem:s24], [sflag:$0x4] =	stream.indirect_vreg.gather [hbm4b:s1+s8], $0x80, v13, vm0, $0xb8;
	[tilespmem:$0x1A800] =	vst v63  }
0x734: {  	s7 =	simm.s32 $0xC000  }
0x735: {  	[tilespmem:s7], [sflag:$0x4] =	stream.indirect_vreg.gather [hbm4b:s29+s8], $0x80, v13, vm1, $0xb8;
	[tilespmem:$0x1A800] =	vst v63  }
0x736: {  	s9 =	simm.s32 $0xC400  }
0x737: {  	[tilespmem:s9], [sflag:$0x4] =	stream.indirect_vreg.gather [hbm4b:s1+s8], $0x80, v12, vm0, $0xb8;
	[tilespmem:$0x1A800] =	vst v63  }
0x738: {  	s10 =	simm.s32 $0xCC00  }
0x739: {  	[tilespmem:s10], [sflag:$0x4] =	stream.indirect_vreg.gather [hbm4b:s29+s8], $0x80, v12, vm1, $0xb8;
	[tilespmem:$0x1A800] =	vst v63  }
0x73a: {  	v12 =	vld [tilespmem:$0x2570];
	_ =	sdelay $0x4  }
0x73b: {  	v13 =	vshrl.u32 v12, $0x3  }
0x73c: {  	v13 =	vmul.u32 $0x18, v13  }
0x73d: {  	v12 =	vand.u32 $0x7, v12  }
0x73e: {  	v12 =	vor.u32 v12, v13  }
0x73f: {  	v13 =	vperm.xlane v12, v6;
	_ =	sdelay $0x1  }
0x740: {  	v13 =	vadd.s32 v7, v13;
	_ =	sdelay $0x1  }
0x741: {  	v12 =	vperm.xlane v12, v8;
	_ =	sdelay $0x1  }
0x742: {  	s20 =	simm.s32 $0xD000;
	v12 =	vadd.s32 v7, v12  }
0x743: {  	[tilespmem:s20], [sflag:$0x4] =	stream.indirect_vreg.gather [hbm4b:s1+s8], $0x80, v13, vm0, $0xb8;
	[tilespmem:$0x1A800] =	vst v63  }
0x744: {  	s22 =	simm.s32 $0xD800  }
0x745: {  	[tilespmem:s22], [sflag:$0x4] =	stream.indirect_vreg.gather [hbm4b:s29+s8], $0x80, v13, vm1, $0xb8;
	[tilespmem:$0x1A800] =	vst v63  }
0x746: {  	s24 =	simm.s32 $0xDC00  }
0x747: {  	[tilespmem:s24], [sflag:$0x4] =	stream.indirect_vreg.gather [hbm4b:s1+s8], $0x80, v12, vm0, $0xb8;
	[tilespmem:$0x1A800] =	vst v63  }
0x748: {  	s26 =	simm.s32 $0xE400  }
0x749: {  	[tilespmem:s26], [sflag:$0x4] =	stream.indirect_vreg.gather [hbm4b:s29+s8], $0x80, v12, vm1, $0xb8;
	[tilespmem:$0x1A800] =	vst v63  }
0x74a: {  	_ =	swait.ge [sflag:s11], $0x3000  }
0x74b: {  	[sflag:s11] =	ssyncset.done $0x0  }
0x74c: {  	s0 =	rddreg [dreg:$0x1c];
	[sflag:s11] =	ssyncadd.s32 $0xFFFFD000  }
0x74d: {  	[hbm4b:s0+s8] =	stream.linear.scatter [tilespmem:s25], [sflag:$0xE], $0x3000, $0x38;
	[tilespmem:$0x1A800] =	vst v63  }
0x74e: {  	_ =	swait.ge [sflag:s12], $0x3000  }
0x74f: {  	[sflag:s12] =	ssyncset.done $0x0  }
0x750: {  	[sflag:s12] =	ssyncadd.s32 $0xFFFFD000  }
0x751: {  	v12 =	vld [tilespmem:$0x2580];
	_ =	sdelay $0x4  }
0x752: {  	v13 =	vshrl.u32 v12, $0x3  }
0x753: {  	v13 =	vmul.u32 $0x18, v13  }
0x754: {  	v12 =	vand.u32 $0x7, v12  }
0x755: {  	v12 =	vor.u32 v12, v13  }
0x756: {  	v13 =	vperm.xlane v12, v6;
	_ =	sdelay $0x1  }
0x757: {  	v13 =	vadd.s32 v7, v13;
	_ =	sdelay $0x1  }
0x758: {  	v12 =	vperm.xlane v12, v8;
	_ =	sdelay $0x1  }
0x759: {  	v12 =	vadd.s32 v7, v12  }
0x75a: {  	[tilespmem:s21], [sflag:$0x5] =	stream.indirect_vreg.gather [hbm4b:s1+s8], $0x80, v13, vm0, $0xb8;
	[tilespmem:$0x1A800] =	vst v63  }
0x75b: {  	s5 =	simm.s32 $0xF000  }
0x75c: {  	[tilespmem:s5], [sflag:$0x5] =	stream.indirect_vreg.gather [hbm4b:s29+s8], $0x80, v13, vm1, $0xb8;
	[tilespmem:$0x1A800] =	vst v63  }
0x75d: {  	s6 =	simm.s32 $0xF400  }
0x75e: {  	[tilespmem:s6], [sflag:$0x5] =	stream.indirect_vreg.gather [hbm4b:s1+s8], $0x80, v12, vm0, $0xb8;
	[tilespmem:$0x1A800] =	vst v63  }
0x75f: {  	s7 =	simm.s32 $0xFC00  }
0x760: {  	[tilespmem:s7], [sflag:$0x5] =	stream.indirect_vreg.gather [hbm4b:s29+s8], $0x80, v12, vm1, $0xb8;
	[tilespmem:$0x1A800] =	vst v63  }
0x761: {  	v12 =	vld [tilespmem:$0x2590];
	_ =	sdelay $0x4  }
0x762: {  	v13 =	vshrl.u32 v12, $0x3  }
0x763: {  	v13 =	vmul.u32 $0x18, v13  }
0x764: {  	v12 =	vand.u32 $0x7, v12  }
0x765: {  	v12 =	vor.u32 v12, v13  }
0x766: {  	v13 =	vperm.xlane v12, v6;
	_ =	sdelay $0x1  }
0x767: {  	v13 =	vadd.s32 v7, v13;
	_ =	sdelay $0x1  }
0x768: {  	v12 =	vperm.xlane v12, v8;
	_ =	sdelay $0x1  }
0x769: {  	s9 =	simm.s32 $0x10000;
	v12 =	vadd.s32 v7, v12  }
0x76a: {  	[tilespmem:s9], [sflag:$0x5] =	stream.indirect_vreg.gather [hbm4b:s1+s8], $0x80, v13, vm0, $0xb8;
	[tilespmem:$0x1A800] =	vst v63  }
0x76b: {  	s10 =	simm.s32 $0x10800  }
0x76c: {  	[tilespmem:s10], [sflag:$0x5] =	stream.indirect_vreg.gather [hbm4b:s29+s8], $0x80, v13, vm1, $0xb8;
	[tilespmem:$0x1A800] =	vst v63  }
0x76d: {  	s11 =	simm.s32 $0x10C00  }
0x76e: {  	[tilespmem:s11], [sflag:$0x5] =	stream.indirect_vreg.gather [hbm4b:s1+s8], $0x80, v12, vm0, $0xb8;
	[tilespmem:$0x1A800] =	vst v63  }
0x76f: {  	s12 =	simm.s32 $0x11400  }
0x770: {  	[tilespmem:s12], [sflag:$0x5] =	stream.indirect_vreg.gather [hbm4b:s29+s8], $0x80, v12, vm1, $0xb8;
	[tilespmem:$0x1A800] =	vst v63  }
0x771: {  	_ =	swait.ge [sflag:s13], $0x3000  }
0x772: {  	[sflag:s13] =	ssyncset.done $0x0  }
0x773: {  	s20 =	rddreg [dreg:$0x1d];
	[sflag:s13] =	ssyncadd.s32 $0xFFFFD000  }
0x774: {  	[hbm4b:s20+s8] =	stream.linear.scatter [tilespmem:s31], [sflag:$0xF], $0x3000, $0x38;
	[tilespmem:$0x1A800] =	vst v63  }
0x775: {  	_ =	swait.ge [sflag:s14], $0x3000  }
0x776: {  	[sflag:s14] =	ssyncset.done $0x0  }
0x777: {  	[sflag:s14] =	ssyncadd.s32 $0xFFFFD000  }
0x778: {  	v12 =	vld [tilespmem:$0x25A0];
	_ =	sdelay $0x4  }
0x779: {  	v13 =	vshrl.u32 v12, $0x3  }
0x77a: {  	v13 =	vmul.u32 $0x18, v13  }
0x77b: {  	v12 =	vand.u32 $0x7, v12  }
0x77c: {  	v12 =	vor.u32 v12, v13  }
0x77d: {  	v13 =	vperm.xlane v12, v6;
	_ =	sdelay $0x1  }
0x77e: {  	v13 =	vadd.s32 v7, v13;
	_ =	sdelay $0x1  }
0x77f: {  	v12 =	vperm.xlane v12, v8;
	_ =	sdelay $0x1  }
0x780: {  	v12 =	vadd.s32 v7, v12  }
0x781: {  	[tilespmem:s25], [sflag:$0x6] =	stream.indirect_vreg.gather [hbm4b:s1+s8], $0x80, v13, vm0, $0xb8;
	[tilespmem:$0x1A800] =	vst v63  }
0x782: {  	s21 =	simm.s32 $0x12000  }
0x783: {  	[tilespmem:s21], [sflag:$0x6] =	stream.indirect_vreg.gather [hbm4b:s29+s8], $0x80, v13, vm1, $0xb8;
	[tilespmem:$0x1A800] =	vst v63  }
0x784: {  	s22 =	simm.s32 $0x12400  }
0x785: {  	[tilespmem:s22], [sflag:$0x6] =	stream.indirect_vreg.gather [hbm4b:s1+s8], $0x80, v12, vm0, $0xb8;
	[tilespmem:$0x1A800] =	vst v63  }
0x786: {  	s24 =	simm.s32 $0x12C00  }
0x787: {  	[tilespmem:s24], [sflag:$0x6] =	stream.indirect_vreg.gather [hbm4b:s29+s8], $0x80, v12, vm1, $0xb8;
	[tilespmem:$0x1A800] =	vst v63  }
0x788: {  	v12 =	vld [tilespmem:$0x25B0];
	_ =	sdelay $0x4  }
0x789: {  	v13 =	vshrl.u32 v12, $0x3  }
0x78a: {  	v13 =	vmul.u32 $0x18, v13  }
0x78b: {  	v12 =	vand.u32 $0x7, v12  }
0x78c: {  	v12 =	vor.u32 v12, v13  }
0x78d: {  	v13 =	vperm.xlane v12, v6;
	_ =	sdelay $0x1  }
0x78e: {  	v13 =	vadd.s32 v7, v13;
	_ =	sdelay $0x1  }
0x78f: {  	v12 =	vperm.xlane v12, v8;
	_ =	sdelay $0x1  }
0x790: {  	s25 =	simm.s32 $0x13000;
	v12 =	vadd.s32 v7, v12  }
0x791: {  	[tilespmem:s25], [sflag:$0x6] =	stream.indirect_vreg.gather [hbm4b:s1+s8], $0x80, v13, vm0, $0xb8;
	[tilespmem:$0x1A800] =	vst v63  }
0x792: {  	s26 =	simm.s32 $0x13800  }
0x793: {  	[tilespmem:s26], [sflag:$0x6] =	stream.indirect_vreg.gather [hbm4b:s29+s8], $0x80, v13, vm1, $0xb8;
	[tilespmem:$0x1A800] =	vst v63  }
0x794: {  	s5 =	simm.s32 $0x13C00  }
0x795: {  	[tilespmem:s5], [sflag:$0x6] =	stream.indirect_vreg.gather [hbm4b:s1+s8], $0x80, v12, vm0, $0xb8;
	[tilespmem:$0x1A800] =	vst v63  }
0x796: {  	s6 =	simm.s32 $0x14400  }
0x797: {  	[tilespmem:s6], [sflag:$0x6] =	stream.indirect_vreg.gather [hbm4b:s29+s8], $0x80, v12, vm1, $0xb8;
	[tilespmem:$0x1A800] =	vst v63  }
0x798: {  	_ =	swait.ge [sflag:s15], $0x3000  }
0x799: {  	[sflag:s15] =	ssyncset.done $0x0  }
0x79a: {  	s7 =	rddreg [dreg:$0x1e];
	[sflag:s15] =	ssyncadd.s32 $0xFFFFD000  }
0x79b: {  	[hbm4b:s7+s8] =	stream.linear.scatter [tilespmem:s23], [sflag:$0x10], $0x3000, $0x38;
	[tilespmem:$0x1A800] =	vst v63  }
0x79c: {  	_ =	swait.ge [sflag:s16], $0x3000  }
0x79d: {  	[sflag:s16] =	ssyncset.done $0x0  }
0x79e: {  	[sflag:s16] =	ssyncadd.s32 $0xFFFFD000  }
0x79f: {  	v12 =	vld [tilespmem:$0x25C0];
	_ =	sdelay $0x4  }
0x7a0: {  	v13 =	vshrl.u32 v12, $0x3  }
0x7a1: {  	v13 =	vmul.u32 $0x18, v13  }
0x7a2: {  	v12 =	vand.u32 $0x7, v12  }
0x7a3: {  	v12 =	vor.u32 v12, v13  }
0x7a4: {  	v13 =	vperm.xlane v12, v6;
	_ =	sdelay $0x1  }
0x7a5: {  	v13 =	vadd.s32 v7, v13;
	_ =	sdelay $0x1  }
0x7a6: {  	v12 =	vperm.xlane v12, v8;
	_ =	sdelay $0x1  }
0x7a7: {  	v12 =	vadd.s32 v7, v12  }
0x7a8: {  	[tilespmem:s31], [sflag:$0x7] =	stream.indirect_vreg.gather [hbm4b:s1+s8], $0x80, v13, vm0, $0xb8;
	[tilespmem:$0x1A800] =	vst v63  }
0x7a9: {  	s9 =	simm.s32 $0x15000  }
0x7aa: {  	[tilespmem:s9], [sflag:$0x7] =	stream.indirect_vreg.gather [hbm4b:s29+s8], $0x80, v13, vm1, $0xb8;
	[tilespmem:$0x1A800] =	vst v63  }
0x7ab: {  	s10 =	simm.s32 $0x15400  }
0x7ac: {  	[tilespmem:s10], [sflag:$0x7] =	stream.indirect_vreg.gather [hbm4b:s1+s8], $0x80, v12, vm0, $0xb8;
	[tilespmem:$0x1A800] =	vst v63  }
0x7ad: {  	s11 =	simm.s32 $0x15C00  }
0x7ae: {  	[tilespmem:s11], [sflag:$0x7] =	stream.indirect_vreg.gather [hbm4b:s29+s8], $0x80, v12, vm1, $0xb8;
	[tilespmem:$0x1A800] =	vst v63  }
0x7af: {  	v12 =	vld [tilespmem:$0x25D0];
	_ =	sdelay $0x4  }
0x7b0: {  	v13 =	vshrl.u32 v12, $0x3  }
0x7b1: {  	v13 =	vmul.u32 $0x18, v13  }
0x7b2: {  	v12 =	vand.u32 $0x7, v12  }
0x7b3: {  	v12 =	vor.u32 v12, v13  }
0x7b4: {  	v13 =	vperm.xlane v12, v6;
	_ =	sdelay $0x1  }
0x7b5: {  	v13 =	vadd.s32 v7, v13;
	_ =	sdelay $0x1  }
0x7b6: {  	v12 =	vperm.xlane v12, v8;
	_ =	sdelay $0x1  }
0x7b7: {  	s12 =	simm.s32 $0x16000;
	v12 =	vadd.s32 v7, v12  }
0x7b8: {  	[tilespmem:s12], [sflag:$0x7] =	stream.indirect_vreg.gather [hbm4b:s1+s8], $0x80, v13, vm0, $0xb8;
	[tilespmem:$0x1A800] =	vst v63  }
0x7b9: {  	s13 =	simm.s32 $0x16800  }
0x7ba: {  	[tilespmem:s13], [sflag:$0x7] =	stream.indirect_vreg.gather [hbm4b:s29+s8], $0x80, v13, vm1, $0xb8;
	[tilespmem:$0x1A800] =	vst v63  }
0x7bb: {  	s14 =	simm.s32 $0x16C00  }
0x7bc: {  	[tilespmem:s14], [sflag:$0x7] =	stream.indirect_vreg.gather [hbm4b:s1+s8], $0x80, v12, vm0, $0xb8;
	[tilespmem:$0x1A800] =	vst v63  }
0x7bd: {  	s15 =	simm.s32 $0x17400  }
0x7be: {  	[tilespmem:s15], [sflag:$0x7] =	stream.indirect_vreg.gather [hbm4b:s29+s8], $0x80, v12, vm1, $0xb8;
	[tilespmem:$0x1A800] =	vst v63  }
0x7bf: {  	_ =	swait.ge [sflag:s18], $0x3000  }
0x7c0: {  	[sflag:s18] =	ssyncset.done $0x0  }
0x7c1: {  	s2 =	simm.s32 $0x2800;
	s16 =	rddreg [dreg:$0x1f];
	[sflag:s18] =	ssyncadd.s32 $0xFFFFD000  }
0x7c2: {  	[hbm4b:s16+s8] =	stream.linear.scatter [tilespmem:s2], [sflag:$0x9], $0x3000, $0x38;
	[tilespmem:$0x1A800] =	vst v63  }
0x7c3: {  	_ =	swait.ge [sflag:s17], $0x3000  }
0x7c4: {  	[sflag:s17] =	ssyncset.done $0x0  }
0x7c5: {  	[sflag:s17] =	ssyncadd.s32 $0xFFFFD000  }
0x7c6: {  	v12 =	vld [tilespmem:$0x25E0];
	_ =	sdelay $0x4  }
0x7c7: {  	v13 =	vshrl.u32 v12, $0x3  }
0x7c8: {  	v13 =	vmul.u32 $0x18, v13  }
0x7c9: {  	v12 =	vand.u32 $0x7, v12  }
0x7ca: {  	v12 =	vor.u32 v12, v13  }
0x7cb: {  	v13 =	vperm.xlane v12, v6;
	_ =	sdelay $0x1  }
0x7cc: {  	v13 =	vadd.s32 v7, v13;
	_ =	sdelay $0x1  }
0x7cd: {  	v12 =	vperm.xlane v12, v8;
	_ =	sdelay $0x1  }
0x7ce: {  	v12 =	vadd.s32 v7, v12  }
0x7cf: {  	[tilespmem:s23], [sflag:$0x8] =	stream.indirect_vreg.gather [hbm4b:s1+s8], $0x80, v13, vm0, $0xb8;
	[tilespmem:$0x1A800] =	vst v63  }
0x7d0: {  	s17 =	simm.s32 $0x18000  }
0x7d1: {  	[tilespmem:s17], [sflag:$0x8] =	stream.indirect_vreg.gather [hbm4b:s29+s8], $0x80, v13, vm1, $0xb8;
	[tilespmem:$0x1A800] =	vst v63  }
0x7d2: {  	s18 =	simm.s32 $0x18400  }
0x7d3: {  	[tilespmem:s18], [sflag:$0x8] =	stream.indirect_vreg.gather [hbm4b:s1+s8], $0x80, v12, vm0, $0xb8;
	[tilespmem:$0x1A800] =	vst v63  }
0x7d4: {  	s20 =	simm.s32 $0x18C00  }
0x7d5: {  	[tilespmem:s20], [sflag:$0x8] =	stream.indirect_vreg.gather [hbm4b:s29+s8], $0x80, v12, vm1, $0xb8;
	[tilespmem:$0x1A800] =	vst v63  }
0x7d6: {  	v12 =	vld [tilespmem:$0x25F0];
	_ =	sdelay $0x4  }
0x7d7: {  	v13 =	vshrl.u32 v12, $0x3  }
0x7d8: {  	v13 =	vmul.u32 $0x18, v13  }
0x7d9: {  	v12 =	vand.u32 $0x7, v12  }
0x7da: {  	v12 =	vor.u32 v12, v13  }
0x7db: {  	v13 =	vperm.xlane v12, v6;
	_ =	sdelay $0x1  }
0x7dc: {  	v13 =	vadd.s32 v7, v13;
	_ =	sdelay $0x1  }
0x7dd: {  	v12 =	vperm.xlane v12, v8;
	_ =	sdelay $0x1  }
0x7de: {  	s21 =	simm.s32 $0x19000;
	v12 =	vadd.s32 v7, v12  }
0x7df: {  	[tilespmem:s21], [sflag:$0x8] =	stream.indirect_vreg.gather [hbm4b:s1+s8], $0x80, v13, vm0, $0xb8;
	[tilespmem:$0x1A800] =	vst v63  }
0x7e0: {  	s22 =	simm.s32 $0x19800  }
0x7e1: {  	[tilespmem:s22], [sflag:$0x8] =	stream.indirect_vreg.gather [hbm4b:s29+s8], $0x80, v13, vm1, $0xb8;
	[tilespmem:$0x1A800] =	vst v63  }
0x7e2: {  	s23 =	simm.s32 $0x19C00  }
0x7e3: {  	[tilespmem:s23], [sflag:$0x8] =	stream.indirect_vreg.gather [hbm4b:s1+s8], $0x80, v12, vm0, $0xb8;
	[tilespmem:$0x1A800] =	vst v63  }
0x7e4: {  	s24 =	simm.s32 $0x1A400  }
0x7e5: {  	[tilespmem:s24], [sflag:$0x8] =	stream.indirect_vreg.gather [hbm4b:s29+s8], $0x80, v12, vm1, $0xb8;
	[tilespmem:$0x1A800] =	vst v63  }
0x7e6: {  	_ =	swait.ge [sflag:s19], $0x3000  }
0x7e7: {  	s25 =	sld [smem:$0x7D1]  }
0x7e8: {  	[sflag:s19] =	ssyncset.done $0x0  }
0x7e9: {  	s4 =	simm.s32 $0x5800;
	s26 =	simm.s32 $0x14;
	[sflag:s19] =	ssyncadd.s32 $0xFFFFD000  }
0x7ea: {  	[hbm4b:s25+s8] =	stream.linear.scatter [tilespmem:s4], [sflag:$0xA], $0x3000, $0x38;
	[tilespmem:$0x1A800] =	vst v63  }
0x7eb: {  	_ =	swait.ge [sflag:s26], $0x400  }
0x7ec: {  	[sflag:s26] =	ssyncset.done $0x0  }
0x7ed: {  	[sflag:s26] =	ssyncadd.s32 $0xFFFFFC00;
	s26 =	simm.s32 $0xC00  }
0x7ee: {  	v12 =	vld [tilespmem:s26+$0x0]  }
0x7ef: {  	s31 =	simm.s32 $0x10  }
.LBB2_8:
0x7f0: {  	p0 =	sne.s32 s31, $0x3F0;
	_ =	sdelay $0x2  }
0x7f1: {  	vm2 =	vlt.s32 v12, $0x200;
	v13 =	vadd.s32 $0xFFFFFE00, v12;
	v14 =	vadd.s32 $0x600, v12  }
0x7f2: {  	v12 =	vsel vm2, v12, v13;
	v13 =	vnsel vm2, $0x0, v14  }
0x7f3: {  	v15 =	vsel vm2, $0x180, v11;
	v14 =	vand.u32 $0x7F, v12;
	v12 =	vshll.u32 v12, $0x3  }
0x7f4: {  	v12 =	vand.u32 $0xFFFFFC00, v12;
	v14 =	vor.u32 v15, v14  }
0x7f5: {  	v12 =	vor.u32 v12, v14;
	_ =	sdelay $0x3  }
.Ltmp3:
0x7f6: {  	v14 =	vor.u32 s8, v0;
	(pc) =	sbr.rel @p0 .LBB2_8-.Ltmp3, $4  }
0x7f7: {  	[tilespmem:v12+s28+$0x0] =	vst.idx.msk $0xffff, v14;
	v12 =	vor.u32 s8, v4;
	s8 =	smov.u32 s31  }
0x7f8: {  	s26 =	sadd.s32 $0x10, s26;
	[tilespmem:v13+s30+$0x0] =	vst.idx.msk vm2, v12  }
0x7f9: {  	v12 =	vld [tilespmem:s26+$0x0]  }
0x7fa: {  	s31 =	sadd.s32 $0x10, s31  }
0x7fb: {  	_ =	sdelay $0x2  }
0x7fc: {  	vm2 =	vlt.s32 v12, $0x200;
	v13 =	vadd.s32 $0xFFFFFE00, v12  }
0x7fd: {  	v13 =	vsel vm2, v12, v13  }
0x7fe: {  	v15 =	vsel vm2, $0x180, v11;
	v14 =	vand.u32 $0x7F, v13;
	v13 =	vshll.u32 v13, $0x3  }
0x7ff: {  	v13 =	vand.u32 $0xFFFFFC00, v13;
	v14 =	vor.u32 v15, v14  }
0x800: {  	v61 =	vadd.s32 $0x600, v12;
	v13 =	vor.u32 v13, v14  }
0x801: {  	v12 =	vnsel vm2, $0x0, v61;
	_ =	sdelay $0x2  }
0x802: {  	v62 =	vor.u32 s8, v0  }
0x803: {  	v63 =	vor.u32 s8, v4;
	[tilespmem:v13+s28+$0x0] =	vst.idx.msk $0xffff, v62  }
0x804: {  	s20 =	simm.s32 $0x9;
	[tilespmem:v12+s30+$0x0] =	vst.idx.msk vm2, v63  }
0x805: {  	_ =	swait.ge [sflag:s20], $0x3000  }
0x806: {  	[sflag:s20] =	ssyncset.done $0x0  }
0x807: {  	[sflag:s20] =	ssyncadd.s32 $0xFFFFD000  }
0x808: {  	v16 =	vld [tilespmem:$0x2600];
	_ =	sdelay $0x4  }
0x809: {  	v17 =	vshrl.u32 v16, $0x3  }
0x80a: {  	v13 =	vmul.u32 $0x18, v17  }
0x80b: {  	v12 =	vand.u32 $0x7, v16  }
0x80c: {  	v12 =	vor.u32 v12, v13  }
0x80d: {  	v13 =	vperm.xlane v12, v6;
	_ =	sdelay $0x1  }
0x80e: {  	v13 =	vadd.s32 v7, v13;
	_ =	sdelay $0x1  }
0x80f: {  	v12 =	vperm.xlane v12, v8;
	_ =	sdelay $0x1  }
0x810: {  	s0 =	simm.s32 $0x2800;
	v12 =	vadd.s32 v7, v12  }
0x811: {  	[tilespmem:s0], [sflag:$0x1] =	stream.indirect_vreg.gather [hbm4b:s1+s3], $0x80, v13, vm0, $0xb8;
	[tilespmem:$0x1A800] =	vst v63  }
0x812: {  	s26 =	simm.s32 $0x3000  }
0x813: {  	[tilespmem:s26], [sflag:$0x1] =	stream.indirect_vreg.gather [hbm4b:s29+s3], $0x80, v13, vm1, $0xb8;
	[tilespmem:$0x1A800] =	vst v63  }
0x814: {  	s21 =	simm.s32 $0x3400  }
0x815: {  	[tilespmem:s21], [sflag:$0x1] =	stream.indirect_vreg.gather [hbm4b:s1+s3], $0x80, v12, vm0, $0xb8;
	[tilespmem:$0x1A800] =	vst v63  }
0x816: {  	s22 =	simm.s32 $0x3C00  }
0x817: {  	[tilespmem:s22], [sflag:$0x1] =	stream.indirect_vreg.gather [hbm4b:s29+s3], $0x80, v12, vm1, $0xb8;
	[tilespmem:$0x1A800] =	vst v63  }
0x818: {  	v12 =	vld [tilespmem:$0x2610];
	_ =	sdelay $0x4  }
0x819: {  	v18 =	vshrl.u32 v12, $0x3  }
0x81a: {  	v13 =	vmul.u32 $0x18, v18  }
0x81b: {  	v12 =	vand.u32 $0x7, v12  }
0x81c: {  	v12 =	vor.u32 v12, v13  }
0x81d: {  	v13 =	vperm.xlane v12, v6;
	_ =	sdelay $0x1  }
0x81e: {  	v13 =	vadd.s32 v7, v13;
	_ =	sdelay $0x1  }
0x81f: {  	v12 =	vperm.xlane v12, v8;
	_ =	sdelay $0x1  }
0x820: {  	s23 =	simm.s32 $0x4000;
	v12 =	vadd.s32 v7, v12  }
0x821: {  	[tilespmem:s23], [sflag:$0x1] =	stream.indirect_vreg.gather [hbm4b:s1+s3], $0x80, v13, vm0, $0xb8;
	[tilespmem:$0x1A800] =	vst v63  }
0x822: {  	s24 =	simm.s32 $0x4800  }
0x823: {  	[tilespmem:s24], [sflag:$0x1] =	stream.indirect_vreg.gather [hbm4b:s29+s3], $0x80, v13, vm1, $0xb8;
	[tilespmem:$0x1A800] =	vst v63  }
0x824: {  	s25 =	simm.s32 $0x4C00  }
0x825: {  	[tilespmem:s25], [sflag:$0x1] =	stream.indirect_vreg.gather [hbm4b:s1+s3], $0x80, v12, vm0, $0xb8;
	[tilespmem:$0x1A800] =	vst v63  }
0x826: {  	s31 =	simm.s32 $0x5400;
	s18 =	simm.s32 $0x3  }
0x827: {  	[tilespmem:s31], [sflag:$0x1] =	stream.indirect_vreg.gather [hbm4b:s29+s3], $0x80, v12, vm1, $0xb8;
	[tilespmem:$0x1A800] =	vst v63  }
0x828: {  	_ =	swait.ge [sflag:s18], $0x3000  }
0x829: {  	s2 =	sld [smem:$0x7D2]  }
0x82a: {  	[sflag:s18] =	ssyncset.done $0x0  }
0x82b: {  	s19 =	simm.s32 $0xA;
	s31 =	simm.s32 $0x8800;
	[sflag:s18] =	ssyncadd.s32 $0xFFFFD000  }
0x82c: {  	[hbm4b:s2+s3] =	stream.linear.scatter [tilespmem:s31], [sflag:$0xB], $0x3000, $0x38;
	[tilespmem:$0x1A800] =	vst v63  }
0x82d: {  	_ =	swait.ge [sflag:s19], $0x3000  }
0x82e: {  	[sflag:s19] =	ssyncset.done $0x0  }
0x82f: {  	[sflag:s19] =	ssyncadd.s32 $0xFFFFD000  }
0x830: {  	v19 =	vld [tilespmem:$0x2620];
	_ =	sdelay $0x4  }
0x831: {  	v20 =	vshrl.u32 v19, $0x3  }
0x832: {  	v13 =	vmul.u32 $0x18, v20  }
0x833: {  	v12 =	vand.u32 $0x7, v19  }
0x834: {  	v12 =	vor.u32 v12, v13  }
0x835: {  	v13 =	vperm.xlane v12, v6;
	_ =	sdelay $0x1  }
0x836: {  	v13 =	vadd.s32 v7, v13;
	_ =	sdelay $0x1  }
0x837: {  	v12 =	vperm.xlane v12, v8;
	_ =	sdelay $0x1  }
0x838: {  	s4 =	simm.s32 $0x5800;
	v12 =	vadd.s32 v7, v12  }
0x839: {  	[tilespmem:s4], [sflag:$0x2] =	stream.indirect_vreg.gather [hbm4b:s1+s3], $0x80, v13, vm0, $0xb8;
	[tilespmem:$0x1A800] =	vst v63  }
0x83a: {  	s5 =	simm.s32 $0x6000  }
0x83b: {  	[tilespmem:s5], [sflag:$0x2] =	stream.indirect_vreg.gather [hbm4b:s29+s3], $0x80, v13, vm1, $0xb8;
	[tilespmem:$0x1A800] =	vst v63  }
0x83c: {  	s6 =	simm.s32 $0x6400  }
0x83d: {  	[tilespmem:s6], [sflag:$0x2] =	stream.indirect_vreg.gather [hbm4b:s1+s3], $0x80, v12, vm0, $0xb8;
	[tilespmem:$0x1A800] =	vst v63  }
0x83e: {  	s7 =	simm.s32 $0x6C00  }
0x83f: {  	[tilespmem:s7], [sflag:$0x2] =	stream.indirect_vreg.gather [hbm4b:s29+s3], $0x80, v12, vm1, $0xb8;
	[tilespmem:$0x1A800] =	vst v63  }
0x840: {  	v12 =	vld [tilespmem:$0x2630];
	_ =	sdelay $0x4  }
0x841: {  	v21 =	vshrl.u32 v12, $0x3  }
0x842: {  	v13 =	vmul.u32 $0x18, v21  }
0x843: {  	v12 =	vand.u32 $0x7, v12  }
0x844: {  	v12 =	vor.u32 v12, v13  }
0x845: {  	v13 =	vperm.xlane v12, v6;
	_ =	sdelay $0x1  }
0x846: {  	v13 =	vadd.s32 v7, v13;
	_ =	sdelay $0x1  }
0x847: {  	v12 =	vperm.xlane v12, v8;
	_ =	sdelay $0x1  }
0x848: {  	s8 =	simm.s32 $0x7000;
	v12 =	vadd.s32 v7, v12  }
0x849: {  	[tilespmem:s8], [sflag:$0x2] =	stream.indirect_vreg.gather [hbm4b:s1+s3], $0x80, v13, vm0, $0xb8;
	[tilespmem:$0x1A800] =	vst v63  }
0x84a: {  	s9 =	simm.s32 $0x7800  }
0x84b: {  	[tilespmem:s9], [sflag:$0x2] =	stream.indirect_vreg.gather [hbm4b:s29+s3], $0x80, v13, vm1, $0xb8;
	[tilespmem:$0x1A800] =	vst v63  }
0x84c: {  	s10 =	simm.s32 $0x7C00  }
0x84d: {  	[tilespmem:s10], [sflag:$0x2] =	stream.indirect_vreg.gather [hbm4b:s1+s3], $0x80, v12, vm0, $0xb8;
	[tilespmem:$0x1A800] =	vst v63  }
0x84e: {  	s11 =	simm.s32 $0x8400;
	s16 =	simm.s32 $0x4  }
0x84f: {  	[tilespmem:s11], [sflag:$0x2] =	stream.indirect_vreg.gather [hbm4b:s29+s3], $0x80, v12, vm1, $0xb8;
	[tilespmem:$0x1A800] =	vst v63  }
0x850: {  	_ =	swait.ge [sflag:s16], $0x3000  }
0x851: {  	s12 =	sld [smem:$0x7D3]  }
0x852: {  	[sflag:s16] =	ssyncset.done $0x0  }
0x853: {  	s17 =	simm.s32 $0xB;
	s25 =	simm.s32 $0xB800;
	[sflag:s16] =	ssyncadd.s32 $0xFFFFD000  }
0x854: {  	[hbm4b:s12+s3] =	stream.linear.scatter [tilespmem:s25], [sflag:$0xC], $0x3000, $0x38;
	[tilespmem:$0x1A800] =	vst v63  }
0x855: {  	_ =	swait.ge [sflag:s17], $0x3000  }
0x856: {  	[sflag:s17] =	ssyncset.done $0x0  }
0x857: {  	[sflag:s17] =	ssyncadd.s32 $0xFFFFD000  }
0x858: {  	v22 =	vld [tilespmem:$0x2640];
	_ =	sdelay $0x4  }
0x859: {  	v23 =	vshrl.u32 v22, $0x3  }
0x85a: {  	v13 =	vmul.u32 $0x18, v23  }
0x85b: {  	v12 =	vand.u32 $0x7, v22  }
0x85c: {  	v12 =	vor.u32 v12, v13  }
0x85d: {  	v13 =	vperm.xlane v12, v6;
	_ =	sdelay $0x1  }
0x85e: {  	v13 =	vadd.s32 v7, v13;
	_ =	sdelay $0x1  }
0x85f: {  	v12 =	vperm.xlane v12, v8;
	_ =	sdelay $0x1  }
0x860: {  	v12 =	vadd.s32 v7, v12  }
0x861: {  	[tilespmem:s31], [sflag:$0x3] =	stream.indirect_vreg.gather [hbm4b:s1+s3], $0x80, v13, vm0, $0xb8;
	[tilespmem:$0x1A800] =	vst v63  }
0x862: {  	s13 =	simm.s32 $0x9000  }
0x863: {  	[tilespmem:s13], [sflag:$0x3] =	stream.indirect_vreg.gather [hbm4b:s29+s3], $0x80, v13, vm1, $0xb8;
	[tilespmem:$0x1A800] =	vst v63  }
0x864: {  	s14 =	simm.s32 $0x9400  }
0x865: {  	[tilespmem:s14], [sflag:$0x3] =	stream.indirect_vreg.gather [hbm4b:s1+s3], $0x80, v12, vm0, $0xb8;
	[tilespmem:$0x1A800] =	vst v63  }
0x866: {  	s15 =	simm.s32 $0x9C00  }
0x867: {  	[tilespmem:s15], [sflag:$0x3] =	stream.indirect_vreg.gather [hbm4b:s29+s3], $0x80, v12, vm1, $0xb8;
	[tilespmem:$0x1A800] =	vst v63  }
0x868: {  	v12 =	vld [tilespmem:$0x2650];
	_ =	sdelay $0x4  }
0x869: {  	v24 =	vshrl.u32 v12, $0x3  }
0x86a: {  	v13 =	vmul.u32 $0x18, v24  }
0x86b: {  	v12 =	vand.u32 $0x7, v12  }
0x86c: {  	v12 =	vor.u32 v12, v13  }
0x86d: {  	v13 =	vperm.xlane v12, v6;
	_ =	sdelay $0x1  }
0x86e: {  	v13 =	vadd.s32 v7, v13;
	_ =	sdelay $0x1  }
0x86f: {  	v12 =	vperm.xlane v12, v8;
	_ =	sdelay $0x1  }
0x870: {  	s21 =	simm.s32 $0xA000;
	v12 =	vadd.s32 v7, v12  }
0x871: {  	[tilespmem:s21], [sflag:$0x3] =	stream.indirect_vreg.gather [hbm4b:s1+s3], $0x80, v13, vm0, $0xb8;
	[tilespmem:$0x1A800] =	vst v63  }
0x872: {  	s22 =	simm.s32 $0xA800  }
0x873: {  	[tilespmem:s22], [sflag:$0x3] =	stream.indirect_vreg.gather [hbm4b:s29+s3], $0x80, v13, vm1, $0xb8;
	[tilespmem:$0x1A800] =	vst v63  }
0x874: {  	s23 =	simm.s32 $0xAC00  }
0x875: {  	[tilespmem:s23], [sflag:$0x3] =	stream.indirect_vreg.gather [hbm4b:s1+s3], $0x80, v12, vm0, $0xb8;
	[tilespmem:$0x1A800] =	vst v63  }
0x876: {  	s24 =	simm.s32 $0xB400;
	s14 =	simm.s32 $0x5  }
0x877: {  	[tilespmem:s24], [sflag:$0x3] =	stream.indirect_vreg.gather [hbm4b:s29+s3], $0x80, v12, vm1, $0xb8;
	[tilespmem:$0x1A800] =	vst v63  }
0x878: {  	_ =	swait.ge [sflag:s14], $0x3000  }
0x879: {  	s0 =	sld [smem:$0x7D4]  }
0x87a: {  	[sflag:s14] =	ssyncset.done $0x0  }
0x87b: {  	s15 =	simm.s32 $0xC;
	s24 =	simm.s32 $0xE800;
	[sflag:s14] =	ssyncadd.s32 $0xFFFFD000  }
0x87c: {  	[hbm4b:s0+s3] =	stream.linear.scatter [tilespmem:s24], [sflag:$0xD], $0x3000, $0x38;
	[tilespmem:$0x1A800] =	vst v63  }
0x87d: {  	_ =	swait.ge [sflag:s15], $0x3000  }
0x87e: {  	[sflag:s15] =	ssyncset.done $0x0  }
0x87f: {  	[sflag:s15] =	ssyncadd.s32 $0xFFFFD000  }
0x880: {  	v25 =	vld [tilespmem:$0x2660];
	_ =	sdelay $0x4  }
0x881: {  	v26 =	vshrl.u32 v25, $0x3  }
0x882: {  	v13 =	vmul.u32 $0x18, v26  }
0x883: {  	v12 =	vand.u32 $0x7, v25  }
0x884: {  	v12 =	vor.u32 v12, v13  }
0x885: {  	v13 =	vperm.xlane v12, v6;
	_ =	sdelay $0x1  }
0x886: {  	v13 =	vadd.s32 v7, v13;
	_ =	sdelay $0x1  }
0x887: {  	v12 =	vperm.xlane v12, v8;
	_ =	sdelay $0x1  }
0x888: {  	v12 =	vadd.s32 v7, v12  }
0x889: {  	[tilespmem:s25], [sflag:$0x4] =	stream.indirect_vreg.gather [hbm4b:s1+s3], $0x80, v13, vm0, $0xb8;
	[tilespmem:$0x1A800] =	vst v63  }
0x88a: {  	s2 =	simm.s32 $0xC000  }
0x88b: {  	[tilespmem:s2], [sflag:$0x4] =	stream.indirect_vreg.gather [hbm4b:s29+s3], $0x80, v13, vm1, $0xb8;
	[tilespmem:$0x1A800] =	vst v63  }
0x88c: {  	s4 =	simm.s32 $0xC400  }
0x88d: {  	[tilespmem:s4], [sflag:$0x4] =	stream.indirect_vreg.gather [hbm4b:s1+s3], $0x80, v12, vm0, $0xb8;
	[tilespmem:$0x1A800] =	vst v63  }
0x88e: {  	s5 =	simm.s32 $0xCC00  }
0x88f: {  	[tilespmem:s5], [sflag:$0x4] =	stream.indirect_vreg.gather [hbm4b:s29+s3], $0x80, v12, vm1, $0xb8;
	[tilespmem:$0x1A800] =	vst v63  }
0x890: {  	v12 =	vld [tilespmem:$0x2670];
	_ =	sdelay $0x4  }
0x891: {  	v27 =	vshrl.u32 v12, $0x3  }
0x892: {  	v13 =	vmul.u32 $0x18, v27  }
0x893: {  	v12 =	vand.u32 $0x7, v12  }
0x894: {  	v12 =	vor.u32 v12, v13  }
0x895: {  	v13 =	vperm.xlane v12, v6;
	_ =	sdelay $0x1  }
0x896: {  	v13 =	vadd.s32 v7, v13;
	_ =	sdelay $0x1  }
0x897: {  	v12 =	vperm.xlane v12, v8;
	_ =	sdelay $0x1  }
0x898: {  	s6 =	simm.s32 $0xD000;
	v12 =	vadd.s32 v7, v12  }
0x899: {  	[tilespmem:s6], [sflag:$0x4] =	stream.indirect_vreg.gather [hbm4b:s1+s3], $0x80, v13, vm0, $0xb8;
	[tilespmem:$0x1A800] =	vst v63  }
0x89a: {  	s7 =	simm.s32 $0xD800  }
0x89b: {  	[tilespmem:s7], [sflag:$0x4] =	stream.indirect_vreg.gather [hbm4b:s29+s3], $0x80, v13, vm1, $0xb8;
	[tilespmem:$0x1A800] =	vst v63  }
0x89c: {  	s8 =	simm.s32 $0xDC00  }
0x89d: {  	[tilespmem:s8], [sflag:$0x4] =	stream.indirect_vreg.gather [hbm4b:s1+s3], $0x80, v12, vm0, $0xb8;
	[tilespmem:$0x1A800] =	vst v63  }
0x89e: {  	s9 =	simm.s32 $0xE400;
	s12 =	simm.s32 $0x6  }
0x89f: {  	[tilespmem:s9], [sflag:$0x4] =	stream.indirect_vreg.gather [hbm4b:s29+s3], $0x80, v12, vm1, $0xb8;
	[tilespmem:$0x1A800] =	vst v63  }
0x8a0: {  	_ =	swait.ge [sflag:s12], $0x3000  }
0x8a1: {  	s10 =	sld [smem:$0x7D5]  }
0x8a2: {  	[sflag:s12] =	ssyncset.done $0x0  }
0x8a3: {  	s13 =	simm.s32 $0xD;
	s23 =	simm.s32 $0x11800;
	[sflag:s12] =	ssyncadd.s32 $0xFFFFD000  }
0x8a4: {  	[hbm4b:s10+s3] =	stream.linear.scatter [tilespmem:s23], [sflag:$0xE], $0x3000, $0x38;
	[tilespmem:$0x1A800] =	vst v63  }
0x8a5: {  	_ =	swait.ge [sflag:s13], $0x3000  }
0x8a6: {  	[sflag:s13] =	ssyncset.done $0x0  }
0x8a7: {  	[sflag:s13] =	ssyncadd.s32 $0xFFFFD000  }
0x8a8: {  	v28 =	vld [tilespmem:$0x2680];
	_ =	sdelay $0x4  }
0x8a9: {  	v29 =	vshrl.u32 v28, $0x3  }
0x8aa: {  	v13 =	vmul.u32 $0x18, v29  }
0x8ab: {  	v12 =	vand.u32 $0x7, v28  }
0x8ac: {  	v12 =	vor.u32 v12, v13  }
0x8ad: {  	v13 =	vperm.xlane v12, v6;
	_ =	sdelay $0x1  }
0x8ae: {  	v13 =	vadd.s32 v7, v13;
	_ =	sdelay $0x1  }
0x8af: {  	v12 =	vperm.xlane v12, v8;
	_ =	sdelay $0x1  }
0x8b0: {  	v12 =	vadd.s32 v7, v12  }
0x8b1: {  	[tilespmem:s24], [sflag:$0x5] =	stream.indirect_vreg.gather [hbm4b:s1+s3], $0x80, v13, vm0, $0xb8;
	[tilespmem:$0x1A800] =	vst v63  }
0x8b2: {  	s11 =	simm.s32 $0xF000  }
0x8b3: {  	[tilespmem:s11], [sflag:$0x5] =	stream.indirect_vreg.gather [hbm4b:s29+s3], $0x80, v13, vm1, $0xb8;
	[tilespmem:$0x1A800] =	vst v63  }
0x8b4: {  	s21 =	simm.s32 $0xF400  }
0x8b5: {  	[tilespmem:s21], [sflag:$0x5] =	stream.indirect_vreg.gather [hbm4b:s1+s3], $0x80, v12, vm0, $0xb8;
	[tilespmem:$0x1A800] =	vst v63  }
0x8b6: {  	s22 =	simm.s32 $0xFC00  }
0x8b7: {  	[tilespmem:s22], [sflag:$0x5] =	stream.indirect_vreg.gather [hbm4b:s29+s3], $0x80, v12, vm1, $0xb8;
	[tilespmem:$0x1A800] =	vst v63  }
0x8b8: {  	v12 =	vld [tilespmem:$0x2690];
	_ =	sdelay $0x4  }
0x8b9: {  	v30 =	vshrl.u32 v12, $0x3  }
0x8ba: {  	v13 =	vmul.u32 $0x18, v30  }
0x8bb: {  	v12 =	vand.u32 $0x7, v12  }
0x8bc: {  	v12 =	vor.u32 v12, v13  }
0x8bd: {  	v13 =	vperm.xlane v12, v6;
	_ =	sdelay $0x1  }
0x8be: {  	v13 =	vadd.s32 v7, v13;
	_ =	sdelay $0x1  }
0x8bf: {  	v12 =	vperm.xlane v12, v8;
	_ =	sdelay $0x1  }
0x8c0: {  	s2 =	simm.s32 $0x10000;
	v12 =	vadd.s32 v7, v12  }
0x8c1: {  	[tilespmem:s2], [sflag:$0x5] =	stream.indirect_vreg.gather [hbm4b:s1+s3], $0x80, v13, vm0, $0xb8;
	[tilespmem:$0x1A800] =	vst v63  }
0x8c2: {  	s4 =	simm.s32 $0x10800  }
0x8c3: {  	[tilespmem:s4], [sflag:$0x5] =	stream.indirect_vreg.gather [hbm4b:s29+s3], $0x80, v13, vm1, $0xb8;
	[tilespmem:$0x1A800] =	vst v63  }
0x8c4: {  	s5 =	simm.s32 $0x10C00  }
0x8c5: {  	[tilespmem:s5], [sflag:$0x5] =	stream.indirect_vreg.gather [hbm4b:s1+s3], $0x80, v12, vm0, $0xb8;
	[tilespmem:$0x1A800] =	vst v63  }
0x8c6: {  	s6 =	simm.s32 $0x11400;
	s10 =	simm.s32 $0x7  }
0x8c7: {  	[tilespmem:s6], [sflag:$0x5] =	stream.indirect_vreg.gather [hbm4b:s29+s3], $0x80, v12, vm1, $0xb8;
	[tilespmem:$0x1A800] =	vst v63  }
0x8c8: {  	_ =	swait.ge [sflag:s10], $0x3000  }
0x8c9: {  	s7 =	sld [smem:$0x7D6]  }
0x8ca: {  	[sflag:s10] =	ssyncset.done $0x0  }
0x8cb: {  	s11 =	simm.s32 $0xE;
	s22 =	simm.s32 $0x14800;
	[sflag:s10] =	ssyncadd.s32 $0xFFFFD000  }
0x8cc: {  	[hbm4b:s7+s3] =	stream.linear.scatter [tilespmem:s22], [sflag:$0xF], $0x3000, $0x38;
	[tilespmem:$0x1A800] =	vst v63  }
0x8cd: {  	_ =	swait.ge [sflag:s11], $0x3000  }
0x8ce: {  	[sflag:s11] =	ssyncset.done $0x0  }
0x8cf: {  	[sflag:s11] =	ssyncadd.s32 $0xFFFFD000  }
0x8d0: {  	v31 =	vld [tilespmem:$0x26A0];
	_ =	sdelay $0x4  }
0x8d1: {  	v32 =	vshrl.u32 v31, $0x3  }
0x8d2: {  	v13 =	vmul.u32 $0x18, v32  }
0x8d3: {  	v12 =	vand.u32 $0x7, v31  }
0x8d4: {  	v12 =	vor.u32 v12, v13  }
0x8d5: {  	v13 =	vperm.xlane v12, v6;
	_ =	sdelay $0x1  }
0x8d6: {  	v13 =	vadd.s32 v7, v13;
	_ =	sdelay $0x1  }
0x8d7: {  	v12 =	vperm.xlane v12, v8;
	_ =	sdelay $0x1  }
0x8d8: {  	v12 =	vadd.s32 v7, v12  }
0x8d9: {  	[tilespmem:s23], [sflag:$0x6] =	stream.indirect_vreg.gather [hbm4b:s1+s3], $0x80, v13, vm0, $0xb8;
	[tilespmem:$0x1A800] =	vst v63  }
0x8da: {  	s8 =	simm.s32 $0x12000  }
0x8db: {  	[tilespmem:s8], [sflag:$0x6] =	stream.indirect_vreg.gather [hbm4b:s29+s3], $0x80, v13, vm1, $0xb8;
	[tilespmem:$0x1A800] =	vst v63  }
0x8dc: {  	s9 =	simm.s32 $0x12400  }
0x8dd: {  	[tilespmem:s9], [sflag:$0x6] =	stream.indirect_vreg.gather [hbm4b:s1+s3], $0x80, v12, vm0, $0xb8;
	[tilespmem:$0x1A800] =	vst v63  }
0x8de: {  	s21 =	simm.s32 $0x12C00  }
0x8df: {  	[tilespmem:s21], [sflag:$0x6] =	stream.indirect_vreg.gather [hbm4b:s29+s3], $0x80, v12, vm1, $0xb8;
	[tilespmem:$0x1A800] =	vst v63  }
0x8e0: {  	v12 =	vld [tilespmem:$0x26B0];
	_ =	sdelay $0x4  }
0x8e1: {  	v33 =	vshrl.u32 v12, $0x3  }
0x8e2: {  	v13 =	vmul.u32 $0x18, v33  }
0x8e3: {  	v12 =	vand.u32 $0x7, v12  }
0x8e4: {  	v12 =	vor.u32 v12, v13  }
0x8e5: {  	v13 =	vperm.xlane v12, v6;
	_ =	sdelay $0x1  }
0x8e6: {  	v13 =	vadd.s32 v7, v13;
	_ =	sdelay $0x1  }
0x8e7: {  	v12 =	vperm.xlane v12, v8;
	_ =	sdelay $0x1  }
0x8e8: {  	s2 =	simm.s32 $0x13000;
	v12 =	vadd.s32 v7, v12  }
0x8e9: {  	[tilespmem:s2], [sflag:$0x6] =	stream.indirect_vreg.gather [hbm4b:s1+s3], $0x80, v13, vm0, $0xb8;
	[tilespmem:$0x1A800] =	vst v63  }
0x8ea: {  	s4 =	simm.s32 $0x13800  }
0x8eb: {  	[tilespmem:s4], [sflag:$0x6] =	stream.indirect_vreg.gather [hbm4b:s29+s3], $0x80, v13, vm1, $0xb8;
	[tilespmem:$0x1A800] =	vst v63  }
0x8ec: {  	s5 =	simm.s32 $0x13C00  }
0x8ed: {  	[tilespmem:s5], [sflag:$0x6] =	stream.indirect_vreg.gather [hbm4b:s1+s3], $0x80, v12, vm0, $0xb8;
	[tilespmem:$0x1A800] =	vst v63  }
0x8ee: {  	s6 =	simm.s32 $0x14400  }
0x8ef: {  	[tilespmem:s6], [sflag:$0x6] =	stream.indirect_vreg.gather [hbm4b:s29+s3], $0x80, v12, vm1, $0xb8;
	[tilespmem:$0x1A800] =	vst v63  }
0x8f0: {  	s6 =	simm.s32 $0x8  }
0x8f1: {  	_ =	swait.ge [sflag:s6], $0x3000  }
0x8f2: {  	s7 =	sld [smem:$0x7D7]  }
0x8f3: {  	[sflag:s6] =	ssyncset.done $0x0  }
0x8f4: {  	s21 =	simm.s32 $0x17800;
	[sflag:s6] =	ssyncadd.s32 $0xFFFFD000  }
0x8f5: {  	[hbm4b:s7+s3] =	stream.linear.scatter [tilespmem:s21], [sflag:$0x10], $0x3000, $0x38;
	[tilespmem:$0x1A800] =	vst v63  }
0x8f6: {  	s7 =	simm.s32 $0xF  }
0x8f7: {  	_ =	swait.ge [sflag:s7], $0x3000  }
0x8f8: {  	[sflag:s7] =	ssyncset.done $0x0  }
0x8f9: {  	[sflag:s7] =	ssyncadd.s32 $0xFFFFD000  }
0x8fa: {  	v34 =	vld [tilespmem:$0x26C0];
	_ =	sdelay $0x4  }
0x8fb: {  	v35 =	vshrl.u32 v34, $0x3  }
0x8fc: {  	v13 =	vmul.u32 $0x18, v35  }
0x8fd: {  	v12 =	vand.u32 $0x7, v34  }
0x8fe: {  	v12 =	vor.u32 v12, v13  }
0x8ff: {  	v13 =	vperm.xlane v12, v6;
	_ =	sdelay $0x1  }
0x900: {  	v13 =	vadd.s32 v7, v13;
	_ =	sdelay $0x1  }
0x901: {  	v12 =	vperm.xlane v12, v8;
	_ =	sdelay $0x1  }
0x902: {  	v12 =	vadd.s32 v7, v12  }
0x903: {  	[tilespmem:s22], [sflag:$0x7] =	stream.indirect_vreg.gather [hbm4b:s1+s3], $0x80, v13, vm0, $0xb8;
	[tilespmem:$0x1A800] =	vst v63  }
0x904: {  	s9 =	simm.s32 $0x15000  }
0x905: {  	[tilespmem:s9], [sflag:$0x7] =	stream.indirect_vreg.gather [hbm4b:s29+s3], $0x80, v13, vm1, $0xb8;
	[tilespmem:$0x1A800] =	vst v63  }
0x906: {  	s2 =	simm.s32 $0x15400  }
0x907: {  	[tilespmem:s2], [sflag:$0x7] =	stream.indirect_vreg.gather [hbm4b:s1+s3], $0x80, v12, vm0, $0xb8;
	[tilespmem:$0x1A800] =	vst v63  }
0x908: {  	s4 =	simm.s32 $0x15C00  }
0x909: {  	[tilespmem:s4], [sflag:$0x7] =	stream.indirect_vreg.gather [hbm4b:s29+s3], $0x80, v12, vm1, $0xb8;
	[tilespmem:$0x1A800] =	vst v63  }
0x90a: {  	v12 =	vld [tilespmem:$0x26D0];
	_ =	sdelay $0x4  }
0x90b: {  	v36 =	vshrl.u32 v12, $0x3  }
0x90c: {  	v13 =	vmul.u32 $0x18, v36  }
0x90d: {  	v12 =	vand.u32 $0x7, v12  }
0x90e: {  	v12 =	vor.u32 v12, v13  }
0x90f: {  	v13 =	vperm.xlane v12, v6;
	_ =	sdelay $0x1  }
0x910: {  	v13 =	vadd.s32 v7, v13;
	_ =	sdelay $0x1  }
0x911: {  	v12 =	vperm.xlane v12, v8;
	_ =	sdelay $0x1  }
0x912: {  	s5 =	simm.s32 $0x16000;
	v12 =	vadd.s32 v7, v12  }
0x913: {  	[tilespmem:s5], [sflag:$0x7] =	stream.indirect_vreg.gather [hbm4b:s1+s3], $0x80, v13, vm0, $0xb8;
	[tilespmem:$0x1A800] =	vst v63  }
0x914: {  	s8 =	simm.s32 $0x16800  }
0x915: {  	[tilespmem:s8], [sflag:$0x7] =	stream.indirect_vreg.gather [hbm4b:s29+s3], $0x80, v13, vm1, $0xb8;
	[tilespmem:$0x1A800] =	vst v63  }
0x916: {  	s9 =	simm.s32 $0x16C00  }
0x917: {  	[tilespmem:s9], [sflag:$0x7] =	stream.indirect_vreg.gather [hbm4b:s1+s3], $0x80, v12, vm0, $0xb8;
	[tilespmem:$0x1A800] =	vst v63  }
0x918: {  	s2 =	simm.s32 $0x17400;
	s9 =	simm.s32 $0x1  }
0x919: {  	[tilespmem:s2], [sflag:$0x7] =	stream.indirect_vreg.gather [hbm4b:s29+s3], $0x80, v12, vm1, $0xb8;
	[tilespmem:$0x1A800] =	vst v63  }
0x91a: {  	_ =	swait.ge [sflag:s9], $0x3000  }
0x91b: {  	s4 =	sld [smem:$0x7D8]  }
0x91c: {  	[sflag:s9] =	ssyncset.done $0x0  }
0x91d: {  	s2 =	simm.s32 $0x2800;
	[sflag:s9] =	ssyncadd.s32 $0xFFFFD000  }
0x91e: {  	[hbm4b:s4+s3] =	stream.linear.scatter [tilespmem:s2], [sflag:$0x9], $0x3000, $0x38;
	[tilespmem:$0x1A800] =	vst v63  }
0x91f: {  	s4 =	simm.s32 $0x10  }
0x920: {  	_ =	swait.ge [sflag:s4], $0x3000  }
0x921: {  	[sflag:s4] =	ssyncset.done $0x0  }
0x922: {  	[sflag:s4] =	ssyncadd.s32 $0xFFFFD000  }
0x923: {  	v37 =	vld [tilespmem:$0x26E0];
	_ =	sdelay $0x4  }
0x924: {  	v38 =	vshrl.u32 v37, $0x3  }
0x925: {  	v13 =	vmul.u32 $0x18, v38  }
0x926: {  	v12 =	vand.u32 $0x7, v37  }
0x927: {  	v12 =	vor.u32 v12, v13  }
0x928: {  	v13 =	vperm.xlane v12, v6;
	_ =	sdelay $0x1  }
0x929: {  	v13 =	vadd.s32 v7, v13;
	_ =	sdelay $0x1  }
0x92a: {  	v12 =	vperm.xlane v12, v8;
	_ =	sdelay $0x1  }
0x92b: {  	v12 =	vadd.s32 v7, v12  }
0x92c: {  	[tilespmem:s21], [sflag:$0x8] =	stream.indirect_vreg.gather [hbm4b:s1+s3], $0x80, v13, vm0, $0xb8;
	[tilespmem:$0x1A800] =	vst v63  }
0x92d: {  	s5 =	simm.s32 $0x18000  }
0x92e: {  	[tilespmem:s5], [sflag:$0x8] =	stream.indirect_vreg.gather [hbm4b:s29+s3], $0x80, v13, vm1, $0xb8;
	[tilespmem:$0x1A800] =	vst v63  }
0x92f: {  	s8 =	simm.s32 $0x18400  }
0x930: {  	[tilespmem:s8], [sflag:$0x8] =	stream.indirect_vreg.gather [hbm4b:s1+s3], $0x80, v12, vm0, $0xb8;
	[tilespmem:$0x1A800] =	vst v63  }
0x931: {  	s5 =	simm.s32 $0x18C00  }
0x932: {  	[tilespmem:s5], [sflag:$0x8] =	stream.indirect_vreg.gather [hbm4b:s29+s3], $0x80, v12, vm1, $0xb8;
	[tilespmem:$0x1A800] =	vst v63  }
0x933: {  	v12 =	vld [tilespmem:$0x26F0];
	_ =	sdelay $0x4  }
0x934: {  	v39 =	vshrl.u32 v12, $0x3  }
0x935: {  	v13 =	vmul.u32 $0x18, v39  }
0x936: {  	v12 =	vand.u32 $0x7, v12  }
0x937: {  	v12 =	vor.u32 v12, v13  }
0x938: {  	v13 =	vperm.xlane v12, v6;
	_ =	sdelay $0x1  }
0x939: {  	v13 =	vadd.s32 v7, v13;
	_ =	sdelay $0x1  }
0x93a: {  	v12 =	vperm.xlane v12, v8;
	_ =	sdelay $0x1  }
0x93b: {  	s8 =	simm.s32 $0x19000;
	v12 =	vadd.s32 v7, v12  }
0x93c: {  	[tilespmem:s8], [sflag:$0x8] =	stream.indirect_vreg.gather [hbm4b:s1+s3], $0x80, v13, vm0, $0xb8;
	[tilespmem:$0x1A800] =	vst v63  }
0x93d: {  	s5 =	simm.s32 $0x19800  }
0x93e: {  	[tilespmem:s5], [sflag:$0x8] =	stream.indirect_vreg.gather [hbm4b:s29+s3], $0x80, v13, vm1, $0xb8;
	[tilespmem:$0x1A800] =	vst v63  }
0x93f: {  	s8 =	simm.s32 $0x19C00  }
0x940: {  	[tilespmem:s8], [sflag:$0x8] =	stream.indirect_vreg.gather [hbm4b:s1+s3], $0x80, v12, vm0, $0xb8;
	[tilespmem:$0x1A800] =	vst v63  }
0x941: {  	s5 =	simm.s32 $0x1A400  }
0x942: {  	[tilespmem:s5], [sflag:$0x8] =	stream.indirect_vreg.gather [hbm4b:s29+s3], $0x80, v12, vm1, $0xb8;
	[tilespmem:$0x1A800] =	vst v63  }
0x943: {  	s5 =	simm.s32 $0x2  }
0x944: {  	_ =	swait.ge [sflag:s5], $0x3000  }
0x945: {  	s8 =	sld [smem:$0x7D9]  }
0x946: {  	[sflag:s5] =	ssyncset.done $0x0  }
0x947: {  	s0 =	simm.s32 $0x5800;
	[sflag:s5] =	ssyncadd.s32 $0xFFFFD000  }
0x948: {  	[hbm4b:s8+s3] =	stream.linear.scatter [tilespmem:s0], [sflag:$0xA], $0x3000, $0x38;
	[tilespmem:$0x1A800] =	vst v63  }
0x949: {  	_ =	swait.ge [sflag:s20], $0x3000  }
0x94a: {  	[sflag:s20] =	ssyncset.done $0x0  }
0x94b: {  	[sflag:s20] =	ssyncadd.s32 $0xFFFFD000  }
0x94c: {  	v40 =	vld [tilespmem:$0x2700];
	_ =	sdelay $0x4  }
0x94d: {  	v41 =	vshrl.u32 v40, $0x3  }
0x94e: {  	v13 =	vmul.u32 $0x18, v41  }
0x94f: {  	v12 =	vand.u32 $0x7, v40  }
0x950: {  	v12 =	vor.u32 v12, v13  }
0x951: {  	v13 =	vperm.xlane v12, v6;
	_ =	sdelay $0x1  }
0x952: {  	v13 =	vadd.s32 v7, v13;
	_ =	sdelay $0x1  }
0x953: {  	v12 =	vperm.xlane v12, v8;
	_ =	sdelay $0x1  }
0x954: {  	v12 =	vadd.s32 v7, v12  }
0x955: {  	[tilespmem:s2], [sflag:$0x1] =	stream.indirect_vreg.gather [hbm4b:s1+s3], $0x80, v13, vm0, $0xb8;
	[tilespmem:$0x1A800] =	vst v63  }
0x956: {  	_ = 	snop  }
0x957: {  	[tilespmem:s26], [sflag:$0x1] =	stream.indirect_vreg.gather [hbm4b:s29+s3], $0x80, v13, vm1, $0xb8;
	[tilespmem:$0x1A800] =	vst v63  }
0x958: {  	s8 =	simm.s32 $0x3400  }
0x959: {  	[tilespmem:s8], [sflag:$0x1] =	stream.indirect_vreg.gather [hbm4b:s1+s3], $0x80, v12, vm0, $0xb8;
	[tilespmem:$0x1A800] =	vst v63  }
0x95a: {  	s26 =	simm.s32 $0x3C00  }
0x95b: {  	[tilespmem:s26], [sflag:$0x1] =	stream.indirect_vreg.gather [hbm4b:s29+s3], $0x80, v12, vm1, $0xb8;
	[tilespmem:$0x1A800] =	vst v63  }
0x95c: {  	v12 =	vld [tilespmem:$0x2710];
	_ =	sdelay $0x4  }
0x95d: {  	v42 =	vshrl.u32 v12, $0x3  }
0x95e: {  	v13 =	vmul.u32 $0x18, v42  }
0x95f: {  	v12 =	vand.u32 $0x7, v12  }
0x960: {  	v12 =	vor.u32 v12, v13  }
0x961: {  	v13 =	vperm.xlane v12, v6;
	_ =	sdelay $0x1  }
0x962: {  	v13 =	vadd.s32 v7, v13;
	_ =	sdelay $0x1  }
0x963: {  	v12 =	vperm.xlane v12, v8;
	_ =	sdelay $0x1  }
0x964: {  	s8 =	simm.s32 $0x4000;
	v12 =	vadd.s32 v7, v12  }
0x965: {  	[tilespmem:s8], [sflag:$0x1] =	stream.indirect_vreg.gather [hbm4b:s1+s3], $0x80, v13, vm0, $0xb8;
	[tilespmem:$0x1A800] =	vst v63  }
0x966: {  	s26 =	simm.s32 $0x4800  }
0x967: {  	[tilespmem:s26], [sflag:$0x1] =	stream.indirect_vreg.gather [hbm4b:s29+s3], $0x80, v13, vm1, $0xb8;
	[tilespmem:$0x1A800] =	vst v63  }
0x968: {  	s8 =	simm.s32 $0x4C00  }
0x969: {  	[tilespmem:s8], [sflag:$0x1] =	stream.indirect_vreg.gather [hbm4b:s1+s3], $0x80, v12, vm0, $0xb8;
	[tilespmem:$0x1A800] =	vst v63  }
0x96a: {  	s26 =	simm.s32 $0x5400  }
0x96b: {  	[tilespmem:s26], [sflag:$0x1] =	stream.indirect_vreg.gather [hbm4b:s29+s3], $0x80, v12, vm1, $0xb8;
	[tilespmem:$0x1A800] =	vst v63  }
0x96c: {  	_ =	swait.ge [sflag:s18], $0x3000  }
0x96d: {  	s2 =	sld [smem:$0x7DA]  }
0x96e: {  	[sflag:s18] =	ssyncset.done $0x0  }
0x96f: {  	[sflag:s18] =	ssyncadd.s32 $0xFFFFD000  }
0x970: {  	[hbm4b:s2+s3] =	stream.linear.scatter [tilespmem:s31], [sflag:$0xB], $0x3000, $0x38;
	[tilespmem:$0x1A800] =	vst v63  }
0x971: {  	_ =	swait.ge [sflag:s19], $0x3000  }
0x972: {  	[sflag:s19] =	ssyncset.done $0x0  }
0x973: {  	[sflag:s19] =	ssyncadd.s32 $0xFFFFD000  }
0x974: {  	v43 =	vld [tilespmem:$0x2720];
	_ =	sdelay $0x4  }
0x975: {  	v44 =	vshrl.u32 v43, $0x3  }
0x976: {  	v13 =	vmul.u32 $0x18, v44  }
0x977: {  	v12 =	vand.u32 $0x7, v43  }
0x978: {  	v12 =	vor.u32 v12, v13  }
0x979: {  	v13 =	vperm.xlane v12, v6;
	_ =	sdelay $0x1  }
0x97a: {  	v13 =	vadd.s32 v7, v13;
	_ =	sdelay $0x1  }
0x97b: {  	v12 =	vperm.xlane v12, v8;
	_ =	sdelay $0x1  }
0x97c: {  	v12 =	vadd.s32 v7, v12  }
0x97d: {  	[tilespmem:s0], [sflag:$0x2] =	stream.indirect_vreg.gather [hbm4b:s1+s3], $0x80, v13, vm0, $0xb8;
	[tilespmem:$0x1A800] =	vst v63  }
0x97e: {  	s8 =	simm.s32 $0x6000  }
0x97f: {  	[tilespmem:s8], [sflag:$0x2] =	stream.indirect_vreg.gather [hbm4b:s29+s3], $0x80, v13, vm1, $0xb8;
	[tilespmem:$0x1A800] =	vst v63  }
0x980: {  	s2 =	simm.s32 $0x6400  }
0x981: {  	[tilespmem:s2], [sflag:$0x2] =	stream.indirect_vreg.gather [hbm4b:s1+s3], $0x80, v12, vm0, $0xb8;
	[tilespmem:$0x1A800] =	vst v63  }
0x982: {  	s8 =	simm.s32 $0x6C00  }
0x983: {  	[tilespmem:s8], [sflag:$0x2] =	stream.indirect_vreg.gather [hbm4b:s29+s3], $0x80, v12, vm1, $0xb8;
	[tilespmem:$0x1A800] =	vst v63  }
0x984: {  	v12 =	vld [tilespmem:$0x2730];
	_ =	sdelay $0x4  }
0x985: {  	v45 =	vshrl.u32 v12, $0x3  }
0x986: {  	v13 =	vmul.u32 $0x18, v45  }
0x987: {  	v12 =	vand.u32 $0x7, v12  }
0x988: {  	v12 =	vor.u32 v12, v13  }
0x989: {  	v13 =	vperm.xlane v12, v6;
	_ =	sdelay $0x1  }
0x98a: {  	v13 =	vadd.s32 v7, v13;
	_ =	sdelay $0x1  }
0x98b: {  	v12 =	vperm.xlane v12, v8;
	_ =	sdelay $0x1  }
0x98c: {  	s2 =	simm.s32 $0x7000;
	v12 =	vadd.s32 v7, v12  }
0x98d: {  	[tilespmem:s2], [sflag:$0x2] =	stream.indirect_vreg.gather [hbm4b:s1+s3], $0x80, v13, vm0, $0xb8;
	[tilespmem:$0x1A800] =	vst v63  }
0x98e: {  	s8 =	simm.s32 $0x7800  }
0x98f: {  	[tilespmem:s8], [sflag:$0x2] =	stream.indirect_vreg.gather [hbm4b:s29+s3], $0x80, v13, vm1, $0xb8;
	[tilespmem:$0x1A800] =	vst v63  }
0x990: {  	s2 =	simm.s32 $0x7C00  }
0x991: {  	[tilespmem:s2], [sflag:$0x2] =	stream.indirect_vreg.gather [hbm4b:s1+s3], $0x80, v12, vm0, $0xb8;
	[tilespmem:$0x1A800] =	vst v63  }
0x992: {  	s8 =	simm.s32 $0x8400  }
0x993: {  	[tilespmem:s8], [sflag:$0x2] =	stream.indirect_vreg.gather [hbm4b:s29+s3], $0x80, v12, vm1, $0xb8;
	[tilespmem:$0x1A800] =	vst v63  }
0x994: {  	_ =	swait.ge [sflag:s16], $0x3000  }
0x995: {  	s2 =	sld [smem:$0x7DB]  }
0x996: {  	[sflag:s16] =	ssyncset.done $0x0  }
0x997: {  	[sflag:s16] =	ssyncadd.s32 $0xFFFFD000  }
0x998: {  	[hbm4b:s2+s3] =	stream.linear.scatter [tilespmem:s25], [sflag:$0xC], $0x3000, $0x38;
	[tilespmem:$0x1A800] =	vst v63  }
0x999: {  	_ =	swait.ge [sflag:s17], $0x3000  }
0x99a: {  	[sflag:s17] =	ssyncset.done $0x0  }
0x99b: {  	[sflag:s17] =	ssyncadd.s32 $0xFFFFD000  }
0x99c: {  	v46 =	vld [tilespmem:$0x2740];
	_ =	sdelay $0x4  }
0x99d: {  	v47 =	vshrl.u32 v46, $0x3  }
0x99e: {  	v13 =	vmul.u32 $0x18, v47  }
0x99f: {  	v12 =	vand.u32 $0x7, v46  }
0x9a0: {  	v12 =	vor.u32 v12, v13  }
0x9a1: {  	v13 =	vperm.xlane v12, v6;
	_ =	sdelay $0x1  }
0x9a2: {  	v13 =	vadd.s32 v7, v13;
	_ =	sdelay $0x1  }
0x9a3: {  	v12 =	vperm.xlane v12, v8;
	_ =	sdelay $0x1  }
0x9a4: {  	v12 =	vadd.s32 v7, v12  }
0x9a5: {  	[tilespmem:s31], [sflag:$0x3] =	stream.indirect_vreg.gather [hbm4b:s1+s3], $0x80, v13, vm0, $0xb8;
	[tilespmem:$0x1A800] =	vst v63  }
0x9a6: {  	s8 =	simm.s32 $0x9000  }
0x9a7: {  	[tilespmem:s8], [sflag:$0x3] =	stream.indirect_vreg.gather [hbm4b:s29+s3], $0x80, v13, vm1, $0xb8;
	[tilespmem:$0x1A800] =	vst v63  }
0x9a8: {  	s2 =	simm.s32 $0x9400  }
0x9a9: {  	[tilespmem:s2], [sflag:$0x3] =	stream.indirect_vreg.gather [hbm4b:s1+s3], $0x80, v12, vm0, $0xb8;
	[tilespmem:$0x1A800] =	vst v63  }
0x9aa: {  	s8 =	simm.s32 $0x9C00  }
0x9ab: {  	[tilespmem:s8], [sflag:$0x3] =	stream.indirect_vreg.gather [hbm4b:s29+s3], $0x80, v12, vm1, $0xb8;
	[tilespmem:$0x1A800] =	vst v63  }
0x9ac: {  	v12 =	vld [tilespmem:$0x2750];
	_ =	sdelay $0x4  }
0x9ad: {  	v48 =	vshrl.u32 v12, $0x3  }
0x9ae: {  	v13 =	vmul.u32 $0x18, v48  }
0x9af: {  	v12 =	vand.u32 $0x7, v12  }
0x9b0: {  	v12 =	vor.u32 v12, v13  }
0x9b1: {  	v13 =	vperm.xlane v12, v6;
	_ =	sdelay $0x1  }
0x9b2: {  	v13 =	vadd.s32 v7, v13;
	_ =	sdelay $0x1  }
0x9b3: {  	v12 =	vperm.xlane v12, v8;
	_ =	sdelay $0x1  }
0x9b4: {  	s2 =	simm.s32 $0xA000;
	v12 =	vadd.s32 v7, v12  }
0x9b5: {  	[tilespmem:s2], [sflag:$0x3] =	stream.indirect_vreg.gather [hbm4b:s1+s3], $0x80, v13, vm0, $0xb8;
	[tilespmem:$0x1A800] =	vst v63  }
0x9b6: {  	s8 =	simm.s32 $0xA800  }
0x9b7: {  	[tilespmem:s8], [sflag:$0x3] =	stream.indirect_vreg.gather [hbm4b:s29+s3], $0x80, v13, vm1, $0xb8;
	[tilespmem:$0x1A800] =	vst v63  }
0x9b8: {  	s2 =	simm.s32 $0xAC00  }
0x9b9: {  	[tilespmem:s2], [sflag:$0x3] =	stream.indirect_vreg.gather [hbm4b:s1+s3], $0x80, v12, vm0, $0xb8;
	[tilespmem:$0x1A800] =	vst v63  }
0x9ba: {  	s8 =	simm.s32 $0xB400  }
0x9bb: {  	[tilespmem:s8], [sflag:$0x3] =	stream.indirect_vreg.gather [hbm4b:s29+s3], $0x80, v12, vm1, $0xb8;
	[tilespmem:$0x1A800] =	vst v63  }
0x9bc: {  	_ =	swait.ge [sflag:s14], $0x3000  }
0x9bd: {  	s2 =	sld [smem:$0x7DC]  }
0x9be: {  	[sflag:s14] =	ssyncset.done $0x0  }
0x9bf: {  	[sflag:s14] =	ssyncadd.s32 $0xFFFFD000  }
0x9c0: {  	[hbm4b:s2+s3] =	stream.linear.scatter [tilespmem:s24], [sflag:$0xD], $0x3000, $0x38;
	[tilespmem:$0x1A800] =	vst v63  }
0x9c1: {  	_ =	swait.ge [sflag:s15], $0x3000  }
0x9c2: {  	[sflag:s15] =	ssyncset.done $0x0  }
0x9c3: {  	[sflag:s15] =	ssyncadd.s32 $0xFFFFD000  }
0x9c4: {  	v49 =	vld [tilespmem:$0x2760];
	_ =	sdelay $0x4  }
0x9c5: {  	v50 =	vshrl.u32 v49, $0x3  }
0x9c6: {  	v13 =	vmul.u32 $0x18, v50  }
0x9c7: {  	v12 =	vand.u32 $0x7, v49  }
0x9c8: {  	v12 =	vor.u32 v12, v13  }
0x9c9: {  	v13 =	vperm.xlane v12, v6;
	_ =	sdelay $0x1  }
0x9ca: {  	v13 =	vadd.s32 v7, v13;
	_ =	sdelay $0x1  }
0x9cb: {  	v12 =	vperm.xlane v12, v8;
	_ =	sdelay $0x1  }
0x9cc: {  	v12 =	vadd.s32 v7, v12  }
0x9cd: {  	[tilespmem:s25], [sflag:$0x4] =	stream.indirect_vreg.gather [hbm4b:s1+s3], $0x80, v13, vm0, $0xb8;
	[tilespmem:$0x1A800] =	vst v63  }
0x9ce: {  	s8 =	simm.s32 $0xC000  }
0x9cf: {  	[tilespmem:s8], [sflag:$0x4] =	stream.indirect_vreg.gather [hbm4b:s29+s3], $0x80, v13, vm1, $0xb8;
	[tilespmem:$0x1A800] =	vst v63  }
0x9d0: {  	s2 =	simm.s32 $0xC400  }
0x9d1: {  	[tilespmem:s2], [sflag:$0x4] =	stream.indirect_vreg.gather [hbm4b:s1+s3], $0x80, v12, vm0, $0xb8;
	[tilespmem:$0x1A800] =	vst v63  }
0x9d2: {  	s8 =	simm.s32 $0xCC00  }
0x9d3: {  	[tilespmem:s8], [sflag:$0x4] =	stream.indirect_vreg.gather [hbm4b:s29+s3], $0x80, v12, vm1, $0xb8;
	[tilespmem:$0x1A800] =	vst v63  }
0x9d4: {  	v12 =	vld [tilespmem:$0x2770];
	_ =	sdelay $0x4  }
0x9d5: {  	v51 =	vshrl.u32 v12, $0x3  }
0x9d6: {  	v13 =	vmul.u32 $0x18, v51  }
0x9d7: {  	v12 =	vand.u32 $0x7, v12  }
0x9d8: {  	v12 =	vor.u32 v12, v13  }
0x9d9: {  	v13 =	vperm.xlane v12, v6;
	_ =	sdelay $0x1  }
0x9da: {  	v13 =	vadd.s32 v7, v13;
	_ =	sdelay $0x1  }
0x9db: {  	v12 =	vperm.xlane v12, v8;
	_ =	sdelay $0x1  }
0x9dc: {  	s2 =	simm.s32 $0xD000;
	v12 =	vadd.s32 v7, v12  }
0x9dd: {  	[tilespmem:s2], [sflag:$0x4] =	stream.indirect_vreg.gather [hbm4b:s1+s3], $0x80, v13, vm0, $0xb8;
	[tilespmem:$0x1A800] =	vst v63  }
0x9de: {  	s8 =	simm.s32 $0xD800  }
0x9df: {  	[tilespmem:s8], [sflag:$0x4] =	stream.indirect_vreg.gather [hbm4b:s29+s3], $0x80, v13, vm1, $0xb8;
	[tilespmem:$0x1A800] =	vst v63  }
0x9e0: {  	s2 =	simm.s32 $0xDC00  }
0x9e1: {  	[tilespmem:s2], [sflag:$0x4] =	stream.indirect_vreg.gather [hbm4b:s1+s3], $0x80, v12, vm0, $0xb8;
	[tilespmem:$0x1A800] =	vst v63  }
0x9e2: {  	s8 =	simm.s32 $0xE400  }
0x9e3: {  	[tilespmem:s8], [sflag:$0x4] =	stream.indirect_vreg.gather [hbm4b:s29+s3], $0x80, v12, vm1, $0xb8;
	[tilespmem:$0x1A800] =	vst v63  }
0x9e4: {  	_ =	swait.ge [sflag:s12], $0x3000  }
0x9e5: {  	s2 =	sld [smem:$0x7DD]  }
0x9e6: {  	[sflag:s12] =	ssyncset.done $0x0  }
0x9e7: {  	[sflag:s12] =	ssyncadd.s32 $0xFFFFD000  }
0x9e8: {  	[hbm4b:s2+s3] =	stream.linear.scatter [tilespmem:s23], [sflag:$0xE], $0x3000, $0x38;
	[tilespmem:$0x1A800] =	vst v63  }
0x9e9: {  	_ =	swait.ge [sflag:s13], $0x3000  }
0x9ea: {  	[sflag:s13] =	ssyncset.done $0x0  }
0x9eb: {  	[sflag:s13] =	ssyncadd.s32 $0xFFFFD000  }
0x9ec: {  	v52 =	vld [tilespmem:$0x2780];
	_ =	sdelay $0x4  }
0x9ed: {  	v53 =	vshrl.u32 v52, $0x3  }
0x9ee: {  	v13 =	vmul.u32 $0x18, v53  }
0x9ef: {  	v12 =	vand.u32 $0x7, v52  }
0x9f0: {  	v12 =	vor.u32 v12, v13  }
0x9f1: {  	v13 =	vperm.xlane v12, v6;
	_ =	sdelay $0x1  }
0x9f2: {  	v13 =	vadd.s32 v7, v13;
	_ =	sdelay $0x1  }
0x9f3: {  	v12 =	vperm.xlane v12, v8;
	_ =	sdelay $0x1  }
0x9f4: {  	v12 =	vadd.s32 v7, v12  }
0x9f5: {  	[tilespmem:s24], [sflag:$0x5] =	stream.indirect_vreg.gather [hbm4b:s1+s3], $0x80, v13, vm0, $0xb8;
	[tilespmem:$0x1A800] =	vst v63  }
0x9f6: {  	s8 =	simm.s32 $0xF000  }
0x9f7: {  	[tilespmem:s8], [sflag:$0x5] =	stream.indirect_vreg.gather [hbm4b:s29+s3], $0x80, v13, vm1, $0xb8;
	[tilespmem:$0x1A800] =	vst v63  }
0x9f8: {  	s2 =	simm.s32 $0xF400  }
0x9f9: {  	[tilespmem:s2], [sflag:$0x5] =	stream.indirect_vreg.gather [hbm4b:s1+s3], $0x80, v12, vm0, $0xb8;
	[tilespmem:$0x1A800] =	vst v63  }
0x9fa: {  	s8 =	simm.s32 $0xFC00  }
0x9fb: {  	[tilespmem:s8], [sflag:$0x5] =	stream.indirect_vreg.gather [hbm4b:s29+s3], $0x80, v12, vm1, $0xb8;
	[tilespmem:$0x1A800] =	vst v63  }
0x9fc: {  	v12 =	vld [tilespmem:$0x2790];
	_ =	sdelay $0x4  }
0x9fd: {  	v54 =	vshrl.u32 v12, $0x3  }
0x9fe: {  	v13 =	vmul.u32 $0x18, v54  }
0x9ff: {  	v12 =	vand.u32 $0x7, v12  }
0xa00: {  	v12 =	vor.u32 v12, v13  }
0xa01: {  	v13 =	vperm.xlane v12, v6;
	_ =	sdelay $0x1  }
0xa02: {  	v13 =	vadd.s32 v7, v13;
	_ =	sdelay $0x1  }
0xa03: {  	v12 =	vperm.xlane v12, v8;
	_ =	sdelay $0x1  }
0xa04: {  	s2 =	simm.s32 $0x10000;
	v12 =	vadd.s32 v7, v12  }
0xa05: {  	[tilespmem:s2], [sflag:$0x5] =	stream.indirect_vreg.gather [hbm4b:s1+s3], $0x80, v13, vm0, $0xb8;
	[tilespmem:$0x1A800] =	vst v63  }
0xa06: {  	s8 =	simm.s32 $0x10800  }
0xa07: {  	[tilespmem:s8], [sflag:$0x5] =	stream.indirect_vreg.gather [hbm4b:s29+s3], $0x80, v13, vm1, $0xb8;
	[tilespmem:$0x1A800] =	vst v63  }
0xa08: {  	s2 =	simm.s32 $0x10C00  }
0xa09: {  	[tilespmem:s2], [sflag:$0x5] =	stream.indirect_vreg.gather [hbm4b:s1+s3], $0x80, v12, vm0, $0xb8;
	[tilespmem:$0x1A800] =	vst v63  }
0xa0a: {  	s8 =	simm.s32 $0x11400  }
0xa0b: {  	[tilespmem:s8], [sflag:$0x5] =	stream.indirect_vreg.gather [hbm4b:s29+s3], $0x80, v12, vm1, $0xb8;
	[tilespmem:$0x1A800] =	vst v63  }
0xa0c: {  	_ =	swait.ge [sflag:s10], $0x3000  }
0xa0d: {  	s2 =	sld [smem:$0x7DE]  }
0xa0e: {  	[sflag:s10] =	ssyncset.done $0x0  }
0xa0f: {  	[sflag:s10] =	ssyncadd.s32 $0xFFFFD000  }
0xa10: {  	[hbm4b:s2+s3] =	stream.linear.scatter [tilespmem:s22], [sflag:$0xF], $0x3000, $0x38;
	[tilespmem:$0x1A800] =	vst v63  }
0xa11: {  	_ =	swait.ge [sflag:s11], $0x3000  }
0xa12: {  	[sflag:s11] =	ssyncset.done $0x0  }
0xa13: {  	[sflag:s11] =	ssyncadd.s32 $0xFFFFD000  }
0xa14: {  	v55 =	vld [tilespmem:$0x27A0];
	_ =	sdelay $0x4  }
0xa15: {  	v56 =	vshrl.u32 v55, $0x3  }
0xa16: {  	v13 =	vmul.u32 $0x18, v56  }
0xa17: {  	v12 =	vand.u32 $0x7, v55  }
0xa18: {  	v12 =	vor.u32 v12, v13  }
0xa19: {  	v13 =	vperm.xlane v12, v6;
	_ =	sdelay $0x1  }
0xa1a: {  	v13 =	vadd.s32 v7, v13;
	_ =	sdelay $0x1  }
0xa1b: {  	v12 =	vperm.xlane v12, v8;
	_ =	sdelay $0x1  }
0xa1c: {  	v12 =	vadd.s32 v7, v12  }
0xa1d: {  	[tilespmem:s23], [sflag:$0x6] =	stream.indirect_vreg.gather [hbm4b:s1+s3], $0x80, v13, vm0, $0xb8;
	[tilespmem:$0x1A800] =	vst v63  }
0xa1e: {  	s8 =	simm.s32 $0x12000  }
0xa1f: {  	[tilespmem:s8], [sflag:$0x6] =	stream.indirect_vreg.gather [hbm4b:s29+s3], $0x80, v13, vm1, $0xb8;
	[tilespmem:$0x1A800] =	vst v63  }
0xa20: {  	s2 =	simm.s32 $0x12400  }
0xa21: {  	[tilespmem:s2], [sflag:$0x6] =	stream.indirect_vreg.gather [hbm4b:s1+s3], $0x80, v12, vm0, $0xb8;
	[tilespmem:$0x1A800] =	vst v63  }
0xa22: {  	s8 =	simm.s32 $0x12C00  }
0xa23: {  	[tilespmem:s8], [sflag:$0x6] =	stream.indirect_vreg.gather [hbm4b:s29+s3], $0x80, v12, vm1, $0xb8;
	[tilespmem:$0x1A800] =	vst v63  }
0xa24: {  	v12 =	vld [tilespmem:$0x27B0];
	_ =	sdelay $0x4  }
0xa25: {  	v57 =	vshrl.u32 v12, $0x3  }
0xa26: {  	v13 =	vmul.u32 $0x18, v57  }
0xa27: {  	v12 =	vand.u32 $0x7, v12  }
0xa28: {  	v12 =	vor.u32 v12, v13  }
0xa29: {  	v13 =	vperm.xlane v12, v6;
	_ =	sdelay $0x1  }
0xa2a: {  	v13 =	vadd.s32 v7, v13;
	_ =	sdelay $0x1  }
0xa2b: {  	v12 =	vperm.xlane v12, v8;
	_ =	sdelay $0x1  }
0xa2c: {  	s2 =	simm.s32 $0x13000;
	v12 =	vadd.s32 v7, v12  }
0xa2d: {  	[tilespmem:s2], [sflag:$0x6] =	stream.indirect_vreg.gather [hbm4b:s1+s3], $0x80, v13, vm0, $0xb8;
	[tilespmem:$0x1A800] =	vst v63  }
0xa2e: {  	s8 =	simm.s32 $0x13800  }
0xa2f: {  	[tilespmem:s8], [sflag:$0x6] =	stream.indirect_vreg.gather [hbm4b:s29+s3], $0x80, v13, vm1, $0xb8;
	[tilespmem:$0x1A800] =	vst v63  }
0xa30: {  	s2 =	simm.s32 $0x13C00  }
0xa31: {  	[tilespmem:s2], [sflag:$0x6] =	stream.indirect_vreg.gather [hbm4b:s1+s3], $0x80, v12, vm0, $0xb8;
	[tilespmem:$0x1A800] =	vst v63  }
0xa32: {  	s8 =	simm.s32 $0x14400  }
0xa33: {  	[tilespmem:s8], [sflag:$0x6] =	stream.indirect_vreg.gather [hbm4b:s29+s3], $0x80, v12, vm1, $0xb8;
	[tilespmem:$0x1A800] =	vst v63  }
0xa34: {  	_ =	swait.ge [sflag:s6], $0x3000  }
0xa35: {  	s2 =	sld [smem:$0x7DF]  }
0xa36: {  	[sflag:s6] =	ssyncset.done $0x0  }
0xa37: {  	[sflag:s6] =	ssyncadd.s32 $0xFFFFD000  }
0xa38: {  	[hbm4b:s2+s3] =	stream.linear.scatter [tilespmem:s21], [sflag:$0x10], $0x3000, $0x38;
	[tilespmem:$0x1A800] =	vst v63  }
0xa39: {  	_ =	swait.ge [sflag:s7], $0x3000  }
0xa3a: {  	[sflag:s7] =	ssyncset.done $0x0  }
0xa3b: {  	[sflag:s7] =	ssyncadd.s32 $0xFFFFD000  }
0xa3c: {  	v58 =	vld [tilespmem:$0x27C0];
	_ =	sdelay $0x4  }
0xa3d: {  	v59 =	vshrl.u32 v58, $0x3  }
0xa3e: {  	v13 =	vmul.u32 $0x18, v59  }
0xa3f: {  	v12 =	vand.u32 $0x7, v58  }
0xa40: {  	v12 =	vor.u32 v12, v13  }
0xa41: {  	v13 =	vperm.xlane v12, v6;
	_ =	sdelay $0x1  }
0xa42: {  	v13 =	vadd.s32 v7, v13;
	_ =	sdelay $0x1  }
0xa43: {  	v12 =	vperm.xlane v12, v8;
	_ =	sdelay $0x1  }
0xa44: {  	v12 =	vadd.s32 v7, v12  }
0xa45: {  	[tilespmem:s22], [sflag:$0x7] =	stream.indirect_vreg.gather [hbm4b:s1+s3], $0x80, v13, vm0, $0xb8;
	[tilespmem:$0x1A800] =	vst v63  }
0xa46: {  	s8 =	simm.s32 $0x15000  }
0xa47: {  	[tilespmem:s8], [sflag:$0x7] =	stream.indirect_vreg.gather [hbm4b:s29+s3], $0x80, v13, vm1, $0xb8;
	[tilespmem:$0x1A800] =	vst v63  }
0xa48: {  	s2 =	simm.s32 $0x15400  }
0xa49: {  	[tilespmem:s2], [sflag:$0x7] =	stream.indirect_vreg.gather [hbm4b:s1+s3], $0x80, v12, vm0, $0xb8;
	[tilespmem:$0x1A800] =	vst v63  }
0xa4a: {  	s8 =	simm.s32 $0x15C00  }
0xa4b: {  	[tilespmem:s8], [sflag:$0x7] =	stream.indirect_vreg.gather [hbm4b:s29+s3], $0x80, v12, vm1, $0xb8;
	[tilespmem:$0x1A800] =	vst v63  }
0xa4c: {  	v12 =	vld [tilespmem:$0x27D0];
	_ =	sdelay $0x4  }
0xa4d: {  	v60 =	vshrl.u32 v12, $0x3  }
0xa4e: {  	v13 =	vmul.u32 $0x18, v60  }
0xa4f: {  	v12 =	vand.u32 $0x7, v12  }
0xa50: {  	v12 =	vor.u32 v12, v13  }
0xa51: {  	v13 =	vperm.xlane v12, v6;
	_ =	sdelay $0x1  }
0xa52: {  	v13 =	vadd.s32 v7, v13;
	_ =	sdelay $0x1  }
0xa53: {  	v12 =	vperm.xlane v12, v8;
	_ =	sdelay $0x1  }
0xa54: {  	s2 =	simm.s32 $0x16000;
	v12 =	vadd.s32 v7, v12  }
0xa55: {  	[tilespmem:s2], [sflag:$0x7] =	stream.indirect_vreg.gather [hbm4b:s1+s3], $0x80, v13, vm0, $0xb8;
	[tilespmem:$0x1A800] =	vst v63  }
0xa56: {  	s8 =	simm.s32 $0x16800  }
0xa57: {  	[tilespmem:s8], [sflag:$0x7] =	stream.indirect_vreg.gather [hbm4b:s29+s3], $0x80, v13, vm1, $0xb8;
	[tilespmem:$0x1A800] =	vst v63  }
0xa58: {  	s2 =	simm.s32 $0x16C00  }
0xa59: {  	[tilespmem:s2], [sflag:$0x7] =	stream.indirect_vreg.gather [hbm4b:s1+s3], $0x80, v12, vm0, $0xb8;
	[tilespmem:$0x1A800] =	vst v63  }
0xa5a: {  	s8 =	simm.s32 $0x17400  }
0xa5b: {  	[tilespmem:s8], [sflag:$0x7] =	stream.indirect_vreg.gather [hbm4b:s29+s3], $0x80, v12, vm1, $0xb8;
	[tilespmem:$0x1A800] =	vst v63  }
0xa5c: {  	_ =	swait.ge [sflag:s9], $0x3000  }
0xa5d: {  	s0 =	sld [smem:$0x7E0]  }
0xa5e: {  	[sflag:s9] =	ssyncset.done $0x0  }
0xa5f: {  	s2 =	simm.s32 $0x2800;
	[sflag:s9] =	ssyncadd.s32 $0xFFFFD000  }
0xa60: {  	[hbm4b:s0+s3] =	stream.linear.scatter [tilespmem:s2], [sflag:$0x9], $0x3000, $0x38;
	[tilespmem:$0x1A800] =	vst v63  }
0xa61: {  	_ =	swait.ge [sflag:s4], $0x3000  }
0xa62: {  	[sflag:s4] =	ssyncset.done $0x0  }
0xa63: {  	[sflag:s4] =	ssyncadd.s32 $0xFFFFD000  }
0xa64: {  	v61 =	vld [tilespmem:$0x27E0];
	_ =	sdelay $0x4  }
0xa65: {  	v62 =	vshrl.u32 v61, $0x3  }
0xa66: {  	v13 =	vmul.u32 $0x18, v62  }
0xa67: {  	v12 =	vand.u32 $0x7, v61  }
0xa68: {  	v12 =	vor.u32 v12, v13  }
0xa69: {  	v13 =	vperm.xlane v12, v6;
	_ =	sdelay $0x1  }
0xa6a: {  	v13 =	vadd.s32 v7, v13;
	_ =	sdelay $0x1  }
0xa6b: {  	v12 =	vperm.xlane v12, v8;
	_ =	sdelay $0x1  }
0xa6c: {  	v12 =	vadd.s32 v7, v12  }
0xa6d: {  	[tilespmem:s21], [sflag:$0x8] =	stream.indirect_vreg.gather [hbm4b:s1+s3], $0x80, v13, vm0, $0xb8;
	[tilespmem:$0x1A800] =	vst v63  }
0xa6e: {  	s8 =	simm.s32 $0x18000  }
0xa6f: {  	[tilespmem:s8], [sflag:$0x8] =	stream.indirect_vreg.gather [hbm4b:s29+s3], $0x80, v13, vm1, $0xb8;
	[tilespmem:$0x1A800] =	vst v63  }
0xa70: {  	s9 =	simm.s32 $0x18400  }
0xa71: {  	[tilespmem:s9], [sflag:$0x8] =	stream.indirect_vreg.gather [hbm4b:s1+s3], $0x80, v12, vm0, $0xb8;
	[tilespmem:$0x1A800] =	vst v63  }
0xa72: {  	s2 =	simm.s32 $0x18C00  }
0xa73: {  	[tilespmem:s2], [sflag:$0x8] =	stream.indirect_vreg.gather [hbm4b:s29+s3], $0x80, v12, vm1, $0xb8;
	[tilespmem:$0x1A800] =	vst v63  }
0xa74: {  	v12 =	vld [tilespmem:$0x27F0];
	_ =	sdelay $0x4  }
0xa75: {  	v63 =	vshrl.u32 v12, $0x3  }
0xa76: {  	v13 =	vmul.u32 $0x18, v63  }
0xa77: {  	v12 =	vand.u32 $0x7, v12  }
0xa78: {  	v12 =	vor.u32 v12, v13  }
0xa79: {  	v13 =	vperm.xlane v12, v6;
	_ =	sdelay $0x1  }
0xa7a: {  	v13 =	vadd.s32 v7, v13;
	_ =	sdelay $0x1  }
0xa7b: {  	v12 =	vperm.xlane v12, v8;
	_ =	sdelay $0x1  }
0xa7c: {  	s8 =	simm.s32 $0x19000;
	v12 =	vadd.s32 v7, v12  }
0xa7d: {  	[tilespmem:s8], [sflag:$0x8] =	stream.indirect_vreg.gather [hbm4b:s1+s3], $0x80, v13, vm0, $0xb8;
	[tilespmem:$0x1A800] =	vst v63  }
0xa7e: {  	s9 =	simm.s32 $0x19800  }
0xa7f: {  	[tilespmem:s9], [sflag:$0x8] =	stream.indirect_vreg.gather [hbm4b:s29+s3], $0x80, v13, vm1, $0xb8;
	[tilespmem:$0x1A800] =	vst v63  }
0xa80: {  	s2 =	simm.s32 $0x19C00  }
0xa81: {  	[tilespmem:s2], [sflag:$0x8] =	stream.indirect_vreg.gather [hbm4b:s1+s3], $0x80, v12, vm0, $0xb8;
	[tilespmem:$0x1A800] =	vst v63  }
0xa82: {  	s8 =	simm.s32 $0x1A400  }
0xa83: {  	[tilespmem:s8], [sflag:$0x8] =	stream.indirect_vreg.gather [hbm4b:s29+s3], $0x80, v12, vm1, $0xb8;
	[tilespmem:$0x1A800] =	vst v63  }
0xa84: {  	_ =	swait.ge [sflag:s5], $0x3000  }
0xa85: {  	s9 =	sld [smem:$0x7E1]  }
0xa86: {  	[sflag:s5] =	ssyncset.done $0x0  }
0xa87: {  	s26 =	simm.s32 $0x5800;
	[sflag:s5] =	ssyncadd.s32 $0xFFFFD000  }
0xa88: {  	[hbm4b:s9+s3] =	stream.linear.scatter [tilespmem:s26], [sflag:$0xA], $0x3000, $0x38;
	[tilespmem:$0x1A800] =	vst v63  }
0xa89: {  	s26 =	rddreg [dreg:$0x13]  }
0xa8a: {  	[hbm4b:s26+s3] =	stream.linear.scatter [tilespmem:s28], [sflag:$0x15], $0x200, $0x38;
	[tilespmem:$0x1A800] =	vst v63  }
0xa8b: {  	s2 =	simm.s32 $0x1400;
	s0 =	sadd.s32 $0x80, s26  }
0xa8c: {  	[hbm4b:s0+s3] =	stream.linear.scatter [tilespmem:s2], [sflag:$0x15], $0x200, $0x38;
	[tilespmem:$0x1A800] =	vst v63  }
0xa8d: {  	s9 =	simm.s32 $0x1800;
	s5 =	sadd.s32 $0x100, s26  }
0xa8e: {  	[hbm4b:s5+s3] =	stream.linear.scatter [tilespmem:s9], [sflag:$0x15], $0x200, $0x38;
	[tilespmem:$0x1A800] =	vst v63  }
0xa8f: {  	s0 =	sadd.s32 $0x180, s26;
	s2 =	simm.s32 $0x1C00  }
0xa90: {  	[hbm4b:s0+s3] =	stream.linear.scatter [tilespmem:s2], [sflag:$0x15], $0x200, $0x38;
	[tilespmem:$0x1A800] =	vst v63  }
0xa91: {  	s26 =	rddreg [dreg:$0x14];
	s9 =	simm.s32 $0x1200  }
0xa92: {  	[hbm4b:s26+s3] =	stream.linear.scatter [tilespmem:s9], [sflag:$0x16], $0x200, $0x38;
	[tilespmem:$0x1A800] =	vst v63  }
0xa93: {  	s0 =	sadd.s32 $0x80, s26;
	s2 =	simm.s32 $0x1600  }
0xa94: {  	[hbm4b:s0+s3] =	stream.linear.scatter [tilespmem:s2], [sflag:$0x16], $0x200, $0x38;
	[tilespmem:$0x1A800] =	vst v63  }
0xa95: {  	s5 =	sadd.s32 $0x100, s26;
	s9 =	simm.s32 $0x1A00  }
0xa96: {  	[hbm4b:s5+s3] =	stream.linear.scatter [tilespmem:s9], [sflag:$0x16], $0x200, $0x38;
	[tilespmem:$0x1A800] =	vst v63  }
0xa97: {  	s0 =	sadd.s32 $0x180, s26;
	s2 =	simm.s32 $0x1E00  }
0xa98: {  	[hbm4b:s0+s3] =	stream.linear.scatter [tilespmem:s2], [sflag:$0x16], $0x200, $0x38;
	[tilespmem:$0x1A800] =	vst v63  }
0xa99: {  	_ =	swait.ge [sflag:s18], $0x3000  }
0xa9a: {  	s5 =	sld [smem:$0x7E2]  }
0xa9b: {  	[sflag:s18] =	ssyncset.done $0x0  }
0xa9c: {  	[sflag:s18] =	ssyncadd.s32 $0xFFFFD000  }
0xa9d: {  	[hbm4b:s5+s3] =	stream.linear.scatter [tilespmem:s31], [sflag:$0xB], $0x3000, $0x38;
	[tilespmem:$0x1A800] =	vst v63  }
0xa9e: {  	_ =	swait.ge [sflag:s16], $0x3000  }
0xa9f: {  	s9 =	sld [smem:$0x7E3]  }
0xaa0: {  	[sflag:s16] =	ssyncset.done $0x0  }
0xaa1: {  	[sflag:s16] =	ssyncadd.s32 $0xFFFFD000  }
0xaa2: {  	[hbm4b:s9+s3] =	stream.linear.scatter [tilespmem:s25], [sflag:$0xC], $0x3000, $0x38;
	[tilespmem:$0x1A800] =	vst v63  }
0xaa3: {  	_ =	swait.ge [sflag:s14], $0x3000  }
0xaa4: {  	[sflag:s14] =	ssyncset.done $0x0  }
0xaa5: {  	[sflag:s14] =	ssyncadd.s32 $0xFFFFD000;
	s14 =	sld [smem:$0x7E4];
	_ =	sdelay $0x2  }
0xaa6: {  	[hbm4b:s14+s3] =	stream.linear.scatter [tilespmem:s24], [sflag:$0xD], $0x3000, $0x38;
	[tilespmem:$0x1A800] =	vst v63  }
0xaa7: {  	_ =	swait.ge [sflag:s12], $0x3000  }
0xaa8: {  	s16 =	sld [smem:$0x7E5]  }
0xaa9: {  	[sflag:s12] =	ssyncset.done $0x0  }
0xaaa: {  	[sflag:s12] =	ssyncadd.s32 $0xFFFFD000  }
0xaab: {  	[hbm4b:s16+s3] =	stream.linear.scatter [tilespmem:s23], [sflag:$0xE], $0x3000, $0x38;
	[tilespmem:$0x1A800] =	vst v63  }
0xaac: {  	_ =	swait.ge [sflag:s10], $0x3000  }
0xaad: {  	s18 =	sld [smem:$0x7E6]  }
0xaae: {  	[sflag:s10] =	ssyncset.done $0x0  }
0xaaf: {  	[sflag:s10] =	ssyncadd.s32 $0xFFFFD000  }
0xab0: {  	[hbm4b:s18+s3] =	stream.linear.scatter [tilespmem:s22], [sflag:$0xF], $0x3000, $0x38;
	[tilespmem:$0x1A800] =	vst v63  }
0xab1: {  	_ =	swait.ge [sflag:s6], $0x3000  }
0xab2: {  	s23 =	sld [smem:$0x7E7]  }
0xab3: {  	[sflag:s6] =	ssyncset.done $0x0  }
0xab4: {  	[sflag:s6] =	ssyncadd.s32 $0xFFFFD000  }
0xab5: {  	[hbm4b:s23+s3] =	stream.linear.scatter [tilespmem:s21], [sflag:$0x10], $0x3000, $0x38;
	[tilespmem:$0x1A800] =	vst v63  }
0xab6: {  	_ =	swait.ge [sflag:s20], $0x3000  }
0xab7: {  	[sflag:s20] =	ssyncset.done $0x0  }
0xab8: {  	[sflag:s20] =	ssyncadd.s32 $0xFFFFD000  }
0xab9: {  	_ =	swait.ge [sflag:s19], $0x3000  }
0xaba: {  	[sflag:s19] =	ssyncset.done $0x0  }
0xabb: {  	[sflag:s19] =	ssyncadd.s32 $0xFFFFD000  }
0xabc: {  	_ =	swait.ge [sflag:s17], $0x3000  }
0xabd: {  	[sflag:s17] =	ssyncset.done $0x0  }
0xabe: {  	[sflag:s17] =	ssyncadd.s32 $0xFFFFD000  }
0xabf: {  	_ =	swait.ge [sflag:s15], $0x3000  }
0xac0: {  	[sflag:s15] =	ssyncset.done $0x0  }
0xac1: {  	[sflag:s15] =	ssyncadd.s32 $0xFFFFD000  }
0xac2: {  	_ =	swait.ge [sflag:s13], $0x3000  }
0xac3: {  	[sflag:s13] =	ssyncset.done $0x0  }
0xac4: {  	[sflag:s13] =	ssyncadd.s32 $0xFFFFD000  }
0xac5: {  	_ =	swait.ge [sflag:s11], $0x3000  }
0xac6: {  	[sflag:s11] =	ssyncset.done $0x0  }
0xac7: {  	[sflag:s11] =	ssyncadd.s32 $0xFFFFD000  }
0xac8: {  	_ =	swait.ge [sflag:s7], $0x3000  }
0xac9: {  	[sflag:s7] =	ssyncset.done $0x0  }
0xaca: {  	[sflag:s7] =	ssyncadd.s32 $0xFFFFD000  }
0xacb: {  	_ =	swait.ge [sflag:s4], $0x3000  }
0xacc: {  	[sflag:s4] =	ssyncset.done $0x0  }
0xacd: {  	s24 =	simm.s32 $0x15;
	[sflag:s4] =	ssyncadd.s32 $0xFFFFD000  }
0xace: {  	_ =	swait.ge [sflag:s24], $0x800  }
0xacf: {  	[sflag:s24] =	ssyncset.done $0x0  }
0xad0: {  	s25 =	simm.s32 $0x16;
	[sflag:s24] =	ssyncadd.s32 $0xFFFFF800  }
0xad1: {  	_ =	swait.ge [sflag:s25], $0x800  }
0xad2: {  	s26 =	sld [smem:$0x7D0]  }
0xad3: {  	s31 =	sld [smem:$0x7E8];
	_ =	sdelay $0x1  }
0xad4: {  	s2 =	sadd.s32 $0x1, s26  }
0xad5: {  	p0 =	sne.s32 s2, s31  }
.Ltmp4:
0xad6: {  	_ = 	snop;
	(pc) =	sbr.rel @p0 .LBB2_1-.Ltmp4, $3  }
0xad7: {  	_ =	sdelay $0x1  }
0xad8: {  	[sflag:s25] =	ssyncset.done $0x0  }
0xad9: {  	[sflag:s25] =	ssyncadd.s32 $0xFFFFF800  }
0xada: {  	_ =	sfence.sel $0x180000  }
0xadb: {  	[bflag:$0x0] =	sbarrier.arrive $0xFFFF  }
0xadc: {  	_ =	strace $0x90000047  }
0xadd: {  	s0 =	stileid.u32;
	[bflag:$0x2] =	sbarrier.arrive $0xFFFF  }
0xade: {  	p0 =	sne.s32 s0, $0x0;
	s0 =	rddreg [dreg:$0x5]  }
0xadf: {  	s0 =	sadd.s32 @!p0 $0x100000, s0  }
0xae0: {  	[sflag:s0] =	ssyncadd.tile.s32 @!p0 $0x1;
	_ =	shalt  }
.Lfunc_end2:
_tile_overlayer_lowered:
.L_overlay_start_2:
0xae1: {  	(tag) =	ssettag $0x2  }
0xae2: {  	s0 =	rddreg [dreg:$0x0];
	s2 =	stileid.u32  }
0xae3: {  	s1 =	rddreg [dreg:$0x1];
	p0 =	sne.s32 s2, $0x0  }
0xae4: {  	s3 =	rddreg [dreg:$0x2];
	[bflag:$0x3] =	sbarrier.arrive $0xFFFF;
	s2 =	simm.s32 @!p0 $0x1C17  }
0xae5: {  	[timem:s3], [sflag:s2] =	dma.local @!p0 [hbm:s0], s1  }
0xae6: {  	s0 =	simm.s32 @!p0 $0x17  }
0xae7: {  	_ =	swait.ge @!p0 [sflag:s0], s1  }
0xae8: {  	s1 =	ssub.s32 @!p0 $0x0, s1;
	[sflag:s0] =	ssyncset.done @!p0 $0x0  }
0xae9: {  	[sflag:s0] =	ssyncadd.s32 @!p0 s1  }
0xaea: {  	[bflag:$0x3] =	sbarrier.arrive $0xFFFF  }
0xaeb: {  	_ =	shalt  }

</sc_bundles>
